<compile_context>
chip_gen: v7x
topology: tpu7x:2x2x1
jax: 0.10.2.dev20260603
libtpu: 0.0.44.dev20260713+nightly
codegen_flags: <defaults>
</compile_context>

<pallas_src>
import functools
import math

import jax
import jax.numpy as jnp
from jax import lax
from jax.experimental import pallas as pl
from jax.experimental.pallas import tpu as pltpu
from jax.experimental.pallas import tpu_sc as plsc

C = 128
NUM_HEADS, HEAD_DIM = 8, 16


def _ln(xb, g, b, eps=1e-5):
    mu = jnp.mean(xb, axis=-1, keepdims=True)
    var = jnp.mean((xb - mu) ** 2, axis=-1, keepdims=True)
    return (xb - mu) * lax.rsqrt(var + eps) * g + b


def _n1_body(x_ref, tbl_ref, pg, pb, qwt, qb, kwt, vwt, vb,
             xn_ref, q_ref, kv_ref):
    xb = x_ref[...]
    tbl = tbl_ref[...]
    pad = jnp.zeros((xb.shape[0], 112), jnp.float32)
    xn = _ln(xb, pg[...], pb[...])
    xn_ref[...] = xn
    q = jnp.dot(xn, qwt[...], preferred_element_type=jnp.float32) + qb[...]
    q_ref[...] = jnp.concatenate([q, tbl, pad], axis=-1)
    k = jnp.dot(xn, kwt[...], preferred_element_type=jnp.float32)
    v = jnp.dot(xn, vwt[...], preferred_element_type=jnp.float32) + vb[...]
    kv_ref[...] = jnp.concatenate([k, v, tbl, pad], axis=-1)


_TWO_PI = 2.0 * math.pi
_INV_2PI = 1.0 / _TWO_PI
_SIN_C = (1.0, -1.0 / 6, 1.0 / 120, -1.0 / 5040, 1.0 / 362880,
          -1.0 / 39916800, 1.0 / 6227020800)
_COS_C = (1.0, -0.5, 1.0 / 24, -1.0 / 720, 1.0 / 40320, -1.0 / 3628800,
          1.0 / 479001600)


def _poly_even(y2, coefs):
    acc = jnp.full_like(y2, coefs[-1])
    for cc in coefs[-2::-1]:
        acc = acc * y2 + cc
    return acc


def _round_ne(x):
    return jnp.round(x)


def _e1_body(qd_ref, kv_ref,
             f2p, w1cc, w1cs, w1r, b1, g1, be1, w2t, b2,
             olng, olnb, outwt, outb, rg, rb, krt, vrt, vrb, s16,
             sim_ref, vj_ref, bmax_ref):
    qde = qd_ref[...]
    kve = kv_ref[...]
    ts = kve[:, 2 * C:2 * C + 16]
    td = qde[:, C:C + 16]
    relx = ts[:, 0:1] - td[:, 0:1]
    rely = ts[:, 1:2] - td[:, 1:2]
    d2 = relx * relx + rely * rely + 1e-12
    dist = d2 * lax.rsqrt(d2)
    cx = td[:, 2:3]
    cy = td[:, 3:4]
    direction = jnp.arctan2(cx * rely - cy * relx, cx * relx + cy * rely)
    ha = ts[:, 4:5] - td[:, 4:5]
    rh = ha - _TWO_PI * _round_ne(ha * _INV_2PI)
    rel = (dist, direction, rh)
    xfa = jnp.concatenate(
        [rel[i] * f2p[i:i + 1, :] for i in range(3)], axis=-1)
    y = xfa - _TWO_PI * _round_ne(xfa * _INV_2PI)
    y2 = y * y
    sina = y * _poly_even(y2, _SIN_C)
    cosa = _poly_even(y2, _COS_C)
    acc = jnp.zeros((qde.shape[0], C), jnp.float32)
    for i in range(3):
        h = (jnp.dot(cosa[:, 64 * i:64 * (i + 1)], w1cc[i],
                     preferred_element_type=jnp.float32)
             + jnp.dot(sina[:, 64 * i:64 * (i + 1)], w1cs[i],
                       preferred_element_type=jnp.float32)
             + rel[i] * w1r[i:i + 1, :] + b1[i:i + 1, :])
        h = _ln(h, g1[i:i + 1, :], be1[i:i + 1, :])
        h = jax.nn.relu(h)
        acc = acc + jnp.dot(h, w2t[i], preferred_element_type=jnp.float32) + b2[i:i + 1, :]
    r = jax.nn.relu(_ln(acc, olng[...], olnb[...]))
    r = jnp.dot(r, outwt[...], preferred_element_type=jnp.float32) + outb[...]
    rn = _ln(r, rg[...], rb[...])
    kj = kve[:, :C] + jnp.dot(rn, krt[...], preferred_element_type=jnp.float32)
    vj = (kve[:, C:2 * C]
          + jnp.dot(rn, vrt[...], preferred_element_type=jnp.float32) + vrb[...])
    sim = jnp.dot(qde[:, :C] * kj, s16[...],
                  preferred_element_type=jnp.float32) * (HEAD_DIM ** -0.5)
    sim_ref[...] = sim
    vj_ref[...] = vj
    bmax_ref[...] = jnp.max(sim, axis=0, keepdims=True)[None]


def _e2_body(sim_ref, vj_ref, gmax, s16t, wv_ref, wp_ref):
    w = jnp.exp(sim_ref[...] - gmax[...])
    wv_ref[...] = vj_ref[...] * jnp.dot(w, s16t[...],
                                        preferred_element_type=jnp.float32)
    wp_ref[...] = jnp.concatenate(
        [w, jnp.zeros((w.shape[0], C - NUM_HEADS), jnp.float32)], axis=-1)


def _n2_body(x_ref, xn_ref, aggp_ref, sp_ref, s16t,
             gwt1, gwt2, gb, swt, sb, owt, ob, postg, postb,
             ffpreg, ffpreb, ffw1t, ffb1, ffw2t, ffb2, ffpostg, ffpostb,
             out_ref):
    xb = x_ref[...]
    xn = xn_ref[...]
    ap = aggp_ref[...]
    sp = sp_ref[...]
    aggs = ap[0]
    ss = sp[0][:, 0:NUM_HEADS]
    for j in range(1, ap.shape[0]):
        aggs = aggs + ap[j]
        ss = ss + sp[j][:, 0:NUM_HEADS]
    recip = 1.0 / (ss + 1e-16)
    agg = aggs * jnp.dot(recip, s16t[...], preferred_element_type=jnp.float32)
    g = jax.nn.sigmoid(
        jnp.dot(agg, gwt1[...], preferred_element_type=jnp.float32)
        + jnp.dot(xn, gwt2[...], preferred_element_type=jnp.float32) + gb[...])
    sk = jnp.dot(xn, swt[...], preferred_element_type=jnp.float32) + sb[...]
    agg = agg + g * (sk - agg)
    out = jnp.dot(agg, owt[...], preferred_element_type=jnp.float32) + ob[...]
    x1 = xb + _ln(out, postg[...], postb[...])
    h = _ln(x1, ffpreg[...], ffpreb[...])
    h = jax.nn.relu(jnp.dot(h, ffw1t[...], preferred_element_type=jnp.float32)
                    + ffb1[...])
    h = jnp.dot(h, ffw2t[...], preferred_element_type=jnp.float32) + ffb2[...]
    out_ref[...] = x1 + _ln(h, ffpostg[...], ffpostb[...])


def _row(v):
    return v.reshape(1, -1)


def _pad_rows(a, rows=8):
    return jnp.pad(a, ((0, rows - a.shape[0]), (0, 0)))


def _full_spec(shape):
    nd = len(shape)
    return pl.BlockSpec(shape, lambda i, _nd=nd: (0,) * _nd)


def _tc_n1(xf, tbl, at, bn):
    n = xf.shape[0]
    grid = n // bn
    specs = [pl.BlockSpec((bn, C), lambda i: (i, 0)),
             pl.BlockSpec((bn, 16), lambda i: (i, 0))]
    wspecs = [_full_spec((1, C)), _full_spec((1, C)), _full_spec((C, C)),
              _full_spec((1, C)), _full_spec((C, C)), _full_spec((C, C)),
              _full_spec((1, C))]
    return pl.pallas_call(
        _n1_body,
        grid=(grid,),
        in_specs=specs + wspecs,
        out_specs=[pl.BlockSpec((bn, C), lambda i: (i, 0)),
                   pl.BlockSpec((bn, 2 * C), lambda i: (i, 0)),
                   pl.BlockSpec((bn, 3 * C), lambda i: (i, 0))],
        out_shape=[jax.ShapeDtypeStruct((n, C), jnp.float32),
                   jax.ShapeDtypeStruct((n, 2 * C), jnp.float32),
                   jax.ShapeDtypeStruct((n, 3 * C), jnp.float32)],
    )(xf, tbl, _row(at['pre_g']), _row(at['pre_b']), at['q_w'].T,
      _row(at['q_b']), at['k_w'].T, at['v_w'].T, _row(at['v_b']))


def _tc_e1(qd, kvs, fe, at, s16, be):
    e = qd.shape[0]
    grid = e // be
    f2p = _pad_rows(fe['freqs'] * (2 * math.pi))
    w1cc = jnp.transpose(fe['mlp_w1'][:, :, :64], (0, 2, 1))
    w1cs = jnp.transpose(fe['mlp_w1'][:, :, 64:C], (0, 2, 1))
    w1r = _pad_rows(fe['mlp_w1'][:, :, C])
    w2t = jnp.transpose(fe['mlp_w2'], (0, 2, 1))
    espec = lambda w: pl.BlockSpec((be, w), lambda i: (i, 0))
    in_specs = [espec(2 * C), espec(3 * C),
                _full_spec((8, 64)), _full_spec((3, 64, C)),
                _full_spec((3, 64, C)), _full_spec((8, C)),
                _full_spec((8, C)), _full_spec((8, C)), _full_spec((8, C)),
                _full_spec((3, C, C)), _full_spec((8, C)),
                _full_spec((1, C)), _full_spec((1, C)), _full_spec((C, C)),
                _full_spec((1, C)), _full_spec((1, C)), _full_spec((1, C)),
                _full_spec((C, C)), _full_spec((C, C)), _full_spec((1, C)),
                _full_spec((C, NUM_HEADS))]
    return pl.pallas_call(
        _e1_body,
        grid=(grid,),
        in_specs=in_specs,
        out_specs=[espec(NUM_HEADS), espec(C),
                   pl.BlockSpec((1, 1, NUM_HEADS), lambda i: (i, 0, 0))],
        out_shape=[jax.ShapeDtypeStruct((e, NUM_HEADS), jnp.float32),
                   jax.ShapeDtypeStruct((e, C), jnp.float32),
                   jax.ShapeDtypeStruct((grid, 1, NUM_HEADS), jnp.float32)],
    )(qd, kvs, f2p, w1cc, w1cs, w1r, _pad_rows(fe['mlp_b1']),
      _pad_rows(fe['mlp_ln_g']), _pad_rows(fe['mlp_ln_b']), w2t,
      _pad_rows(fe['mlp_b2']), _row(fe['out_ln_g']), _row(fe['out_ln_b']),
      fe['out_w'].T, _row(fe['out_b']), _row(at['r_g']), _row(at['r_b']),
      at['kr_w'].T, at['vr_w'].T, _row(at['vr_b']), s16)


def _tc_e2(sim, vj, gmax, s16t, be):
    e = sim.shape[0]
    grid = e // be
    return pl.pallas_call(
        _e2_body,
        grid=(grid,),
        in_specs=[pl.BlockSpec((be, NUM_HEADS), lambda i: (i, 0)),
                  pl.BlockSpec((be, C), lambda i: (i, 0)),
                  _full_spec((1, NUM_HEADS)), _full_spec((NUM_HEADS, C))],
        out_specs=[pl.BlockSpec((be, C), lambda i: (i, 0)),
                   pl.BlockSpec((be, C), lambda i: (i, 0))],
        out_shape=[jax.ShapeDtypeStruct((e, C), jnp.float32),
                   jax.ShapeDtypeStruct((e, C), jnp.float32)],
    )(sim, vj, gmax, s16t)


def _tc_n2(xf, xn, aggp, sp, at, s16t, bn):
    n = xf.shape[0]
    grid = n // bn
    nspec = lambda w: pl.BlockSpec((bn, w), lambda i: (i, 0))
    return pl.pallas_call(
        _n2_body,
        grid=(grid,),
        in_specs=[nspec(C), nspec(C),
                  pl.BlockSpec((aggp.shape[0], bn, C), lambda i: (0, i, 0)),
                  pl.BlockSpec((sp.shape[0], bn, C), lambda i: (0, i, 0)),
                  _full_spec((NUM_HEADS, C)),
                  _full_spec((C, C)), _full_spec((C, C)), _full_spec((1, C)),
                  _full_spec((C, C)), _full_spec((1, C)),
                  _full_spec((C, C)), _full_spec((1, C)),
                  _full_spec((1, C)), _full_spec((1, C)),
                  _full_spec((1, C)), _full_spec((1, C)),
                  _full_spec((C, 4 * C)), _full_spec((1, 4 * C)),
                  _full_spec((4 * C, C)), _full_spec((1, C)),
                  _full_spec((1, C)), _full_spec((1, C))],
        out_specs=[nspec(C)],
        out_shape=[jax.ShapeDtypeStruct((n, C), jnp.float32)],
    )(xf, xn, aggp, sp, s16t,
      at['g_w'][:, :C].T, at['g_w'][:, C:].T, _row(at['g_b']),
      at['s_w'].T, _row(at['s_b']), at['o_w'].T, _row(at['o_b']),
      _row(at['post_g']), _row(at['post_b']),
      _row(at['ffpre_g']), _row(at['ffpre_b']),
      at['ff_w1'].T, _row(at['ff_b1']), at['ff_w2'].T, _row(at['ff_b2']),
      _row(at['ffpost_g']), _row(at['ffpost_b']))[0]


def _pick_chunk(epw, cap):
    best = 8
    for c in range(8, cap + 1, 8):
        if epw % c == 0:
            best = c
    return best


def _sc_gather(src, dst, q, kv):
    e = src.shape[0]
    info = plsc.get_sparse_core_info()
    nw = info.num_cores * info.num_subcores
    epw = e // nw
    ch = _pick_chunk(epw, 144)
    assert epw % ch == 0
    nit = epw // ch
    mesh = plsc.VectorSubcoreMesh(core_axis_name="c", subcore_axis_name="s")

    @functools.partial(
        pl.kernel, mesh=mesh,
        out_type=[jax.ShapeDtypeStruct((e, 2 * C), jnp.float32),
                  jax.ShapeDtypeStruct((e, 3 * C), jnp.float32)],
        scratch_types=[pltpu.VMEM((ch,), jnp.int32),
                       pltpu.VMEM((ch,), jnp.int32),
                       pltpu.VMEM((ch, 2 * C), jnp.float32),
                       pltpu.VMEM((ch, 3 * C), jnp.float32),
                       pltpu.SemaphoreType.DMA],
    )
    def g1(src_h, dst_h, q_h, kv_h, qd_o, kvs_o, sidx, didx, qv, kvv, sem):
        wid = lax.axis_index("s") * info.num_cores + lax.axis_index("c")
        base = wid * epw

        def body(it, carry):
            off = base + it * ch
            pltpu.sync_copy(src_h.at[pl.ds(off, ch)], sidx)
            pltpu.sync_copy(dst_h.at[pl.ds(off, ch)], didx)
            c1 = pltpu.async_copy(q_h.at[didx], qv, sem)
            c2 = pltpu.async_copy(kv_h.at[sidx], kvv, sem)
            c1.wait()
            c2.wait()
            pltpu.sync_copy(qv, qd_o.at[pl.ds(off, ch)])
            pltpu.sync_copy(kvv, kvs_o.at[pl.ds(off, ch)])
            return carry

        lax.fori_loop(0, nit, body, 0)

    return g1(src, dst, q, kv)


def _sc_scatter(dst, wv, wp, n):
    e = dst.shape[0]
    info = plsc.get_sparse_core_info()
    nw = info.num_cores * info.num_subcores
    epw = e // nw
    ch = _pick_chunk(epw, 336)
    assert epw % ch == 0
    nit = epw // ch
    rpt = -(-n // info.num_subcores)
    rpt += (-rpt) % 8
    rlast = n - (info.num_subcores - 1) * rpt
    assert rlast > 0
    mesh = plsc.VectorSubcoreMesh(core_axis_name="c", subcore_axis_name="s")
    zeros = jnp.zeros((n, C), jnp.float32)

    @functools.partial(
        pl.kernel, mesh=mesh,
        out_type=[jax.ShapeDtypeStruct((2, n, C), jnp.float32),
                  jax.ShapeDtypeStruct((2, n, C), jnp.float32)],
        scratch_types=[pltpu.VMEM((ch,), jnp.int32),
                       pltpu.VMEM((ch, C), jnp.float32),
                       pltpu.VMEM_SHARED((n, C), jnp.float32)],
    )
    def s1(dst_h, wv_h, wp_h, z_h, aggp_o, sp_o, idxv, rows, acc_sh):
        cid = lax.axis_index("c")
        sid = lax.axis_index("s")
        wid = sid * info.num_cores + cid
        base = wid * epw

        def phase(val_h, out_h):
            @pl.when(sid == 0)
            def _init():
                pltpu.sync_copy(z_h, acc_sh)

            plsc.subcore_barrier()

            def body(it, carry):
                off = base + it * ch
                pltpu.sync_copy(dst_h.at[pl.ds(off, ch)], idxv)
                pltpu.sync_copy(val_h.at[pl.ds(off, ch)], rows)
                pltpu.sync_copy(rows, acc_sh.at[idxv], add=True)
                return carry

            lax.fori_loop(0, nit, body, 0)
            plsc.subcore_barrier()

            @pl.when(sid < info.num_subcores - 1)
            def _copy_main():
                off = pl.multiple_of(sid * rpt, 8)
                pltpu.sync_copy(acc_sh.at[pl.ds(off, rpt)],
                                out_h.at[cid, pl.ds(off, rpt)])

            @pl.when(sid == info.num_subcores - 1)
            def _copy_tail():
                off = pl.multiple_of((info.num_subcores - 1) * rpt, 8)
                pltpu.sync_copy(acc_sh.at[pl.ds(off, rlast)],
                                out_h.at[cid, pl.ds(off, rlast)])

            plsc.subcore_barrier()

        phase(wv_h, aggp_o)
        phase(wp_h, sp_o)

    return s1(dst, wv, wp, zeros)


def kernel(x, pos, head, edges, params):
    a, m, t, c = x.shape
    n = a * m * t
    xf = jnp.transpose(x, (2, 1, 0, 3)).reshape(n, c)
    posf = jnp.transpose(pos, (2, 1, 0, 3)).reshape(n, 2)
    headf = jnp.transpose(head, (2, 1, 0)).reshape(n, 1)
    src = edges[0].astype(jnp.int32)
    dst = edges[1].astype(jnp.int32)
    fe, at = params['fe'], params['attn']

    tbl = jnp.concatenate(
        [posf, jnp.cos(headf), jnp.sin(headf), headf,
         jnp.zeros((n, 11), jnp.float32)], axis=-1)

    s16 = (jnp.arange(c)[:, None] // HEAD_DIM
           == jnp.arange(NUM_HEADS)[None, :]).astype(jnp.float32)
    s16t = s16.T

    xn, q, kv = _tc_n1(xf, tbl, at, bn=2016)
    e = src.shape[0]
    parts = 3
    eh = e // parts
    halves = []
    for pi in range(parts):
        s_p = lax.slice(src, (pi * eh,), ((pi + 1) * eh,))
        d_p = lax.slice(dst, (pi * eh,), ((pi + 1) * eh,))
        qd_p, kvs_p = _sc_gather(s_p, d_p, q, kv)
        sim_p, vj_p, bmax_p = _tc_e1(qd_p, kvs_p, fe, at, s16, be=2688)
        halves.append((d_p, sim_p, vj_p, bmax_p))
    gmax = jnp.max(jnp.concatenate([h[3] for h in halves], axis=0), axis=0)
    aggps, sps = [], []
    for d_p, sim_p, vj_p, _ in halves:
        wv_p, wp_p = _tc_e2(sim_p, vj_p, gmax, s16t, be=5376)
        aggp_p, sp_p = _sc_scatter(d_p, wv_p, wp_p, n)
        aggps.append(aggp_p)
        sps.append(sp_p)
    aggp = jnp.concatenate(aggps, axis=0)
    sp = jnp.concatenate(sps, axis=0)
    out = _tc_n2(xf, xn, aggp, sp, at, s16t, bn=2016)
    return jnp.transpose(out.reshape(t, m, a, c), (2, 1, 0, 3))

# --- scband reference (transcript-rebuilt; emitter-appended) ---
"""Pipeline reference for scband-social-attention-62088047231245 (READ-ONLY COPY).

The authoritative reference and input builder live on the scoring server;
editing this copy changes nothing except your own understanding.
"""

import jax, jax.numpy as jnp
import numpy as np
import math

A, M, T, C = 28, 6, 60, 128
N = A * M * T
E = 161280
NUM_HEADS, HEAD_DIM, NFREQ = 8, 16, 64

def _lin(x, W, b=None):
    y = x @ W.T
    return y if b is None else y + b

def _ln(x, g, b, eps=1e-5):
    mu = jnp.mean(x, axis=-1, keepdims=True)
    var = jnp.mean((x - mu) ** 2, axis=-1, keepdims=True)
    return (x - mu) / jnp.sqrt(var + eps) * g + b

def wrap_angle(a):
    return jnp.mod(a + math.pi, 2 * math.pi) - math.pi

def fourier_embedding(rel, p):
    xf = rel[..., None] * p['freqs'] * (2 * math.pi)
    xf = jnp.concatenate([jnp.cos(xf), jnp.sin(xf), rel[..., None]], axis=-1)
    out = jnp.zeros((rel.shape[0], C), dtype=rel.dtype)
    for i in range(3):
        h = _lin(xf[:, i], p['mlp_w1'][i], p['mlp_b1'][i])
        h = _ln(h, p['mlp_ln_g'][i], p['mlp_ln_b'][i])
        h = jax.nn.relu(h)
        h = _lin(h, p['mlp_w2'][i], p['mlp_b2'][i])
        out = out + h
    out = _ln(out, p['out_ln_g'], p['out_ln_b'])
    out = jax.nn.relu(out)
    return _lin(out, p['out_w'], p['out_b'])

def segment_softmax(sim, dst, n):
    m = jax.ops.segment_max(sim, dst, num_segments=n)
    m = jnp.where(jnp.isfinite(m), m, 0.0)
    e = jnp.exp(sim - m[dst])
    s = jax.ops.segment_sum(e, dst, num_segments=n)
    return e / (s[dst] + 1e-16)

def attention_layer(x, r, edges, p):
    src, dst = edges[0], edges[1]
    n = x.shape[0]
    xn = _ln(x, p['pre_g'], p['pre_b'])
    rn = _ln(r, p['r_g'], p['r_b'])
    q = _lin(xn, p['q_w'], p['q_b']).reshape(n, NUM_HEADS, HEAD_DIM)
    k = _lin(xn, p['k_w']).reshape(n, NUM_HEADS, HEAD_DIM)
    v = _lin(xn, p['v_w'], p['v_b']).reshape(n, NUM_HEADS, HEAD_DIM)
    q_i = q[dst]
    k_j = k[src] + _lin(rn, p['kr_w']).reshape(-1, NUM_HEADS, HEAD_DIM)
    v_j = v[src] + _lin(rn, p['vr_w'], p['vr_b']).reshape(-1, NUM_HEADS, HEAD_DIM)
    sim = jnp.sum(q_i * k_j, axis=-1) * (HEAD_DIM ** -0.5)
    attn = segment_softmax(sim, dst, n)
    agg = jax.ops.segment_sum(v_j * attn[..., None], dst, num_segments=n).reshape(n, NUM_HEADS * HEAD_DIM)
    g = jax.nn.sigmoid(_lin(jnp.concatenate([agg, xn], axis=-1), p['g_w'], p['g_b']))
    agg = agg + g * (_lin(xn, p['s_w'], p['s_b']) - agg)
    out = _lin(agg, p['o_w'], p['o_b'])
    x = x + _ln(out, p['post_g'], p['post_b'])
    h = _ln(x, p['ffpre_g'], p['ffpre_b'])
    h = jax.nn.relu(_lin(h, p['ff_w1'], p['ff_b1']))
    h = _lin(h, p['ff_w2'], p['ff_b2'])
    return x + _ln(h, p['ffpost_g'], p['ffpost_b'])

def _init_params(key):
    ks = iter(jax.random.split(key, 40))
    w = lambda *s: jax.random.normal(next(ks), s, jnp.float32) * 0.02
    z = lambda *s: jnp.zeros(s, jnp.float32)
    o = lambda *s: jnp.ones(s, jnp.float32)
    fe = dict(freqs=w(3, NFREQ), mlp_w1=w(3, C, 2 * NFREQ + 1), mlp_b1=z(3, C),
              mlp_ln_g=o(3, C), mlp_ln_b=z(3, C), mlp_w2=w(3, C, C), mlp_b2=z(3, C),
              out_ln_g=o(C), out_ln_b=z(C), out_w=w(C, C), out_b=z(C))
    attn = dict(pre_g=o(C), pre_b=z(C), r_g=o(C), r_b=z(C),
                q_w=w(C, C), q_b=z(C), k_w=w(C, C), v_w=w(C, C), v_b=z(C),
                kr_w=w(C, C), vr_w=w(C, C), vr_b=z(C),
                s_w=w(C, C), s_b=z(C), g_w=w(C, 2 * C), g_b=z(C),
                o_w=w(C, C), o_b=z(C), post_g=o(C), post_b=z(C),
                ffpre_g=o(C), ffpre_b=z(C), ff_w1=w(4 * C, C), ff_b1=z(4 * C),
                ff_w2=w(C, 4 * C), ff_b2=z(C), ffpost_g=o(C), ffpost_b=z(C))
    return dict(fe=fe, attn=attn)

def setup_inputs(seed: int = 0):
    key = jax.random.key(seed)
    k0, k1, k2, k3, k4, k5 = jax.random.split(key, 6)
    src = jax.random.randint(k3, (E,), 0, N, jnp.int32)
    off = jax.random.randint(k5, (E,), 1, N, jnp.int32)
    dst = jnp.mod(src + off, N)
    edges = jnp.stack([src, dst], axis=0).astype(jnp.int64)
    return {
        'x': jax.random.normal(k0, (A, M, T, C), jnp.float32),
        'pos': jax.random.normal(k1, (A, M, T, 2), jnp.float32),
        'head': jax.random.normal(k2, (A, M, T), jnp.float32),
        'edges': edges,
        'params': _init_params(k4),
    }

def reference(x, pos, head, edges, params):
    xf = jnp.transpose(x, (2, 1, 0, 3)).reshape(-1, C)
    posf = jnp.transpose(pos, (2, 1, 0, 3)).reshape(-1, 2)
    headf = jnp.transpose(head, (2, 1, 0)).reshape(-1)
    dhv = jnp.stack([jnp.cos(headf), jnp.sin(headf)], axis=-1)
    rel_pos = posf[edges[0]] - posf[edges[1]]
    dist = jnp.sqrt(jnp.sum(rel_pos ** 2, axis=-1) + 1e-12)
    ctr = dhv[edges[1]]
    direction = jnp.arctan2(ctr[:, 0] * rel_pos[:, 1] - ctr[:, 1] * rel_pos[:, 0],
                            jnp.sum(ctr * rel_pos, axis=-1))
    rel_head = wrap_angle(headf[edges[0]] - headf[edges[1]])
    rel = jnp.stack([dist, direction, rel_head], axis=-1)
    rel = fourier_embedding(rel, params['fe'])
    out = attention_layer(xf, rel, edges, params['attn'])
    return jnp.transpose(out.reshape(T, M, A, C), (2, 1, 0, 3))

if __name__ == "__main__":
    import jax
    _d = setup_inputs()
    print(jax.jit(kernel)(*tuple(_d.values())))

</pallas_src>

<mosaic_0001>
#map = affine_map<(d0, d1) -> (0)>
#map1 = affine_map<(d0, d1) -> (0, 0)>
module attributes {stable_mosaic.version = 14 : i64} {
  func.func @g1(%arg0: i32, %arg1: i32, %arg2: memref<53760xi32, #tpu.memory_space<hbm>>, %arg3: memref<53760xi32, #tpu.memory_space<hbm>>, %arg4: memref<10080x256xf32, #tpu.memory_space<hbm>>, %arg5: memref<10080x384xf32, #tpu.memory_space<hbm>>, %arg6: memref<53760x256xf32, #tpu.memory_space<hbm>>, %arg7: memref<53760x384xf32, #tpu.memory_space<hbm>>, %arg8: memref<120xi32, #tpu.memory_space<vmem>>, %arg9: memref<120xi32, #tpu.memory_space<vmem>>, %arg10: memref<120x256xf32, #tpu.memory_space<vmem>>, %arg11: memref<120x384xf32, #tpu.memory_space<vmem>>, %arg12: memref<!tpu.dma_semaphore, #tpu.memory_space<semaphore_mem>>) attributes {dimension_semantics = [#tpu.dimension_semantics<core_parallel>, #tpu.dimension_semantics<subcore_parallel>], iteration_bounds = array<i64: 2, 16>, scalar_prefetch = 0 : i64, scratch_operands = 5 : i64, tpu.core_type = #tpu.core_type<sc_vector_subcore>, window_params = [{transform_indices = #map}, {transform_indices = #map}, {transform_indices = #map1}, {transform_indices = #map1}, {transform_indices = #map1}, {transform_indices = #map1}]} {
    %mul3A = arith.constant 2 : i32
    %mul3A_0 = arith.muli %arg1, %mul3A : i32
    %add3A = arith.addi %mul3A_0, %arg0 : i32
    %mul3A_1 = arith.constant 1680 : i32
    %mul3A_2 = arith.muli %add3A, %mul3A_1 : i32
    %scan3A = arith.constant 0 : i32
    %scan3A_3 = arith.constant 0 : i32
    %scan3A_4 = arith.constant 14 : i32
    %scan3A_5 = arith.addi %scan3A_3, %scan3A_4 : i32
    %scan3A_6 = arith.constant 1 : i32
    scf.for %scan3A_8 = %scan3A_3 to %scan3A_5 step %scan3A_6  : i32 {
      %mul3A_9 = arith.constant 120 : i32
      %mul3A_10 = arith.muli %scan3A_8, %mul3A_9 : i32
      %add3A_11 = arith.addi %mul3A_2, %mul3A_10 : i32
      "tpu.region"() ({
        %run_scoped3A = tpu.sem_alloc : memref<!tpu.dma_semaphore, #tpu.memory_space<semaphore_mem>>
        %dma_start3A_22 = tpu.memref_slice %arg2[%add3A_11] : memref<53760xi32, #tpu.memory_space<hbm>> -> memref<120xi32, #tpu.memory_space<hbm>>
        %dma_start3A_23 = tpu.memref_slice %arg2[%add3A_11] : memref<53760xi32, #tpu.memory_space<hbm>> -> memref<120xi32, #tpu.memory_space<hbm>>
        tpu.enqueue_dma source(%dma_start3A_23 : memref<120xi32, #tpu.memory_space<hbm>>) target(%arg8 : memref<120xi32, #tpu.memory_space<vmem>>) target_semaphore(%run_scoped3A : memref<!tpu.dma_semaphore, #tpu.memory_space<semaphore_mem>>)
        %dma_wait3A_24 = tpu.memref_slice %arg2[%add3A_11] : memref<53760xi32, #tpu.memory_space<hbm>> -> memref<120xi32, #tpu.memory_space<hbm>>
        %dma_wait3A_25 = tpu.memref_slice %arg2[%add3A_11] : memref<53760xi32, #tpu.memory_space<hbm>> -> memref<120xi32, #tpu.memory_space<hbm>>
        tpu.wait_dma2 semaphore(%run_scoped3A : memref<!tpu.dma_semaphore, #tpu.memory_space<semaphore_mem>>) src(%dma_wait3A_25 : memref<120xi32, #tpu.memory_space<hbm>>) dst(%arg8 : memref<120xi32, #tpu.memory_space<vmem>>)
        tpu.yield
      }) : () -> ()
      "tpu.region"() ({
        %run_scoped3A = tpu.sem_alloc : memref<!tpu.dma_semaphore, #tpu.memory_space<semaphore_mem>>
        %dma_start3A_22 = tpu.memref_slice %arg3[%add3A_11] : memref<53760xi32, #tpu.memory_space<hbm>> -> memref<120xi32, #tpu.memory_space<hbm>>
        %dma_start3A_23 = tpu.memref_slice %arg3[%add3A_11] : memref<53760xi32, #tpu.memory_space<hbm>> -> memref<120xi32, #tpu.memory_space<hbm>>
        tpu.enqueue_dma source(%dma_start3A_23 : memref<120xi32, #tpu.memory_space<hbm>>) target(%arg9 : memref<120xi32, #tpu.memory_space<vmem>>) target_semaphore(%run_scoped3A : memref<!tpu.dma_semaphore, #tpu.memory_space<semaphore_mem>>)
        %dma_wait3A_24 = tpu.memref_slice %arg3[%add3A_11] : memref<53760xi32, #tpu.memory_space<hbm>> -> memref<120xi32, #tpu.memory_space<hbm>>
        %dma_wait3A_25 = tpu.memref_slice %arg3[%add3A_11] : memref<53760xi32, #tpu.memory_space<hbm>> -> memref<120xi32, #tpu.memory_space<hbm>>
        tpu.wait_dma2 semaphore(%run_scoped3A : memref<!tpu.dma_semaphore, #tpu.memory_space<semaphore_mem>>) src(%dma_wait3A_25 : memref<120xi32, #tpu.memory_space<hbm>>) dst(%arg9 : memref<120xi32, #tpu.memory_space<vmem>>)
        tpu.yield
      }) : () -> ()
      %dma_start3A = arith.constant 0 : i32
      %dma_start3A_12 = arith.constant 0 : i32
      %dma_start3A_13 = tpu.memref_slice %arg4[%dma_start3A, %dma_start3A_12] : memref<10080x256xf32, #tpu.memory_space<hbm>> -> memref<10080x256xf32, #tpu.memory_space<hbm>>
      tpu.enqueue_indirect_dma source(%dma_start3A_13 : memref<10080x256xf32, #tpu.memory_space<hbm>>) target(%arg10 : memref<120x256xf32, #tpu.memory_space<vmem>>) offsets(%arg9 : memref<120xi32, #tpu.memory_space<vmem>>) semaphore(%arg12 : memref<!tpu.dma_semaphore, #tpu.memory_space<semaphore_mem>>)
      %dma_start3A_14 = arith.constant 0 : i32
      %dma_start3A_15 = arith.constant 0 : i32
      %dma_start3A_16 = tpu.memref_slice %arg5[%dma_start3A_14, %dma_start3A_15] : memref<10080x384xf32, #tpu.memory_space<hbm>> -> memref<10080x384xf32, #tpu.memory_space<hbm>>
      tpu.enqueue_indirect_dma source(%dma_start3A_16 : memref<10080x384xf32, #tpu.memory_space<hbm>>) target(%arg11 : memref<120x384xf32, #tpu.memory_space<vmem>>) offsets(%arg8 : memref<120xi32, #tpu.memory_space<vmem>>) semaphore(%arg12 : memref<!tpu.dma_semaphore, #tpu.memory_space<semaphore_mem>>)
      %dma_wait3A = arith.constant 0 : i32
      %dma_wait3A_17 = arith.constant 0 : i32
      %dma_wait3A_18 = tpu.memref_slice %arg4[%dma_wait3A, %dma_wait3A_17] : memref<10080x256xf32, #tpu.memory_space<hbm>> -> memref<10080x256xf32, #tpu.memory_space<hbm>>
      tpu.wait_indirect_dma semaphore(%arg12 : memref<!tpu.dma_semaphore, #tpu.memory_space<semaphore_mem>>) src(%dma_wait3A_18 : memref<10080x256xf32, #tpu.memory_space<hbm>>) dst(%arg10 : memref<120x256xf32, #tpu.memory_space<vmem>>)
      %dma_wait3A_19 = arith.constant 0 : i32
      %dma_wait3A_20 = arith.constant 0 : i32
      %dma_wait3A_21 = tpu.memref_slice %arg5[%dma_wait3A_19, %dma_wait3A_20] : memref<10080x384xf32, #tpu.memory_space<hbm>> -> memref<10080x384xf32, #tpu.memory_space<hbm>>
      tpu.wait_indirect_dma semaphore(%arg12 : memref<!tpu.dma_semaphore, #tpu.memory_space<semaphore_mem>>) src(%dma_wait3A_21 : memref<10080x384xf32, #tpu.memory_space<hbm>>) dst(%arg11 : memref<120x384xf32, #tpu.memory_space<vmem>>)
      "tpu.region"() ({
        %run_scoped3A = tpu.sem_alloc : memref<!tpu.dma_semaphore, #tpu.memory_space<semaphore_mem>>
        %dma_start3A_22 = arith.constant 0 : i32
        %dma_start3A_23 = tpu.memref_slice %arg6[%add3A_11, %dma_start3A_22] : memref<53760x256xf32, #tpu.memory_space<hbm>> -> memref<120x256xf32, #tpu.memory_space<hbm>>
        %dma_start3A_24 = arith.constant 0 : i32
        %dma_start3A_25 = tpu.memref_slice %arg6[%add3A_11, %dma_start3A_24] : memref<53760x256xf32, #tpu.memory_space<hbm>> -> memref<120x256xf32, #tpu.memory_space<hbm>>
        tpu.enqueue_dma source(%arg10 : memref<120x256xf32, #tpu.memory_space<vmem>>) target(%dma_start3A_25 : memref<120x256xf32, #tpu.memory_space<hbm>>) target_semaphore(%run_scoped3A : memref<!tpu.dma_semaphore, #tpu.memory_space<semaphore_mem>>)
        %dma_wait3A_26 = arith.constant 0 : i32
        %dma_wait3A_27 = tpu.memref_slice %arg6[%add3A_11, %dma_wait3A_26] : memref<53760x256xf32, #tpu.memory_space<hbm>> -> memref<120x256xf32, #tpu.memory_space<hbm>>
        %dma_wait3A_28 = arith.constant 0 : i32
        %dma_wait3A_29 = tpu.memref_slice %arg6[%add3A_11, %dma_wait3A_28] : memref<53760x256xf32, #tpu.memory_space<hbm>> -> memref<120x256xf32, #tpu.memory_space<hbm>>
        tpu.wait_dma2 semaphore(%run_scoped3A : memref<!tpu.dma_semaphore, #tpu.memory_space<semaphore_mem>>) src(%arg10 : memref<120x256xf32, #tpu.memory_space<vmem>>) dst(%dma_wait3A_29 : memref<120x256xf32, #tpu.memory_space<hbm>>)
        tpu.yield
      }) : () -> ()
      "tpu.region"() ({
        %run_scoped3A = tpu.sem_alloc : memref<!tpu.dma_semaphore, #tpu.memory_space<semaphore_mem>>
        %dma_start3A_22 = arith.constant 0 : i32
        %dma_start3A_23 = tpu.memref_slice %arg7[%add3A_11, %dma_start3A_22] : memref<53760x384xf32, #tpu.memory_space<hbm>> -> memref<120x384xf32, #tpu.memory_space<hbm>>
        %dma_start3A_24 = arith.constant 0 : i32
        %dma_start3A_25 = tpu.memref_slice %arg7[%add3A_11, %dma_start3A_24] : memref<53760x384xf32, #tpu.memory_space<hbm>> -> memref<120x384xf32, #tpu.memory_space<hbm>>
        tpu.enqueue_dma source(%arg11 : memref<120x384xf32, #tpu.memory_space<vmem>>) target(%dma_start3A_25 : memref<120x384xf32, #tpu.memory_space<hbm>>) target_semaphore(%run_scoped3A : memref<!tpu.dma_semaphore, #tpu.memory_space<semaphore_mem>>)
        %dma_wait3A_26 = arith.constant 0 : i32
        %dma_wait3A_27 = tpu.memref_slice %arg7[%add3A_11, %dma_wait3A_26] : memref<53760x384xf32, #tpu.memory_space<hbm>> -> memref<120x384xf32, #tpu.memory_space<hbm>>
        %dma_wait3A_28 = arith.constant 0 : i32
        %dma_wait3A_29 = tpu.memref_slice %arg7[%add3A_11, %dma_wait3A_28] : memref<53760x384xf32, #tpu.memory_space<hbm>> -> memref<120x384xf32, #tpu.memory_space<hbm>>
        tpu.wait_dma2 semaphore(%run_scoped3A : memref<!tpu.dma_semaphore, #tpu.memory_space<semaphore_mem>>) src(%arg11 : memref<120x384xf32, #tpu.memory_space<vmem>>) dst(%dma_wait3A_29 : memref<120x384xf32, #tpu.memory_space<hbm>>)
        tpu.yield
      }) : () -> ()
    }
    %scan3A_7 = arith.constant 14 : i32
    return
  }
}

#map = affine_map<(d0, d1) -> (0)>
#map1 = affine_map<(d0, d1) -> (0, 0)>
module attributes {stable_mosaic.version = 14 : i64} {
  func.func @g1(%arg0: i32, %arg1: i32, %arg2: memref<53760xi32, #tpu.memory_space<hbm>>, %arg3: memref<53760xi32, #tpu.memory_space<hbm>>, %arg4: memref<10080x256xf32, #tpu.memory_space<hbm>>, %arg5: memref<10080x384xf32, #tpu.memory_space<hbm>>, %arg6: memref<53760x256xf32, #tpu.memory_space<hbm>>, %arg7: memref<53760x384xf32, #tpu.memory_space<hbm>>, %arg8: memref<120xi32, #tpu.memory_space<vmem>>, %arg9: memref<120xi32, #tpu.memory_space<vmem>>, %arg10: memref<120x256xf32, #tpu.memory_space<vmem>>, %arg11: memref<120x384xf32, #tpu.memory_space<vmem>>, %arg12: memref<!tpu.dma_semaphore, #tpu.memory_space<semaphore_mem>>) attributes {dimension_semantics = [#tpu.dimension_semantics<core_parallel>, #tpu.dimension_semantics<subcore_parallel>], iteration_bounds = array<i64: 2, 16>, scalar_prefetch = 0 : i64, scratch_operands = 5 : i64, tpu.core_type = #tpu.core_type<sc_vector_subcore>, window_params = [{transform_indices = #map}, {transform_indices = #map}, {transform_indices = #map1}, {transform_indices = #map1}, {transform_indices = #map1}, {transform_indices = #map1}]} {
    %mul3A = arith.constant 2 : i32
    %mul3A_0 = arith.muli %arg1, %mul3A : i32
    %add3A = arith.addi %mul3A_0, %arg0 : i32
    %mul3A_1 = arith.constant 1680 : i32
    %mul3A_2 = arith.muli %add3A, %mul3A_1 : i32
    %scan3A = arith.constant 0 : i32
    %scan3A_3 = arith.constant 0 : i32
    %scan3A_4 = arith.constant 14 : i32
    %scan3A_5 = arith.addi %scan3A_3, %scan3A_4 : i32
    %scan3A_6 = arith.constant 1 : i32
    scf.for %scan3A_8 = %scan3A_3 to %scan3A_5 step %scan3A_6  : i32 {
      %mul3A_9 = arith.constant 120 : i32
      %mul3A_10 = arith.muli %scan3A_8, %mul3A_9 : i32
      %add3A_11 = arith.addi %mul3A_2, %mul3A_10 : i32
      "tpu.region"() ({
        %run_scoped3A = tpu.sem_alloc : memref<!tpu.dma_semaphore, #tpu.memory_space<semaphore_mem>>
        %dma_start3A_22 = tpu.memref_slice %arg2[%add3A_11] : memref<53760xi32, #tpu.memory_space<hbm>> -> memref<120xi32, #tpu.memory_space<hbm>>
        %dma_start3A_23 = tpu.memref_slice %arg2[%add3A_11] : memref<53760xi32, #tpu.memory_space<hbm>> -> memref<120xi32, #tpu.memory_space<hbm>>
        tpu.enqueue_dma source(%dma_start3A_23 : memref<120xi32, #tpu.memory_space<hbm>>) target(%arg8 : memref<120xi32, #tpu.memory_space<vmem>>) target_semaphore(%run_scoped3A : memref<!tpu.dma_semaphore, #tpu.memory_space<semaphore_mem>>)
        %dma_wait3A_24 = tpu.memref_slice %arg2[%add3A_11] : memref<53760xi32, #tpu.memory_space<hbm>> -> memref<120xi32, #tpu.memory_space<hbm>>
        %dma_wait3A_25 = tpu.memref_slice %arg2[%add3A_11] : memref<53760xi32, #tpu.memory_space<hbm>> -> memref<120xi32, #tpu.memory_space<hbm>>
        tpu.wait_dma2 semaphore(%run_scoped3A : memref<!tpu.dma_semaphore, #tpu.memory_space<semaphore_mem>>) src(%dma_wait3A_25 : memref<120xi32, #tpu.memory_space<hbm>>) dst(%arg8 : memref<120xi32, #tpu.memory_space<vmem>>)
        tpu.yield
      }) : () -> ()
      "tpu.region"() ({
        %run_scoped3A = tpu.sem_alloc : memref<!tpu.dma_semaphore, #tpu.memory_space<semaphore_mem>>
        %dma_start3A_22 = tpu.memref_slice %arg3[%add3A_11] : memref<53760xi32, #tpu.memory_space<hbm>> -> memref<120xi32, #tpu.memory_space<hbm>>
        %dma_start3A_23 = tpu.memref_slice %arg3[%add3A_11] : memref<53760xi32, #tpu.memory_space<hbm>> -> memref<120xi32, #tpu.memory_space<hbm>>
        tpu.enqueue_dma source(%dma_start3A_23 : memref<120xi32, #tpu.memory_space<hbm>>) target(%arg9 : memref<120xi32, #tpu.memory_space<vmem>>) target_semaphore(%run_scoped3A : memref<!tpu.dma_semaphore, #tpu.memory_space<semaphore_mem>>)
        %dma_wait3A_24 = tpu.memref_slice %arg3[%add3A_11] : memref<53760xi32, #tpu.memory_space<hbm>> -> memref<120xi32, #tpu.memory_space<hbm>>
        %dma_wait3A_25 = tpu.memref_slice %arg3[%add3A_11] : memref<53760xi32, #tpu.memory_space<hbm>> -> memref<120xi32, #tpu.memory_space<hbm>>
        tpu.wait_dma2 semaphore(%run_scoped3A : memref<!tpu.dma_semaphore, #tpu.memory_space<semaphore_mem>>) src(%dma_wait3A_25 : memref<120xi32, #tpu.memory_space<hbm>>) dst(%arg9 : memref<120xi32, #tpu.memory_space<vmem>>)
        tpu.yield
      }) : () -> ()
      %dma_start3A = arith.constant 0 : i32
      %dma_start3A_12 = arith.constant 0 : i32
      %dma_start3A_13 = tpu.memref_slice %arg4[%dma_start3A, %dma_start3A_12] : memref<10080x256xf32, #tpu.memory_space<hbm>> -> memref<10080x256xf32, #tpu.memory_space<hbm>>
      tpu.enqueue_indirect_dma source(%dma_start3A_13 : memref<10080x256xf32, #tpu.memory_space<hbm>>) target(%arg10 : memref<120x256xf32, #tpu.memory_space<vmem>>) offsets(%arg9 : memref<120xi32, #tpu.memory_space<vmem>>) semaphore(%arg12 : memref<!tpu.dma_semaphore, #tpu.memory_space<semaphore_mem>>)
      %dma_start3A_14 = arith.constant 0 : i32
      %dma_start3A_15 = arith.constant 0 : i32
      %dma_start3A_16 = tpu.memref_slice %arg5[%dma_start3A_14, %dma_start3A_15] : memref<10080x384xf32, #tpu.memory_space<hbm>> -> memref<10080x384xf32, #tpu.memory_space<hbm>>
      tpu.enqueue_indirect_dma source(%dma_start3A_16 : memref<10080x384xf32, #tpu.memory_space<hbm>>) target(%arg11 : memref<120x384xf32, #tpu.memory_space<vmem>>) offsets(%arg8 : memref<120xi32, #tpu.memory_space<vmem>>) semaphore(%arg12 : memref<!tpu.dma_semaphore, #tpu.memory_space<semaphore_mem>>)
      %dma_wait3A = arith.constant 0 : i32
      %dma_wait3A_17 = arith.constant 0 : i32
      %dma_wait3A_18 = tpu.memref_slice %arg4[%dma_wait3A, %dma_wait3A_17] : memref<10080x256xf32, #tpu.memory_space<hbm>> -> memref<10080x256xf32, #tpu.memory_space<hbm>>
      tpu.wait_indirect_dma semaphore(%arg12 : memref<!tpu.dma_semaphore, #tpu.memory_space<semaphore_mem>>) src(%dma_wait3A_18 : memref<10080x256xf32, #tpu.memory_space<hbm>>) dst(%arg10 : memref<120x256xf32, #tpu.memory_space<vmem>>)
      %dma_wait3A_19 = arith.constant 0 : i32
      %dma_wait3A_20 = arith.constant 0 : i32
      %dma_wait3A_21 = tpu.memref_slice %arg5[%dma_wait3A_19, %dma_wait3A_20] : memref<10080x384xf32, #tpu.memory_space<hbm>> -> memref<10080x384xf32, #tpu.memory_space<hbm>>
      tpu.wait_indirect_dma semaphore(%arg12 : memref<!tpu.dma_semaphore, #tpu.memory_space<semaphore_mem>>) src(%dma_wait3A_21 : memref<10080x384xf32, #tpu.memory_space<hbm>>) dst(%arg11 : memref<120x384xf32, #tpu.memory_space<vmem>>)
      "tpu.region"() ({
        %run_scoped3A = tpu.sem_alloc : memref<!tpu.dma_semaphore, #tpu.memory_space<semaphore_mem>>
        %dma_start3A_22 = arith.constant 0 : i32
        %dma_start3A_23 = tpu.memref_slice %arg6[%add3A_11, %dma_start3A_22] : memref<53760x256xf32, #tpu.memory_space<hbm>> -> memref<120x256xf32, #tpu.memory_space<hbm>>
        %dma_start3A_24 = arith.constant 0 : i32
        %dma_start3A_25 = tpu.memref_slice %arg6[%add3A_11, %dma_start3A_24] : memref<53760x256xf32, #tpu.memory_space<hbm>> -> memref<120x256xf32, #tpu.memory_space<hbm>>
        tpu.enqueue_dma source(%arg10 : memref<120x256xf32, #tpu.memory_space<vmem>>) target(%dma_start3A_25 : memref<120x256xf32, #tpu.memory_space<hbm>>) target_semaphore(%run_scoped3A : memref<!tpu.dma_semaphore, #tpu.memory_space<semaphore_mem>>)
        %dma_wait3A_26 = arith.constant 0 : i32
        %dma_wait3A_27 = tpu.memref_slice %arg6[%add3A_11, %dma_wait3A_26] : memref<53760x256xf32, #tpu.memory_space<hbm>> -> memref<120x256xf32, #tpu.memory_space<hbm>>
        %dma_wait3A_28 = arith.constant 0 : i32
        %dma_wait3A_29 = tpu.memref_slice %arg6[%add3A_11, %dma_wait3A_28] : memref<53760x256xf32, #tpu.memory_space<hbm>> -> memref<120x256xf32, #tpu.memory_space<hbm>>
        tpu.wait_dma2 semaphore(%run_scoped3A : memref<!tpu.dma_semaphore, #tpu.memory_space<semaphore_mem>>) src(%arg10 : memref<120x256xf32, #tpu.memory_space<vmem>>) dst(%dma_wait3A_29 : memref<120x256xf32, #tpu.memory_space<hbm>>)
        tpu.yield
      }) : () -> ()
      "tpu.region"() ({
        %run_scoped3A = tpu.sem_alloc : memref<!tpu.dma_semaphore, #tpu.memory_space<semaphore_mem>>
        %dma_start3A_22 = arith.constant 0 : i32
        %dma_start3A_23 = tpu.memref_slice %arg7[%add3A_11, %dma_start3A_22] : memref<53760x384xf32, #tpu.memory_space<hbm>> -> memref<120x384xf32, #tpu.memory_space<hbm>>
        %dma_start3A_24 = arith.constant 0 : i32
        %dma_start3A_25 = tpu.memref_slice %arg7[%add3A_11, %dma_start3A_24] : memref<53760x384xf32, #tpu.memory_space<hbm>> -> memref<120x384xf32, #tpu.memory_space<hbm>>
        tpu.enqueue_dma source(%arg11 : memref<120x384xf32, #tpu.memory_space<vmem>>) target(%dma_start3A_25 : memref<120x384xf32, #tpu.memory_space<hbm>>) target_semaphore(%run_scoped3A : memref<!tpu.dma_semaphore, #tpu.memory_space<semaphore_mem>>)
        %dma_wait3A_26 = arith.constant 0 : i32
        %dma_wait3A_27 = tpu.memref_slice %arg7[%add3A_11, %dma_wait3A_26] : memref<53760x384xf32, #tpu.memory_space<hbm>> -> memref<120x384xf32, #tpu.memory_space<hbm>>
        %dma_wait3A_28 = arith.constant 0 : i32
        %dma_wait3A_29 = tpu.memref_slice %arg7[%add3A_11, %dma_wait3A_28] : memref<53760x384xf32, #tpu.memory_space<hbm>> -> memref<120x384xf32, #tpu.memory_space<hbm>>
        tpu.wait_dma2 semaphore(%run_scoped3A : memref<!tpu.dma_semaphore, #tpu.memory_space<semaphore_mem>>) src(%arg11 : memref<120x384xf32, #tpu.memory_space<vmem>>) dst(%dma_wait3A_29 : memref<120x384xf32, #tpu.memory_space<hbm>>)
        tpu.yield
      }) : () -> ()
    }
    %scan3A_7 = arith.constant 14 : i32
    return
  }
}

#map = affine_map<(d0, d1) -> (0)>
#map1 = affine_map<(d0, d1) -> (0, 0)>
#map2 = affine_map<(d0, d1) -> (0, 0, 0)>
module attributes {stable_mosaic.version = 14 : i64} {
  func.func @s1(%arg0: i32, %arg1: i32, %arg2: memref<53760xi32, #tpu.memory_space<hbm>>, %arg3: memref<53760x128xf32, #tpu.memory_space<hbm>>, %arg4: memref<53760x128xf32, #tpu.memory_space<hbm>>, %arg5: memref<10080x128xf32, #tpu.memory_space<hbm>>, %arg6: memref<2x10080x128xf32, #tpu.memory_space<hbm>>, %arg7: memref<2x10080x128xf32, #tpu.memory_space<hbm>>, %arg8: memref<336xi32, #tpu.memory_space<vmem>>, %arg9: memref<336x128xf32, #tpu.memory_space<vmem>>, %arg10: memref<10080x128xf32, #tpu.memory_space<vmem_shared>>) attributes {dimension_semantics = [#tpu.dimension_semantics<core_parallel>, #tpu.dimension_semantics<subcore_parallel>], iteration_bounds = array<i64: 2, 16>, scalar_prefetch = 0 : i64, scratch_operands = 3 : i64, tpu.core_type = #tpu.core_type<sc_vector_subcore>, window_params = [{transform_indices = #map}, {transform_indices = #map1}, {transform_indices = #map1}, {transform_indices = #map1}, {transform_indices = #map2}, {transform_indices = #map2}]} {
    %mul3A = arith.constant 2 : i32
    %mul3A_0 = arith.muli %arg1, %mul3A : i32
    %add3A = arith.addi %mul3A_0, %arg0 : i32
    %mul3A_1 = arith.constant 1680 : i32
    %mul3A_2 = arith.muli %add3A, %mul3A_1 : i32
    %eq3A = arith.constant 0 : i32
    %eq3A_3 = arith.cmpi eq, %arg1, %eq3A : i32
    %convert_element_type3A = arith.extui %eq3A_3 : i1 to i32
    %cond3A = arith.constant 0 : i32
    %cond3A_4 = arith.cmpi ne, %convert_element_type3A, %cond3A : i32
    scf.if %cond3A_4 {
      "tpu.region"() ({
        %run_scoped3A = tpu.sem_alloc : memref<!tpu.dma_semaphore, #tpu.memory_space<semaphore_mem>>
        tpu.enqueue_dma source(%arg5 : memref<10080x128xf32, #tpu.memory_space<hbm>>) target(%arg10 : memref<10080x128xf32, #tpu.memory_space<vmem_shared>>) target_semaphore(%run_scoped3A : memref<!tpu.dma_semaphore, #tpu.memory_space<semaphore_mem>>)
        tpu.wait_dma2 semaphore(%run_scoped3A : memref<!tpu.dma_semaphore, #tpu.memory_space<semaphore_mem>>) src(%arg5 : memref<10080x128xf32, #tpu.memory_space<hbm>>) dst(%arg10 : memref<10080x128xf32, #tpu.memory_space<vmem_shared>>)
        tpu.yield
      }) : () -> ()
    } else {
    }
    %barrier3A = arith.constant 0 : index
    tpu.barrier barrier_id(%barrier3A)
    %scan3A = arith.constant 0 : i32
    %scan3A_5 = arith.constant 0 : i32
    %scan3A_6 = arith.constant 5 : i32
    %scan3A_7 = arith.addi %scan3A_5, %scan3A_6 : i32
    %scan3A_8 = arith.constant 1 : i32
    scf.for %scan3A_45 = %scan3A_5 to %scan3A_7 step %scan3A_8  : i32 {
      %mul3A_46 = arith.constant 336 : i32
      %mul3A_47 = arith.muli %scan3A_45, %mul3A_46 : i32
      %add3A_48 = arith.addi %mul3A_2, %mul3A_47 : i32
      "tpu.region"() ({
        %run_scoped3A = tpu.sem_alloc : memref<!tpu.dma_semaphore, #tpu.memory_space<semaphore_mem>>
        %dma_start3A = tpu.memref_slice %arg2[%add3A_48] : memref<53760xi32, #tpu.memory_space<hbm>> -> memref<336xi32, #tpu.memory_space<hbm>>
        %dma_start3A_49 = tpu.memref_slice %arg2[%add3A_48] : memref<53760xi32, #tpu.memory_space<hbm>> -> memref<336xi32, #tpu.memory_space<hbm>>
        tpu.enqueue_dma source(%dma_start3A_49 : memref<336xi32, #tpu.memory_space<hbm>>) target(%arg8 : memref<336xi32, #tpu.memory_space<vmem>>) target_semaphore(%run_scoped3A : memref<!tpu.dma_semaphore, #tpu.memory_space<semaphore_mem>>)
        %dma_wait3A = tpu.memref_slice %arg2[%add3A_48] : memref<53760xi32, #tpu.memory_space<hbm>> -> memref<336xi32, #tpu.memory_space<hbm>>
        %dma_wait3A_50 = tpu.memref_slice %arg2[%add3A_48] : memref<53760xi32, #tpu.memory_space<hbm>> -> memref<336xi32, #tpu.memory_space<hbm>>
        tpu.wait_dma2 semaphore(%run_scoped3A : memref<!tpu.dma_semaphore, #tpu.memory_space<semaphore_mem>>) src(%dma_wait3A_50 : memref<336xi32, #tpu.memory_space<hbm>>) dst(%arg8 : memref<336xi32, #tpu.memory_space<vmem>>)
        tpu.yield
      }) : () -> ()
      "tpu.region"() ({
        %run_scoped3A = tpu.sem_alloc : memref<!tpu.dma_semaphore, #tpu.memory_space<semaphore_mem>>
        %dma_start3A = arith.constant 0 : i32
        %dma_start3A_49 = tpu.memref_slice %arg3[%add3A_48, %dma_start3A] : memref<53760x128xf32, #tpu.memory_space<hbm>> -> memref<336x128xf32, #tpu.memory_space<hbm>>
        %dma_start3A_50 = arith.constant 0 : i32
        %dma_start3A_51 = tpu.memref_slice %arg3[%add3A_48, %dma_start3A_50] : memref<53760x128xf32, #tpu.memory_space<hbm>> -> memref<336x128xf32, #tpu.memory_space<hbm>>
        tpu.enqueue_dma source(%dma_start3A_51 : memref<336x128xf32, #tpu.memory_space<hbm>>) target(%arg9 : memref<336x128xf32, #tpu.memory_space<vmem>>) target_semaphore(%run_scoped3A : memref<!tpu.dma_semaphore, #tpu.memory_space<semaphore_mem>>)
        %dma_wait3A = arith.constant 0 : i32
        %dma_wait3A_52 = tpu.memref_slice %arg3[%add3A_48, %dma_wait3A] : memref<53760x128xf32, #tpu.memory_space<hbm>> -> memref<336x128xf32, #tpu.memory_space<hbm>>
        %dma_wait3A_53 = arith.constant 0 : i32
        %dma_wait3A_54 = tpu.memref_slice %arg3[%add3A_48, %dma_wait3A_53] : memref<53760x128xf32, #tpu.memory_space<hbm>> -> memref<336x128xf32, #tpu.memory_space<hbm>>
        tpu.wait_dma2 semaphore(%run_scoped3A : memref<!tpu.dma_semaphore, #tpu.memory_space<semaphore_mem>>) src(%dma_wait3A_54 : memref<336x128xf32, #tpu.memory_space<hbm>>) dst(%arg9 : memref<336x128xf32, #tpu.memory_space<vmem>>)
        tpu.yield
      }) : () -> ()
      "tpu.region"() ({
        %run_scoped3A = tpu.sem_alloc : memref<!tpu.dma_semaphore, #tpu.memory_space<semaphore_mem>>
        %dma_start3A = arith.constant 0 : i32
        %dma_start3A_49 = arith.constant 0 : i32
        %dma_start3A_50 = tpu.memref_slice %arg10[%dma_start3A, %dma_start3A_49] : memref<10080x128xf32, #tpu.memory_space<vmem_shared>> -> memref<10080x128xf32, #tpu.memory_space<vmem_shared>>
        tpu.enqueue_indirect_dma source(%arg9 : memref<336x128xf32, #tpu.memory_space<vmem>>) target(%dma_start3A_50 : memref<10080x128xf32, #tpu.memory_space<vmem_shared>>) offsets(%arg8 : memref<336xi32, #tpu.memory_space<vmem>>) semaphore(%run_scoped3A : memref<!tpu.dma_semaphore, #tpu.memory_space<semaphore_mem>>) {add = true}
        %dma_wait3A = arith.constant 0 : i32
        %dma_wait3A_51 = arith.constant 0 : i32
        %dma_wait3A_52 = tpu.memref_slice %arg10[%dma_wait3A, %dma_wait3A_51] : memref<10080x128xf32, #tpu.memory_space<vmem_shared>> -> memref<10080x128xf32, #tpu.memory_space<vmem_shared>>
        tpu.wait_indirect_dma semaphore(%run_scoped3A : memref<!tpu.dma_semaphore, #tpu.memory_space<semaphore_mem>>) src(%arg9 : memref<336x128xf32, #tpu.memory_space<vmem>>) dst(%dma_wait3A_52 : memref<10080x128xf32, #tpu.memory_space<vmem_shared>>)
        tpu.yield
      }) : () -> ()
    }
    %scan3A_9 = arith.constant 5 : i32
    %barrier3A_10 = arith.constant 0 : index
    tpu.barrier barrier_id(%barrier3A_10)
    %lt3A = arith.constant 15 : i32
    %lt3A_11 = arith.cmpi slt, %arg1, %lt3A : i32
    %convert_element_type3A_12 = arith.extui %lt3A_11 : i1 to i32
    %cond3A_13 = arith.constant 0 : i32
    %cond3A_14 = arith.cmpi ne, %convert_element_type3A_12, %cond3A_13 : i32
    scf.if %cond3A_14 {
      %mul3A_45 = arith.constant 632 : i32
      %mul3A_46 = arith.muli %arg1, %mul3A_45 : i32
      %multiple_of3A = tpu.assume_multiple %mul3A_46, 8 : i32
      "tpu.region"() ({
        %run_scoped3A = tpu.sem_alloc : memref<!tpu.dma_semaphore, #tpu.memory_space<semaphore_mem>>
        %dma_start3A = arith.constant 0 : i32
        %dma_start3A_47 = tpu.memref_slice %arg6[%arg0, %multiple_of3A, %dma_start3A] : memref<2x10080x128xf32, #tpu.memory_space<hbm>> -> memref<1x632x128xf32, #tpu.memory_space<hbm>>
        %dma_start3A_48 = tpu.memref_squeeze %dma_start3A_47 : memref<1x632x128xf32, #tpu.memory_space<hbm>> -> memref<632x128xf32, #tpu.memory_space<hbm>>
        %dma_start3A_49 = arith.constant 0 : i32
        %dma_start3A_50 = tpu.memref_slice %arg10[%multiple_of3A, %dma_start3A_49] : memref<10080x128xf32, #tpu.memory_space<vmem_shared>> -> memref<632x128xf32, #tpu.memory_space<vmem_shared>>
        tpu.enqueue_dma source(%dma_start3A_50 : memref<632x128xf32, #tpu.memory_space<vmem_shared>>) target(%dma_start3A_48 : memref<632x128xf32, #tpu.memory_space<hbm>>) target_semaphore(%run_scoped3A : memref<!tpu.dma_semaphore, #tpu.memory_space<semaphore_mem>>)
        %dma_wait3A = arith.constant 0 : i32
        %dma_wait3A_51 = tpu.memref_slice %arg6[%arg0, %multiple_of3A, %dma_wait3A] : memref<2x10080x128xf32, #tpu.memory_space<hbm>> -> memref<1x632x128xf32, #tpu.memory_space<hbm>>
        %dma_wait3A_52 = tpu.memref_squeeze %dma_wait3A_51 : memref<1x632x128xf32, #tpu.memory_space<hbm>> -> memref<632x128xf32, #tpu.memory_space<hbm>>
        %dma_wait3A_53 = arith.constant 0 : i32
        %dma_wait3A_54 = tpu.memref_slice %arg10[%multiple_of3A, %dma_wait3A_53] : memref<10080x128xf32, #tpu.memory_space<vmem_shared>> -> memref<632x128xf32, #tpu.memory_space<vmem_shared>>
        tpu.wait_dma2 semaphore(%run_scoped3A : memref<!tpu.dma_semaphore, #tpu.memory_space<semaphore_mem>>) src(%dma_wait3A_54 : memref<632x128xf32, #tpu.memory_space<vmem_shared>>) dst(%dma_wait3A_52 : memref<632x128xf32, #tpu.memory_space<hbm>>)
        tpu.yield
      }) : () -> ()
    } else {
    }
    %eq3A_15 = arith.constant 15 : i32
    %eq3A_16 = arith.cmpi eq, %arg1, %eq3A_15 : i32
    %convert_element_type3A_17 = arith.extui %eq3A_16 : i1 to i32
    %cond3A_18 = arith.constant 0 : i32
    %cond3A_19 = arith.cmpi ne, %convert_element_type3A_17, %cond3A_18 : i32
    scf.if %cond3A_19 {
      %multiple_of3A = arith.constant 9480 : i32
      %multiple_of3A_45 = tpu.assume_multiple %multiple_of3A, 8 : i32
      "tpu.region"() ({
        %run_scoped3A = tpu.sem_alloc : memref<!tpu.dma_semaphore, #tpu.memory_space<semaphore_mem>>
        %dma_start3A = arith.constant 0 : i32
        %dma_start3A_46 = tpu.memref_slice %arg6[%arg0, %multiple_of3A_45, %dma_start3A] : memref<2x10080x128xf32, #tpu.memory_space<hbm>> -> memref<1x600x128xf32, #tpu.memory_space<hbm>>
        %dma_start3A_47 = tpu.memref_squeeze %dma_start3A_46 : memref<1x600x128xf32, #tpu.memory_space<hbm>> -> memref<600x128xf32, #tpu.memory_space<hbm>>
        %dma_start3A_48 = arith.constant 0 : i32
        %dma_start3A_49 = tpu.memref_slice %arg10[%multiple_of3A_45, %dma_start3A_48] : memref<10080x128xf32, #tpu.memory_space<vmem_shared>> -> memref<600x128xf32, #tpu.memory_space<vmem_shared>>
        tpu.enqueue_dma source(%dma_start3A_49 : memref<600x128xf32, #tpu.memory_space<vmem_shared>>) target(%dma_start3A_47 : memref<600x128xf32, #tpu.memory_space<hbm>>) target_semaphore(%run_scoped3A : memref<!tpu.dma_semaphore, #tpu.memory_space<semaphore_mem>>)
        %dma_wait3A = arith.constant 0 : i32
        %dma_wait3A_50 = tpu.memref_slice %arg6[%arg0, %multiple_of3A_45, %dma_wait3A] : memref<2x10080x128xf32, #tpu.memory_space<hbm>> -> memref<1x600x128xf32, #tpu.memory_space<hbm>>
        %dma_wait3A_51 = tpu.memref_squeeze %dma_wait3A_50 : memref<1x600x128xf32, #tpu.memory_space<hbm>> -> memref<600x128xf32, #tpu.memory_space<hbm>>
        %dma_wait3A_52 = arith.constant 0 : i32
        %dma_wait3A_53 = tpu.memref_slice %arg10[%multiple_of3A_45, %dma_wait3A_52] : memref<10080x128xf32, #tpu.memory_space<vmem_shared>> -> memref<600x128xf32, #tpu.memory_space<vmem_shared>>
        tpu.wait_dma2 semaphore(%run_scoped3A : memref<!tpu.dma_semaphore, #tpu.memory_space<semaphore_mem>>) src(%dma_wait3A_53 : memref<600x128xf32, #tpu.memory_space<vmem_shared>>) dst(%dma_wait3A_51 : memref<600x128xf32, #tpu.memory_space<hbm>>)
        tpu.yield
      }) : () -> ()
    } else {
    }
    %barrier3A_20 = arith.constant 0 : index
    tpu.barrier barrier_id(%barrier3A_20)
    %eq3A_21 = arith.constant 0 : i32
    %eq3A_22 = arith.cmpi eq, %arg1, %eq3A_21 : i32
    %convert_element_type3A_23 = arith.extui %eq3A_22 : i1 to i32
    %cond3A_24 = arith.constant 0 : i32
    %cond3A_25 = arith.cmpi ne, %convert_element_type3A_23, %cond3A_24 : i32
    scf.if %cond3A_25 {
      "tpu.region"() ({
        %run_scoped3A = tpu.sem_alloc : memref<!tpu.dma_semaphore, #tpu.memory_space<semaphore_mem>>
        tpu.enqueue_dma source(%arg5 : memref<10080x128xf32, #tpu.memory_space<hbm>>) target(%arg10 : memref<10080x128xf32, #tpu.memory_space<vmem_shared>>) target_semaphore(%run_scoped3A : memref<!tpu.dma_semaphore, #tpu.memory_space<semaphore_mem>>)
        tpu.wait_dma2 semaphore(%run_scoped3A : memref<!tpu.dma_semaphore, #tpu.memory_space<semaphore_mem>>) src(%arg5 : memref<10080x128xf32, #tpu.memory_space<hbm>>) dst(%arg10 : memref<10080x128xf32, #tpu.memory_space<vmem_shared>>)
        tpu.yield
      }) : () -> ()
    } else {
    }
    %barrier3A_26 = arith.constant 0 : index
    tpu.barrier barrier_id(%barrier3A_26)
    %scan3A_27 = arith.constant 0 : i32
    %scan3A_28 = arith.constant 0 : i32
    %scan3A_29 = arith.constant 5 : i32
    %scan3A_30 = arith.addi %scan3A_28, %scan3A_29 : i32
    %scan3A_31 = arith.constant 1 : i32
    scf.for %scan3A_45 = %scan3A_28 to %scan3A_30 step %scan3A_31  : i32 {
      %mul3A_46 = arith.constant 336 : i32
      %mul3A_47 = arith.muli %scan3A_45, %mul3A_46 : i32
      %add3A_48 = arith.addi %mul3A_2, %mul3A_47 : i32
      "tpu.region"() ({
        %run_scoped3A = tpu.sem_alloc : memref<!tpu.dma_semaphore, #tpu.memory_space<semaphore_mem>>
        %dma_start3A = tpu.memref_slice %arg2[%add3A_48] : memref<53760xi32, #tpu.memory_space<hbm>> -> memref<336xi32, #tpu.memory_space<hbm>>
        %dma_start3A_49 = tpu.memref_slice %arg2[%add3A_48] : memref<53760xi32, #tpu.memory_space<hbm>> -> memref<336xi32, #tpu.memory_space<hbm>>
        tpu.enqueue_dma source(%dma_start3A_49 : memref<336xi32, #tpu.memory_space<hbm>>) target(%arg8 : memref<336xi32, #tpu.memory_space<vmem>>) target_semaphore(%run_scoped3A : memref<!tpu.dma_semaphore, #tpu.memory_space<semaphore_mem>>)
        %dma_wait3A = tpu.memref_slice %arg2[%add3A_48] : memref<53760xi32, #tpu.memory_space<hbm>> -> memref<336xi32, #tpu.memory_space<hbm>>
        %dma_wait3A_50 = tpu.memref_slice %arg2[%add3A_48] : memref<53760xi32, #tpu.memory_space<hbm>> -> memref<336xi32, #tpu.memory_space<hbm>>
        tpu.wait_dma2 semaphore(%run_scoped3A : memref<!tpu.dma_semaphore, #tpu.memory_space<semaphore_mem>>) src(%dma_wait3A_50 : memref<336xi32, #tpu.memory_space<hbm>>) dst(%arg8 : memref<336xi32, #tpu.memory_space<vmem>>)
        tpu.yield
      }) : () -> ()
      "tpu.region"() ({
        %run_scoped3A = tpu.sem_alloc : memref<!tpu.dma_semaphore, #tpu.memory_space<semaphore_mem>>
        %dma_start3A = arith.constant 0 : i32
        %dma_start3A_49 = tpu.memref_slice %arg4[%add3A_48, %dma_start3A] : memref<53760x128xf32, #tpu.memory_space<hbm>> -> memref<336x128xf32, #tpu.memory_space<hbm>>
        %dma_start3A_50 = arith.constant 0 : i32
        %dma_start3A_51 = tpu.memref_slice %arg4[%add3A_48, %dma_start3A_50] : memref<53760x128xf32, #tpu.memory_space<hbm>> -> memref<336x128xf32, #tpu.memory_space<hbm>>
        tpu.enqueue_dma source(%dma_start3A_51 : memref<336x128xf32, #tpu.memory_space<hbm>>) target(%arg9 : memref<336x128xf32, #tpu.memory_space<vmem>>) target_semaphore(%run_scoped3A : memref<!tpu.dma_semaphore, #tpu.memory_space<semaphore_mem>>)
        %dma_wait3A = arith.constant 0 : i32
        %dma_wait3A_52 = tpu.memref_slice %arg4[%add3A_48, %dma_wait3A] : memref<53760x128xf32, #tpu.memory_space<hbm>> -> memref<336x128xf32, #tpu.memory_space<hbm>>
        %dma_wait3A_53 = arith.constant 0 : i32
        %dma_wait3A_54 = tpu.memref_slice %arg4[%add3A_48, %dma_wait3A_53] : memref<53760x128xf32, #tpu.memory_space<hbm>> -> memref<336x128xf32, #tpu.memory_space<hbm>>
        tpu.wait_dma2 semaphore(%run_scoped3A : memref<!tpu.dma_semaphore, #tpu.memory_space<semaphore_mem>>) src(%dma_wait3A_54 : memref<336x128xf32, #tpu.memory_space<hbm>>) dst(%arg9 : memref<336x128xf32, #tpu.memory_space<vmem>>)
        tpu.yield
      }) : () -> ()
      "tpu.region"() ({
        %run_scoped3A = tpu.sem_alloc : memref<!tpu.dma_semaphore, #tpu.memory_space<semaphore_mem>>
        %dma_start3A = arith.constant 0 : i32
        %dma_start3A_49 = arith.constant 0 : i32
        %dma_start3A_50 = tpu.memref_slice %arg10[%dma_start3A, %dma_start3A_49] : memref<10080x128xf32, #tpu.memory_space<vmem_shared>> -> memref<10080x128xf32, #tpu.memory_space<vmem_shared>>
        tpu.enqueue_indirect_dma source(%arg9 : memref<336x128xf32, #tpu.memory_space<vmem>>) target(%dma_start3A_50 : memref<10080x128xf32, #tpu.memory_space<vmem_shared>>) offsets(%arg8 : memref<336xi32, #tpu.memory_space<vmem>>) semaphore(%run_scoped3A : memref<!tpu.dma_semaphore, #tpu.memory_space<semaphore_mem>>) {add = true}
        %dma_wait3A = arith.constant 0 : i32
        %dma_wait3A_51 = arith.constant 0 : i32
        %dma_wait3A_52 = tpu.memref_slice %arg10[%dma_wait3A, %dma_wait3A_51] : memref<10080x128xf32, #tpu.memory_space<vmem_shared>> -> memref<10080x128xf32, #tpu.memory_space<vmem_shared>>
        tpu.wait_indirect_dma semaphore(%run_scoped3A : memref<!tpu.dma_semaphore, #tpu.memory_space<semaphore_mem>>) src(%arg9 : memref<336x128xf32, #tpu.memory_space<vmem>>) dst(%dma_wait3A_52 : memref<10080x128xf32, #tpu.memory_space<vmem_shared>>)
        tpu.yield
      }) : () -> ()
    }
    %scan3A_32 = arith.constant 5 : i32
    %barrier3A_33 = arith.constant 0 : index
    tpu.barrier barrier_id(%barrier3A_33)
    %lt3A_34 = arith.constant 15 : i32
    %lt3A_35 = arith.cmpi slt, %arg1, %lt3A_34 : i32
    %convert_element_type3A_36 = arith.extui %lt3A_35 : i1 to i32
    %cond3A_37 = arith.constant 0 : i32
    %cond3A_38 = arith.cmpi ne, %convert_element_type3A_36, %cond3A_37 : i32
    scf.if %cond3A_38 {
      %mul3A_45 = arith.constant 632 : i32
      %mul3A_46 = arith.muli %arg1, %mul3A_45 : i32
      %multiple_of3A = tpu.assume_multiple %mul3A_46, 8 : i32
      "tpu.region"() ({
        %run_scoped3A = tpu.sem_alloc : memref<!tpu.dma_semaphore, #tpu.memory_space<semaphore_mem>>
        %dma_start3A = arith.constant 0 : i32
        %dma_start3A_47 = tpu.memref_slice %arg7[%arg0, %multiple_of3A, %dma_start3A] : memref<2x10080x128xf32, #tpu.memory_space<hbm>> -> memref<1x632x128xf32, #tpu.memory_space<hbm>>
        %dma_start3A_48 = tpu.memref_squeeze %dma_start3A_47 : memref<1x632x128xf32, #tpu.memory_space<hbm>> -> memref<632x128xf32, #tpu.memory_space<hbm>>
        %dma_start3A_49 = arith.constant 0 : i32
        %dma_start3A_50 = tpu.memref_slice %arg10[%multiple_of3A, %dma_start3A_49] : memref<10080x128xf32, #tpu.memory_space<vmem_shared>> -> memref<632x128xf32, #tpu.memory_space<vmem_shared>>
        tpu.enqueue_dma source(%dma_start3A_50 : memref<632x128xf32, #tpu.memory_space<vmem_shared>>) target(%dma_start3A_48 : memref<632x128xf32, #tpu.memory_space<hbm>>) target_semaphore(%run_scoped3A : memref<!tpu.dma_semaphore, #tpu.memory_space<semaphore_mem>>)
        %dma_wait3A = arith.constant 0 : i32
        %dma_wait3A_51 = tpu.memref_slice %arg7[%arg0, %multiple_of3A, %dma_wait3A] : memref<2x10080x128xf32, #tpu.memory_space<hbm>> -> memref<1x632x128xf32, #tpu.memory_space<hbm>>
        %dma_wait3A_52 = tpu.memref_squeeze %dma_wait3A_51 : memref<1x632x128xf32, #tpu.memory_space<hbm>> -> memref<632x128xf32, #tpu.memory_space<hbm>>
        %dma_wait3A_53 = arith.constant 0 : i32
        %dma_wait3A_54 = tpu.memref_slice %arg10[%multiple_of3A, %dma_wait3A_53] : memref<10080x128xf32, #tpu.memory_space<vmem_shared>> -> memref<632x128xf32, #tpu.memory_space<vmem_shared>>
        tpu.wait_dma2 semaphore(%run_scoped3A : memref<!tpu.dma_semaphore, #tpu.memory_space<semaphore_mem>>) src(%dma_wait3A_54 : memref<632x128xf32, #tpu.memory_space<vmem_shared>>) dst(%dma_wait3A_52 : memref<632x128xf32, #tpu.memory_space<hbm>>)
        tpu.yield
      }) : () -> ()
    } else {
    }
    %eq3A_39 = arith.constant 15 : i32
    %eq3A_40 = arith.cmpi eq, %arg1, %eq3A_39 : i32
    %convert_element_type3A_41 = arith.extui %eq3A_40 : i1 to i32
    %cond3A_42 = arith.constant 0 : i32
    %cond3A_43 = arith.cmpi ne, %convert_element_type3A_41, %cond3A_42 : i32
    scf.if %cond3A_43 {
      %multiple_of3A = arith.constant 9480 : i32
      %multiple_of3A_45 = tpu.assume_multiple %multiple_of3A, 8 : i32
      "tpu.region"() ({
        %run_scoped3A = tpu.sem_alloc : memref<!tpu.dma_semaphore, #tpu.memory_space<semaphore_mem>>
        %dma_start3A = arith.constant 0 : i32
        %dma_start3A_46 = tpu.memref_slice %arg7[%arg0, %multiple_of3A_45, %dma_start3A] : memref<2x10080x128xf32, #tpu.memory_space<hbm>> -> memref<1x600x128xf32, #tpu.memory_space<hbm>>
        %dma_start3A_47 = tpu.memref_squeeze %dma_start3A_46 : memref<1x600x128xf32, #tpu.memory_space<hbm>> -> memref<600x128xf32, #tpu.memory_space<hbm>>
        %dma_start3A_48 = arith.constant 0 : i32
        %dma_start3A_49 = tpu.memref_slice %arg10[%multiple_of3A_45, %dma_start3A_48] : memref<10080x128xf32, #tpu.memory_space<vmem_shared>> -> memref<600x128xf32, #tpu.memory_space<vmem_shared>>
        tpu.enqueue_dma source(%dma_start3A_49 : memref<600x128xf32, #tpu.memory_space<vmem_shared>>) target(%dma_start3A_47 : memref<600x128xf32, #tpu.memory_space<hbm>>) target_semaphore(%run_scoped3A : memref<!tpu.dma_semaphore, #tpu.memory_space<semaphore_mem>>)
        %dma_wait3A = arith.constant 0 : i32
        %dma_wait3A_50 = tpu.memref_slice %arg7[%arg0, %multiple_of3A_45, %dma_wait3A] : memref<2x10080x128xf32, #tpu.memory_space<hbm>> -> memref<1x600x128xf32, #tpu.memory_space<hbm>>
        %dma_wait3A_51 = tpu.memref_squeeze %dma_wait3A_50 : memref<1x600x128xf32, #tpu.memory_space<hbm>> -> memref<600x128xf32, #tpu.memory_space<hbm>>
        %dma_wait3A_52 = arith.constant 0 : i32
        %dma_wait3A_53 = tpu.memref_slice %arg10[%multiple_of3A_45, %dma_wait3A_52] : memref<10080x128xf32, #tpu.memory_space<vmem_shared>> -> memref<600x128xf32, #tpu.memory_space<vmem_shared>>
        tpu.wait_dma2 semaphore(%run_scoped3A : memref<!tpu.dma_semaphore, #tpu.memory_space<semaphore_mem>>) src(%dma_wait3A_53 : memref<600x128xf32, #tpu.memory_space<vmem_shared>>) dst(%dma_wait3A_51 : memref<600x128xf32, #tpu.memory_space<hbm>>)
        tpu.yield
      }) : () -> ()
    } else {
    }
    %barrier3A_44 = arith.constant 0 : index
    tpu.barrier barrier_id(%barrier3A_44)
    return
  }
}

#map = affine_map<(d0, d1) -> (0)>
#map1 = affine_map<(d0, d1) -> (0, 0)>
module attributes {stable_mosaic.version = 14 : i64} {
  func.func @g1(%arg0: i32, %arg1: i32, %arg2: memref<53760xi32, #tpu.memory_space<hbm>>, %arg3: memref<53760xi32, #tpu.memory_space<hbm>>, %arg4: memref<10080x256xf32, #tpu.memory_space<hbm>>, %arg5: memref<10080x384xf32, #tpu.memory_space<hbm>>, %arg6: memref<53760x256xf32, #tpu.memory_space<hbm>>, %arg7: memref<53760x384xf32, #tpu.memory_space<hbm>>, %arg8: memref<120xi32, #tpu.memory_space<vmem>>, %arg9: memref<120xi32, #tpu.memory_space<vmem>>, %arg10: memref<120x256xf32, #tpu.memory_space<vmem>>, %arg11: memref<120x384xf32, #tpu.memory_space<vmem>>, %arg12: memref<!tpu.dma_semaphore, #tpu.memory_space<semaphore_mem>>) attributes {dimension_semantics = [#tpu.dimension_semantics<core_parallel>, #tpu.dimension_semantics<subcore_parallel>], iteration_bounds = array<i64: 2, 16>, scalar_prefetch = 0 : i64, scratch_operands = 5 : i64, tpu.core_type = #tpu.core_type<sc_vector_subcore>, window_params = [{transform_indices = #map}, {transform_indices = #map}, {transform_indices = #map1}, {transform_indices = #map1}, {transform_indices = #map1}, {transform_indices = #map1}]} {
    %mul3A = arith.constant 2 : i32
    %mul3A_0 = arith.muli %arg1, %mul3A : i32
    %add3A = arith.addi %mul3A_0, %arg0 : i32
    %mul3A_1 = arith.constant 1680 : i32
    %mul3A_2 = arith.muli %add3A, %mul3A_1 : i32
    %scan3A = arith.constant 0 : i32
    %scan3A_3 = arith.constant 0 : i32
    %scan3A_4 = arith.constant 14 : i32
    %scan3A_5 = arith.addi %scan3A_3, %scan3A_4 : i32
    %scan3A_6 = arith.constant 1 : i32
    scf.for %scan3A_8 = %scan3A_3 to %scan3A_5 step %scan3A_6  : i32 {
      %mul3A_9 = arith.constant 120 : i32
      %mul3A_10 = arith.muli %scan3A_8, %mul3A_9 : i32
      %add3A_11 = arith.addi %mul3A_2, %mul3A_10 : i32
      "tpu.region"() ({
        %run_scoped3A = tpu.sem_alloc : memref<!tpu.dma_semaphore, #tpu.memory_space<semaphore_mem>>
        %dma_start3A_22 = tpu.memref_slice %arg2[%add3A_11] : memref<53760xi32, #tpu.memory_space<hbm>> -> memref<120xi32, #tpu.memory_space<hbm>>
        %dma_start3A_23 = tpu.memref_slice %arg2[%add3A_11] : memref<53760xi32, #tpu.memory_space<hbm>> -> memref<120xi32, #tpu.memory_space<hbm>>
        tpu.enqueue_dma source(%dma_start3A_23 : memref<120xi32, #tpu.memory_space<hbm>>) target(%arg8 : memref<120xi32, #tpu.memory_space<vmem>>) target_semaphore(%run_scoped3A : memref<!tpu.dma_semaphore, #tpu.memory_space<semaphore_mem>>)
        %dma_wait3A_24 = tpu.memref_slice %arg2[%add3A_11] : memref<53760xi32, #tpu.memory_space<hbm>> -> memref<120xi32, #tpu.memory_space<hbm>>
        %dma_wait3A_25 = tpu.memref_slice %arg2[%add3A_11] : memref<53760xi32, #tpu.memory_space<hbm>> -> memref<120xi32, #tpu.memory_space<hbm>>
        tpu.wait_dma2 semaphore(%run_scoped3A : memref<!tpu.dma_semaphore, #tpu.memory_space<semaphore_mem>>) src(%dma_wait3A_25 : memref<120xi32, #tpu.memory_space<hbm>>) dst(%arg8 : memref<120xi32, #tpu.memory_space<vmem>>)
        tpu.yield
      }) : () -> ()
      "tpu.region"() ({
        %run_scoped3A = tpu.sem_alloc : memref<!tpu.dma_semaphore, #tpu.memory_space<semaphore_mem>>
        %dma_start3A_22 = tpu.memref_slice %arg3[%add3A_11] : memref<53760xi32, #tpu.memory_space<hbm>> -> memref<120xi32, #tpu.memory_space<hbm>>
        %dma_start3A_23 = tpu.memref_slice %arg3[%add3A_11] : memref<53760xi32, #tpu.memory_space<hbm>> -> memref<120xi32, #tpu.memory_space<hbm>>
        tpu.enqueue_dma source(%dma_start3A_23 : memref<120xi32, #tpu.memory_space<hbm>>) target(%arg9 : memref<120xi32, #tpu.memory_space<vmem>>) target_semaphore(%run_scoped3A : memref<!tpu.dma_semaphore, #tpu.memory_space<semaphore_mem>>)
        %dma_wait3A_24 = tpu.memref_slice %arg3[%add3A_11] : memref<53760xi32, #tpu.memory_space<hbm>> -> memref<120xi32, #tpu.memory_space<hbm>>
        %dma_wait3A_25 = tpu.memref_slice %arg3[%add3A_11] : memref<53760xi32, #tpu.memory_space<hbm>> -> memref<120xi32, #tpu.memory_space<hbm>>
        tpu.wait_dma2 semaphore(%run_scoped3A : memref<!tpu.dma_semaphore, #tpu.memory_space<semaphore_mem>>) src(%dma_wait3A_25 : memref<120xi32, #tpu.memory_space<hbm>>) dst(%arg9 : memref<120xi32, #tpu.memory_space<vmem>>)
        tpu.yield
      }) : () -> ()
      %dma_start3A = arith.constant 0 : i32
      %dma_start3A_12 = arith.constant 0 : i32
      %dma_start3A_13 = tpu.memref_slice %arg4[%dma_start3A, %dma_start3A_12] : memref<10080x256xf32, #tpu.memory_space<hbm>> -> memref<10080x256xf32, #tpu.memory_space<hbm>>
      tpu.enqueue_indirect_dma source(%dma_start3A_13 : memref<10080x256xf32, #tpu.memory_space<hbm>>) target(%arg10 : memref<120x256xf32, #tpu.memory_space<vmem>>) offsets(%arg9 : memref<120xi32, #tpu.memory_space<vmem>>) semaphore(%arg12 : memref<!tpu.dma_semaphore, #tpu.memory_space<semaphore_mem>>)
      %dma_start3A_14 = arith.constant 0 : i32
      %dma_start3A_15 = arith.constant 0 : i32
      %dma_start3A_16 = tpu.memref_slice %arg5[%dma_start3A_14, %dma_start3A_15] : memref<10080x384xf32, #tpu.memory_space<hbm>> -> memref<10080x384xf32, #tpu.memory_space<hbm>>
      tpu.enqueue_indirect_dma source(%dma_start3A_16 : memref<10080x384xf32, #tpu.memory_space<hbm>>) target(%arg11 : memref<120x384xf32, #tpu.memory_space<vmem>>) offsets(%arg8 : memref<120xi32, #tpu.memory_space<vmem>>) semaphore(%arg12 : memref<!tpu.dma_semaphore, #tpu.memory_space<semaphore_mem>>)
      %dma_wait3A = arith.constant 0 : i32
      %dma_wait3A_17 = arith.constant 0 : i32
      %dma_wait3A_18 = tpu.memref_slice %arg4[%dma_wait3A, %dma_wait3A_17] : memref<10080x256xf32, #tpu.memory_space<hbm>> -> memref<10080x256xf32, #tpu.memory_space<hbm>>
      tpu.wait_indirect_dma semaphore(%arg12 : memref<!tpu.dma_semaphore, #tpu.memory_space<semaphore_mem>>) src(%dma_wait3A_18 : memref<10080x256xf32, #tpu.memory_space<hbm>>) dst(%arg10 : memref<120x256xf32, #tpu.memory_space<vmem>>)
      %dma_wait3A_19 = arith.constant 0 : i32
      %dma_wait3A_20 = arith.constant 0 : i32
      %dma_wait3A_21 = tpu.memref_slice %arg5[%dma_wait3A_19, %dma_wait3A_20] : memref<10080x384xf32, #tpu.memory_space<hbm>> -> memref<10080x384xf32, #tpu.memory_space<hbm>>
      tpu.wait_indirect_dma semaphore(%arg12 : memref<!tpu.dma_semaphore, #tpu.memory_space<semaphore_mem>>) src(%dma_wait3A_21 : memref<10080x384xf32, #tpu.memory_space<hbm>>) dst(%arg11 : memref<120x384xf32, #tpu.memory_space<vmem>>)
      "tpu.region"() ({
        %run_scoped3A = tpu.sem_alloc : memref<!tpu.dma_semaphore, #tpu.memory_space<semaphore_mem>>
        %dma_start3A_22 = arith.constant 0 : i32
        %dma_start3A_23 = tpu.memref_slice %arg6[%add3A_11, %dma_start3A_22] : memref<53760x256xf32, #tpu.memory_space<hbm>> -> memref<120x256xf32, #tpu.memory_space<hbm>>
        %dma_start3A_24 = arith.constant 0 : i32
        %dma_start3A_25 = tpu.memref_slice %arg6[%add3A_11, %dma_start3A_24] : memref<53760x256xf32, #tpu.memory_space<hbm>> -> memref<120x256xf32, #tpu.memory_space<hbm>>
        tpu.enqueue_dma source(%arg10 : memref<120x256xf32, #tpu.memory_space<vmem>>) target(%dma_start3A_25 : memref<120x256xf32, #tpu.memory_space<hbm>>) target_semaphore(%run_scoped3A : memref<!tpu.dma_semaphore, #tpu.memory_space<semaphore_mem>>)
        %dma_wait3A_26 = arith.constant 0 : i32
        %dma_wait3A_27 = tpu.memref_slice %arg6[%add3A_11, %dma_wait3A_26] : memref<53760x256xf32, #tpu.memory_space<hbm>> -> memref<120x256xf32, #tpu.memory_space<hbm>>
        %dma_wait3A_28 = arith.constant 0 : i32
        %dma_wait3A_29 = tpu.memref_slice %arg6[%add3A_11, %dma_wait3A_28] : memref<53760x256xf32, #tpu.memory_space<hbm>> -> memref<120x256xf32, #tpu.memory_space<hbm>>
        tpu.wait_dma2 semaphore(%run_scoped3A : memref<!tpu.dma_semaphore, #tpu.memory_space<semaphore_mem>>) src(%arg10 : memref<120x256xf32, #tpu.memory_space<vmem>>) dst(%dma_wait3A_29 : memref<120x256xf32, #tpu.memory_space<hbm>>)
        tpu.yield
      }) : () -> ()
      "tpu.region"() ({
        %run_scoped3A = tpu.sem_alloc : memref<!tpu.dma_semaphore, #tpu.memory_space<semaphore_mem>>
        %dma_start3A_22 = arith.constant 0 : i32
        %dma_start3A_23 = tpu.memref_slice %arg7[%add3A_11, %dma_start3A_22] : memref<53760x384xf32, #tpu.memory_space<hbm>> -> memref<120x384xf32, #tpu.memory_space<hbm>>
        %dma_start3A_24 = arith.constant 0 : i32
        %dma_start3A_25 = tpu.memref_slice %arg7[%add3A_11, %dma_start3A_24] : memref<53760x384xf32, #tpu.memory_space<hbm>> -> memref<120x384xf32, #tpu.memory_space<hbm>>
        tpu.enqueue_dma source(%arg11 : memref<120x384xf32, #tpu.memory_space<vmem>>) target(%dma_start3A_25 : memref<120x384xf32, #tpu.memory_space<hbm>>) target_semaphore(%run_scoped3A : memref<!tpu.dma_semaphore, #tpu.memory_space<semaphore_mem>>)
        %dma_wait3A_26 = arith.constant 0 : i32
        %dma_wait3A_27 = tpu.memref_slice %arg7[%add3A_11, %dma_wait3A_26] : memref<53760x384xf32, #tpu.memory_space<hbm>> -> memref<120x384xf32, #tpu.memory_space<hbm>>
        %dma_wait3A_28 = arith.constant 0 : i32
        %dma_wait3A_29 = tpu.memref_slice %arg7[%add3A_11, %dma_wait3A_28] : memref<53760x384xf32, #tpu.memory_space<hbm>> -> memref<120x384xf32, #tpu.memory_space<hbm>>
        tpu.wait_dma2 semaphore(%run_scoped3A : memref<!tpu.dma_semaphore, #tpu.memory_space<semaphore_mem>>) src(%arg11 : memref<120x384xf32, #tpu.memory_space<vmem>>) dst(%dma_wait3A_29 : memref<120x384xf32, #tpu.memory_space<hbm>>)
        tpu.yield
      }) : () -> ()
    }
    %scan3A_7 = arith.constant 14 : i32
    return
  }
}

#map = affine_map<(d0, d1) -> (0)>
#map1 = affine_map<(d0, d1) -> (0, 0)>
#map2 = affine_map<(d0, d1) -> (0, 0, 0)>
module attributes {stable_mosaic.version = 14 : i64} {
  func.func @s1(%arg0: i32, %arg1: i32, %arg2: memref<53760xi32, #tpu.memory_space<hbm>>, %arg3: memref<53760x128xf32, #tpu.memory_space<hbm>>, %arg4: memref<53760x128xf32, #tpu.memory_space<hbm>>, %arg5: memref<10080x128xf32, #tpu.memory_space<hbm>>, %arg6: memref<2x10080x128xf32, #tpu.memory_space<hbm>>, %arg7: memref<2x10080x128xf32, #tpu.memory_space<hbm>>, %arg8: memref<336xi32, #tpu.memory_space<vmem>>, %arg9: memref<336x128xf32, #tpu.memory_space<vmem>>, %arg10: memref<10080x128xf32, #tpu.memory_space<vmem_shared>>) attributes {dimension_semantics = [#tpu.dimension_semantics<core_parallel>, #tpu.dimension_semantics<subcore_parallel>], iteration_bounds = array<i64: 2, 16>, scalar_prefetch = 0 : i64, scratch_operands = 3 : i64, tpu.core_type = #tpu.core_type<sc_vector_subcore>, window_params = [{transform_indices = #map}, {transform_indices = #map1}, {transform_indices = #map1}, {transform_indices = #map1}, {transform_indices = #map2}, {transform_indices = #map2}]} {
    %mul3A = arith.constant 2 : i32
    %mul3A_0 = arith.muli %arg1, %mul3A : i32
    %add3A = arith.addi %mul3A_0, %arg0 : i32
    %mul3A_1 = arith.constant 1680 : i32
    %mul3A_2 = arith.muli %add3A, %mul3A_1 : i32
    %eq3A = arith.constant 0 : i32
    %eq3A_3 = arith.cmpi eq, %arg1, %eq3A : i32
    %convert_element_type3A = arith.extui %eq3A_3 : i1 to i32
    %cond3A = arith.constant 0 : i32
    %cond3A_4 = arith.cmpi ne, %convert_element_type3A, %cond3A : i32
    scf.if %cond3A_4 {
      "tpu.region"() ({
        %run_scoped3A = tpu.sem_alloc : memref<!tpu.dma_semaphore, #tpu.memory_space<semaphore_mem>>
        tpu.enqueue_dma source(%arg5 : memref<10080x128xf32, #tpu.memory_space<hbm>>) target(%arg10 : memref<10080x128xf32, #tpu.memory_space<vmem_shared>>) target_semaphore(%run_scoped3A : memref<!tpu.dma_semaphore, #tpu.memory_space<semaphore_mem>>)
        tpu.wait_dma2 semaphore(%run_scoped3A : memref<!tpu.dma_semaphore, #tpu.memory_space<semaphore_mem>>) src(%arg5 : memref<10080x128xf32, #tpu.memory_space<hbm>>) dst(%arg10 : memref<10080x128xf32, #tpu.memory_space<vmem_shared>>)
        tpu.yield
      }) : () -> ()
    } else {
    }
    %barrier3A = arith.constant 0 : index
    tpu.barrier barrier_id(%barrier3A)
    %scan3A = arith.constant 0 : i32
    %scan3A_5 = arith.constant 0 : i32
    %scan3A_6 = arith.constant 5 : i32
    %scan3A_7 = arith.addi %scan3A_5, %scan3A_6 : i32
    %scan3A_8 = arith.constant 1 : i32
    scf.for %scan3A_45 = %scan3A_5 to %scan3A_7 step %scan3A_8  : i32 {
      %mul3A_46 = arith.constant 336 : i32
      %mul3A_47 = arith.muli %scan3A_45, %mul3A_46 : i32
      %add3A_48 = arith.addi %mul3A_2, %mul3A_47 : i32
      "tpu.region"() ({
        %run_scoped3A = tpu.sem_alloc : memref<!tpu.dma_semaphore, #tpu.memory_space<semaphore_mem>>
        %dma_start3A = tpu.memref_slice %arg2[%add3A_48] : memref<53760xi32, #tpu.memory_space<hbm>> -> memref<336xi32, #tpu.memory_space<hbm>>
        %dma_start3A_49 = tpu.memref_slice %arg2[%add3A_48] : memref<53760xi32, #tpu.memory_space<hbm>> -> memref<336xi32, #tpu.memory_space<hbm>>
        tpu.enqueue_dma source(%dma_start3A_49 : memref<336xi32, #tpu.memory_space<hbm>>) target(%arg8 : memref<336xi32, #tpu.memory_space<vmem>>) target_semaphore(%run_scoped3A : memref<!tpu.dma_semaphore, #tpu.memory_space<semaphore_mem>>)
        %dma_wait3A = tpu.memref_slice %arg2[%add3A_48] : memref<53760xi32, #tpu.memory_space<hbm>> -> memref<336xi32, #tpu.memory_space<hbm>>
        %dma_wait3A_50 = tpu.memref_slice %arg2[%add3A_48] : memref<53760xi32, #tpu.memory_space<hbm>> -> memref<336xi32, #tpu.memory_space<hbm>>
        tpu.wait_dma2 semaphore(%run_scoped3A : memref<!tpu.dma_semaphore, #tpu.memory_space<semaphore_mem>>) src(%dma_wait3A_50 : memref<336xi32, #tpu.memory_space<hbm>>) dst(%arg8 : memref<336xi32, #tpu.memory_space<vmem>>)
        tpu.yield
      }) : () -> ()
      "tpu.region"() ({
        %run_scoped3A = tpu.sem_alloc : memref<!tpu.dma_semaphore, #tpu.memory_space<semaphore_mem>>
        %dma_start3A = arith.constant 0 : i32
        %dma_start3A_49 = tpu.memref_slice %arg3[%add3A_48, %dma_start3A] : memref<53760x128xf32, #tpu.memory_space<hbm>> -> memref<336x128xf32, #tpu.memory_space<hbm>>
        %dma_start3A_50 = arith.constant 0 : i32
        %dma_start3A_51 = tpu.memref_slice %arg3[%add3A_48, %dma_start3A_50] : memref<53760x128xf32, #tpu.memory_space<hbm>> -> memref<336x128xf32, #tpu.memory_space<hbm>>
        tpu.enqueue_dma source(%dma_start3A_51 : memref<336x128xf32, #tpu.memory_space<hbm>>) target(%arg9 : memref<336x128xf32, #tpu.memory_space<vmem>>) target_semaphore(%run_scoped3A : memref<!tpu.dma_semaphore, #tpu.memory_space<semaphore_mem>>)
        %dma_wait3A = arith.constant 0 : i32
        %dma_wait3A_52 = tpu.memref_slice %arg3[%add3A_48, %dma_wait3A] : memref<53760x128xf32, #tpu.memory_space<hbm>> -> memref<336x128xf32, #tpu.memory_space<hbm>>
        %dma_wait3A_53 = arith.constant 0 : i32
        %dma_wait3A_54 = tpu.memref_slice %arg3[%add3A_48, %dma_wait3A_53] : memref<53760x128xf32, #tpu.memory_space<hbm>> -> memref<336x128xf32, #tpu.memory_space<hbm>>
        tpu.wait_dma2 semaphore(%run_scoped3A : memref<!tpu.dma_semaphore, #tpu.memory_space<semaphore_mem>>) src(%dma_wait3A_54 : memref<336x128xf32, #tpu.memory_space<hbm>>) dst(%arg9 : memref<336x128xf32, #tpu.memory_space<vmem>>)
        tpu.yield
      }) : () -> ()
      "tpu.region"() ({
        %run_scoped3A = tpu.sem_alloc : memref<!tpu.dma_semaphore, #tpu.memory_space<semaphore_mem>>
        %dma_start3A = arith.constant 0 : i32
        %dma_start3A_49 = arith.constant 0 : i32
        %dma_start3A_50 = tpu.memref_slice %arg10[%dma_start3A, %dma_start3A_49] : memref<10080x128xf32, #tpu.memory_space<vmem_shared>> -> memref<10080x128xf32, #tpu.memory_space<vmem_shared>>
        tpu.enqueue_indirect_dma source(%arg9 : memref<336x128xf32, #tpu.memory_space<vmem>>) target(%dma_start3A_50 : memref<10080x128xf32, #tpu.memory_space<vmem_shared>>) offsets(%arg8 : memref<336xi32, #tpu.memory_space<vmem>>) semaphore(%run_scoped3A : memref<!tpu.dma_semaphore, #tpu.memory_space<semaphore_mem>>) {add = true}
        %dma_wait3A = arith.constant 0 : i32
        %dma_wait3A_51 = arith.constant 0 : i32
        %dma_wait3A_52 = tpu.memref_slice %arg10[%dma_wait3A, %dma_wait3A_51] : memref<10080x128xf32, #tpu.memory_space<vmem_shared>> -> memref<10080x128xf32, #tpu.memory_space<vmem_shared>>
        tpu.wait_indirect_dma semaphore(%run_scoped3A : memref<!tpu.dma_semaphore, #tpu.memory_space<semaphore_mem>>) src(%arg9 : memref<336x128xf32, #tpu.memory_space<vmem>>) dst(%dma_wait3A_52 : memref<10080x128xf32, #tpu.memory_space<vmem_shared>>)
        tpu.yield
      }) : () -> ()
    }
    %scan3A_9 = arith.constant 5 : i32
    %barrier3A_10 = arith.constant 0 : index
    tpu.barrier barrier_id(%barrier3A_10)
    %lt3A = arith.constant 15 : i32
    %lt3A_11 = arith.cmpi slt, %arg1, %lt3A : i32
    %convert_element_type3A_12 = arith.extui %lt3A_11 : i1 to i32
    %cond3A_13 = arith.constant 0 : i32
    %cond3A_14 = arith.cmpi ne, %convert_element_type3A_12, %cond3A_13 : i32
    scf.if %cond3A_14 {
      %mul3A_45 = arith.constant 632 : i32
      %mul3A_46 = arith.muli %arg1, %mul3A_45 : i32
      %multiple_of3A = tpu.assume_multiple %mul3A_46, 8 : i32
      "tpu.region"() ({
        %run_scoped3A = tpu.sem_alloc : memref<!tpu.dma_semaphore, #tpu.memory_space<semaphore_mem>>
        %dma_start3A = arith.constant 0 : i32
        %dma_start3A_47 = tpu.memref_slice %arg6[%arg0, %multiple_of3A, %dma_start3A] : memref<2x10080x128xf32, #tpu.memory_space<hbm>> -> memref<1x632x128xf32, #tpu.memory_space<hbm>>
        %dma_start3A_48 = tpu.memref_squeeze %dma_start3A_47 : memref<1x632x128xf32, #tpu.memory_space<hbm>> -> memref<632x128xf32, #tpu.memory_space<hbm>>
        %dma_start3A_49 = arith.constant 0 : i32
        %dma_start3A_50 = tpu.memref_slice %arg10[%multiple_of3A, %dma_start3A_49] : memref<10080x128xf32, #tpu.memory_space<vmem_shared>> -> memref<632x128xf32, #tpu.memory_space<vmem_shared>>
        tpu.enqueue_dma source(%dma_start3A_50 : memref<632x128xf32, #tpu.memory_space<vmem_shared>>) target(%dma_start3A_48 : memref<632x128xf32, #tpu.memory_space<hbm>>) target_semaphore(%run_scoped3A : memref<!tpu.dma_semaphore, #tpu.memory_space<semaphore_mem>>)
        %dma_wait3A = arith.constant 0 : i32
        %dma_wait3A_51 = tpu.memref_slice %arg6[%arg0, %multiple_of3A, %dma_wait3A] : memref<2x10080x128xf32, #tpu.memory_space<hbm>> -> memref<1x632x128xf32, #tpu.memory_space<hbm>>
        %dma_wait3A_52 = tpu.memref_squeeze %dma_wait3A_51 : memref<1x632x128xf32, #tpu.memory_space<hbm>> -> memref<632x128xf32, #tpu.memory_space<hbm>>
        %dma_wait3A_53 = arith.constant 0 : i32
        %dma_wait3A_54 = tpu.memref_slice %arg10[%multiple_of3A, %dma_wait3A_53] : memref<10080x128xf32, #tpu.memory_space<vmem_shared>> -> memref<632x128xf32, #tpu.memory_space<vmem_shared>>
        tpu.wait_dma2 semaphore(%run_scoped3A : memref<!tpu.dma_semaphore, #tpu.memory_space<semaphore_mem>>) src(%dma_wait3A_54 : memref<632x128xf32, #tpu.memory_space<vmem_shared>>) dst(%dma_wait3A_52 : memref<632x128xf32, #tpu.memory_space<hbm>>)
        tpu.yield
      }) : () -> ()
    } else {
    }
    %eq3A_15 = arith.constant 15 : i32
    %eq3A_16 = arith.cmpi eq, %arg1, %eq3A_15 : i32
    %convert_element_type3A_17 = arith.extui %eq3A_16 : i1 to i32
    %cond3A_18 = arith.constant 0 : i32
    %cond3A_19 = arith.cmpi ne, %convert_element_type3A_17, %cond3A_18 : i32
    scf.if %cond3A_19 {
      %multiple_of3A = arith.constant 9480 : i32
      %multiple_of3A_45 = tpu.assume_multiple %multiple_of3A, 8 : i32
      "tpu.region"() ({
        %run_scoped3A = tpu.sem_alloc : memref<!tpu.dma_semaphore, #tpu.memory_space<semaphore_mem>>
        %dma_start3A = arith.constant 0 : i32
        %dma_start3A_46 = tpu.memref_slice %arg6[%arg0, %multiple_of3A_45, %dma_start3A] : memref<2x10080x128xf32, #tpu.memory_space<hbm>> -> memref<1x600x128xf32, #tpu.memory_space<hbm>>
        %dma_start3A_47 = tpu.memref_squeeze %dma_start3A_46 : memref<1x600x128xf32, #tpu.memory_space<hbm>> -> memref<600x128xf32, #tpu.memory_space<hbm>>
        %dma_start3A_48 = arith.constant 0 : i32
        %dma_start3A_49 = tpu.memref_slice %arg10[%multiple_of3A_45, %dma_start3A_48] : memref<10080x128xf32, #tpu.memory_space<vmem_shared>> -> memref<600x128xf32, #tpu.memory_space<vmem_shared>>
        tpu.enqueue_dma source(%dma_start3A_49 : memref<600x128xf32, #tpu.memory_space<vmem_shared>>) target(%dma_start3A_47 : memref<600x128xf32, #tpu.memory_space<hbm>>) target_semaphore(%run_scoped3A : memref<!tpu.dma_semaphore, #tpu.memory_space<semaphore_mem>>)
        %dma_wait3A = arith.constant 0 : i32
        %dma_wait3A_50 = tpu.memref_slice %arg6[%arg0, %multiple_of3A_45, %dma_wait3A] : memref<2x10080x128xf32, #tpu.memory_space<hbm>> -> memref<1x600x128xf32, #tpu.memory_space<hbm>>
        %dma_wait3A_51 = tpu.memref_squeeze %dma_wait3A_50 : memref<1x600x128xf32, #tpu.memory_space<hbm>> -> memref<600x128xf32, #tpu.memory_space<hbm>>
        %dma_wait3A_52 = arith.constant 0 : i32
        %dma_wait3A_53 = tpu.memref_slice %arg10[%multiple_of3A_45, %dma_wait3A_52] : memref<10080x128xf32, #tpu.memory_space<vmem_shared>> -> memref<600x128xf32, #tpu.memory_space<vmem_shared>>
        tpu.wait_dma2 semaphore(%run_scoped3A : memref<!tpu.dma_semaphore, #tpu.memory_space<semaphore_mem>>) src(%dma_wait3A_53 : memref<600x128xf32, #tpu.memory_space<vmem_shared>>) dst(%dma_wait3A_51 : memref<600x128xf32, #tpu.memory_space<hbm>>)
        tpu.yield
      }) : () -> ()
    } else {
    }
    %barrier3A_20 = arith.constant 0 : index
    tpu.barrier barrier_id(%barrier3A_20)
    %eq3A_21 = arith.constant 0 : i32
    %eq3A_22 = arith.cmpi eq, %arg1, %eq3A_21 : i32
    %convert_element_type3A_23 = arith.extui %eq3A_22 : i1 to i32
    %cond3A_24 = arith.constant 0 : i32
    %cond3A_25 = arith.cmpi ne, %convert_element_type3A_23, %cond3A_24 : i32
    scf.if %cond3A_25 {
      "tpu.region"() ({
        %run_scoped3A = tpu.sem_alloc : memref<!tpu.dma_semaphore, #tpu.memory_space<semaphore_mem>>
        tpu.enqueue_dma source(%arg5 : memref<10080x128xf32, #tpu.memory_space<hbm>>) target(%arg10 : memref<10080x128xf32, #tpu.memory_space<vmem_shared>>) target_semaphore(%run_scoped3A : memref<!tpu.dma_semaphore, #tpu.memory_space<semaphore_mem>>)
        tpu.wait_dma2 semaphore(%run_scoped3A : memref<!tpu.dma_semaphore, #tpu.memory_space<semaphore_mem>>) src(%arg5 : memref<10080x128xf32, #tpu.memory_space<hbm>>) dst(%arg10 : memref<10080x128xf32, #tpu.memory_space<vmem_shared>>)
        tpu.yield
      }) : () -> ()
    } else {
    }
    %barrier3A_26 = arith.constant 0 : index
    tpu.barrier barrier_id(%barrier3A_26)
    %scan3A_27 = arith.constant 0 : i32
    %scan3A_28 = arith.constant 0 : i32
    %scan3A_29 = arith.constant 5 : i32
    %scan3A_30 = arith.addi %scan3A_28, %scan3A_29 : i32
    %scan3A_31 = arith.constant 1 : i32
    scf.for %scan3A_45 = %scan3A_28 to %scan3A_30 step %scan3A_31  : i32 {
      %mul3A_46 = arith.constant 336 : i32
      %mul3A_47 = arith.muli %scan3A_45, %mul3A_46 : i32
      %add3A_48 = arith.addi %mul3A_2, %mul3A_47 : i32
      "tpu.region"() ({
        %run_scoped3A = tpu.sem_alloc : memref<!tpu.dma_semaphore, #tpu.memory_space<semaphore_mem>>
        %dma_start3A = tpu.memref_slice %arg2[%add3A_48] : memref<53760xi32, #tpu.memory_space<hbm>> -> memref<336xi32, #tpu.memory_space<hbm>>
        %dma_start3A_49 = tpu.memref_slice %arg2[%add3A_48] : memref<53760xi32, #tpu.memory_space<hbm>> -> memref<336xi32, #tpu.memory_space<hbm>>
        tpu.enqueue_dma source(%dma_start3A_49 : memref<336xi32, #tpu.memory_space<hbm>>) target(%arg8 : memref<336xi32, #tpu.memory_space<vmem>>) target_semaphore(%run_scoped3A : memref<!tpu.dma_semaphore, #tpu.memory_space<semaphore_mem>>)
        %dma_wait3A = tpu.memref_slice %arg2[%add3A_48] : memref<53760xi32, #tpu.memory_space<hbm>> -> memref<336xi32, #tpu.memory_space<hbm>>
        %dma_wait3A_50 = tpu.memref_slice %arg2[%add3A_48] : memref<53760xi32, #tpu.memory_space<hbm>> -> memref<336xi32, #tpu.memory_space<hbm>>
        tpu.wait_dma2 semaphore(%run_scoped3A : memref<!tpu.dma_semaphore, #tpu.memory_space<semaphore_mem>>) src(%dma_wait3A_50 : memref<336xi32, #tpu.memory_space<hbm>>) dst(%arg8 : memref<336xi32, #tpu.memory_space<vmem>>)
        tpu.yield
      }) : () -> ()
      "tpu.region"() ({
        %run_scoped3A = tpu.sem_alloc : memref<!tpu.dma_semaphore, #tpu.memory_space<semaphore_mem>>
        %dma_start3A = arith.constant 0 : i32
        %dma_start3A_49 = tpu.memref_slice %arg4[%add3A_48, %dma_start3A] : memref<53760x128xf32, #tpu.memory_space<hbm>> -> memref<336x128xf32, #tpu.memory_space<hbm>>
        %dma_start3A_50 = arith.constant 0 : i32
        %dma_start3A_51 = tpu.memref_slice %arg4[%add3A_48, %dma_start3A_50] : memref<53760x128xf32, #tpu.memory_space<hbm>> -> memref<336x128xf32, #tpu.memory_space<hbm>>
        tpu.enqueue_dma source(%dma_start3A_51 : memref<336x128xf32, #tpu.memory_space<hbm>>) target(%arg9 : memref<336x128xf32, #tpu.memory_space<vmem>>) target_semaphore(%run_scoped3A : memref<!tpu.dma_semaphore, #tpu.memory_space<semaphore_mem>>)
        %dma_wait3A = arith.constant 0 : i32
        %dma_wait3A_52 = tpu.memref_slice %arg4[%add3A_48, %dma_wait3A] : memref<53760x128xf32, #tpu.memory_space<hbm>> -> memref<336x128xf32, #tpu.memory_space<hbm>>
        %dma_wait3A_53 = arith.constant 0 : i32
        %dma_wait3A_54 = tpu.memref_slice %arg4[%add3A_48, %dma_wait3A_53] : memref<53760x128xf32, #tpu.memory_space<hbm>> -> memref<336x128xf32, #tpu.memory_space<hbm>>
        tpu.wait_dma2 semaphore(%run_scoped3A : memref<!tpu.dma_semaphore, #tpu.memory_space<semaphore_mem>>) src(%dma_wait3A_54 : memref<336x128xf32, #tpu.memory_space<hbm>>) dst(%arg9 : memref<336x128xf32, #tpu.memory_space<vmem>>)
        tpu.yield
      }) : () -> ()
      "tpu.region"() ({
        %run_scoped3A = tpu.sem_alloc : memref<!tpu.dma_semaphore, #tpu.memory_space<semaphore_mem>>
        %dma_start3A = arith.constant 0 : i32
        %dma_start3A_49 = arith.constant 0 : i32
        %dma_start3A_50 = tpu.memref_slice %arg10[%dma_start3A, %dma_start3A_49] : memref<10080x128xf32, #tpu.memory_space<vmem_shared>> -> memref<10080x128xf32, #tpu.memory_space<vmem_shared>>
        tpu.enqueue_indirect_dma source(%arg9 : memref<336x128xf32, #tpu.memory_space<vmem>>) target(%dma_start3A_50 : memref<10080x128xf32, #tpu.memory_space<vmem_shared>>) offsets(%arg8 : memref<336xi32, #tpu.memory_space<vmem>>) semaphore(%run_scoped3A : memref<!tpu.dma_semaphore, #tpu.memory_space<semaphore_mem>>) {add = true}
        %dma_wait3A = arith.constant 0 : i32
        %dma_wait3A_51 = arith.constant 0 : i32
        %dma_wait3A_52 = tpu.memref_slice %arg10[%dma_wait3A, %dma_wait3A_51] : memref<10080x128xf32, #tpu.memory_space<vmem_shared>> -> memref<10080x128xf32, #tpu.memory_space<vmem_shared>>
        tpu.wait_indirect_dma semaphore(%run_scoped3A : memref<!tpu.dma_semaphore, #tpu.memory_space<semaphore_mem>>) src(%arg9 : memref<336x128xf32, #tpu.memory_space<vmem>>) dst(%dma_wait3A_52 : memref<10080x128xf32, #tpu.memory_space<vmem_shared>>)
        tpu.yield
      }) : () -> ()
    }
    %scan3A_32 = arith.constant 5 : i32
    %barrier3A_33 = arith.constant 0 : index
    tpu.barrier barrier_id(%barrier3A_33)
    %lt3A_34 = arith.constant 15 : i32
    %lt3A_35 = arith.cmpi slt, %arg1, %lt3A_34 : i32
    %convert_element_type3A_36 = arith.extui %lt3A_35 : i1 to i32
    %cond3A_37 = arith.constant 0 : i32
    %cond3A_38 = arith.cmpi ne, %convert_element_type3A_36, %cond3A_37 : i32
    scf.if %cond3A_38 {
      %mul3A_45 = arith.constant 632 : i32
      %mul3A_46 = arith.muli %arg1, %mul3A_45 : i32
      %multiple_of3A = tpu.assume_multiple %mul3A_46, 8 : i32
      "tpu.region"() ({
        %run_scoped3A = tpu.sem_alloc : memref<!tpu.dma_semaphore, #tpu.memory_space<semaphore_mem>>
        %dma_start3A = arith.constant 0 : i32
        %dma_start3A_47 = tpu.memref_slice %arg7[%arg0, %multiple_of3A, %dma_start3A] : memref<2x10080x128xf32, #tpu.memory_space<hbm>> -> memref<1x632x128xf32, #tpu.memory_space<hbm>>
        %dma_start3A_48 = tpu.memref_squeeze %dma_start3A_47 : memref<1x632x128xf32, #tpu.memory_space<hbm>> -> memref<632x128xf32, #tpu.memory_space<hbm>>
        %dma_start3A_49 = arith.constant 0 : i32
        %dma_start3A_50 = tpu.memref_slice %arg10[%multiple_of3A, %dma_start3A_49] : memref<10080x128xf32, #tpu.memory_space<vmem_shared>> -> memref<632x128xf32, #tpu.memory_space<vmem_shared>>
        tpu.enqueue_dma source(%dma_start3A_50 : memref<632x128xf32, #tpu.memory_space<vmem_shared>>) target(%dma_start3A_48 : memref<632x128xf32, #tpu.memory_space<hbm>>) target_semaphore(%run_scoped3A : memref<!tpu.dma_semaphore, #tpu.memory_space<semaphore_mem>>)
        %dma_wait3A = arith.constant 0 : i32
        %dma_wait3A_51 = tpu.memref_slice %arg7[%arg0, %multiple_of3A, %dma_wait3A] : memref<2x10080x128xf32, #tpu.memory_space<hbm>> -> memref<1x632x128xf32, #tpu.memory_space<hbm>>
        %dma_wait3A_52 = tpu.memref_squeeze %dma_wait3A_51 : memref<1x632x128xf32, #tpu.memory_space<hbm>> -> memref<632x128xf32, #tpu.memory_space<hbm>>
        %dma_wait3A_53 = arith.constant 0 : i32
        %dma_wait3A_54 = tpu.memref_slice %arg10[%multiple_of3A, %dma_wait3A_53] : memref<10080x128xf32, #tpu.memory_space<vmem_shared>> -> memref<632x128xf32, #tpu.memory_space<vmem_shared>>
        tpu.wait_dma2 semaphore(%run_scoped3A : memref<!tpu.dma_semaphore, #tpu.memory_space<semaphore_mem>>) src(%dma_wait3A_54 : memref<632x128xf32, #tpu.memory_space<vmem_shared>>) dst(%dma_wait3A_52 : memref<632x128xf32, #tpu.memory_space<hbm>>)
        tpu.yield
      }) : () -> ()
    } else {
    }
    %eq3A_39 = arith.constant 15 : i32
    %eq3A_40 = arith.cmpi eq, %arg1, %eq3A_39 : i32
    %convert_element_type3A_41 = arith.extui %eq3A_40 : i1 to i32
    %cond3A_42 = arith.constant 0 : i32
    %cond3A_43 = arith.cmpi ne, %convert_element_type3A_41, %cond3A_42 : i32
    scf.if %cond3A_43 {
      %multiple_of3A = arith.constant 9480 : i32
      %multiple_of3A_45 = tpu.assume_multiple %multiple_of3A, 8 : i32
      "tpu.region"() ({
        %run_scoped3A = tpu.sem_alloc : memref<!tpu.dma_semaphore, #tpu.memory_space<semaphore_mem>>
        %dma_start3A = arith.constant 0 : i32
        %dma_start3A_46 = tpu.memref_slice %arg7[%arg0, %multiple_of3A_45, %dma_start3A] : memref<2x10080x128xf32, #tpu.memory_space<hbm>> -> memref<1x600x128xf32, #tpu.memory_space<hbm>>
        %dma_start3A_47 = tpu.memref_squeeze %dma_start3A_46 : memref<1x600x128xf32, #tpu.memory_space<hbm>> -> memref<600x128xf32, #tpu.memory_space<hbm>>
        %dma_start3A_48 = arith.constant 0 : i32
        %dma_start3A_49 = tpu.memref_slice %arg10[%multiple_of3A_45, %dma_start3A_48] : memref<10080x128xf32, #tpu.memory_space<vmem_shared>> -> memref<600x128xf32, #tpu.memory_space<vmem_shared>>
        tpu.enqueue_dma source(%dma_start3A_49 : memref<600x128xf32, #tpu.memory_space<vmem_shared>>) target(%dma_start3A_47 : memref<600x128xf32, #tpu.memory_space<hbm>>) target_semaphore(%run_scoped3A : memref<!tpu.dma_semaphore, #tpu.memory_space<semaphore_mem>>)
        %dma_wait3A = arith.constant 0 : i32
        %dma_wait3A_50 = tpu.memref_slice %arg7[%arg0, %multiple_of3A_45, %dma_wait3A] : memref<2x10080x128xf32, #tpu.memory_space<hbm>> -> memref<1x600x128xf32, #tpu.memory_space<hbm>>
        %dma_wait3A_51 = tpu.memref_squeeze %dma_wait3A_50 : memref<1x600x128xf32, #tpu.memory_space<hbm>> -> memref<600x128xf32, #tpu.memory_space<hbm>>
        %dma_wait3A_52 = arith.constant 0 : i32
        %dma_wait3A_53 = tpu.memref_slice %arg10[%multiple_of3A_45, %dma_wait3A_52] : memref<10080x128xf32, #tpu.memory_space<vmem_shared>> -> memref<600x128xf32, #tpu.memory_space<vmem_shared>>
        tpu.wait_dma2 semaphore(%run_scoped3A : memref<!tpu.dma_semaphore, #tpu.memory_space<semaphore_mem>>) src(%dma_wait3A_53 : memref<600x128xf32, #tpu.memory_space<vmem_shared>>) dst(%dma_wait3A_51 : memref<600x128xf32, #tpu.memory_space<hbm>>)
        tpu.yield
      }) : () -> ()
    } else {
    }
    %barrier3A_44 = arith.constant 0 : index
    tpu.barrier barrier_id(%barrier3A_44)
    return
  }
}

#map = affine_map<(d0, d1) -> (0)>
#map1 = affine_map<(d0, d1) -> (0, 0)>
#map2 = affine_map<(d0, d1) -> (0, 0, 0)>
module attributes {stable_mosaic.version = 14 : i64} {
  func.func @s1(%arg0: i32, %arg1: i32, %arg2: memref<53760xi32, #tpu.memory_space<hbm>>, %arg3: memref<53760x128xf32, #tpu.memory_space<hbm>>, %arg4: memref<53760x128xf32, #tpu.memory_space<hbm>>, %arg5: memref<10080x128xf32, #tpu.memory_space<hbm>>, %arg6: memref<2x10080x128xf32, #tpu.memory_space<hbm>>, %arg7: memref<2x10080x128xf32, #tpu.memory_space<hbm>>, %arg8: memref<336xi32, #tpu.memory_space<vmem>>, %arg9: memref<336x128xf32, #tpu.memory_space<vmem>>, %arg10: memref<10080x128xf32, #tpu.memory_space<vmem_shared>>) attributes {dimension_semantics = [#tpu.dimension_semantics<core_parallel>, #tpu.dimension_semantics<subcore_parallel>], iteration_bounds = array<i64: 2, 16>, scalar_prefetch = 0 : i64, scratch_operands = 3 : i64, tpu.core_type = #tpu.core_type<sc_vector_subcore>, window_params = [{transform_indices = #map}, {transform_indices = #map1}, {transform_indices = #map1}, {transform_indices = #map1}, {transform_indices = #map2}, {transform_indices = #map2}]} {
    %mul3A = arith.constant 2 : i32
    %mul3A_0 = arith.muli %arg1, %mul3A : i32
    %add3A = arith.addi %mul3A_0, %arg0 : i32
    %mul3A_1 = arith.constant 1680 : i32
    %mul3A_2 = arith.muli %add3A, %mul3A_1 : i32
    %eq3A = arith.constant 0 : i32
    %eq3A_3 = arith.cmpi eq, %arg1, %eq3A : i32
    %convert_element_type3A = arith.extui %eq3A_3 : i1 to i32
    %cond3A = arith.constant 0 : i32
    %cond3A_4 = arith.cmpi ne, %convert_element_type3A, %cond3A : i32
    scf.if %cond3A_4 {
      "tpu.region"() ({
        %run_scoped3A = tpu.sem_alloc : memref<!tpu.dma_semaphore, #tpu.memory_space<semaphore_mem>>
        tpu.enqueue_dma source(%arg5 : memref<10080x128xf32, #tpu.memory_space<hbm>>) target(%arg10 : memref<10080x128xf32, #tpu.memory_space<vmem_shared>>) target_semaphore(%run_scoped3A : memref<!tpu.dma_semaphore, #tpu.memory_space<semaphore_mem>>)
        tpu.wait_dma2 semaphore(%run_scoped3A : memref<!tpu.dma_semaphore, #tpu.memory_space<semaphore_mem>>) src(%arg5 : memref<10080x128xf32, #tpu.memory_space<hbm>>) dst(%arg10 : memref<10080x128xf32, #tpu.memory_space<vmem_shared>>)
        tpu.yield
      }) : () -> ()
    } else {
    }
    %barrier3A = arith.constant 0 : index
    tpu.barrier barrier_id(%barrier3A)
    %scan3A = arith.constant 0 : i32
    %scan3A_5 = arith.constant 0 : i32
    %scan3A_6 = arith.constant 5 : i32
    %scan3A_7 = arith.addi %scan3A_5, %scan3A_6 : i32
    %scan3A_8 = arith.constant 1 : i32
    scf.for %scan3A_45 = %scan3A_5 to %scan3A_7 step %scan3A_8  : i32 {
      %mul3A_46 = arith.constant 336 : i32
      %mul3A_47 = arith.muli %scan3A_45, %mul3A_46 : i32
      %add3A_48 = arith.addi %mul3A_2, %mul3A_47 : i32
      "tpu.region"() ({
        %run_scoped3A = tpu.sem_alloc : memref<!tpu.dma_semaphore, #tpu.memory_space<semaphore_mem>>
        %dma_start3A = tpu.memref_slice %arg2[%add3A_48] : memref<53760xi32, #tpu.memory_space<hbm>> -> memref<336xi32, #tpu.memory_space<hbm>>
        %dma_start3A_49 = tpu.memref_slice %arg2[%add3A_48] : memref<53760xi32, #tpu.memory_space<hbm>> -> memref<336xi32, #tpu.memory_space<hbm>>
        tpu.enqueue_dma source(%dma_start3A_49 : memref<336xi32, #tpu.memory_space<hbm>>) target(%arg8 : memref<336xi32, #tpu.memory_space<vmem>>) target_semaphore(%run_scoped3A : memref<!tpu.dma_semaphore, #tpu.memory_space<semaphore_mem>>)
        %dma_wait3A = tpu.memref_slice %arg2[%add3A_48] : memref<53760xi32, #tpu.memory_space<hbm>> -> memref<336xi32, #tpu.memory_space<hbm>>
        %dma_wait3A_50 = tpu.memref_slice %arg2[%add3A_48] : memref<53760xi32, #tpu.memory_space<hbm>> -> memref<336xi32, #tpu.memory_space<hbm>>
        tpu.wait_dma2 semaphore(%run_scoped3A : memref<!tpu.dma_semaphore, #tpu.memory_space<semaphore_mem>>) src(%dma_wait3A_50 : memref<336xi32, #tpu.memory_space<hbm>>) dst(%arg8 : memref<336xi32, #tpu.memory_space<vmem>>)
        tpu.yield
      }) : () -> ()
      "tpu.region"() ({
        %run_scoped3A = tpu.sem_alloc : memref<!tpu.dma_semaphore, #tpu.memory_space<semaphore_mem>>
        %dma_start3A = arith.constant 0 : i32
        %dma_start3A_49 = tpu.memref_slice %arg3[%add3A_48, %dma_start3A] : memref<53760x128xf32, #tpu.memory_space<hbm>> -> memref<336x128xf32, #tpu.memory_space<hbm>>
        %dma_start3A_50 = arith.constant 0 : i32
        %dma_start3A_51 = tpu.memref_slice %arg3[%add3A_48, %dma_start3A_50] : memref<53760x128xf32, #tpu.memory_space<hbm>> -> memref<336x128xf32, #tpu.memory_space<hbm>>
        tpu.enqueue_dma source(%dma_start3A_51 : memref<336x128xf32, #tpu.memory_space<hbm>>) target(%arg9 : memref<336x128xf32, #tpu.memory_space<vmem>>) target_semaphore(%run_scoped3A : memref<!tpu.dma_semaphore, #tpu.memory_space<semaphore_mem>>)
        %dma_wait3A = arith.constant 0 : i32
        %dma_wait3A_52 = tpu.memref_slice %arg3[%add3A_48, %dma_wait3A] : memref<53760x128xf32, #tpu.memory_space<hbm>> -> memref<336x128xf32, #tpu.memory_space<hbm>>
        %dma_wait3A_53 = arith.constant 0 : i32
        %dma_wait3A_54 = tpu.memref_slice %arg3[%add3A_48, %dma_wait3A_53] : memref<53760x128xf32, #tpu.memory_space<hbm>> -> memref<336x128xf32, #tpu.memory_space<hbm>>
        tpu.wait_dma2 semaphore(%run_scoped3A : memref<!tpu.dma_semaphore, #tpu.memory_space<semaphore_mem>>) src(%dma_wait3A_54 : memref<336x128xf32, #tpu.memory_space<hbm>>) dst(%arg9 : memref<336x128xf32, #tpu.memory_space<vmem>>)
        tpu.yield
      }) : () -> ()
      "tpu.region"() ({
        %run_scoped3A = tpu.sem_alloc : memref<!tpu.dma_semaphore, #tpu.memory_space<semaphore_mem>>
        %dma_start3A = arith.constant 0 : i32
        %dma_start3A_49 = arith.constant 0 : i32
        %dma_start3A_50 = tpu.memref_slice %arg10[%dma_start3A, %dma_start3A_49] : memref<10080x128xf32, #tpu.memory_space<vmem_shared>> -> memref<10080x128xf32, #tpu.memory_space<vmem_shared>>
        tpu.enqueue_indirect_dma source(%arg9 : memref<336x128xf32, #tpu.memory_space<vmem>>) target(%dma_start3A_50 : memref<10080x128xf32, #tpu.memory_space<vmem_shared>>) offsets(%arg8 : memref<336xi32, #tpu.memory_space<vmem>>) semaphore(%run_scoped3A : memref<!tpu.dma_semaphore, #tpu.memory_space<semaphore_mem>>) {add = true}
        %dma_wait3A = arith.constant 0 : i32
        %dma_wait3A_51 = arith.constant 0 : i32
        %dma_wait3A_52 = tpu.memref_slice %arg10[%dma_wait3A, %dma_wait3A_51] : memref<10080x128xf32, #tpu.memory_space<vmem_shared>> -> memref<10080x128xf32, #tpu.memory_space<vmem_shared>>
        tpu.wait_indirect_dma semaphore(%run_scoped3A : memref<!tpu.dma_semaphore, #tpu.memory_space<semaphore_mem>>) src(%arg9 : memref<336x128xf32, #tpu.memory_space<vmem>>) dst(%dma_wait3A_52 : memref<10080x128xf32, #tpu.memory_space<vmem_shared>>)
        tpu.yield
      }) : () -> ()
    }
    %scan3A_9 = arith.constant 5 : i32
    %barrier3A_10 = arith.constant 0 : index
    tpu.barrier barrier_id(%barrier3A_10)
    %lt3A = arith.constant 15 : i32
    %lt3A_11 = arith.cmpi slt, %arg1, %lt3A : i32
    %convert_element_type3A_12 = arith.extui %lt3A_11 : i1 to i32
    %cond3A_13 = arith.constant 0 : i32
    %cond3A_14 = arith.cmpi ne, %convert_element_type3A_12, %cond3A_13 : i32
    scf.if %cond3A_14 {
      %mul3A_45 = arith.constant 632 : i32
      %mul3A_46 = arith.muli %arg1, %mul3A_45 : i32
      %multiple_of3A = tpu.assume_multiple %mul3A_46, 8 : i32
      "tpu.region"() ({
        %run_scoped3A = tpu.sem_alloc : memref<!tpu.dma_semaphore, #tpu.memory_space<semaphore_mem>>
        %dma_start3A = arith.constant 0 : i32
        %dma_start3A_47 = tpu.memref_slice %arg6[%arg0, %multiple_of3A, %dma_start3A] : memref<2x10080x128xf32, #tpu.memory_space<hbm>> -> memref<1x632x128xf32, #tpu.memory_space<hbm>>
        %dma_start3A_48 = tpu.memref_squeeze %dma_start3A_47 : memref<1x632x128xf32, #tpu.memory_space<hbm>> -> memref<632x128xf32, #tpu.memory_space<hbm>>
        %dma_start3A_49 = arith.constant 0 : i32
        %dma_start3A_50 = tpu.memref_slice %arg10[%multiple_of3A, %dma_start3A_49] : memref<10080x128xf32, #tpu.memory_space<vmem_shared>> -> memref<632x128xf32, #tpu.memory_space<vmem_shared>>
        tpu.enqueue_dma source(%dma_start3A_50 : memref<632x128xf32, #tpu.memory_space<vmem_shared>>) target(%dma_start3A_48 : memref<632x128xf32, #tpu.memory_space<hbm>>) target_semaphore(%run_scoped3A : memref<!tpu.dma_semaphore, #tpu.memory_space<semaphore_mem>>)
        %dma_wait3A = arith.constant 0 : i32
        %dma_wait3A_51 = tpu.memref_slice %arg6[%arg0, %multiple_of3A, %dma_wait3A] : memref<2x10080x128xf32, #tpu.memory_space<hbm>> -> memref<1x632x128xf32, #tpu.memory_space<hbm>>
        %dma_wait3A_52 = tpu.memref_squeeze %dma_wait3A_51 : memref<1x632x128xf32, #tpu.memory_space<hbm>> -> memref<632x128xf32, #tpu.memory_space<hbm>>
        %dma_wait3A_53 = arith.constant 0 : i32
        %dma_wait3A_54 = tpu.memref_slice %arg10[%multiple_of3A, %dma_wait3A_53] : memref<10080x128xf32, #tpu.memory_space<vmem_shared>> -> memref<632x128xf32, #tpu.memory_space<vmem_shared>>
        tpu.wait_dma2 semaphore(%run_scoped3A : memref<!tpu.dma_semaphore, #tpu.memory_space<semaphore_mem>>) src(%dma_wait3A_54 : memref<632x128xf32, #tpu.memory_space<vmem_shared>>) dst(%dma_wait3A_52 : memref<632x128xf32, #tpu.memory_space<hbm>>)
        tpu.yield
      }) : () -> ()
    } else {
    }
    %eq3A_15 = arith.constant 15 : i32
    %eq3A_16 = arith.cmpi eq, %arg1, %eq3A_15 : i32
    %convert_element_type3A_17 = arith.extui %eq3A_16 : i1 to i32
    %cond3A_18 = arith.constant 0 : i32
    %cond3A_19 = arith.cmpi ne, %convert_element_type3A_17, %cond3A_18 : i32
    scf.if %cond3A_19 {
      %multiple_of3A = arith.constant 9480 : i32
      %multiple_of3A_45 = tpu.assume_multiple %multiple_of3A, 8 : i32
      "tpu.region"() ({
        %run_scoped3A = tpu.sem_alloc : memref<!tpu.dma_semaphore, #tpu.memory_space<semaphore_mem>>
        %dma_start3A = arith.constant 0 : i32
        %dma_start3A_46 = tpu.memref_slice %arg6[%arg0, %multiple_of3A_45, %dma_start3A] : memref<2x10080x128xf32, #tpu.memory_space<hbm>> -> memref<1x600x128xf32, #tpu.memory_space<hbm>>
        %dma_start3A_47 = tpu.memref_squeeze %dma_start3A_46 : memref<1x600x128xf32, #tpu.memory_space<hbm>> -> memref<600x128xf32, #tpu.memory_space<hbm>>
        %dma_start3A_48 = arith.constant 0 : i32
        %dma_start3A_49 = tpu.memref_slice %arg10[%multiple_of3A_45, %dma_start3A_48] : memref<10080x128xf32, #tpu.memory_space<vmem_shared>> -> memref<600x128xf32, #tpu.memory_space<vmem_shared>>
        tpu.enqueue_dma source(%dma_start3A_49 : memref<600x128xf32, #tpu.memory_space<vmem_shared>>) target(%dma_start3A_47 : memref<600x128xf32, #tpu.memory_space<hbm>>) target_semaphore(%run_scoped3A : memref<!tpu.dma_semaphore, #tpu.memory_space<semaphore_mem>>)
        %dma_wait3A = arith.constant 0 : i32
        %dma_wait3A_50 = tpu.memref_slice %arg6[%arg0, %multiple_of3A_45, %dma_wait3A] : memref<2x10080x128xf32, #tpu.memory_space<hbm>> -> memref<1x600x128xf32, #tpu.memory_space<hbm>>
        %dma_wait3A_51 = tpu.memref_squeeze %dma_wait3A_50 : memref<1x600x128xf32, #tpu.memory_space<hbm>> -> memref<600x128xf32, #tpu.memory_space<hbm>>
        %dma_wait3A_52 = arith.constant 0 : i32
        %dma_wait3A_53 = tpu.memref_slice %arg10[%multiple_of3A_45, %dma_wait3A_52] : memref<10080x128xf32, #tpu.memory_space<vmem_shared>> -> memref<600x128xf32, #tpu.memory_space<vmem_shared>>
        tpu.wait_dma2 semaphore(%run_scoped3A : memref<!tpu.dma_semaphore, #tpu.memory_space<semaphore_mem>>) src(%dma_wait3A_53 : memref<600x128xf32, #tpu.memory_space<vmem_shared>>) dst(%dma_wait3A_51 : memref<600x128xf32, #tpu.memory_space<hbm>>)
        tpu.yield
      }) : () -> ()
    } else {
    }
    %barrier3A_20 = arith.constant 0 : index
    tpu.barrier barrier_id(%barrier3A_20)
    %eq3A_21 = arith.constant 0 : i32
    %eq3A_22 = arith.cmpi eq, %arg1, %eq3A_21 : i32
    %convert_element_type3A_23 = arith.extui %eq3A_22 : i1 to i32
    %cond3A_24 = arith.constant 0 : i32
    %cond3A_25 = arith.cmpi ne, %convert_element_type3A_23, %cond3A_24 : i32
    scf.if %cond3A_25 {
      "tpu.region"() ({
        %run_scoped3A = tpu.sem_alloc : memref<!tpu.dma_semaphore, #tpu.memory_space<semaphore_mem>>
        tpu.enqueue_dma source(%arg5 : memref<10080x128xf32, #tpu.memory_space<hbm>>) target(%arg10 : memref<10080x128xf32, #tpu.memory_space<vmem_shared>>) target_semaphore(%run_scoped3A : memref<!tpu.dma_semaphore, #tpu.memory_space<semaphore_mem>>)
        tpu.wait_dma2 semaphore(%run_scoped3A : memref<!tpu.dma_semaphore, #tpu.memory_space<semaphore_mem>>) src(%arg5 : memref<10080x128xf32, #tpu.memory_space<hbm>>) dst(%arg10 : memref<10080x128xf32, #tpu.memory_space<vmem_shared>>)
        tpu.yield
      }) : () -> ()
    } else {
    }
    %barrier3A_26 = arith.constant 0 : index
    tpu.barrier barrier_id(%barrier3A_26)
    %scan3A_27 = arith.constant 0 : i32
    %scan3A_28 = arith.constant 0 : i32
    %scan3A_29 = arith.constant 5 : i32
    %scan3A_30 = arith.addi %scan3A_28, %scan3A_29 : i32
    %scan3A_31 = arith.constant 1 : i32
    scf.for %scan3A_45 = %scan3A_28 to %scan3A_30 step %scan3A_31  : i32 {
      %mul3A_46 = arith.constant 336 : i32
      %mul3A_47 = arith.muli %scan3A_45, %mul3A_46 : i32
      %add3A_48 = arith.addi %mul3A_2, %mul3A_47 : i32
      "tpu.region"() ({
        %run_scoped3A = tpu.sem_alloc : memref<!tpu.dma_semaphore, #tpu.memory_space<semaphore_mem>>
        %dma_start3A = tpu.memref_slice %arg2[%add3A_48] : memref<53760xi32, #tpu.memory_space<hbm>> -> memref<336xi32, #tpu.memory_space<hbm>>
        %dma_start3A_49 = tpu.memref_slice %arg2[%add3A_48] : memref<53760xi32, #tpu.memory_space<hbm>> -> memref<336xi32, #tpu.memory_space<hbm>>
        tpu.enqueue_dma source(%dma_start3A_49 : memref<336xi32, #tpu.memory_space<hbm>>) target(%arg8 : memref<336xi32, #tpu.memory_space<vmem>>) target_semaphore(%run_scoped3A : memref<!tpu.dma_semaphore, #tpu.memory_space<semaphore_mem>>)
        %dma_wait3A = tpu.memref_slice %arg2[%add3A_48] : memref<53760xi32, #tpu.memory_space<hbm>> -> memref<336xi32, #tpu.memory_space<hbm>>
        %dma_wait3A_50 = tpu.memref_slice %arg2[%add3A_48] : memref<53760xi32, #tpu.memory_space<hbm>> -> memref<336xi32, #tpu.memory_space<hbm>>
        tpu.wait_dma2 semaphore(%run_scoped3A : memref<!tpu.dma_semaphore, #tpu.memory_space<semaphore_mem>>) src(%dma_wait3A_50 : memref<336xi32, #tpu.memory_space<hbm>>) dst(%arg8 : memref<336xi32, #tpu.memory_space<vmem>>)
        tpu.yield
      }) : () -> ()
      "tpu.region"() ({
        %run_scoped3A = tpu.sem_alloc : memref<!tpu.dma_semaphore, #tpu.memory_space<semaphore_mem>>
        %dma_start3A = arith.constant 0 : i32
        %dma_start3A_49 = tpu.memref_slice %arg4[%add3A_48, %dma_start3A] : memref<53760x128xf32, #tpu.memory_space<hbm>> -> memref<336x128xf32, #tpu.memory_space<hbm>>
        %dma_start3A_50 = arith.constant 0 : i32
        %dma_start3A_51 = tpu.memref_slice %arg4[%add3A_48, %dma_start3A_50] : memref<53760x128xf32, #tpu.memory_space<hbm>> -> memref<336x128xf32, #tpu.memory_space<hbm>>
        tpu.enqueue_dma source(%dma_start3A_51 : memref<336x128xf32, #tpu.memory_space<hbm>>) target(%arg9 : memref<336x128xf32, #tpu.memory_space<vmem>>) target_semaphore(%run_scoped3A : memref<!tpu.dma_semaphore, #tpu.memory_space<semaphore_mem>>)
        %dma_wait3A = arith.constant 0 : i32
        %dma_wait3A_52 = tpu.memref_slice %arg4[%add3A_48, %dma_wait3A] : memref<53760x128xf32, #tpu.memory_space<hbm>> -> memref<336x128xf32, #tpu.memory_space<hbm>>
        %dma_wait3A_53 = arith.constant 0 : i32
        %dma_wait3A_54 = tpu.memref_slice %arg4[%add3A_48, %dma_wait3A_53] : memref<53760x128xf32, #tpu.memory_space<hbm>> -> memref<336x128xf32, #tpu.memory_space<hbm>>
        tpu.wait_dma2 semaphore(%run_scoped3A : memref<!tpu.dma_semaphore, #tpu.memory_space<semaphore_mem>>) src(%dma_wait3A_54 : memref<336x128xf32, #tpu.memory_space<hbm>>) dst(%arg9 : memref<336x128xf32, #tpu.memory_space<vmem>>)
        tpu.yield
      }) : () -> ()
      "tpu.region"() ({
        %run_scoped3A = tpu.sem_alloc : memref<!tpu.dma_semaphore, #tpu.memory_space<semaphore_mem>>
        %dma_start3A = arith.constant 0 : i32
        %dma_start3A_49 = arith.constant 0 : i32
        %dma_start3A_50 = tpu.memref_slice %arg10[%dma_start3A, %dma_start3A_49] : memref<10080x128xf32, #tpu.memory_space<vmem_shared>> -> memref<10080x128xf32, #tpu.memory_space<vmem_shared>>
        tpu.enqueue_indirect_dma source(%arg9 : memref<336x128xf32, #tpu.memory_space<vmem>>) target(%dma_start3A_50 : memref<10080x128xf32, #tpu.memory_space<vmem_shared>>) offsets(%arg8 : memref<336xi32, #tpu.memory_space<vmem>>) semaphore(%run_scoped3A : memref<!tpu.dma_semaphore, #tpu.memory_space<semaphore_mem>>) {add = true}
        %dma_wait3A = arith.constant 0 : i32
        %dma_wait3A_51 = arith.constant 0 : i32
        %dma_wait3A_52 = tpu.memref_slice %arg10[%dma_wait3A, %dma_wait3A_51] : memref<10080x128xf32, #tpu.memory_space<vmem_shared>> -> memref<10080x128xf32, #tpu.memory_space<vmem_shared>>
        tpu.wait_indirect_dma semaphore(%run_scoped3A : memref<!tpu.dma_semaphore, #tpu.memory_space<semaphore_mem>>) src(%arg9 : memref<336x128xf32, #tpu.memory_space<vmem>>) dst(%dma_wait3A_52 : memref<10080x128xf32, #tpu.memory_space<vmem_shared>>)
        tpu.yield
      }) : () -> ()
    }
    %scan3A_32 = arith.constant 5 : i32
    %barrier3A_33 = arith.constant 0 : index
    tpu.barrier barrier_id(%barrier3A_33)
    %lt3A_34 = arith.constant 15 : i32
    %lt3A_35 = arith.cmpi slt, %arg1, %lt3A_34 : i32
    %convert_element_type3A_36 = arith.extui %lt3A_35 : i1 to i32
    %cond3A_37 = arith.constant 0 : i32
    %cond3A_38 = arith.cmpi ne, %convert_element_type3A_36, %cond3A_37 : i32
    scf.if %cond3A_38 {
      %mul3A_45 = arith.constant 632 : i32
      %mul3A_46 = arith.muli %arg1, %mul3A_45 : i32
      %multiple_of3A = tpu.assume_multiple %mul3A_46, 8 : i32
      "tpu.region"() ({
        %run_scoped3A = tpu.sem_alloc : memref<!tpu.dma_semaphore, #tpu.memory_space<semaphore_mem>>
        %dma_start3A = arith.constant 0 : i32
        %dma_start3A_47 = tpu.memref_slice %arg7[%arg0, %multiple_of3A, %dma_start3A] : memref<2x10080x128xf32, #tpu.memory_space<hbm>> -> memref<1x632x128xf32, #tpu.memory_space<hbm>>
        %dma_start3A_48 = tpu.memref_squeeze %dma_start3A_47 : memref<1x632x128xf32, #tpu.memory_space<hbm>> -> memref<632x128xf32, #tpu.memory_space<hbm>>
        %dma_start3A_49 = arith.constant 0 : i32
        %dma_start3A_50 = tpu.memref_slice %arg10[%multiple_of3A, %dma_start3A_49] : memref<10080x128xf32, #tpu.memory_space<vmem_shared>> -> memref<632x128xf32, #tpu.memory_space<vmem_shared>>
        tpu.enqueue_dma source(%dma_start3A_50 : memref<632x128xf32, #tpu.memory_space<vmem_shared>>) target(%dma_start3A_48 : memref<632x128xf32, #tpu.memory_space<hbm>>) target_semaphore(%run_scoped3A : memref<!tpu.dma_semaphore, #tpu.memory_space<semaphore_mem>>)
        %dma_wait3A = arith.constant 0 : i32
        %dma_wait3A_51 = tpu.memref_slice %arg7[%arg0, %multiple_of3A, %dma_wait3A] : memref<2x10080x128xf32, #tpu.memory_space<hbm>> -> memref<1x632x128xf32, #tpu.memory_space<hbm>>
        %dma_wait3A_52 = tpu.memref_squeeze %dma_wait3A_51 : memref<1x632x128xf32, #tpu.memory_space<hbm>> -> memref<632x128xf32, #tpu.memory_space<hbm>>
        %dma_wait3A_53 = arith.constant 0 : i32
        %dma_wait3A_54 = tpu.memref_slice %arg10[%multiple_of3A, %dma_wait3A_53] : memref<10080x128xf32, #tpu.memory_space<vmem_shared>> -> memref<632x128xf32, #tpu.memory_space<vmem_shared>>
        tpu.wait_dma2 semaphore(%run_scoped3A : memref<!tpu.dma_semaphore, #tpu.memory_space<semaphore_mem>>) src(%dma_wait3A_54 : memref<632x128xf32, #tpu.memory_space<vmem_shared>>) dst(%dma_wait3A_52 : memref<632x128xf32, #tpu.memory_space<hbm>>)
        tpu.yield
      }) : () -> ()
    } else {
    }
    %eq3A_39 = arith.constant 15 : i32
    %eq3A_40 = arith.cmpi eq, %arg1, %eq3A_39 : i32
    %convert_element_type3A_41 = arith.extui %eq3A_40 : i1 to i32
    %cond3A_42 = arith.constant 0 : i32
    %cond3A_43 = arith.cmpi ne, %convert_element_type3A_41, %cond3A_42 : i32
    scf.if %cond3A_43 {
      %multiple_of3A = arith.constant 9480 : i32
      %multiple_of3A_45 = tpu.assume_multiple %multiple_of3A, 8 : i32
      "tpu.region"() ({
        %run_scoped3A = tpu.sem_alloc : memref<!tpu.dma_semaphore, #tpu.memory_space<semaphore_mem>>
        %dma_start3A = arith.constant 0 : i32
        %dma_start3A_46 = tpu.memref_slice %arg7[%arg0, %multiple_of3A_45, %dma_start3A] : memref<2x10080x128xf32, #tpu.memory_space<hbm>> -> memref<1x600x128xf32, #tpu.memory_space<hbm>>
        %dma_start3A_47 = tpu.memref_squeeze %dma_start3A_46 : memref<1x600x128xf32, #tpu.memory_space<hbm>> -> memref<600x128xf32, #tpu.memory_space<hbm>>
        %dma_start3A_48 = arith.constant 0 : i32
        %dma_start3A_49 = tpu.memref_slice %arg10[%multiple_of3A_45, %dma_start3A_48] : memref<10080x128xf32, #tpu.memory_space<vmem_shared>> -> memref<600x128xf32, #tpu.memory_space<vmem_shared>>
        tpu.enqueue_dma source(%dma_start3A_49 : memref<600x128xf32, #tpu.memory_space<vmem_shared>>) target(%dma_start3A_47 : memref<600x128xf32, #tpu.memory_space<hbm>>) target_semaphore(%run_scoped3A : memref<!tpu.dma_semaphore, #tpu.memory_space<semaphore_mem>>)
        %dma_wait3A = arith.constant 0 : i32
        %dma_wait3A_50 = tpu.memref_slice %arg7[%arg0, %multiple_of3A_45, %dma_wait3A] : memref<2x10080x128xf32, #tpu.memory_space<hbm>> -> memref<1x600x128xf32, #tpu.memory_space<hbm>>
        %dma_wait3A_51 = tpu.memref_squeeze %dma_wait3A_50 : memref<1x600x128xf32, #tpu.memory_space<hbm>> -> memref<600x128xf32, #tpu.memory_space<hbm>>
        %dma_wait3A_52 = arith.constant 0 : i32
        %dma_wait3A_53 = tpu.memref_slice %arg10[%multiple_of3A_45, %dma_wait3A_52] : memref<10080x128xf32, #tpu.memory_space<vmem_shared>> -> memref<600x128xf32, #tpu.memory_space<vmem_shared>>
        tpu.wait_dma2 semaphore(%run_scoped3A : memref<!tpu.dma_semaphore, #tpu.memory_space<semaphore_mem>>) src(%dma_wait3A_53 : memref<600x128xf32, #tpu.memory_space<vmem_shared>>) dst(%dma_wait3A_51 : memref<600x128xf32, #tpu.memory_space<hbm>>)
        tpu.yield
      }) : () -> ()
    } else {
    }
    %barrier3A_44 = arith.constant 0 : index
    tpu.barrier barrier_id(%barrier3A_44)
    return
  }
}

module attributes {stable_mosaic.version = 14 : i64} {
  func.func @_n1_body(%arg0: i32, %arg1: memref<2016x128xf32, #tpu.memory_space<vmem>>, %arg2: memref<2016x16xf32, #tpu.memory_space<vmem>>, %arg3: memref<1x128xf32, #tpu.memory_space<vmem>>, %arg4: memref<1x128xf32, #tpu.memory_space<vmem>>, %arg5: memref<128x128xf32, #tpu.memory_space<vmem>>, %arg6: memref<1x128xf32, #tpu.memory_space<vmem>>, %arg7: memref<128x128xf32, #tpu.memory_space<vmem>>, %arg8: memref<128x128xf32, #tpu.memory_space<vmem>>, %arg9: memref<1x128xf32, #tpu.memory_space<vmem>>, %arg10: memref<2016x128xf32, #tpu.memory_space<vmem>>, %arg11: memref<2016x256xf32, #tpu.memory_space<vmem>>, %arg12: memref<2016x384xf32, #tpu.memory_space<vmem>>) attributes {dimension_semantics = [#tpu.dimension_semantics<arbitrary>], iteration_bounds = array<i64: 5>, scalar_prefetch = 0 : i64, scratch_operands = 0 : i64, tpu.core_type = #tpu.core_type<tc>, window_params = [{transform_indices = @transform_0, window_bounds = array<i64: 2016, 128>}, {transform_indices = @transform_1, window_bounds = array<i64: 2016, 16>}, {pipeline_mode = #tpu.pipeline_mode<synchronous>, transform_indices = @transform_2, window_bounds = array<i64: 1, 128>}, {pipeline_mode = #tpu.pipeline_mode<synchronous>, transform_indices = @transform_3, window_bounds = array<i64: 1, 128>}, {pipeline_mode = #tpu.pipeline_mode<synchronous>, transform_indices = @transform_4, window_bounds = array<i64: 128, 128>}, {pipeline_mode = #tpu.pipeline_mode<synchronous>, transform_indices = @transform_5, window_bounds = array<i64: 1, 128>}, {pipeline_mode = #tpu.pipeline_mode<synchronous>, transform_indices = @transform_6, window_bounds = array<i64: 128, 128>}, {pipeline_mode = #tpu.pipeline_mode<synchronous>, transform_indices = @transform_7, window_bounds = array<i64: 128, 128>}, {pipeline_mode = #tpu.pipeline_mode<synchronous>, transform_indices = @transform_8, window_bounds = array<i64: 1, 128>}, {transform_indices = @transform_9, window_bounds = array<i64: 2016, 128>}, {transform_indices = @transform_10, window_bounds = array<i64: 2016, 256>}, {transform_indices = @transform_11, window_bounds = array<i64: 2016, 384>}]} {
    %get3A = arith.constant 0 : index
    %get3A_0 = arith.constant 0 : index
    %get3A_1 = vector.load %arg1[%get3A, %get3A_0] : memref<2016x128xf32, #tpu.memory_space<vmem>>, vector<2016x128xf32>
    %get3A_2 = arith.constant 0 : index
    %get3A_3 = arith.constant 0 : index
    %get3A_4 = vector.load %arg2[%get3A_2, %get3A_3] : memref<2016x16xf32, #tpu.memory_space<vmem>>, vector<2016x16xf32>
    %broadcast_in_dim3A = arith.constant 0.000000e+00 : f32
    %broadcast_in_dim3A_5 = vector.broadcast %broadcast_in_dim3A : f32 to vector<2016x112xf32>
    %get3A_6 = arith.constant 0 : index
    %get3A_7 = arith.constant 0 : index
    %get3A_8 = vector.load %arg3[%get3A_6, %get3A_7] : memref<1x128xf32, #tpu.memory_space<vmem>>, vector<1x128xf32>
    %get3A_9 = arith.constant 0 : index
    %get3A_10 = arith.constant 0 : index
    %get3A_11 = vector.load %arg4[%get3A_9, %get3A_10] : memref<1x128xf32, #tpu.memory_space<vmem>>, vector<1x128xf32>
    %reduce_sum3A = arith.constant dense<0.000000e+00> : vector<2016xf32>
    %reduce_sum3A_12 = vector.multi_reduction <add>, %get3A_1, %reduce_sum3A [1] : vector<2016x128xf32> to vector<2016xf32>
    %broadcast_in_dim3A_13 = vector.shape_cast %reduce_sum3A_12 : vector<2016xf32> to vector<2016x1xf32>
    %div3A = arith.constant 1.280000e+02 : f32
    %div3A_14 = vector.broadcast %div3A : f32 to vector<2016x1xf32>
    %div3A_15 = arith.divf %broadcast_in_dim3A_13, %div3A_14 : vector<2016x1xf32>
    %sub3A = vector.broadcast %div3A_15 : vector<2016x1xf32> to vector<2016x128xf32>
    %sub3A_16 = arith.subf %get3A_1, %sub3A : vector<2016x128xf32>
    %integer_pow3A = arith.mulf %sub3A_16, %sub3A_16 : vector<2016x128xf32>
    %reduce_sum3A_17 = arith.constant dense<0.000000e+00> : vector<2016xf32>
    %reduce_sum3A_18 = vector.multi_reduction <add>, %integer_pow3A, %reduce_sum3A_17 [1] : vector<2016x128xf32> to vector<2016xf32>
    %broadcast_in_dim3A_19 = vector.shape_cast %reduce_sum3A_18 : vector<2016xf32> to vector<2016x1xf32>
    %div3A_20 = arith.constant 1.280000e+02 : f32
    %div3A_21 = vector.broadcast %div3A_20 : f32 to vector<2016x1xf32>
    %div3A_22 = arith.divf %broadcast_in_dim3A_19, %div3A_21 : vector<2016x1xf32>
    %sub3A_23 = vector.broadcast %div3A_15 : vector<2016x1xf32> to vector<2016x128xf32>
    %sub3A_24 = arith.subf %get3A_1, %sub3A_23 : vector<2016x128xf32>
    %add3A = arith.constant 9.99999974E-6 : f32
    %add3A_25 = vector.broadcast %add3A : f32 to vector<2016x1xf32>
    %add3A_26 = arith.addf %div3A_22, %add3A_25 : vector<2016x1xf32>
    %sqrt3A = math.sqrt %add3A_26 : vector<2016x1xf32>
    %div3A_27 = vector.broadcast %sqrt3A : vector<2016x1xf32> to vector<2016x128xf32>
    %div3A_28 = arith.divf %sub3A_24, %div3A_27 : vector<2016x128xf32>
    %mul3A = vector.broadcast %get3A_8 : vector<1x128xf32> to vector<2016x128xf32>
    %mul3A_29 = arith.mulf %div3A_28, %mul3A : vector<2016x128xf32>
    %add3A_30 = vector.broadcast %get3A_11 : vector<1x128xf32> to vector<2016x128xf32>
    %add3A_31 = arith.addf %mul3A_29, %add3A_30 : vector<2016x128xf32>
    %swap3A = arith.constant 0 : index
    %swap3A_32 = arith.constant 0 : index
    %swap3A_33 = vector.load %arg10[%swap3A, %swap3A_32] : memref<2016x128xf32, #tpu.memory_space<vmem>>, vector<2016x128xf32>
    tpu.vector_store %arg10[%swap3A, %swap3A_32], %add3A_31 {strides = array<i32>} : memref<2016x128xf32, #tpu.memory_space<vmem>>, vector<2016x128xf32>,
    %get3A_34 = arith.constant 0 : index
    %get3A_35 = arith.constant 0 : index
    %get3A_36 = vector.load %arg5[%get3A_34, %get3A_35] : memref<128x128xf32, #tpu.memory_space<vmem>>, vector<128x128xf32>
    %dot_general3A = arith.constant dense<0.000000e+00> : vector<2016x128xf32>
    %dot_general3A_37 = tpu.matmul %add3A_31, %get3A_36, %dot_general3A {dimension_numbers = #tpu.dot_dimension_numbers<[1], [0], [0], [1], [0, 0, 1, 1], [], []>, transpose_lhs_hint = false} : vector<2016x128xf32>, vector<128x128xf32>, vector<2016x128xf32> -> vector<2016x128xf32>
    %get3A_38 = arith.constant 0 : index
    %get3A_39 = arith.constant 0 : index
    %get3A_40 = vector.load %arg6[%get3A_38, %get3A_39] : memref<1x128xf32, #tpu.memory_space<vmem>>, vector<1x128xf32>
    %add3A_41 = vector.broadcast %get3A_40 : vector<1x128xf32> to vector<2016x128xf32>
    %add3A_42 = arith.addf %dot_general3A_37, %add3A_41 : vector<2016x128xf32>
    %concatenate3A = tpu.concatenate %add3A_42, %get3A_4, %broadcast_in_dim3A_5 in 1 : vector<2016x128xf32>, vector<2016x16xf32>, vector<2016x112xf32> -> vector<2016x256xf32>
    %swap3A_43 = arith.constant 0 : index
    %swap3A_44 = arith.constant 0 : index
    %swap3A_45 = vector.load %arg11[%swap3A_43, %swap3A_44] : memref<2016x256xf32, #tpu.memory_space<vmem>>, vector<2016x256xf32>
    tpu.vector_store %arg11[%swap3A_43, %swap3A_44], %concatenate3A {strides = array<i32>} : memref<2016x256xf32, #tpu.memory_space<vmem>>, vector<2016x256xf32>,
    %get3A_46 = arith.constant 0 : index
    %get3A_47 = arith.constant 0 : index
    %get3A_48 = vector.load %arg7[%get3A_46, %get3A_47] : memref<128x128xf32, #tpu.memory_space<vmem>>, vector<128x128xf32>
    %dot_general3A_49 = arith.constant dense<0.000000e+00> : vector<2016x128xf32>
    %dot_general3A_50 = tpu.matmul %add3A_31, %get3A_48, %dot_general3A_49 {dimension_numbers = #tpu.dot_dimension_numbers<[1], [0], [0], [1], [0, 0, 1, 1], [], []>, transpose_lhs_hint = false} : vector<2016x128xf32>, vector<128x128xf32>, vector<2016x128xf32> -> vector<2016x128xf32>
    %get3A_51 = arith.constant 0 : index
    %get3A_52 = arith.constant 0 : index
    %get3A_53 = vector.load %arg8[%get3A_51, %get3A_52] : memref<128x128xf32, #tpu.memory_space<vmem>>, vector<128x128xf32>
    %dot_general3A_54 = arith.constant dense<0.000000e+00> : vector<2016x128xf32>
    %dot_general3A_55 = tpu.matmul %add3A_31, %get3A_53, %dot_general3A_54 {dimension_numbers = #tpu.dot_dimension_numbers<[1], [0], [0], [1], [0, 0, 1, 1], [], []>, transpose_lhs_hint = false} : vector<2016x128xf32>, vector<128x128xf32>, vector<2016x128xf32> -> vector<2016x128xf32>
    %get3A_56 = arith.constant 0 : index
    %get3A_57 = arith.constant 0 : index
    %get3A_58 = vector.load %arg9[%get3A_56, %get3A_57] : memref<1x128xf32, #tpu.memory_space<vmem>>, vector<1x128xf32>
    %add3A_59 = vector.broadcast %get3A_58 : vector<1x128xf32> to vector<2016x128xf32>
    %add3A_60 = arith.addf %dot_general3A_55, %add3A_59 : vector<2016x128xf32>
    %concatenate3A_61 = tpu.concatenate %dot_general3A_50, %add3A_60, %get3A_4, %broadcast_in_dim3A_5 in 1 : vector<2016x128xf32>, vector<2016x128xf32>, vector<2016x16xf32>, vector<2016x112xf32> -> vector<2016x384xf32>
    %swap3A_62 = arith.constant 0 : index
    %swap3A_63 = arith.constant 0 : index
    %swap3A_64 = vector.load %arg12[%swap3A_62, %swap3A_63] : memref<2016x384xf32, #tpu.memory_space<vmem>>, vector<2016x384xf32>
    tpu.vector_store %arg12[%swap3A_62, %swap3A_63], %concatenate3A_61 {strides = array<i32>} : memref<2016x384xf32, #tpu.memory_space<vmem>>, vector<2016x384xf32>,
    return
  }
  func.func @transform_0(%arg0: i32) -> (i32, i32) {
    %c0_i32 = arith.constant 0 : i32
    %c0_i32_0 = arith.constant 0 : i32
    return %arg0, %c0_i32 : i32, i32
  }
  func.func @transform_1(%arg0: i32) -> (i32, i32) {
    %c0_i32 = arith.constant 0 : i32
    %c0_i32_0 = arith.constant 0 : i32
    return %arg0, %c0_i32 : i32, i32
  }
  func.func @transform_2(%arg0: i32) -> (i32, i32) {
    %c0_i32 = arith.constant 0 : i32
    %c0_i32_0 = arith.constant 0 : i32
    %c0_i32_1 = arith.constant 0 : i32
    return %c0_i32, %c0_i32_0 : i32, i32
  }
  func.func @transform_3(%arg0: i32) -> (i32, i32) {
    %c0_i32 = arith.constant 0 : i32
    %c0_i32_0 = arith.constant 0 : i32
    %c0_i32_1 = arith.constant 0 : i32
    return %c0_i32, %c0_i32_0 : i32, i32
  }
  func.func @transform_4(%arg0: i32) -> (i32, i32) {
    %c0_i32 = arith.constant 0 : i32
    %c0_i32_0 = arith.constant 0 : i32
    %c0_i32_1 = arith.constant 0 : i32
    return %c0_i32, %c0_i32_0 : i32, i32
  }
  func.func @transform_5(%arg0: i32) -> (i32, i32) {
    %c0_i32 = arith.constant 0 : i32
    %c0_i32_0 = arith.constant 0 : i32
    %c0_i32_1 = arith.constant 0 : i32
    return %c0_i32, %c0_i32_0 : i32, i32
  }
  func.func @transform_6(%arg0: i32) -> (i32, i32) {
    %c0_i32 = arith.constant 0 : i32
    %c0_i32_0 = arith.constant 0 : i32
    %c0_i32_1 = arith.constant 0 : i32
    return %c0_i32, %c0_i32_0 : i32, i32
  }
  func.func @transform_7(%arg0: i32) -> (i32, i32) {
    %c0_i32 = arith.constant 0 : i32
    %c0_i32_0 = arith.constant 0 : i32
    %c0_i32_1 = arith.constant 0 : i32
    return %c0_i32, %c0_i32_0 : i32, i32
  }
  func.func @transform_8(%arg0: i32) -> (i32, i32) {
    %c0_i32 = arith.constant 0 : i32
    %c0_i32_0 = arith.constant 0 : i32
    %c0_i32_1 = arith.constant 0 : i32
    return %c0_i32, %c0_i32_0 : i32, i32
  }
  func.func @transform_9(%arg0: i32) -> (i32, i32) {
    %c0_i32 = arith.constant 0 : i32
    %c0_i32_0 = arith.constant 0 : i32
    return %arg0, %c0_i32 : i32, i32
  }
  func.func @transform_10(%arg0: i32) -> (i32, i32) {
    %c0_i32 = arith.constant 0 : i32
    %c0_i32_0 = arith.constant 0 : i32
    return %arg0, %c0_i32 : i32, i32
  }
  func.func @transform_11(%arg0: i32) -> (i32, i32) {
    %c0_i32 = arith.constant 0 : i32
    %c0_i32_0 = arith.constant 0 : i32
    return %arg0, %c0_i32 : i32, i32
  }
}

module attributes {stable_mosaic.version = 14 : i64} {
  func.func @_e1_body(%arg0: i32, %arg1: memref<2688x256xf32, #tpu.memory_space<vmem>>, %arg2: memref<2688x384xf32, #tpu.memory_space<vmem>>, %arg3: memref<8x64xf32, #tpu.memory_space<vmem>>, %arg4: memref<3x64x128xf32, #tpu.memory_space<vmem>>, %arg5: memref<3x64x128xf32, #tpu.memory_space<vmem>>, %arg6: memref<8x128xf32, #tpu.memory_space<vmem>>, %arg7: memref<8x128xf32, #tpu.memory_space<vmem>>, %arg8: memref<8x128xf32, #tpu.memory_space<vmem>>, %arg9: memref<8x128xf32, #tpu.memory_space<vmem>>, %arg10: memref<3x128x128xf32, #tpu.memory_space<vmem>>, %arg11: memref<8x128xf32, #tpu.memory_space<vmem>>, %arg12: memref<1x128xf32, #tpu.memory_space<vmem>>, %arg13: memref<1x128xf32, #tpu.memory_space<vmem>>, %arg14: memref<128x128xf32, #tpu.memory_space<vmem>>, %arg15: memref<1x128xf32, #tpu.memory_space<vmem>>, %arg16: memref<1x128xf32, #tpu.memory_space<vmem>>, %arg17: memref<1x128xf32, #tpu.memory_space<vmem>>, %arg18: memref<128x128xf32, #tpu.memory_space<vmem>>, %arg19: memref<128x128xf32, #tpu.memory_space<vmem>>, %arg20: memref<1x128xf32, #tpu.memory_space<vmem>>, %arg21: memref<128x8xf32, #tpu.memory_space<vmem>>, %arg22: memref<2688x8xf32, #tpu.memory_space<vmem>>, %arg23: memref<2688x128xf32, #tpu.memory_space<vmem>>, %arg24: memref<1x1x8xf32, #tpu.memory_space<vmem>>) attributes {dimension_semantics = [#tpu.dimension_semantics<arbitrary>], iteration_bounds = array<i64: 20>, scalar_prefetch = 0 : i64, scratch_operands = 0 : i64, tpu.core_type = #tpu.core_type<tc>, window_params = [{transform_indices = @transform_0, window_bounds = array<i64: 2688, 256>}, {transform_indices = @transform_1, window_bounds = array<i64: 2688, 384>}, {pipeline_mode = #tpu.pipeline_mode<synchronous>, transform_indices = @transform_2, window_bounds = array<i64: 8, 64>}, {pipeline_mode = #tpu.pipeline_mode<synchronous>, transform_indices = @transform_3, window_bounds = array<i64: 3, 64, 128>}, {pipeline_mode = #tpu.pipeline_mode<synchronous>, transform_indices = @transform_4, window_bounds = array<i64: 3, 64, 128>}, {pipeline_mode = #tpu.pipeline_mode<synchronous>, transform_indices = @transform_5, window_bounds = array<i64: 8, 128>}, {pipeline_mode = #tpu.pipeline_mode<synchronous>, transform_indices = @transform_6, window_bounds = array<i64: 8, 128>}, {pipeline_mode = #tpu.pipeline_mode<synchronous>, transform_indices = @transform_7, window_bounds = array<i64: 8, 128>}, {pipeline_mode = #tpu.pipeline_mode<synchronous>, transform_indices = @transform_8, window_bounds = array<i64: 8, 128>}, {pipeline_mode = #tpu.pipeline_mode<synchronous>, transform_indices = @transform_9, window_bounds = array<i64: 3, 128, 128>}, {pipeline_mode = #tpu.pipeline_mode<synchronous>, transform_indices = @transform_10, window_bounds = array<i64: 8, 128>}, {pipeline_mode = #tpu.pipeline_mode<synchronous>, transform_indices = @transform_11, window_bounds = array<i64: 1, 128>}, {pipeline_mode = #tpu.pipeline_mode<synchronous>, transform_indices = @transform_12, window_bounds = array<i64: 1, 128>}, {pipeline_mode = #tpu.pipeline_mode<synchronous>, transform_indices = @transform_13, window_bounds = array<i64: 128, 128>}, {pipeline_mode = #tpu.pipeline_mode<synchronous>, transform_indices = @transform_14, window_bounds = array<i64: 1, 128>}, {pipeline_mode = #tpu.pipeline_mode<synchronous>, transform_indices = @transform_15, window_bounds = array<i64: 1, 128>}, {pipeline_mode = #tpu.pipeline_mode<synchronous>, transform_indices = @transform_16, window_bounds = array<i64: 1, 128>}, {pipeline_mode = #tpu.pipeline_mode<synchronous>, transform_indices = @transform_17, window_bounds = array<i64: 128, 128>}, {pipeline_mode = #tpu.pipeline_mode<synchronous>, transform_indices = @transform_18, window_bounds = array<i64: 128, 128>}, {pipeline_mode = #tpu.pipeline_mode<synchronous>, transform_indices = @transform_19, window_bounds = array<i64: 1, 128>}, {pipeline_mode = #tpu.pipeline_mode<synchronous>, transform_indices = @transform_20, window_bounds = array<i64: 128, 8>}, {transform_indices = @transform_21, window_bounds = array<i64: 2688, 8>}, {transform_indices = @transform_22, window_bounds = array<i64: 2688, 128>}, {transform_indices = @transform_23, window_bounds = array<i64: 1, 1, 8>}]} {
    %get3A = arith.constant 0 : index
    %get3A_0 = arith.constant 0 : index
    %get3A_1 = vector.load %arg1[%get3A, %get3A_0] : memref<2688x256xf32, #tpu.memory_space<vmem>>, vector<2688x256xf32>
    %get3A_2 = arith.constant 0 : index
    %get3A_3 = arith.constant 0 : index
    %get3A_4 = vector.load %arg2[%get3A_2, %get3A_3] : memref<2688x384xf32, #tpu.memory_space<vmem>>, vector<2688x384xf32>
    %slice3A = vector.extract_strided_slice %get3A_4 {offsets = [0, 256], sizes = [2688, 16], strides = [1, 1]} : vector<2688x384xf32> to vector<2688x16xf32>
    %slice3A_5 = vector.extract_strided_slice %get3A_1 {offsets = [0, 128], sizes = [2688, 16], strides = [1, 1]} : vector<2688x256xf32> to vector<2688x16xf32>
    %slice3A_6 = vector.extract_strided_slice %slice3A {offsets = [0, 0], sizes = [2688, 1], strides = [1, 1]} : vector<2688x16xf32> to vector<2688x1xf32>
    %slice3A_7 = vector.extract_strided_slice %slice3A_5 {offsets = [0, 0], sizes = [2688, 1], strides = [1, 1]} : vector<2688x16xf32> to vector<2688x1xf32>
    %sub3A = arith.subf %slice3A_6, %slice3A_7 : vector<2688x1xf32>
    %slice3A_8 = vector.extract_strided_slice %slice3A {offsets = [0, 1], sizes = [2688, 1], strides = [1, 1]} : vector<2688x16xf32> to vector<2688x1xf32>
    %slice3A_9 = vector.extract_strided_slice %slice3A_5 {offsets = [0, 1], sizes = [2688, 1], strides = [1, 1]} : vector<2688x16xf32> to vector<2688x1xf32>
    %sub3A_10 = arith.subf %slice3A_8, %slice3A_9 : vector<2688x1xf32>
    %mul3A = arith.mulf %sub3A, %sub3A : vector<2688x1xf32>
    %mul3A_11 = arith.mulf %sub3A_10, %sub3A_10 : vector<2688x1xf32>
    %add3A = arith.addf %mul3A, %mul3A_11 : vector<2688x1xf32>
    %add3A_12 = arith.constant 9.99999996E-13 : f32
    %add3A_13 = vector.broadcast %add3A_12 : f32 to vector<2688x1xf32>
    %add3A_14 = arith.addf %add3A, %add3A_13 : vector<2688x1xf32>
    %rsqrt3A = math.rsqrt %add3A_14 : vector<2688x1xf32>
    %mul3A_15 = arith.mulf %add3A_14, %rsqrt3A : vector<2688x1xf32>
    %slice3A_16 = vector.extract_strided_slice %slice3A_5 {offsets = [0, 2], sizes = [2688, 1], strides = [1, 1]} : vector<2688x16xf32> to vector<2688x1xf32>
    %slice3A_17 = vector.extract_strided_slice %slice3A_5 {offsets = [0, 3], sizes = [2688, 1], strides = [1, 1]} : vector<2688x16xf32> to vector<2688x1xf32>
    %mul3A_18 = arith.mulf %slice3A_16, %sub3A_10 : vector<2688x1xf32>
    %mul3A_19 = arith.mulf %slice3A_17, %sub3A : vector<2688x1xf32>
    %sub3A_20 = arith.subf %mul3A_18, %mul3A_19 : vector<2688x1xf32>
    %mul3A_21 = arith.mulf %slice3A_16, %sub3A : vector<2688x1xf32>
    %mul3A_22 = arith.mulf %slice3A_17, %sub3A_10 : vector<2688x1xf32>
    %add3A_23 = arith.addf %mul3A_21, %mul3A_22 : vector<2688x1xf32>
    %atan23A = math.atan2 %sub3A_20, %add3A_23 : vector<2688x1xf32>
    %slice3A_24 = vector.extract_strided_slice %slice3A {offsets = [0, 4], sizes = [2688, 1], strides = [1, 1]} : vector<2688x16xf32> to vector<2688x1xf32>
    %slice3A_25 = vector.extract_strided_slice %slice3A_5 {offsets = [0, 4], sizes = [2688, 1], strides = [1, 1]} : vector<2688x16xf32> to vector<2688x1xf32>
    %sub3A_26 = arith.subf %slice3A_24, %slice3A_25 : vector<2688x1xf32>
    %mul3A_27 = arith.constant 0.159154937 : f32
    %mul3A_28 = vector.broadcast %mul3A_27 : f32 to vector<2688x1xf32>
    %mul3A_29 = arith.mulf %sub3A_26, %mul3A_28 : vector<2688x1xf32>
    %round3A = math.roundeven %mul3A_29 : vector<2688x1xf32>
    %mul3A_30 = arith.constant 6.28318548 : f32
    %mul3A_31 = vector.broadcast %mul3A_30 : f32 to vector<2688x1xf32>
    %mul3A_32 = arith.mulf %mul3A_31, %round3A : vector<2688x1xf32>
    %sub3A_33 = arith.subf %sub3A_26, %mul3A_32 : vector<2688x1xf32>
    %get3A_34 = arith.constant 0 : index
    %get3A_35 = arith.constant 0 : index
    %get3A_36 = vector.load %arg3[%get3A_34, %get3A_35] : memref<8x64xf32, #tpu.memory_space<vmem>>, vector<1x64xf32>
    %mul3A_37 = vector.broadcast %mul3A_15 : vector<2688x1xf32> to vector<2688x64xf32>
    %mul3A_38 = vector.broadcast %get3A_36 : vector<1x64xf32> to vector<2688x64xf32>
    %mul3A_39 = arith.mulf %mul3A_37, %mul3A_38 : vector<2688x64xf32>
    %get3A_40 = arith.constant 1 : index
    %get3A_41 = arith.constant 0 : index
    %get3A_42 = vector.load %arg3[%get3A_40, %get3A_41] : memref<8x64xf32, #tpu.memory_space<vmem>>, vector<1x64xf32>
    %mul3A_43 = vector.broadcast %atan23A : vector<2688x1xf32> to vector<2688x64xf32>
    %mul3A_44 = vector.broadcast %get3A_42 : vector<1x64xf32> to vector<2688x64xf32>
    %mul3A_45 = arith.mulf %mul3A_43, %mul3A_44 : vector<2688x64xf32>
    %get3A_46 = arith.constant 2 : index
    %get3A_47 = arith.constant 0 : index
    %get3A_48 = vector.load %arg3[%get3A_46, %get3A_47] : memref<8x64xf32, #tpu.memory_space<vmem>>, vector<1x64xf32>
    %mul3A_49 = vector.broadcast %sub3A_33 : vector<2688x1xf32> to vector<2688x64xf32>
    %mul3A_50 = vector.broadcast %get3A_48 : vector<1x64xf32> to vector<2688x64xf32>
    %mul3A_51 = arith.mulf %mul3A_49, %mul3A_50 : vector<2688x64xf32>
    %concatenate3A = tpu.concatenate %mul3A_39, %mul3A_45, %mul3A_51 in 1 : vector<2688x64xf32>, vector<2688x64xf32>, vector<2688x64xf32> -> vector<2688x192xf32>
    %mul3A_52 = arith.constant 0.159154937 : f32
    %mul3A_53 = vector.broadcast %mul3A_52 : f32 to vector<2688x192xf32>
    %mul3A_54 = arith.mulf %concatenate3A, %mul3A_53 : vector<2688x192xf32>
    %round3A_55 = math.roundeven %mul3A_54 : vector<2688x192xf32>
    %mul3A_56 = arith.constant 6.28318548 : f32
    %mul3A_57 = vector.broadcast %mul3A_56 : f32 to vector<2688x192xf32>
    %mul3A_58 = arith.mulf %mul3A_57, %round3A_55 : vector<2688x192xf32>
    %sub3A_59 = arith.subf %concatenate3A, %mul3A_58 : vector<2688x192xf32>
    %mul3A_60 = arith.mulf %sub3A_59, %sub3A_59 : vector<2688x192xf32>
    %broadcast_in_dim3A = arith.constant 1.60590444E-10 : f32
    %broadcast_in_dim3A_61 = vector.broadcast %broadcast_in_dim3A : f32 to vector<2688x192xf32>
    %mul3A_62 = arith.mulf %broadcast_in_dim3A_61, %mul3A_60 : vector<2688x192xf32>
    %add3A_63 = arith.constant -2.50521079E-8 : f32
    %add3A_64 = vector.broadcast %add3A_63 : f32 to vector<2688x192xf32>
    %add3A_65 = arith.addf %mul3A_62, %add3A_64 : vector<2688x192xf32>
    %mul3A_66 = arith.mulf %add3A_65, %mul3A_60 : vector<2688x192xf32>
    %add3A_67 = arith.constant 2.75573188E-6 : f32
    %add3A_68 = vector.broadcast %add3A_67 : f32 to vector<2688x192xf32>
    %add3A_69 = arith.addf %mul3A_66, %add3A_68 : vector<2688x192xf32>
    %mul3A_70 = arith.mulf %add3A_69, %mul3A_60 : vector<2688x192xf32>
    %add3A_71 = arith.constant -1.98412701E-4 : f32
    %add3A_72 = vector.broadcast %add3A_71 : f32 to vector<2688x192xf32>
    %add3A_73 = arith.addf %mul3A_70, %add3A_72 : vector<2688x192xf32>
    %mul3A_74 = arith.mulf %add3A_73, %mul3A_60 : vector<2688x192xf32>
    %add3A_75 = arith.constant 0.00833333377 : f32
    %add3A_76 = vector.broadcast %add3A_75 : f32 to vector<2688x192xf32>
    %add3A_77 = arith.addf %mul3A_74, %add3A_76 : vector<2688x192xf32>
    %mul3A_78 = arith.mulf %add3A_77, %mul3A_60 : vector<2688x192xf32>
    %add3A_79 = arith.constant -0.166666672 : f32
    %add3A_80 = vector.broadcast %add3A_79 : f32 to vector<2688x192xf32>
    %add3A_81 = arith.addf %mul3A_78, %add3A_80 : vector<2688x192xf32>
    %mul3A_82 = arith.mulf %add3A_81, %mul3A_60 : vector<2688x192xf32>
    %add3A_83 = arith.constant 1.000000e+00 : f32
    %add3A_84 = vector.broadcast %add3A_83 : f32 to vector<2688x192xf32>
    %add3A_85 = arith.addf %mul3A_82, %add3A_84 : vector<2688x192xf32>
    %mul3A_86 = arith.mulf %sub3A_59, %add3A_85 : vector<2688x192xf32>
    %broadcast_in_dim3A_87 = arith.constant 2.08767559E-9 : f32
    %broadcast_in_dim3A_88 = vector.broadcast %broadcast_in_dim3A_87 : f32 to vector<2688x192xf32>
    %mul3A_89 = arith.mulf %broadcast_in_dim3A_88, %mul3A_60 : vector<2688x192xf32>
    %add3A_90 = arith.constant -2.755732E-7 : f32
    %add3A_91 = vector.broadcast %add3A_90 : f32 to vector<2688x192xf32>
    %add3A_92 = arith.addf %mul3A_89, %add3A_91 : vector<2688x192xf32>
    %mul3A_93 = arith.mulf %add3A_92, %mul3A_60 : vector<2688x192xf32>
    %add3A_94 = arith.constant 2.48015876E-5 : f32
    %add3A_95 = vector.broadcast %add3A_94 : f32 to vector<2688x192xf32>
    %add3A_96 = arith.addf %mul3A_93, %add3A_95 : vector<2688x192xf32>
    %mul3A_97 = arith.mulf %add3A_96, %mul3A_60 : vector<2688x192xf32>
    %add3A_98 = arith.constant -0.00138888892 : f32
    %add3A_99 = vector.broadcast %add3A_98 : f32 to vector<2688x192xf32>
    %add3A_100 = arith.addf %mul3A_97, %add3A_99 : vector<2688x192xf32>
    %mul3A_101 = arith.mulf %add3A_100, %mul3A_60 : vector<2688x192xf32>
    %add3A_102 = arith.constant 0.0416666679 : f32
    %add3A_103 = vector.broadcast %add3A_102 : f32 to vector<2688x192xf32>
    %add3A_104 = arith.addf %mul3A_101, %add3A_103 : vector<2688x192xf32>
    %mul3A_105 = arith.mulf %add3A_104, %mul3A_60 : vector<2688x192xf32>
    %add3A_106 = arith.constant -5.000000e-01 : f32
    %add3A_107 = vector.broadcast %add3A_106 : f32 to vector<2688x192xf32>
    %add3A_108 = arith.addf %mul3A_105, %add3A_107 : vector<2688x192xf32>
    %mul3A_109 = arith.mulf %add3A_108, %mul3A_60 : vector<2688x192xf32>
    %add3A_110 = arith.constant 1.000000e+00 : f32
    %add3A_111 = vector.broadcast %add3A_110 : f32 to vector<2688x192xf32>
    %add3A_112 = arith.addf %mul3A_109, %add3A_111 : vector<2688x192xf32>
    %broadcast_in_dim3A_113 = arith.constant 0.000000e+00 : f32
    %broadcast_in_dim3A_114 = vector.broadcast %broadcast_in_dim3A_113 : f32 to vector<2688x128xf32>
    %slice3A_115 = vector.extract_strided_slice %add3A_112 {offsets = [0, 0], sizes = [2688, 64], strides = [1, 1]} : vector<2688x192xf32> to vector<2688x64xf32>
    %get3A_116 = arith.constant 0 : index
    %get3A_117 = arith.constant 0 : index
    %get3A_118 = arith.constant 0 : index
    %get3A_119 = vector.load %arg4[%get3A_116, %get3A_117, %get3A_118] : memref<3x64x128xf32, #tpu.memory_space<vmem>>, vector<1x64x128xf32>
    %get3A_120 = vector.shape_cast %get3A_119 : vector<1x64x128xf32> to vector<64x128xf32>
    %dot_general3A = arith.constant dense<0.000000e+00> : vector<2688x128xf32>
    %dot_general3A_121 = tpu.matmul %slice3A_115, %get3A_120, %dot_general3A {dimension_numbers = #tpu.dot_dimension_numbers<[1], [0], [0], [1], [0, 0, 1, 1], [], []>, transpose_lhs_hint = false} : vector<2688x64xf32>, vector<64x128xf32>, vector<2688x128xf32> -> vector<2688x128xf32>
    %slice3A_122 = vector.extract_strided_slice %mul3A_86 {offsets = [0, 0], sizes = [2688, 64], strides = [1, 1]} : vector<2688x192xf32> to vector<2688x64xf32>
    %get3A_123 = arith.constant 0 : index
    %get3A_124 = arith.constant 0 : index
    %get3A_125 = arith.constant 0 : index
    %get3A_126 = vector.load %arg5[%get3A_123, %get3A_124, %get3A_125] : memref<3x64x128xf32, #tpu.memory_space<vmem>>, vector<1x64x128xf32>
    %get3A_127 = vector.shape_cast %get3A_126 : vector<1x64x128xf32> to vector<64x128xf32>
    %dot_general3A_128 = arith.constant dense<0.000000e+00> : vector<2688x128xf32>
    %dot_general3A_129 = tpu.matmul %slice3A_122, %get3A_127, %dot_general3A_128 {dimension_numbers = #tpu.dot_dimension_numbers<[1], [0], [0], [1], [0, 0, 1, 1], [], []>, transpose_lhs_hint = false} : vector<2688x64xf32>, vector<64x128xf32>, vector<2688x128xf32> -> vector<2688x128xf32>
    %add3A_130 = arith.addf %dot_general3A_121, %dot_general3A_129 : vector<2688x128xf32>
    %get3A_131 = arith.constant 0 : index
    %get3A_132 = arith.constant 0 : index
    %get3A_133 = vector.load %arg6[%get3A_131, %get3A_132] : memref<8x128xf32, #tpu.memory_space<vmem>>, vector<1x128xf32>
    %mul3A_134 = vector.broadcast %mul3A_15 : vector<2688x1xf32> to vector<2688x128xf32>
    %mul3A_135 = vector.broadcast %get3A_133 : vector<1x128xf32> to vector<2688x128xf32>
    %mul3A_136 = arith.mulf %mul3A_134, %mul3A_135 : vector<2688x128xf32>
    %add3A_137 = arith.addf %add3A_130, %mul3A_136 : vector<2688x128xf32>
    %get3A_138 = arith.constant 0 : index
    %get3A_139 = arith.constant 0 : index
    %get3A_140 = vector.load %arg7[%get3A_138, %get3A_139] : memref<8x128xf32, #tpu.memory_space<vmem>>, vector<1x128xf32>
    %add3A_141 = vector.broadcast %get3A_140 : vector<1x128xf32> to vector<2688x128xf32>
    %add3A_142 = arith.addf %add3A_137, %add3A_141 : vector<2688x128xf32>
    %get3A_143 = arith.constant 0 : index
    %get3A_144 = arith.constant 0 : index
    %get3A_145 = vector.load %arg8[%get3A_143, %get3A_144] : memref<8x128xf32, #tpu.memory_space<vmem>>, vector<1x128xf32>
    %get3A_146 = arith.constant 0 : index
    %get3A_147 = arith.constant 0 : index
    %get3A_148 = vector.load %arg9[%get3A_146, %get3A_147] : memref<8x128xf32, #tpu.memory_space<vmem>>, vector<1x128xf32>
    %reduce_sum3A = arith.constant dense<0.000000e+00> : vector<2688xf32>
    %reduce_sum3A_149 = vector.multi_reduction <add>, %add3A_142, %reduce_sum3A [1] : vector<2688x128xf32> to vector<2688xf32>
    %broadcast_in_dim3A_150 = vector.shape_cast %reduce_sum3A_149 : vector<2688xf32> to vector<2688x1xf32>
    %div3A = arith.constant 1.280000e+02 : f32
    %div3A_151 = vector.broadcast %div3A : f32 to vector<2688x1xf32>
    %div3A_152 = arith.divf %broadcast_in_dim3A_150, %div3A_151 : vector<2688x1xf32>
    %sub3A_153 = vector.broadcast %div3A_152 : vector<2688x1xf32> to vector<2688x128xf32>
    %sub3A_154 = arith.subf %add3A_142, %sub3A_153 : vector<2688x128xf32>
    %integer_pow3A = arith.mulf %sub3A_154, %sub3A_154 : vector<2688x128xf32>
    %reduce_sum3A_155 = arith.constant dense<0.000000e+00> : vector<2688xf32>
    %reduce_sum3A_156 = vector.multi_reduction <add>, %integer_pow3A, %reduce_sum3A_155 [1] : vector<2688x128xf32> to vector<2688xf32>
    %broadcast_in_dim3A_157 = vector.shape_cast %reduce_sum3A_156 : vector<2688xf32> to vector<2688x1xf32>
    %div3A_158 = arith.constant 1.280000e+02 : f32
    %div3A_159 = vector.broadcast %div3A_158 : f32 to vector<2688x1xf32>
    %div3A_160 = arith.divf %broadcast_in_dim3A_157, %div3A_159 : vector<2688x1xf32>
    %sub3A_161 = vector.broadcast %div3A_152 : vector<2688x1xf32> to vector<2688x128xf32>
    %sub3A_162 = arith.subf %add3A_142, %sub3A_161 : vector<2688x128xf32>
    %add3A_163 = arith.constant 9.99999974E-6 : f32
    %add3A_164 = vector.broadcast %add3A_163 : f32 to vector<2688x1xf32>
    %add3A_165 = arith.addf %div3A_160, %add3A_164 : vector<2688x1xf32>
    %sqrt3A = math.sqrt %add3A_165 : vector<2688x1xf32>
    %div3A_166 = vector.broadcast %sqrt3A : vector<2688x1xf32> to vector<2688x128xf32>
    %div3A_167 = arith.divf %sub3A_162, %div3A_166 : vector<2688x128xf32>
    %mul3A_168 = vector.broadcast %get3A_145 : vector<1x128xf32> to vector<2688x128xf32>
    %mul3A_169 = arith.mulf %div3A_167, %mul3A_168 : vector<2688x128xf32>
    %add3A_170 = vector.broadcast %get3A_148 : vector<1x128xf32> to vector<2688x128xf32>
    %add3A_171 = arith.addf %mul3A_169, %add3A_170 : vector<2688x128xf32>
    %max3A = arith.constant 0.000000e+00 : f32
    %max3A_172 = vector.broadcast %max3A : f32 to vector<2688x128xf32>
    %max3A_173 = arith.maximumf %add3A_171, %max3A_172 : vector<2688x128xf32>
    %get3A_174 = arith.constant 0 : index
    %get3A_175 = arith.constant 0 : index
    %get3A_176 = arith.constant 0 : index
    %get3A_177 = vector.load %arg10[%get3A_174, %get3A_175, %get3A_176] : memref<3x128x128xf32, #tpu.memory_space<vmem>>, vector<1x128x128xf32>
    %get3A_178 = vector.shape_cast %get3A_177 : vector<1x128x128xf32> to vector<128x128xf32>
    %dot_general3A_179 = arith.constant dense<0.000000e+00> : vector<2688x128xf32>
    %dot_general3A_180 = tpu.matmul %max3A_173, %get3A_178, %dot_general3A_179 {dimension_numbers = #tpu.dot_dimension_numbers<[1], [0], [0], [1], [0, 0, 1, 1], [], []>, transpose_lhs_hint = false} : vector<2688x128xf32>, vector<128x128xf32>, vector<2688x128xf32> -> vector<2688x128xf32>
    %add3A_181 = arith.addf %broadcast_in_dim3A_114, %dot_general3A_180 : vector<2688x128xf32>
    %get3A_182 = arith.constant 0 : index
    %get3A_183 = arith.constant 0 : index
    %get3A_184 = vector.load %arg11[%get3A_182, %get3A_183] : memref<8x128xf32, #tpu.memory_space<vmem>>, vector<1x128xf32>
    %add3A_185 = vector.broadcast %get3A_184 : vector<1x128xf32> to vector<2688x128xf32>
    %add3A_186 = arith.addf %add3A_181, %add3A_185 : vector<2688x128xf32>
    %slice3A_187 = vector.extract_strided_slice %add3A_112 {offsets = [0, 64], sizes = [2688, 64], strides = [1, 1]} : vector<2688x192xf32> to vector<2688x64xf32>
    %get3A_188 = arith.constant 1 : index
    %get3A_189 = arith.constant 0 : index
    %get3A_190 = arith.constant 0 : index
    %get3A_191 = vector.load %arg4[%get3A_188, %get3A_189, %get3A_190] : memref<3x64x128xf32, #tpu.memory_space<vmem>>, vector<1x64x128xf32>
    %get3A_192 = vector.shape_cast %get3A_191 : vector<1x64x128xf32> to vector<64x128xf32>
    %dot_general3A_193 = arith.constant dense<0.000000e+00> : vector<2688x128xf32>
    %dot_general3A_194 = tpu.matmul %slice3A_187, %get3A_192, %dot_general3A_193 {dimension_numbers = #tpu.dot_dimension_numbers<[1], [0], [0], [1], [0, 0, 1, 1], [], []>, transpose_lhs_hint = false} : vector<2688x64xf32>, vector<64x128xf32>, vector<2688x128xf32> -> vector<2688x128xf32>
    %slice3A_195 = vector.extract_strided_slice %mul3A_86 {offsets = [0, 64], sizes = [2688, 64], strides = [1, 1]} : vector<2688x192xf32> to vector<2688x64xf32>
    %get3A_196 = arith.constant 1 : index
    %get3A_197 = arith.constant 0 : index
    %get3A_198 = arith.constant 0 : index
    %get3A_199 = vector.load %arg5[%get3A_196, %get3A_197, %get3A_198] : memref<3x64x128xf32, #tpu.memory_space<vmem>>, vector<1x64x128xf32>
    %get3A_200 = vector.shape_cast %get3A_199 : vector<1x64x128xf32> to vector<64x128xf32>
    %dot_general3A_201 = arith.constant dense<0.000000e+00> : vector<2688x128xf32>
    %dot_general3A_202 = tpu.matmul %slice3A_195, %get3A_200, %dot_general3A_201 {dimension_numbers = #tpu.dot_dimension_numbers<[1], [0], [0], [1], [0, 0, 1, 1], [], []>, transpose_lhs_hint = false} : vector<2688x64xf32>, vector<64x128xf32>, vector<2688x128xf32> -> vector<2688x128xf32>
    %add3A_203 = arith.addf %dot_general3A_194, %dot_general3A_202 : vector<2688x128xf32>
    %get3A_204 = arith.constant 1 : index
    %get3A_205 = arith.constant 0 : index
    %get3A_206 = vector.load %arg6[%get3A_204, %get3A_205] : memref<8x128xf32, #tpu.memory_space<vmem>>, vector<1x128xf32>
    %mul3A_207 = vector.broadcast %atan23A : vector<2688x1xf32> to vector<2688x128xf32>
    %mul3A_208 = vector.broadcast %get3A_206 : vector<1x128xf32> to vector<2688x128xf32>
    %mul3A_209 = arith.mulf %mul3A_207, %mul3A_208 : vector<2688x128xf32>
    %add3A_210 = arith.addf %add3A_203, %mul3A_209 : vector<2688x128xf32>
    %get3A_211 = arith.constant 1 : index
    %get3A_212 = arith.constant 0 : index
    %get3A_213 = vector.load %arg7[%get3A_211, %get3A_212] : memref<8x128xf32, #tpu.memory_space<vmem>>, vector<1x128xf32>
    %add3A_214 = vector.broadcast %get3A_213 : vector<1x128xf32> to vector<2688x128xf32>
    %add3A_215 = arith.addf %add3A_210, %add3A_214 : vector<2688x128xf32>
    %get3A_216 = arith.constant 1 : index
    %get3A_217 = arith.constant 0 : index
    %get3A_218 = vector.load %arg8[%get3A_216, %get3A_217] : memref<8x128xf32, #tpu.memory_space<vmem>>, vector<1x128xf32>
    %get3A_219 = arith.constant 1 : index
    %get3A_220 = arith.constant 0 : index
    %get3A_221 = vector.load %arg9[%get3A_219, %get3A_220] : memref<8x128xf32, #tpu.memory_space<vmem>>, vector<1x128xf32>
    %reduce_sum3A_222 = arith.constant dense<0.000000e+00> : vector<2688xf32>
    %reduce_sum3A_223 = vector.multi_reduction <add>, %add3A_215, %reduce_sum3A_222 [1] : vector<2688x128xf32> to vector<2688xf32>
    %broadcast_in_dim3A_224 = vector.shape_cast %reduce_sum3A_223 : vector<2688xf32> to vector<2688x1xf32>
    %div3A_225 = arith.constant 1.280000e+02 : f32
    %div3A_226 = vector.broadcast %div3A_225 : f32 to vector<2688x1xf32>
    %div3A_227 = arith.divf %broadcast_in_dim3A_224, %div3A_226 : vector<2688x1xf32>
    %sub3A_228 = vector.broadcast %div3A_227 : vector<2688x1xf32> to vector<2688x128xf32>
    %sub3A_229 = arith.subf %add3A_215, %sub3A_228 : vector<2688x128xf32>
    %integer_pow3A_230 = arith.mulf %sub3A_229, %sub3A_229 : vector<2688x128xf32>
    %reduce_sum3A_231 = arith.constant dense<0.000000e+00> : vector<2688xf32>
    %reduce_sum3A_232 = vector.multi_reduction <add>, %integer_pow3A_230, %reduce_sum3A_231 [1] : vector<2688x128xf32> to vector<2688xf32>
    %broadcast_in_dim3A_233 = vector.shape_cast %reduce_sum3A_232 : vector<2688xf32> to vector<2688x1xf32>
    %div3A_234 = arith.constant 1.280000e+02 : f32
    %div3A_235 = vector.broadcast %div3A_234 : f32 to vector<2688x1xf32>
    %div3A_236 = arith.divf %broadcast_in_dim3A_233, %div3A_235 : vector<2688x1xf32>
    %sub3A_237 = vector.broadcast %div3A_227 : vector<2688x1xf32> to vector<2688x128xf32>
    %sub3A_238 = arith.subf %add3A_215, %sub3A_237 : vector<2688x128xf32>
    %add3A_239 = arith.constant 9.99999974E-6 : f32
    %add3A_240 = vector.broadcast %add3A_239 : f32 to vector<2688x1xf32>
    %add3A_241 = arith.addf %div3A_236, %add3A_240 : vector<2688x1xf32>
    %sqrt3A_242 = math.sqrt %add3A_241 : vector<2688x1xf32>
    %div3A_243 = vector.broadcast %sqrt3A_242 : vector<2688x1xf32> to vector<2688x128xf32>
    %div3A_244 = arith.divf %sub3A_238, %div3A_243 : vector<2688x128xf32>
    %mul3A_245 = vector.broadcast %get3A_218 : vector<1x128xf32> to vector<2688x128xf32>
    %mul3A_246 = arith.mulf %div3A_244, %mul3A_245 : vector<2688x128xf32>
    %add3A_247 = vector.broadcast %get3A_221 : vector<1x128xf32> to vector<2688x128xf32>
    %add3A_248 = arith.addf %mul3A_246, %add3A_247 : vector<2688x128xf32>
    %max3A_249 = arith.constant 0.000000e+00 : f32
    %max3A_250 = vector.broadcast %max3A_249 : f32 to vector<2688x128xf32>
    %max3A_251 = arith.maximumf %add3A_248, %max3A_250 : vector<2688x128xf32>
    %get3A_252 = arith.constant 1 : index
    %get3A_253 = arith.constant 0 : index
    %get3A_254 = arith.constant 0 : index
    %get3A_255 = vector.load %arg10[%get3A_252, %get3A_253, %get3A_254] : memref<3x128x128xf32, #tpu.memory_space<vmem>>, vector<1x128x128xf32>
    %get3A_256 = vector.shape_cast %get3A_255 : vector<1x128x128xf32> to vector<128x128xf32>
    %dot_general3A_257 = arith.constant dense<0.000000e+00> : vector<2688x128xf32>
    %dot_general3A_258 = tpu.matmul %max3A_251, %get3A_256, %dot_general3A_257 {dimension_numbers = #tpu.dot_dimension_numbers<[1], [0], [0], [1], [0, 0, 1, 1], [], []>, transpose_lhs_hint = false} : vector<2688x128xf32>, vector<128x128xf32>, vector<2688x128xf32> -> vector<2688x128xf32>
    %add3A_259 = arith.addf %add3A_186, %dot_general3A_258 : vector<2688x128xf32>
    %get3A_260 = arith.constant 1 : index
    %get3A_261 = arith.constant 0 : index
    %get3A_262 = vector.load %arg11[%get3A_260, %get3A_261] : memref<8x128xf32, #tpu.memory_space<vmem>>, vector<1x128xf32>
    %add3A_263 = vector.broadcast %get3A_262 : vector<1x128xf32> to vector<2688x128xf32>
    %add3A_264 = arith.addf %add3A_259, %add3A_263 : vector<2688x128xf32>
    %slice3A_265 = vector.extract_strided_slice %add3A_112 {offsets = [0, 128], sizes = [2688, 64], strides = [1, 1]} : vector<2688x192xf32> to vector<2688x64xf32>
    %get3A_266 = arith.constant 2 : index
    %get3A_267 = arith.constant 0 : index
    %get3A_268 = arith.constant 0 : index
    %get3A_269 = vector.load %arg4[%get3A_266, %get3A_267, %get3A_268] : memref<3x64x128xf32, #tpu.memory_space<vmem>>, vector<1x64x128xf32>
    %get3A_270 = vector.shape_cast %get3A_269 : vector<1x64x128xf32> to vector<64x128xf32>
    %dot_general3A_271 = arith.constant dense<0.000000e+00> : vector<2688x128xf32>
    %dot_general3A_272 = tpu.matmul %slice3A_265, %get3A_270, %dot_general3A_271 {dimension_numbers = #tpu.dot_dimension_numbers<[1], [0], [0], [1], [0, 0, 1, 1], [], []>, transpose_lhs_hint = false} : vector<2688x64xf32>, vector<64x128xf32>, vector<2688x128xf32> -> vector<2688x128xf32>
    %slice3A_273 = vector.extract_strided_slice %mul3A_86 {offsets = [0, 128], sizes = [2688, 64], strides = [1, 1]} : vector<2688x192xf32> to vector<2688x64xf32>
    %get3A_274 = arith.constant 2 : index
    %get3A_275 = arith.constant 0 : index
    %get3A_276 = arith.constant 0 : index
    %get3A_277 = vector.load %arg5[%get3A_274, %get3A_275, %get3A_276] : memref<3x64x128xf32, #tpu.memory_space<vmem>>, vector<1x64x128xf32>
    %get3A_278 = vector.shape_cast %get3A_277 : vector<1x64x128xf32> to vector<64x128xf32>
    %dot_general3A_279 = arith.constant dense<0.000000e+00> : vector<2688x128xf32>
    %dot_general3A_280 = tpu.matmul %slice3A_273, %get3A_278, %dot_general3A_279 {dimension_numbers = #tpu.dot_dimension_numbers<[1], [0], [0], [1], [0, 0, 1, 1], [], []>, transpose_lhs_hint = false} : vector<2688x64xf32>, vector<64x128xf32>, vector<2688x128xf32> -> vector<2688x128xf32>
    %add3A_281 = arith.addf %dot_general3A_272, %dot_general3A_280 : vector<2688x128xf32>
    %get3A_282 = arith.constant 2 : index
    %get3A_283 = arith.constant 0 : index
    %get3A_284 = vector.load %arg6[%get3A_282, %get3A_283] : memref<8x128xf32, #tpu.memory_space<vmem>>, vector<1x128xf32>
    %mul3A_285 = vector.broadcast %sub3A_33 : vector<2688x1xf32> to vector<2688x128xf32>
    %mul3A_286 = vector.broadcast %get3A_284 : vector<1x128xf32> to vector<2688x128xf32>
    %mul3A_287 = arith.mulf %mul3A_285, %mul3A_286 : vector<2688x128xf32>
    %add3A_288 = arith.addf %add3A_281, %mul3A_287 : vector<2688x128xf32>
    %get3A_289 = arith.constant 2 : index
    %get3A_290 = arith.constant 0 : index
    %get3A_291 = vector.load %arg7[%get3A_289, %get3A_290] : memref<8x128xf32, #tpu.memory_space<vmem>>, vector<1x128xf32>
    %add3A_292 = vector.broadcast %get3A_291 : vector<1x128xf32> to vector<2688x128xf32>
    %add3A_293 = arith.addf %add3A_288, %add3A_292 : vector<2688x128xf32>
    %get3A_294 = arith.constant 2 : index
    %get3A_295 = arith.constant 0 : index
    %get3A_296 = vector.load %arg8[%get3A_294, %get3A_295] : memref<8x128xf32, #tpu.memory_space<vmem>>, vector<1x128xf32>
    %get3A_297 = arith.constant 2 : index
    %get3A_298 = arith.constant 0 : index
    %get3A_299 = vector.load %arg9[%get3A_297, %get3A_298] : memref<8x128xf32, #tpu.memory_space<vmem>>, vector<1x128xf32>
    %reduce_sum3A_300 = arith.constant dense<0.000000e+00> : vector<2688xf32>
    %reduce_sum3A_301 = vector.multi_reduction <add>, %add3A_293, %reduce_sum3A_300 [1] : vector<2688x128xf32> to vector<2688xf32>
    %broadcast_in_dim3A_302 = vector.shape_cast %reduce_sum3A_301 : vector<2688xf32> to vector<2688x1xf32>
    %div3A_303 = arith.constant 1.280000e+02 : f32
    %div3A_304 = vector.broadcast %div3A_303 : f32 to vector<2688x1xf32>
    %div3A_305 = arith.divf %broadcast_in_dim3A_302, %div3A_304 : vector<2688x1xf32>
    %sub3A_306 = vector.broadcast %div3A_305 : vector<2688x1xf32> to vector<2688x128xf32>
    %sub3A_307 = arith.subf %add3A_293, %sub3A_306 : vector<2688x128xf32>
    %integer_pow3A_308 = arith.mulf %sub3A_307, %sub3A_307 : vector<2688x128xf32>
    %reduce_sum3A_309 = arith.constant dense<0.000000e+00> : vector<2688xf32>
    %reduce_sum3A_310 = vector.multi_reduction <add>, %integer_pow3A_308, %reduce_sum3A_309 [1] : vector<2688x128xf32> to vector<2688xf32>
    %broadcast_in_dim3A_311 = vector.shape_cast %reduce_sum3A_310 : vector<2688xf32> to vector<2688x1xf32>
    %div3A_312 = arith.constant 1.280000e+02 : f32
    %div3A_313 = vector.broadcast %div3A_312 : f32 to vector<2688x1xf32>
    %div3A_314 = arith.divf %broadcast_in_dim3A_311, %div3A_313 : vector<2688x1xf32>
    %sub3A_315 = vector.broadcast %div3A_305 : vector<2688x1xf32> to vector<2688x128xf32>
    %sub3A_316 = arith.subf %add3A_293, %sub3A_315 : vector<2688x128xf32>
    %add3A_317 = arith.constant 9.99999974E-6 : f32
    %add3A_318 = vector.broadcast %add3A_317 : f32 to vector<2688x1xf32>
    %add3A_319 = arith.addf %div3A_314, %add3A_318 : vector<2688x1xf32>
    %sqrt3A_320 = math.sqrt %add3A_319 : vector<2688x1xf32>
    %div3A_321 = vector.broadcast %sqrt3A_320 : vector<2688x1xf32> to vector<2688x128xf32>
    %div3A_322 = arith.divf %sub3A_316, %div3A_321 : vector<2688x128xf32>
    %mul3A_323 = vector.broadcast %get3A_296 : vector<1x128xf32> to vector<2688x128xf32>
    %mul3A_324 = arith.mulf %div3A_322, %mul3A_323 : vector<2688x128xf32>
    %add3A_325 = vector.broadcast %get3A_299 : vector<1x128xf32> to vector<2688x128xf32>
    %add3A_326 = arith.addf %mul3A_324, %add3A_325 : vector<2688x128xf32>
    %max3A_327 = arith.constant 0.000000e+00 : f32
    %max3A_328 = vector.broadcast %max3A_327 : f32 to vector<2688x128xf32>
    %max3A_329 = arith.maximumf %add3A_326, %max3A_328 : vector<2688x128xf32>
    %get3A_330 = arith.constant 2 : index
    %get3A_331 = arith.constant 0 : index
    %get3A_332 = arith.constant 0 : index
    %get3A_333 = vector.load %arg10[%get3A_330, %get3A_331, %get3A_332] : memref<3x128x128xf32, #tpu.memory_space<vmem>>, vector<1x128x128xf32>
    %get3A_334 = vector.shape_cast %get3A_333 : vector<1x128x128xf32> to vector<128x128xf32>
    %dot_general3A_335 = arith.constant dense<0.000000e+00> : vector<2688x128xf32>
    %dot_general3A_336 = tpu.matmul %max3A_329, %get3A_334, %dot_general3A_335 {dimension_numbers = #tpu.dot_dimension_numbers<[1], [0], [0], [1], [0, 0, 1, 1], [], []>, transpose_lhs_hint = false} : vector<2688x128xf32>, vector<128x128xf32>, vector<2688x128xf32> -> vector<2688x128xf32>
    %add3A_337 = arith.addf %add3A_264, %dot_general3A_336 : vector<2688x128xf32>
    %get3A_338 = arith.constant 2 : index
    %get3A_339 = arith.constant 0 : index
    %get3A_340 = vector.load %arg11[%get3A_338, %get3A_339] : memref<8x128xf32, #tpu.memory_space<vmem>>, vector<1x128xf32>
    %add3A_341 = vector.broadcast %get3A_340 : vector<1x128xf32> to vector<2688x128xf32>
    %add3A_342 = arith.addf %add3A_337, %add3A_341 : vector<2688x128xf32>
    %get3A_343 = arith.constant 0 : index
    %get3A_344 = arith.constant 0 : index
    %get3A_345 = vector.load %arg12[%get3A_343, %get3A_344] : memref<1x128xf32, #tpu.memory_space<vmem>>, vector<1x128xf32>
    %get3A_346 = arith.constant 0 : index
    %get3A_347 = arith.constant 0 : index
    %get3A_348 = vector.load %arg13[%get3A_346, %get3A_347] : memref<1x128xf32, #tpu.memory_space<vmem>>, vector<1x128xf32>
    %reduce_sum3A_349 = arith.constant dense<0.000000e+00> : vector<2688xf32>
    %reduce_sum3A_350 = vector.multi_reduction <add>, %add3A_342, %reduce_sum3A_349 [1] : vector<2688x128xf32> to vector<2688xf32>
    %broadcast_in_dim3A_351 = vector.shape_cast %reduce_sum3A_350 : vector<2688xf32> to vector<2688x1xf32>
    %div3A_352 = arith.constant 1.280000e+02 : f32
    %div3A_353 = vector.broadcast %div3A_352 : f32 to vector<2688x1xf32>
    %div3A_354 = arith.divf %broadcast_in_dim3A_351, %div3A_353 : vector<2688x1xf32>
    %sub3A_355 = vector.broadcast %div3A_354 : vector<2688x1xf32> to vector<2688x128xf32>
    %sub3A_356 = arith.subf %add3A_342, %sub3A_355 : vector<2688x128xf32>
    %integer_pow3A_357 = arith.mulf %sub3A_356, %sub3A_356 : vector<2688x128xf32>
    %reduce_sum3A_358 = arith.constant dense<0.000000e+00> : vector<2688xf32>
    %reduce_sum3A_359 = vector.multi_reduction <add>, %integer_pow3A_357, %reduce_sum3A_358 [1] : vector<2688x128xf32> to vector<2688xf32>
    %broadcast_in_dim3A_360 = vector.shape_cast %reduce_sum3A_359 : vector<2688xf32> to vector<2688x1xf32>
    %div3A_361 = arith.constant 1.280000e+02 : f32
    %div3A_362 = vector.broadcast %div3A_361 : f32 to vector<2688x1xf32>
    %div3A_363 = arith.divf %broadcast_in_dim3A_360, %div3A_362 : vector<2688x1xf32>
    %sub3A_364 = vector.broadcast %div3A_354 : vector<2688x1xf32> to vector<2688x128xf32>
    %sub3A_365 = arith.subf %add3A_342, %sub3A_364 : vector<2688x128xf32>
    %add3A_366 = arith.constant 9.99999974E-6 : f32
    %add3A_367 = vector.broadcast %add3A_366 : f32 to vector<2688x1xf32>
    %add3A_368 = arith.addf %div3A_363, %add3A_367 : vector<2688x1xf32>
    %sqrt3A_369 = math.sqrt %add3A_368 : vector<2688x1xf32>
    %div3A_370 = vector.broadcast %sqrt3A_369 : vector<2688x1xf32> to vector<2688x128xf32>
    %div3A_371 = arith.divf %sub3A_365, %div3A_370 : vector<2688x128xf32>
    %mul3A_372 = vector.broadcast %get3A_345 : vector<1x128xf32> to vector<2688x128xf32>
    %mul3A_373 = arith.mulf %div3A_371, %mul3A_372 : vector<2688x128xf32>
    %add3A_374 = vector.broadcast %get3A_348 : vector<1x128xf32> to vector<2688x128xf32>
    %add3A_375 = arith.addf %mul3A_373, %add3A_374 : vector<2688x128xf32>
    %max3A_376 = arith.constant 0.000000e+00 : f32
    %max3A_377 = vector.broadcast %max3A_376 : f32 to vector<2688x128xf32>
    %max3A_378 = arith.maximumf %add3A_375, %max3A_377 : vector<2688x128xf32>
    %get3A_379 = arith.constant 0 : index
    %get3A_380 = arith.constant 0 : index
    %get3A_381 = vector.load %arg14[%get3A_379, %get3A_380] : memref<128x128xf32, #tpu.memory_space<vmem>>, vector<128x128xf32>
    %dot_general3A_382 = arith.constant dense<0.000000e+00> : vector<2688x128xf32>
    %dot_general3A_383 = tpu.matmul %max3A_378, %get3A_381, %dot_general3A_382 {dimension_numbers = #tpu.dot_dimension_numbers<[1], [0], [0], [1], [0, 0, 1, 1], [], []>, transpose_lhs_hint = false} : vector<2688x128xf32>, vector<128x128xf32>, vector<2688x128xf32> -> vector<2688x128xf32>
    %get3A_384 = arith.constant 0 : index
    %get3A_385 = arith.constant 0 : index
    %get3A_386 = vector.load %arg15[%get3A_384, %get3A_385] : memref<1x128xf32, #tpu.memory_space<vmem>>, vector<1x128xf32>
    %add3A_387 = vector.broadcast %get3A_386 : vector<1x128xf32> to vector<2688x128xf32>
    %add3A_388 = arith.addf %dot_general3A_383, %add3A_387 : vector<2688x128xf32>
    %get3A_389 = arith.constant 0 : index
    %get3A_390 = arith.constant 0 : index
    %get3A_391 = vector.load %arg16[%get3A_389, %get3A_390] : memref<1x128xf32, #tpu.memory_space<vmem>>, vector<1x128xf32>
    %get3A_392 = arith.constant 0 : index
    %get3A_393 = arith.constant 0 : index
    %get3A_394 = vector.load %arg17[%get3A_392, %get3A_393] : memref<1x128xf32, #tpu.memory_space<vmem>>, vector<1x128xf32>
    %reduce_sum3A_395 = arith.constant dense<0.000000e+00> : vector<2688xf32>
    %reduce_sum3A_396 = vector.multi_reduction <add>, %add3A_388, %reduce_sum3A_395 [1] : vector<2688x128xf32> to vector<2688xf32>
    %broadcast_in_dim3A_397 = vector.shape_cast %reduce_sum3A_396 : vector<2688xf32> to vector<2688x1xf32>
    %div3A_398 = arith.constant 1.280000e+02 : f32
    %div3A_399 = vector.broadcast %div3A_398 : f32 to vector<2688x1xf32>
    %div3A_400 = arith.divf %broadcast_in_dim3A_397, %div3A_399 : vector<2688x1xf32>
    %sub3A_401 = vector.broadcast %div3A_400 : vector<2688x1xf32> to vector<2688x128xf32>
    %sub3A_402 = arith.subf %add3A_388, %sub3A_401 : vector<2688x128xf32>
    %integer_pow3A_403 = arith.mulf %sub3A_402, %sub3A_402 : vector<2688x128xf32>
    %reduce_sum3A_404 = arith.constant dense<0.000000e+00> : vector<2688xf32>
    %reduce_sum3A_405 = vector.multi_reduction <add>, %integer_pow3A_403, %reduce_sum3A_404 [1] : vector<2688x128xf32> to vector<2688xf32>
    %broadcast_in_dim3A_406 = vector.shape_cast %reduce_sum3A_405 : vector<2688xf32> to vector<2688x1xf32>
    %div3A_407 = arith.constant 1.280000e+02 : f32
    %div3A_408 = vector.broadcast %div3A_407 : f32 to vector<2688x1xf32>
    %div3A_409 = arith.divf %broadcast_in_dim3A_406, %div3A_408 : vector<2688x1xf32>
    %sub3A_410 = vector.broadcast %div3A_400 : vector<2688x1xf32> to vector<2688x128xf32>
    %sub3A_411 = arith.subf %add3A_388, %sub3A_410 : vector<2688x128xf32>
    %add3A_412 = arith.constant 9.99999974E-6 : f32
    %add3A_413 = vector.broadcast %add3A_412 : f32 to vector<2688x1xf32>
    %add3A_414 = arith.addf %div3A_409, %add3A_413 : vector<2688x1xf32>
    %sqrt3A_415 = math.sqrt %add3A_414 : vector<2688x1xf32>
    %div3A_416 = vector.broadcast %sqrt3A_415 : vector<2688x1xf32> to vector<2688x128xf32>
    %div3A_417 = arith.divf %sub3A_411, %div3A_416 : vector<2688x128xf32>
    %mul3A_418 = vector.broadcast %get3A_391 : vector<1x128xf32> to vector<2688x128xf32>
    %mul3A_419 = arith.mulf %div3A_417, %mul3A_418 : vector<2688x128xf32>
    %add3A_420 = vector.broadcast %get3A_394 : vector<1x128xf32> to vector<2688x128xf32>
    %add3A_421 = arith.addf %mul3A_419, %add3A_420 : vector<2688x128xf32>
    %slice3A_422 = vector.extract_strided_slice %get3A_4 {offsets = [0, 0], sizes = [2688, 128], strides = [1, 1]} : vector<2688x384xf32> to vector<2688x128xf32>
    %get3A_423 = arith.constant 0 : index
    %get3A_424 = arith.constant 0 : index
    %get3A_425 = vector.load %arg18[%get3A_423, %get3A_424] : memref<128x128xf32, #tpu.memory_space<vmem>>, vector<128x128xf32>
    %dot_general3A_426 = arith.constant dense<0.000000e+00> : vector<2688x128xf32>
    %dot_general3A_427 = tpu.matmul %add3A_421, %get3A_425, %dot_general3A_426 {dimension_numbers = #tpu.dot_dimension_numbers<[1], [0], [0], [1], [0, 0, 1, 1], [], []>, transpose_lhs_hint = false} : vector<2688x128xf32>, vector<128x128xf32>, vector<2688x128xf32> -> vector<2688x128xf32>
    %add3A_428 = arith.addf %slice3A_422, %dot_general3A_427 : vector<2688x128xf32>
    %slice3A_429 = vector.extract_strided_slice %get3A_4 {offsets = [0, 128], sizes = [2688, 128], strides = [1, 1]} : vector<2688x384xf32> to vector<2688x128xf32>
    %get3A_430 = arith.constant 0 : index
    %get3A_431 = arith.constant 0 : index
    %get3A_432 = vector.load %arg19[%get3A_430, %get3A_431] : memref<128x128xf32, #tpu.memory_space<vmem>>, vector<128x128xf32>
    %dot_general3A_433 = arith.constant dense<0.000000e+00> : vector<2688x128xf32>
    %dot_general3A_434 = tpu.matmul %add3A_421, %get3A_432, %dot_general3A_433 {dimension_numbers = #tpu.dot_dimension_numbers<[1], [0], [0], [1], [0, 0, 1, 1], [], []>, transpose_lhs_hint = false} : vector<2688x128xf32>, vector<128x128xf32>, vector<2688x128xf32> -> vector<2688x128xf32>
    %add3A_435 = arith.addf %slice3A_429, %dot_general3A_434 : vector<2688x128xf32>
    %get3A_436 = arith.constant 0 : index
    %get3A_437 = arith.constant 0 : index
    %get3A_438 = vector.load %arg20[%get3A_436, %get3A_437] : memref<1x128xf32, #tpu.memory_space<vmem>>, vector<1x128xf32>
    %add3A_439 = vector.broadcast %get3A_438 : vector<1x128xf32> to vector<2688x128xf32>
    %add3A_440 = arith.addf %add3A_435, %add3A_439 : vector<2688x128xf32>
    %slice3A_441 = vector.extract_strided_slice %get3A_1 {offsets = [0, 0], sizes = [2688, 128], strides = [1, 1]} : vector<2688x256xf32> to vector<2688x128xf32>
    %mul3A_442 = arith.mulf %slice3A_441, %add3A_428 : vector<2688x128xf32>
    %get3A_443 = arith.constant 0 : index
    %get3A_444 = arith.constant 0 : index
    %get3A_445 = vector.load %arg21[%get3A_443, %get3A_444] : memref<128x8xf32, #tpu.memory_space<vmem>>, vector<128x8xf32>
    %dot_general3A_446 = arith.constant dense<0.000000e+00> : vector<2688x8xf32>
    %dot_general3A_447 = tpu.matmul %mul3A_442, %get3A_445, %dot_general3A_446 {dimension_numbers = #tpu.dot_dimension_numbers<[1], [0], [0], [1], [0, 0, 1, 1], [], []>, transpose_lhs_hint = false} : vector<2688x128xf32>, vector<128x8xf32>, vector<2688x8xf32> -> vector<2688x8xf32>
    %mul3A_448 = arith.constant 2.500000e-01 : f32
    %mul3A_449 = vector.broadcast %mul3A_448 : f32 to vector<2688x8xf32>
    %mul3A_450 = arith.mulf %dot_general3A_447, %mul3A_449 : vector<2688x8xf32>
    %swap3A = arith.constant 0 : index
    %swap3A_451 = arith.constant 0 : index
    %swap3A_452 = vector.load %arg22[%swap3A, %swap3A_451] : memref<2688x8xf32, #tpu.memory_space<vmem>>, vector<2688x8xf32>
    tpu.vector_store %arg22[%swap3A, %swap3A_451], %mul3A_450 {strides = array<i32>} : memref<2688x8xf32, #tpu.memory_space<vmem>>, vector<2688x8xf32>,
    %swap3A_453 = arith.constant 0 : index
    %swap3A_454 = arith.constant 0 : index
    %swap3A_455 = vector.load %arg23[%swap3A_453, %swap3A_454] : memref<2688x128xf32, #tpu.memory_space<vmem>>, vector<2688x128xf32>
    tpu.vector_store %arg23[%swap3A_453, %swap3A_454], %add3A_440 {strides = array<i32>} : memref<2688x128xf32, #tpu.memory_space<vmem>>, vector<2688x128xf32>,
    %reduce_max3A = arith.constant dense<0xFF800000> : vector<8xf32>
    %reduce_max3A_456 = vector.multi_reduction <maximumf>, %mul3A_450, %reduce_max3A [0] : vector<2688x8xf32> to vector<8xf32>
    %broadcast_in_dim3A_457 = vector.shape_cast %reduce_max3A_456 : vector<8xf32> to vector<1x8xf32>
    %broadcast_in_dim3A_458 = vector.shape_cast %broadcast_in_dim3A_457 : vector<1x8xf32> to vector<1x1x8xf32>
    %swap3A_459 = arith.constant 0 : index
    %swap3A_460 = arith.constant 0 : index
    %swap3A_461 = arith.constant 0 : index
    %swap3A_462 = vector.load %arg24[%swap3A_459, %swap3A_460, %swap3A_461] : memref<1x1x8xf32, #tpu.memory_space<vmem>>, vector<1x1x8xf32>
    tpu.vector_store %arg24[%swap3A_459, %swap3A_460, %swap3A_461], %broadcast_in_dim3A_458 {strides = array<i32>} : memref<1x1x8xf32, #tpu.memory_space<vmem>>, vector<1x1x8xf32>,
    return
  }
  func.func @transform_0(%arg0: i32) -> (i32, i32) {
    %c0_i32 = arith.constant 0 : i32
    %c0_i32_0 = arith.constant 0 : i32
    return %arg0, %c0_i32 : i32, i32
  }
  func.func @transform_1(%arg0: i32) -> (i32, i32) {
    %c0_i32 = arith.constant 0 : i32
    %c0_i32_0 = arith.constant 0 : i32
    return %arg0, %c0_i32 : i32, i32
  }
  func.func @transform_2(%arg0: i32) -> (i32, i32) {
    %c0_i32 = arith.constant 0 : i32
    %c0_i32_0 = arith.constant 0 : i32
    %c0_i32_1 = arith.constant 0 : i32
    return %c0_i32, %c0_i32_0 : i32, i32
  }
  func.func @transform_3(%arg0: i32) -> (i32, i32, i32) {
    %c0_i32 = arith.constant 0 : i32
    %c0_i32_0 = arith.constant 0 : i32
    %c0_i32_1 = arith.constant 0 : i32
    %c0_i32_2 = arith.constant 0 : i32
    return %c0_i32, %c0_i32_0, %c0_i32_1 : i32, i32, i32
  }
  func.func @transform_4(%arg0: i32) -> (i32, i32, i32) {
    %c0_i32 = arith.constant 0 : i32
    %c0_i32_0 = arith.constant 0 : i32
    %c0_i32_1 = arith.constant 0 : i32
    %c0_i32_2 = arith.constant 0 : i32
    return %c0_i32, %c0_i32_0, %c0_i32_1 : i32, i32, i32
  }
  func.func @transform_5(%arg0: i32) -> (i32, i32) {
    %c0_i32 = arith.constant 0 : i32
    %c0_i32_0 = arith.constant 0 : i32
    %c0_i32_1 = arith.constant 0 : i32
    return %c0_i32, %c0_i32_0 : i32, i32
  }
  func.func @transform_6(%arg0: i32) -> (i32, i32) {
    %c0_i32 = arith.constant 0 : i32
    %c0_i32_0 = arith.constant 0 : i32
    %c0_i32_1 = arith.constant 0 : i32
    return %c0_i32, %c0_i32_0 : i32, i32
  }
  func.func @transform_7(%arg0: i32) -> (i32, i32) {
    %c0_i32 = arith.constant 0 : i32
    %c0_i32_0 = arith.constant 0 : i32
    %c0_i32_1 = arith.constant 0 : i32
    return %c0_i32, %c0_i32_0 : i32, i32
  }
  func.func @transform_8(%arg0: i32) -> (i32, i32) {
    %c0_i32 = arith.constant 0 : i32
    %c0_i32_0 = arith.constant 0 : i32
    %c0_i32_1 = arith.constant 0 : i32
    return %c0_i32, %c0_i32_0 : i32, i32
  }
  func.func @transform_9(%arg0: i32) -> (i32, i32, i32) {
    %c0_i32 = arith.constant 0 : i32
    %c0_i32_0 = arith.constant 0 : i32
    %c0_i32_1 = arith.constant 0 : i32
    %c0_i32_2 = arith.constant 0 : i32
    return %c0_i32, %c0_i32_0, %c0_i32_1 : i32, i32, i32
  }
  func.func @transform_10(%arg0: i32) -> (i32, i32) {
    %c0_i32 = arith.constant 0 : i32
    %c0_i32_0 = arith.constant 0 : i32
    %c0_i32_1 = arith.constant 0 : i32
    return %c0_i32, %c0_i32_0 : i32, i32
  }
  func.func @transform_11(%arg0: i32) -> (i32, i32) {
    %c0_i32 = arith.constant 0 : i32
    %c0_i32_0 = arith.constant 0 : i32
    %c0_i32_1 = arith.constant 0 : i32
    return %c0_i32, %c0_i32_0 : i32, i32
  }
  func.func @transform_12(%arg0: i32) -> (i32, i32) {
    %c0_i32 = arith.constant 0 : i32
    %c0_i32_0 = arith.constant 0 : i32
    %c0_i32_1 = arith.constant 0 : i32
    return %c0_i32, %c0_i32_0 : i32, i32
  }
  func.func @transform_13(%arg0: i32) -> (i32, i32) {
    %c0_i32 = arith.constant 0 : i32
    %c0_i32_0 = arith.constant 0 : i32
    %c0_i32_1 = arith.constant 0 : i32
    return %c0_i32, %c0_i32_0 : i32, i32
  }
  func.func @transform_14(%arg0: i32) -> (i32, i32) {
    %c0_i32 = arith.constant 0 : i32
    %c0_i32_0 = arith.constant 0 : i32
    %c0_i32_1 = arith.constant 0 : i32
    return %c0_i32, %c0_i32_0 : i32, i32
  }
  func.func @transform_15(%arg0: i32) -> (i32, i32) {
    %c0_i32 = arith.constant 0 : i32
    %c0_i32_0 = arith.constant 0 : i32
    %c0_i32_1 = arith.constant 0 : i32
    return %c0_i32, %c0_i32_0 : i32, i32
  }
  func.func @transform_16(%arg0: i32) -> (i32, i32) {
    %c0_i32 = arith.constant 0 : i32
    %c0_i32_0 = arith.constant 0 : i32
    %c0_i32_1 = arith.constant 0 : i32
    return %c0_i32, %c0_i32_0 : i32, i32
  }
  func.func @transform_17(%arg0: i32) -> (i32, i32) {
    %c0_i32 = arith.constant 0 : i32
    %c0_i32_0 = arith.constant 0 : i32
    %c0_i32_1 = arith.constant 0 : i32
    return %c0_i32, %c0_i32_0 : i32, i32
  }
  func.func @transform_18(%arg0: i32) -> (i32, i32) {
    %c0_i32 = arith.constant 0 : i32
    %c0_i32_0 = arith.constant 0 : i32
    %c0_i32_1 = arith.constant 0 : i32
    return %c0_i32, %c0_i32_0 : i32, i32
  }
  func.func @transform_19(%arg0: i32) -> (i32, i32) {
    %c0_i32 = arith.constant 0 : i32
    %c0_i32_0 = arith.constant 0 : i32
    %c0_i32_1 = arith.constant 0 : i32
    return %c0_i32, %c0_i32_0 : i32, i32
  }
  func.func @transform_20(%arg0: i32) -> (i32, i32) {
    %c0_i32 = arith.constant 0 : i32
    %c0_i32_0 = arith.constant 0 : i32
    %c0_i32_1 = arith.constant 0 : i32
    return %c0_i32, %c0_i32_0 : i32, i32
  }
  func.func @transform_21(%arg0: i32) -> (i32, i32) {
    %c0_i32 = arith.constant 0 : i32
    %c0_i32_0 = arith.constant 0 : i32
    return %arg0, %c0_i32 : i32, i32
  }
  func.func @transform_22(%arg0: i32) -> (i32, i32) {
    %c0_i32 = arith.constant 0 : i32
    %c0_i32_0 = arith.constant 0 : i32
    return %arg0, %c0_i32 : i32, i32
  }
  func.func @transform_23(%arg0: i32) -> (i32, i32, i32) {
    %c0_i32 = arith.constant 0 : i32
    %c0_i32_0 = arith.constant 0 : i32
    %c0_i32_1 = arith.constant 0 : i32
    return %arg0, %c0_i32, %c0_i32_0 : i32, i32, i32
  }
}

module attributes {stable_mosaic.version = 14 : i64} {
  func.func @_e2_body(%arg0: i32, %arg1: memref<5376x8xf32, #tpu.memory_space<vmem>>, %arg2: memref<5376x128xf32, #tpu.memory_space<vmem>>, %arg3: memref<1x8xf32, #tpu.memory_space<vmem>>, %arg4: memref<8x128xf32, #tpu.memory_space<vmem>>, %arg5: memref<5376x128xf32, #tpu.memory_space<vmem>>, %arg6: memref<5376x128xf32, #tpu.memory_space<vmem>>) attributes {dimension_semantics = [#tpu.dimension_semantics<arbitrary>], iteration_bounds = array<i64: 10>, scalar_prefetch = 0 : i64, scratch_operands = 0 : i64, tpu.core_type = #tpu.core_type<tc>, window_params = [{transform_indices = @transform_0, window_bounds = array<i64: 5376, 8>}, {transform_indices = @transform_1, window_bounds = array<i64: 5376, 128>}, {pipeline_mode = #tpu.pipeline_mode<synchronous>, transform_indices = @transform_2, window_bounds = array<i64: 1, 8>}, {pipeline_mode = #tpu.pipeline_mode<synchronous>, transform_indices = @transform_3, window_bounds = array<i64: 8, 128>}, {transform_indices = @transform_4, window_bounds = array<i64: 5376, 128>}, {transform_indices = @transform_5, window_bounds = array<i64: 5376, 128>}]} {
    %get3A = arith.constant 0 : index
    %get3A_0 = arith.constant 0 : index
    %get3A_1 = vector.load %arg1[%get3A, %get3A_0] : memref<5376x8xf32, #tpu.memory_space<vmem>>, vector<5376x8xf32>
    %get3A_2 = arith.constant 0 : index
    %get3A_3 = arith.constant 0 : index
    %get3A_4 = vector.load %arg3[%get3A_2, %get3A_3] : memref<1x8xf32, #tpu.memory_space<vmem>>, vector<1x8xf32>
    %sub3A = vector.broadcast %get3A_4 : vector<1x8xf32> to vector<5376x8xf32>
    %sub3A_5 = arith.subf %get3A_1, %sub3A : vector<5376x8xf32>
    %exp3A = math.exp %sub3A_5 : vector<5376x8xf32>
    %get3A_6 = arith.constant 0 : index
    %get3A_7 = arith.constant 0 : index
    %get3A_8 = vector.load %arg2[%get3A_6, %get3A_7] : memref<5376x128xf32, #tpu.memory_space<vmem>>, vector<5376x128xf32>
    %get3A_9 = arith.constant 0 : index
    %get3A_10 = arith.constant 0 : index
    %get3A_11 = vector.load %arg4[%get3A_9, %get3A_10] : memref<8x128xf32, #tpu.memory_space<vmem>>, vector<8x128xf32>
    %dot_general3A = arith.constant dense<0.000000e+00> : vector<5376x128xf32>
    %dot_general3A_12 = tpu.matmul %exp3A, %get3A_11, %dot_general3A {dimension_numbers = #tpu.dot_dimension_numbers<[1], [0], [0], [1], [0, 0, 1, 1], [], []>, transpose_lhs_hint = false} : vector<5376x8xf32>, vector<8x128xf32>, vector<5376x128xf32> -> vector<5376x128xf32>
    %mul3A = arith.mulf %get3A_8, %dot_general3A_12 : vector<5376x128xf32>
    %swap3A = arith.constant 0 : index
    %swap3A_13 = arith.constant 0 : index
    %swap3A_14 = vector.load %arg5[%swap3A, %swap3A_13] : memref<5376x128xf32, #tpu.memory_space<vmem>>, vector<5376x128xf32>
    tpu.vector_store %arg5[%swap3A, %swap3A_13], %mul3A {strides = array<i32>} : memref<5376x128xf32, #tpu.memory_space<vmem>>, vector<5376x128xf32>,
    %broadcast_in_dim3A = arith.constant 0.000000e+00 : f32
    %broadcast_in_dim3A_15 = vector.broadcast %broadcast_in_dim3A : f32 to vector<5376x120xf32>
    %concatenate3A = tpu.concatenate %exp3A, %broadcast_in_dim3A_15 in 1 : vector<5376x8xf32>, vector<5376x120xf32> -> vector<5376x128xf32>
    %swap3A_16 = arith.constant 0 : index
    %swap3A_17 = arith.constant 0 : index
    %swap3A_18 = vector.load %arg6[%swap3A_16, %swap3A_17] : memref<5376x128xf32, #tpu.memory_space<vmem>>, vector<5376x128xf32>
    tpu.vector_store %arg6[%swap3A_16, %swap3A_17], %concatenate3A {strides = array<i32>} : memref<5376x128xf32, #tpu.memory_space<vmem>>, vector<5376x128xf32>,
    return
  }
  func.func @transform_0(%arg0: i32) -> (i32, i32) {
    %c0_i32 = arith.constant 0 : i32
    %c0_i32_0 = arith.constant 0 : i32
    return %arg0, %c0_i32 : i32, i32
  }
  func.func @transform_1(%arg0: i32) -> (i32, i32) {
    %c0_i32 = arith.constant 0 : i32
    %c0_i32_0 = arith.constant 0 : i32
    return %arg0, %c0_i32 : i32, i32
  }
  func.func @transform_2(%arg0: i32) -> (i32, i32) {
    %c0_i32 = arith.constant 0 : i32
    %c0_i32_0 = arith.constant 0 : i32
    %c0_i32_1 = arith.constant 0 : i32
    return %c0_i32, %c0_i32_0 : i32, i32
  }
  func.func @transform_3(%arg0: i32) -> (i32, i32) {
    %c0_i32 = arith.constant 0 : i32
    %c0_i32_0 = arith.constant 0 : i32
    %c0_i32_1 = arith.constant 0 : i32
    return %c0_i32, %c0_i32_0 : i32, i32
  }
  func.func @transform_4(%arg0: i32) -> (i32, i32) {
    %c0_i32 = arith.constant 0 : i32
    %c0_i32_0 = arith.constant 0 : i32
    return %arg0, %c0_i32 : i32, i32
  }
  func.func @transform_5(%arg0: i32) -> (i32, i32) {
    %c0_i32 = arith.constant 0 : i32
    %c0_i32_0 = arith.constant 0 : i32
    return %arg0, %c0_i32 : i32, i32
  }
}

module attributes {stable_mosaic.version = 14 : i64} {
  func.func @_n2_body(%arg0: i32, %arg1: memref<2016x128xf32, #tpu.memory_space<vmem>>, %arg2: memref<2016x128xf32, #tpu.memory_space<vmem>>, %arg3: memref<6x2016x128xf32, #tpu.memory_space<vmem>>, %arg4: memref<6x2016x128xf32, #tpu.memory_space<vmem>>, %arg5: memref<8x128xf32, #tpu.memory_space<vmem>>, %arg6: memref<128x128xf32, #tpu.memory_space<vmem>>, %arg7: memref<128x128xf32, #tpu.memory_space<vmem>>, %arg8: memref<1x128xf32, #tpu.memory_space<vmem>>, %arg9: memref<128x128xf32, #tpu.memory_space<vmem>>, %arg10: memref<1x128xf32, #tpu.memory_space<vmem>>, %arg11: memref<128x128xf32, #tpu.memory_space<vmem>>, %arg12: memref<1x128xf32, #tpu.memory_space<vmem>>, %arg13: memref<1x128xf32, #tpu.memory_space<vmem>>, %arg14: memref<1x128xf32, #tpu.memory_space<vmem>>, %arg15: memref<1x128xf32, #tpu.memory_space<vmem>>, %arg16: memref<1x128xf32, #tpu.memory_space<vmem>>, %arg17: memref<128x512xf32, #tpu.memory_space<vmem>>, %arg18: memref<1x512xf32, #tpu.memory_space<vmem>>, %arg19: memref<512x128xf32, #tpu.memory_space<vmem>>, %arg20: memref<1x128xf32, #tpu.memory_space<vmem>>, %arg21: memref<1x128xf32, #tpu.memory_space<vmem>>, %arg22: memref<1x128xf32, #tpu.memory_space<vmem>>, %arg23: memref<2016x128xf32, #tpu.memory_space<vmem>>) attributes {dimension_semantics = [#tpu.dimension_semantics<arbitrary>], iteration_bounds = array<i64: 5>, scalar_prefetch = 0 : i64, scratch_operands = 0 : i64, tpu.core_type = #tpu.core_type<tc>, window_params = [{transform_indices = @transform_0, window_bounds = array<i64: 2016, 128>}, {transform_indices = @transform_1, window_bounds = array<i64: 2016, 128>}, {transform_indices = @transform_2, window_bounds = array<i64: 6, 2016, 128>}, {transform_indices = @transform_3, window_bounds = array<i64: 6, 2016, 128>}, {pipeline_mode = #tpu.pipeline_mode<synchronous>, transform_indices = @transform_4, window_bounds = array<i64: 8, 128>}, {pipeline_mode = #tpu.pipeline_mode<synchronous>, transform_indices = @transform_5, window_bounds = array<i64: 128, 128>}, {pipeline_mode = #tpu.pipeline_mode<synchronous>, transform_indices = @transform_6, window_bounds = array<i64: 128, 128>}, {pipeline_mode = #tpu.pipeline_mode<synchronous>, transform_indices = @transform_7, window_bounds = array<i64: 1, 128>}, {pipeline_mode = #tpu.pipeline_mode<synchronous>, transform_indices = @transform_8, window_bounds = array<i64: 128, 128>}, {pipeline_mode = #tpu.pipeline_mode<synchronous>, transform_indices = @transform_9, window_bounds = array<i64: 1, 128>}, {pipeline_mode = #tpu.pipeline_mode<synchronous>, transform_indices = @transform_10, window_bounds = array<i64: 128, 128>}, {pipeline_mode = #tpu.pipeline_mode<synchronous>, transform_indices = @transform_11, window_bounds = array<i64: 1, 128>}, {pipeline_mode = #tpu.pipeline_mode<synchronous>, transform_indices = @transform_12, window_bounds = array<i64: 1, 128>}, {pipeline_mode = #tpu.pipeline_mode<synchronous>, transform_indices = @transform_13, window_bounds = array<i64: 1, 128>}, {pipeline_mode = #tpu.pipeline_mode<synchronous>, transform_indices = @transform_14, window_bounds = array<i64: 1, 128>}, {pipeline_mode = #tpu.pipeline_mode<synchronous>, transform_indices = @transform_15, window_bounds = array<i64: 1, 128>}, {pipeline_mode = #tpu.pipeline_mode<synchronous>, transform_indices = @transform_16, window_bounds = array<i64: 128, 512>}, {pipeline_mode = #tpu.pipeline_mode<synchronous>, transform_indices = @transform_17, window_bounds = array<i64: 1, 512>}, {pipeline_mode = #tpu.pipeline_mode<synchronous>, transform_indices = @transform_18, window_bounds = array<i64: 512, 128>}, {pipeline_mode = #tpu.pipeline_mode<synchronous>, transform_indices = @transform_19, window_bounds = array<i64: 1, 128>}, {pipeline_mode = #tpu.pipeline_mode<synchronous>, transform_indices = @transform_20, window_bounds = array<i64: 1, 128>}, {pipeline_mode = #tpu.pipeline_mode<synchronous>, transform_indices = @transform_21, window_bounds = array<i64: 1, 128>}, {transform_indices = @transform_22, window_bounds = array<i64: 2016, 128>}]} {
    %get3A = arith.constant 0 : index
    %get3A_0 = arith.constant 0 : index
    %get3A_1 = vector.load %arg1[%get3A, %get3A_0] : memref<2016x128xf32, #tpu.memory_space<vmem>>, vector<2016x128xf32>
    %get3A_2 = arith.constant 0 : index
    %get3A_3 = arith.constant 0 : index
    %get3A_4 = vector.load %arg2[%get3A_2, %get3A_3] : memref<2016x128xf32, #tpu.memory_space<vmem>>, vector<2016x128xf32>
    %get3A_5 = arith.constant 0 : index
    %get3A_6 = arith.constant 0 : index
    %get3A_7 = arith.constant 0 : index
    %get3A_8 = vector.load %arg3[%get3A_5, %get3A_6, %get3A_7] : memref<6x2016x128xf32, #tpu.memory_space<vmem>>, vector<6x2016x128xf32>
    %get3A_9 = arith.constant 0 : index
    %get3A_10 = arith.constant 0 : index
    %get3A_11 = arith.constant 0 : index
    %get3A_12 = vector.load %arg4[%get3A_9, %get3A_10, %get3A_11] : memref<6x2016x128xf32, #tpu.memory_space<vmem>>, vector<6x2016x128xf32>
    %slice3A = vector.extract_strided_slice %get3A_8 {offsets = [0, 0, 0], sizes = [1, 2016, 128], strides = [1, 1, 1]} : vector<6x2016x128xf32> to vector<1x2016x128xf32>
    %squeeze3A = vector.shape_cast %slice3A : vector<1x2016x128xf32> to vector<2016x128xf32>
    %slice3A_13 = vector.extract_strided_slice %get3A_12 {offsets = [0, 0, 0], sizes = [1, 2016, 128], strides = [1, 1, 1]} : vector<6x2016x128xf32> to vector<1x2016x128xf32>
    %squeeze3A_14 = vector.shape_cast %slice3A_13 : vector<1x2016x128xf32> to vector<2016x128xf32>
    %slice3A_15 = vector.extract_strided_slice %squeeze3A_14 {offsets = [0, 0], sizes = [2016, 8], strides = [1, 1]} : vector<2016x128xf32> to vector<2016x8xf32>
    %slice3A_16 = vector.extract_strided_slice %get3A_8 {offsets = [1, 0, 0], sizes = [1, 2016, 128], strides = [1, 1, 1]} : vector<6x2016x128xf32> to vector<1x2016x128xf32>
    %squeeze3A_17 = vector.shape_cast %slice3A_16 : vector<1x2016x128xf32> to vector<2016x128xf32>
    %add3A = arith.addf %squeeze3A, %squeeze3A_17 : vector<2016x128xf32>
    %slice3A_18 = vector.extract_strided_slice %get3A_12 {offsets = [1, 0, 0], sizes = [1, 2016, 128], strides = [1, 1, 1]} : vector<6x2016x128xf32> to vector<1x2016x128xf32>
    %squeeze3A_19 = vector.shape_cast %slice3A_18 : vector<1x2016x128xf32> to vector<2016x128xf32>
    %slice3A_20 = vector.extract_strided_slice %squeeze3A_19 {offsets = [0, 0], sizes = [2016, 8], strides = [1, 1]} : vector<2016x128xf32> to vector<2016x8xf32>
    %add3A_21 = arith.addf %slice3A_15, %slice3A_20 : vector<2016x8xf32>
    %slice3A_22 = vector.extract_strided_slice %get3A_8 {offsets = [2, 0, 0], sizes = [1, 2016, 128], strides = [1, 1, 1]} : vector<6x2016x128xf32> to vector<1x2016x128xf32>
    %squeeze3A_23 = vector.shape_cast %slice3A_22 : vector<1x2016x128xf32> to vector<2016x128xf32>
    %add3A_24 = arith.addf %add3A, %squeeze3A_23 : vector<2016x128xf32>
    %slice3A_25 = vector.extract_strided_slice %get3A_12 {offsets = [2, 0, 0], sizes = [1, 2016, 128], strides = [1, 1, 1]} : vector<6x2016x128xf32> to vector<1x2016x128xf32>
    %squeeze3A_26 = vector.shape_cast %slice3A_25 : vector<1x2016x128xf32> to vector<2016x128xf32>
    %slice3A_27 = vector.extract_strided_slice %squeeze3A_26 {offsets = [0, 0], sizes = [2016, 8], strides = [1, 1]} : vector<2016x128xf32> to vector<2016x8xf32>
    %add3A_28 = arith.addf %add3A_21, %slice3A_27 : vector<2016x8xf32>
    %slice3A_29 = vector.extract_strided_slice %get3A_8 {offsets = [3, 0, 0], sizes = [1, 2016, 128], strides = [1, 1, 1]} : vector<6x2016x128xf32> to vector<1x2016x128xf32>
    %squeeze3A_30 = vector.shape_cast %slice3A_29 : vector<1x2016x128xf32> to vector<2016x128xf32>
    %add3A_31 = arith.addf %add3A_24, %squeeze3A_30 : vector<2016x128xf32>
    %slice3A_32 = vector.extract_strided_slice %get3A_12 {offsets = [3, 0, 0], sizes = [1, 2016, 128], strides = [1, 1, 1]} : vector<6x2016x128xf32> to vector<1x2016x128xf32>
    %squeeze3A_33 = vector.shape_cast %slice3A_32 : vector<1x2016x128xf32> to vector<2016x128xf32>
    %slice3A_34 = vector.extract_strided_slice %squeeze3A_33 {offsets = [0, 0], sizes = [2016, 8], strides = [1, 1]} : vector<2016x128xf32> to vector<2016x8xf32>
    %add3A_35 = arith.addf %add3A_28, %slice3A_34 : vector<2016x8xf32>
    %slice3A_36 = vector.extract_strided_slice %get3A_8 {offsets = [4, 0, 0], sizes = [1, 2016, 128], strides = [1, 1, 1]} : vector<6x2016x128xf32> to vector<1x2016x128xf32>
    %squeeze3A_37 = vector.shape_cast %slice3A_36 : vector<1x2016x128xf32> to vector<2016x128xf32>
    %add3A_38 = arith.addf %add3A_31, %squeeze3A_37 : vector<2016x128xf32>
    %slice3A_39 = vector.extract_strided_slice %get3A_12 {offsets = [4, 0, 0], sizes = [1, 2016, 128], strides = [1, 1, 1]} : vector<6x2016x128xf32> to vector<1x2016x128xf32>
    %squeeze3A_40 = vector.shape_cast %slice3A_39 : vector<1x2016x128xf32> to vector<2016x128xf32>
    %slice3A_41 = vector.extract_strided_slice %squeeze3A_40 {offsets = [0, 0], sizes = [2016, 8], strides = [1, 1]} : vector<2016x128xf32> to vector<2016x8xf32>
    %add3A_42 = arith.addf %add3A_35, %slice3A_41 : vector<2016x8xf32>
    %slice3A_43 = vector.extract_strided_slice %get3A_8 {offsets = [5, 0, 0], sizes = [1, 2016, 128], strides = [1, 1, 1]} : vector<6x2016x128xf32> to vector<1x2016x128xf32>
    %squeeze3A_44 = vector.shape_cast %slice3A_43 : vector<1x2016x128xf32> to vector<2016x128xf32>
    %add3A_45 = arith.addf %add3A_38, %squeeze3A_44 : vector<2016x128xf32>
    %slice3A_46 = vector.extract_strided_slice %get3A_12 {offsets = [5, 0, 0], sizes = [1, 2016, 128], strides = [1, 1, 1]} : vector<6x2016x128xf32> to vector<1x2016x128xf32>
    %squeeze3A_47 = vector.shape_cast %slice3A_46 : vector<1x2016x128xf32> to vector<2016x128xf32>
    %slice3A_48 = vector.extract_strided_slice %squeeze3A_47 {offsets = [0, 0], sizes = [2016, 8], strides = [1, 1]} : vector<2016x128xf32> to vector<2016x8xf32>
    %add3A_49 = arith.addf %add3A_42, %slice3A_48 : vector<2016x8xf32>
    %add3A_50 = arith.constant 1.000000e-16 : f32
    %add3A_51 = vector.broadcast %add3A_50 : f32 to vector<2016x8xf32>
    %add3A_52 = arith.addf %add3A_49, %add3A_51 : vector<2016x8xf32>
    %div3A = arith.constant 1.000000e+00 : f32
    %div3A_53 = vector.broadcast %div3A : f32 to vector<2016x8xf32>
    %div3A_54 = arith.divf %div3A_53, %add3A_52 : vector<2016x8xf32>
    %get3A_55 = arith.constant 0 : index
    %get3A_56 = arith.constant 0 : index
    %get3A_57 = vector.load %arg5[%get3A_55, %get3A_56] : memref<8x128xf32, #tpu.memory_space<vmem>>, vector<8x128xf32>
    %dot_general3A = arith.constant dense<0.000000e+00> : vector<2016x128xf32>
    %dot_general3A_58 = tpu.matmul %div3A_54, %get3A_57, %dot_general3A {dimension_numbers = #tpu.dot_dimension_numbers<[1], [0], [0], [1], [0, 0, 1, 1], [], []>, transpose_lhs_hint = false} : vector<2016x8xf32>, vector<8x128xf32>, vector<2016x128xf32> -> vector<2016x128xf32>
    %mul3A = arith.mulf %add3A_45, %dot_general3A_58 : vector<2016x128xf32>
    %get3A_59 = arith.constant 0 : index
    %get3A_60 = arith.constant 0 : index
    %get3A_61 = vector.load %arg6[%get3A_59, %get3A_60] : memref<128x128xf32, #tpu.memory_space<vmem>>, vector<128x128xf32>
    %dot_general3A_62 = arith.constant dense<0.000000e+00> : vector<2016x128xf32>
    %dot_general3A_63 = tpu.matmul %mul3A, %get3A_61, %dot_general3A_62 {dimension_numbers = #tpu.dot_dimension_numbers<[1], [0], [0], [1], [0, 0, 1, 1], [], []>, transpose_lhs_hint = false} : vector<2016x128xf32>, vector<128x128xf32>, vector<2016x128xf32> -> vector<2016x128xf32>
    %get3A_64 = arith.constant 0 : index
    %get3A_65 = arith.constant 0 : index
    %get3A_66 = vector.load %arg7[%get3A_64, %get3A_65] : memref<128x128xf32, #tpu.memory_space<vmem>>, vector<128x128xf32>
    %dot_general3A_67 = arith.constant dense<0.000000e+00> : vector<2016x128xf32>
    %dot_general3A_68 = tpu.matmul %get3A_4, %get3A_66, %dot_general3A_67 {dimension_numbers = #tpu.dot_dimension_numbers<[1], [0], [0], [1], [0, 0, 1, 1], [], []>, transpose_lhs_hint = false} : vector<2016x128xf32>, vector<128x128xf32>, vector<2016x128xf32> -> vector<2016x128xf32>
    %add3A_69 = arith.addf %dot_general3A_63, %dot_general3A_68 : vector<2016x128xf32>
    %get3A_70 = arith.constant 0 : index
    %get3A_71 = arith.constant 0 : index
    %get3A_72 = vector.load %arg8[%get3A_70, %get3A_71] : memref<1x128xf32, #tpu.memory_space<vmem>>, vector<1x128xf32>
    %add3A_73 = vector.broadcast %get3A_72 : vector<1x128xf32> to vector<2016x128xf32>
    %add3A_74 = arith.addf %add3A_69, %add3A_73 : vector<2016x128xf32>
    %logistic3A = arith.negf %add3A_74 : vector<2016x128xf32>
    %logistic3A_75 = math.exp %logistic3A : vector<2016x128xf32>
    %logistic3A_76 = arith.constant 1.000000e+00 : f32
    %logistic3A_77 = vector.broadcast %logistic3A_76 : f32 to vector<2016x128xf32>
    %logistic3A_78 = arith.addf %logistic3A_77, %logistic3A_75 : vector<2016x128xf32>
    %logistic3A_79 = arith.divf %logistic3A_77, %logistic3A_78 : vector<2016x128xf32>
    %get3A_80 = arith.constant 0 : index
    %get3A_81 = arith.constant 0 : index
    %get3A_82 = vector.load %arg9[%get3A_80, %get3A_81] : memref<128x128xf32, #tpu.memory_space<vmem>>, vector<128x128xf32>
    %dot_general3A_83 = arith.constant dense<0.000000e+00> : vector<2016x128xf32>
    %dot_general3A_84 = tpu.matmul %get3A_4, %get3A_82, %dot_general3A_83 {dimension_numbers = #tpu.dot_dimension_numbers<[1], [0], [0], [1], [0, 0, 1, 1], [], []>, transpose_lhs_hint = false} : vector<2016x128xf32>, vector<128x128xf32>, vector<2016x128xf32> -> vector<2016x128xf32>
    %get3A_85 = arith.constant 0 : index
    %get3A_86 = arith.constant 0 : index
    %get3A_87 = vector.load %arg10[%get3A_85, %get3A_86] : memref<1x128xf32, #tpu.memory_space<vmem>>, vector<1x128xf32>
    %add3A_88 = vector.broadcast %get3A_87 : vector<1x128xf32> to vector<2016x128xf32>
    %add3A_89 = arith.addf %dot_general3A_84, %add3A_88 : vector<2016x128xf32>
    %sub3A = arith.subf %add3A_89, %mul3A : vector<2016x128xf32>
    %mul3A_90 = arith.mulf %logistic3A_79, %sub3A : vector<2016x128xf32>
    %add3A_91 = arith.addf %mul3A, %mul3A_90 : vector<2016x128xf32>
    %get3A_92 = arith.constant 0 : index
    %get3A_93 = arith.constant 0 : index
    %get3A_94 = vector.load %arg11[%get3A_92, %get3A_93] : memref<128x128xf32, #tpu.memory_space<vmem>>, vector<128x128xf32>
    %dot_general3A_95 = arith.constant dense<0.000000e+00> : vector<2016x128xf32>
    %dot_general3A_96 = tpu.matmul %add3A_91, %get3A_94, %dot_general3A_95 {dimension_numbers = #tpu.dot_dimension_numbers<[1], [0], [0], [1], [0, 0, 1, 1], [], []>, transpose_lhs_hint = false} : vector<2016x128xf32>, vector<128x128xf32>, vector<2016x128xf32> -> vector<2016x128xf32>
    %get3A_97 = arith.constant 0 : index
    %get3A_98 = arith.constant 0 : index
    %get3A_99 = vector.load %arg12[%get3A_97, %get3A_98] : memref<1x128xf32, #tpu.memory_space<vmem>>, vector<1x128xf32>
    %add3A_100 = vector.broadcast %get3A_99 : vector<1x128xf32> to vector<2016x128xf32>
    %add3A_101 = arith.addf %dot_general3A_96, %add3A_100 : vector<2016x128xf32>
    %get3A_102 = arith.constant 0 : index
    %get3A_103 = arith.constant 0 : index
    %get3A_104 = vector.load %arg13[%get3A_102, %get3A_103] : memref<1x128xf32, #tpu.memory_space<vmem>>, vector<1x128xf32>
    %get3A_105 = arith.constant 0 : index
    %get3A_106 = arith.constant 0 : index
    %get3A_107 = vector.load %arg14[%get3A_105, %get3A_106] : memref<1x128xf32, #tpu.memory_space<vmem>>, vector<1x128xf32>
    %reduce_sum3A = arith.constant dense<0.000000e+00> : vector<2016xf32>
    %reduce_sum3A_108 = vector.multi_reduction <add>, %add3A_101, %reduce_sum3A [1] : vector<2016x128xf32> to vector<2016xf32>
    %broadcast_in_dim3A = vector.shape_cast %reduce_sum3A_108 : vector<2016xf32> to vector<2016x1xf32>
    %div3A_109 = arith.constant 1.280000e+02 : f32
    %div3A_110 = vector.broadcast %div3A_109 : f32 to vector<2016x1xf32>
    %div3A_111 = arith.divf %broadcast_in_dim3A, %div3A_110 : vector<2016x1xf32>
    %sub3A_112 = vector.broadcast %div3A_111 : vector<2016x1xf32> to vector<2016x128xf32>
    %sub3A_113 = arith.subf %add3A_101, %sub3A_112 : vector<2016x128xf32>
    %integer_pow3A = arith.mulf %sub3A_113, %sub3A_113 : vector<2016x128xf32>
    %reduce_sum3A_114 = arith.constant dense<0.000000e+00> : vector<2016xf32>
    %reduce_sum3A_115 = vector.multi_reduction <add>, %integer_pow3A, %reduce_sum3A_114 [1] : vector<2016x128xf32> to vector<2016xf32>
    %broadcast_in_dim3A_116 = vector.shape_cast %reduce_sum3A_115 : vector<2016xf32> to vector<2016x1xf32>
    %div3A_117 = arith.constant 1.280000e+02 : f32
    %div3A_118 = vector.broadcast %div3A_117 : f32 to vector<2016x1xf32>
    %div3A_119 = arith.divf %broadcast_in_dim3A_116, %div3A_118 : vector<2016x1xf32>
    %sub3A_120 = vector.broadcast %div3A_111 : vector<2016x1xf32> to vector<2016x128xf32>
    %sub3A_121 = arith.subf %add3A_101, %sub3A_120 : vector<2016x128xf32>
    %add3A_122 = arith.constant 9.99999974E-6 : f32
    %add3A_123 = vector.broadcast %add3A_122 : f32 to vector<2016x1xf32>
    %add3A_124 = arith.addf %div3A_119, %add3A_123 : vector<2016x1xf32>
    %sqrt3A = math.sqrt %add3A_124 : vector<2016x1xf32>
    %div3A_125 = vector.broadcast %sqrt3A : vector<2016x1xf32> to vector<2016x128xf32>
    %div3A_126 = arith.divf %sub3A_121, %div3A_125 : vector<2016x128xf32>
    %mul3A_127 = vector.broadcast %get3A_104 : vector<1x128xf32> to vector<2016x128xf32>
    %mul3A_128 = arith.mulf %div3A_126, %mul3A_127 : vector<2016x128xf32>
    %add3A_129 = vector.broadcast %get3A_107 : vector<1x128xf32> to vector<2016x128xf32>
    %add3A_130 = arith.addf %mul3A_128, %add3A_129 : vector<2016x128xf32>
    %add3A_131 = arith.addf %get3A_1, %add3A_130 : vector<2016x128xf32>
    %get3A_132 = arith.constant 0 : index
    %get3A_133 = arith.constant 0 : index
    %get3A_134 = vector.load %arg15[%get3A_132, %get3A_133] : memref<1x128xf32, #tpu.memory_space<vmem>>, vector<1x128xf32>
    %get3A_135 = arith.constant 0 : index
    %get3A_136 = arith.constant 0 : index
    %get3A_137 = vector.load %arg16[%get3A_135, %get3A_136] : memref<1x128xf32, #tpu.memory_space<vmem>>, vector<1x128xf32>
    %reduce_sum3A_138 = arith.constant dense<0.000000e+00> : vector<2016xf32>
    %reduce_sum3A_139 = vector.multi_reduction <add>, %add3A_131, %reduce_sum3A_138 [1] : vector<2016x128xf32> to vector<2016xf32>
    %broadcast_in_dim3A_140 = vector.shape_cast %reduce_sum3A_139 : vector<2016xf32> to vector<2016x1xf32>
    %div3A_141 = arith.constant 1.280000e+02 : f32
    %div3A_142 = vector.broadcast %div3A_141 : f32 to vector<2016x1xf32>
    %div3A_143 = arith.divf %broadcast_in_dim3A_140, %div3A_142 : vector<2016x1xf32>
    %sub3A_144 = vector.broadcast %div3A_143 : vector<2016x1xf32> to vector<2016x128xf32>
    %sub3A_145 = arith.subf %add3A_131, %sub3A_144 : vector<2016x128xf32>
    %integer_pow3A_146 = arith.mulf %sub3A_145, %sub3A_145 : vector<2016x128xf32>
    %reduce_sum3A_147 = arith.constant dense<0.000000e+00> : vector<2016xf32>
    %reduce_sum3A_148 = vector.multi_reduction <add>, %integer_pow3A_146, %reduce_sum3A_147 [1] : vector<2016x128xf32> to vector<2016xf32>
    %broadcast_in_dim3A_149 = vector.shape_cast %reduce_sum3A_148 : vector<2016xf32> to vector<2016x1xf32>
    %div3A_150 = arith.constant 1.280000e+02 : f32
    %div3A_151 = vector.broadcast %div3A_150 : f32 to vector<2016x1xf32>
    %div3A_152 = arith.divf %broadcast_in_dim3A_149, %div3A_151 : vector<2016x1xf32>
    %sub3A_153 = vector.broadcast %div3A_143 : vector<2016x1xf32> to vector<2016x128xf32>
    %sub3A_154 = arith.subf %add3A_131, %sub3A_153 : vector<2016x128xf32>
    %add3A_155 = arith.constant 9.99999974E-6 : f32
    %add3A_156 = vector.broadcast %add3A_155 : f32 to vector<2016x1xf32>
    %add3A_157 = arith.addf %div3A_152, %add3A_156 : vector<2016x1xf32>
    %sqrt3A_158 = math.sqrt %add3A_157 : vector<2016x1xf32>
    %div3A_159 = vector.broadcast %sqrt3A_158 : vector<2016x1xf32> to vector<2016x128xf32>
    %div3A_160 = arith.divf %sub3A_154, %div3A_159 : vector<2016x128xf32>
    %mul3A_161 = vector.broadcast %get3A_134 : vector<1x128xf32> to vector<2016x128xf32>
    %mul3A_162 = arith.mulf %div3A_160, %mul3A_161 : vector<2016x128xf32>
    %add3A_163 = vector.broadcast %get3A_137 : vector<1x128xf32> to vector<2016x128xf32>
    %add3A_164 = arith.addf %mul3A_162, %add3A_163 : vector<2016x128xf32>
    %get3A_165 = arith.constant 0 : index
    %get3A_166 = arith.constant 0 : index
    %get3A_167 = vector.load %arg17[%get3A_165, %get3A_166] : memref<128x512xf32, #tpu.memory_space<vmem>>, vector<128x512xf32>
    %dot_general3A_168 = arith.constant dense<0.000000e+00> : vector<2016x512xf32>
    %dot_general3A_169 = tpu.matmul %add3A_164, %get3A_167, %dot_general3A_168 {dimension_numbers = #tpu.dot_dimension_numbers<[1], [0], [0], [1], [0, 0, 1, 1], [], []>, transpose_lhs_hint = false} : vector<2016x128xf32>, vector<128x512xf32>, vector<2016x512xf32> -> vector<2016x512xf32>
    %get3A_170 = arith.constant 0 : index
    %get3A_171 = arith.constant 0 : index
    %get3A_172 = vector.load %arg18[%get3A_170, %get3A_171] : memref<1x512xf32, #tpu.memory_space<vmem>>, vector<1x512xf32>
    %add3A_173 = vector.broadcast %get3A_172 : vector<1x512xf32> to vector<2016x512xf32>
    %add3A_174 = arith.addf %dot_general3A_169, %add3A_173 : vector<2016x512xf32>
    %max3A = arith.constant 0.000000e+00 : f32
    %max3A_175 = vector.broadcast %max3A : f32 to vector<2016x512xf32>
    %max3A_176 = arith.maximumf %add3A_174, %max3A_175 : vector<2016x512xf32>
    %get3A_177 = arith.constant 0 : index
    %get3A_178 = arith.constant 0 : index
    %get3A_179 = vector.load %arg19[%get3A_177, %get3A_178] : memref<512x128xf32, #tpu.memory_space<vmem>>, vector<512x128xf32>
    %dot_general3A_180 = arith.constant dense<0.000000e+00> : vector<2016x128xf32>
    %dot_general3A_181 = tpu.matmul %max3A_176, %get3A_179, %dot_general3A_180 {dimension_numbers = #tpu.dot_dimension_numbers<[1], [0], [0], [1], [0, 0, 1, 1], [], []>, transpose_lhs_hint = false} : vector<2016x512xf32>, vector<512x128xf32>, vector<2016x128xf32> -> vector<2016x128xf32>
    %get3A_182 = arith.constant 0 : index
    %get3A_183 = arith.constant 0 : index
    %get3A_184 = vector.load %arg20[%get3A_182, %get3A_183] : memref<1x128xf32, #tpu.memory_space<vmem>>, vector<1x128xf32>
    %add3A_185 = vector.broadcast %get3A_184 : vector<1x128xf32> to vector<2016x128xf32>
    %add3A_186 = arith.addf %dot_general3A_181, %add3A_185 : vector<2016x128xf32>
    %get3A_187 = arith.constant 0 : index
    %get3A_188 = arith.constant 0 : index
    %get3A_189 = vector.load %arg21[%get3A_187, %get3A_188] : memref<1x128xf32, #tpu.memory_space<vmem>>, vector<1x128xf32>
    %get3A_190 = arith.constant 0 : index
    %get3A_191 = arith.constant 0 : index
    %get3A_192 = vector.load %arg22[%get3A_190, %get3A_191] : memref<1x128xf32, #tpu.memory_space<vmem>>, vector<1x128xf32>
    %reduce_sum3A_193 = arith.constant dense<0.000000e+00> : vector<2016xf32>
    %reduce_sum3A_194 = vector.multi_reduction <add>, %add3A_186, %reduce_sum3A_193 [1] : vector<2016x128xf32> to vector<2016xf32>
    %broadcast_in_dim3A_195 = vector.shape_cast %reduce_sum3A_194 : vector<2016xf32> to vector<2016x1xf32>
    %div3A_196 = arith.constant 1.280000e+02 : f32
    %div3A_197 = vector.broadcast %div3A_196 : f32 to vector<2016x1xf32>
    %div3A_198 = arith.divf %broadcast_in_dim3A_195, %div3A_197 : vector<2016x1xf32>
    %sub3A_199 = vector.broadcast %div3A_198 : vector<2016x1xf32> to vector<2016x128xf32>
    %sub3A_200 = arith.subf %add3A_186, %sub3A_199 : vector<2016x128xf32>
    %integer_pow3A_201 = arith.mulf %sub3A_200, %sub3A_200 : vector<2016x128xf32>
    %reduce_sum3A_202 = arith.constant dense<0.000000e+00> : vector<2016xf32>
    %reduce_sum3A_203 = vector.multi_reduction <add>, %integer_pow3A_201, %reduce_sum3A_202 [1] : vector<2016x128xf32> to vector<2016xf32>
    %broadcast_in_dim3A_204 = vector.shape_cast %reduce_sum3A_203 : vector<2016xf32> to vector<2016x1xf32>
    %div3A_205 = arith.constant 1.280000e+02 : f32
    %div3A_206 = vector.broadcast %div3A_205 : f32 to vector<2016x1xf32>
    %div3A_207 = arith.divf %broadcast_in_dim3A_204, %div3A_206 : vector<2016x1xf32>
    %sub3A_208 = vector.broadcast %div3A_198 : vector<2016x1xf32> to vector<2016x128xf32>
    %sub3A_209 = arith.subf %add3A_186, %sub3A_208 : vector<2016x128xf32>
    %add3A_210 = arith.constant 9.99999974E-6 : f32
    %add3A_211 = vector.broadcast %add3A_210 : f32 to vector<2016x1xf32>
    %add3A_212 = arith.addf %div3A_207, %add3A_211 : vector<2016x1xf32>
    %sqrt3A_213 = math.sqrt %add3A_212 : vector<2016x1xf32>
    %div3A_214 = vector.broadcast %sqrt3A_213 : vector<2016x1xf32> to vector<2016x128xf32>
    %div3A_215 = arith.divf %sub3A_209, %div3A_214 : vector<2016x128xf32>
    %mul3A_216 = vector.broadcast %get3A_189 : vector<1x128xf32> to vector<2016x128xf32>
    %mul3A_217 = arith.mulf %div3A_215, %mul3A_216 : vector<2016x128xf32>
    %add3A_218 = vector.broadcast %get3A_192 : vector<1x128xf32> to vector<2016x128xf32>
    %add3A_219 = arith.addf %mul3A_217, %add3A_218 : vector<2016x128xf32>
    %add3A_220 = arith.addf %add3A_131, %add3A_219 : vector<2016x128xf32>
    %swap3A = arith.constant 0 : index
    %swap3A_221 = arith.constant 0 : index
    %swap3A_222 = vector.load %arg23[%swap3A, %swap3A_221] : memref<2016x128xf32, #tpu.memory_space<vmem>>, vector<2016x128xf32>
    tpu.vector_store %arg23[%swap3A, %swap3A_221], %add3A_220 {strides = array<i32>} : memref<2016x128xf32, #tpu.memory_space<vmem>>, vector<2016x128xf32>,
    return
  }
  func.func @transform_0(%arg0: i32) -> (i32, i32) {
    %c0_i32 = arith.constant 0 : i32
    %c0_i32_0 = arith.constant 0 : i32
    return %arg0, %c0_i32 : i32, i32
  }
  func.func @transform_1(%arg0: i32) -> (i32, i32) {
    %c0_i32 = arith.constant 0 : i32
    %c0_i32_0 = arith.constant 0 : i32
    return %arg0, %c0_i32 : i32, i32
  }
  func.func @transform_2(%arg0: i32) -> (i32, i32, i32) {
    %c0_i32 = arith.constant 0 : i32
    %c0_i32_0 = arith.constant 0 : i32
    %c0_i32_1 = arith.constant 0 : i32
    return %c0_i32, %arg0, %c0_i32_0 : i32, i32, i32
  }
  func.func @transform_3(%arg0: i32) -> (i32, i32, i32) {
    %c0_i32 = arith.constant 0 : i32
    %c0_i32_0 = arith.constant 0 : i32
    %c0_i32_1 = arith.constant 0 : i32
    return %c0_i32, %arg0, %c0_i32_0 : i32, i32, i32
  }
  func.func @transform_4(%arg0: i32) -> (i32, i32) {
    %c0_i32 = arith.constant 0 : i32
    %c0_i32_0 = arith.constant 0 : i32
    %c0_i32_1 = arith.constant 0 : i32
    return %c0_i32, %c0_i32_0 : i32, i32
  }
  func.func @transform_5(%arg0: i32) -> (i32, i32) {
    %c0_i32 = arith.constant 0 : i32
    %c0_i32_0 = arith.constant 0 : i32
    %c0_i32_1 = arith.constant 0 : i32
    return %c0_i32, %c0_i32_0 : i32, i32
  }
  func.func @transform_6(%arg0: i32) -> (i32, i32) {
    %c0_i32 = arith.constant 0 : i32
    %c0_i32_0 = arith.constant 0 : i32
    %c0_i32_1 = arith.constant 0 : i32
    return %c0_i32, %c0_i32_0 : i32, i32
  }
  func.func @transform_7(%arg0: i32) -> (i32, i32) {
    %c0_i32 = arith.constant 0 : i32
    %c0_i32_0 = arith.constant 0 : i32
    %c0_i32_1 = arith.constant 0 : i32
    return %c0_i32, %c0_i32_0 : i32, i32
  }
  func.func @transform_8(%arg0: i32) -> (i32, i32) {
    %c0_i32 = arith.constant 0 : i32
    %c0_i32_0 = arith.constant 0 : i32
    %c0_i32_1 = arith.constant 0 : i32
    return %c0_i32, %c0_i32_0 : i32, i32
  }
  func.func @transform_9(%arg0: i32) -> (i32, i32) {
    %c0_i32 = arith.constant 0 : i32
    %c0_i32_0 = arith.constant 0 : i32
    %c0_i32_1 = arith.constant 0 : i32
    return %c0_i32, %c0_i32_0 : i32, i32
  }
  func.func @transform_10(%arg0: i32) -> (i32, i32) {
    %c0_i32 = arith.constant 0 : i32
    %c0_i32_0 = arith.constant 0 : i32
    %c0_i32_1 = arith.constant 0 : i32
    return %c0_i32, %c0_i32_0 : i32, i32
  }
  func.func @transform_11(%arg0: i32) -> (i32, i32) {
    %c0_i32 = arith.constant 0 : i32
    %c0_i32_0 = arith.constant 0 : i32
    %c0_i32_1 = arith.constant 0 : i32
    return %c0_i32, %c0_i32_0 : i32, i32
  }
  func.func @transform_12(%arg0: i32) -> (i32, i32) {
    %c0_i32 = arith.constant 0 : i32
    %c0_i32_0 = arith.constant 0 : i32
    %c0_i32_1 = arith.constant 0 : i32
    return %c0_i32, %c0_i32_0 : i32, i32
  }
  func.func @transform_13(%arg0: i32) -> (i32, i32) {
    %c0_i32 = arith.constant 0 : i32
    %c0_i32_0 = arith.constant 0 : i32
    %c0_i32_1 = arith.constant 0 : i32
    return %c0_i32, %c0_i32_0 : i32, i32
  }
  func.func @transform_14(%arg0: i32) -> (i32, i32) {
    %c0_i32 = arith.constant 0 : i32
    %c0_i32_0 = arith.constant 0 : i32
    %c0_i32_1 = arith.constant 0 : i32
    return %c0_i32, %c0_i32_0 : i32, i32
  }
  func.func @transform_15(%arg0: i32) -> (i32, i32) {
    %c0_i32 = arith.constant 0 : i32
    %c0_i32_0 = arith.constant 0 : i32
    %c0_i32_1 = arith.constant 0 : i32
    return %c0_i32, %c0_i32_0 : i32, i32
  }
  func.func @transform_16(%arg0: i32) -> (i32, i32) {
    %c0_i32 = arith.constant 0 : i32
    %c0_i32_0 = arith.constant 0 : i32
    %c0_i32_1 = arith.constant 0 : i32
    return %c0_i32, %c0_i32_0 : i32, i32
  }
  func.func @transform_17(%arg0: i32) -> (i32, i32) {
    %c0_i32 = arith.constant 0 : i32
    %c0_i32_0 = arith.constant 0 : i32
    %c0_i32_1 = arith.constant 0 : i32
    return %c0_i32, %c0_i32_0 : i32, i32
  }
  func.func @transform_18(%arg0: i32) -> (i32, i32) {
    %c0_i32 = arith.constant 0 : i32
    %c0_i32_0 = arith.constant 0 : i32
    %c0_i32_1 = arith.constant 0 : i32
    return %c0_i32, %c0_i32_0 : i32, i32
  }
  func.func @transform_19(%arg0: i32) -> (i32, i32) {
    %c0_i32 = arith.constant 0 : i32
    %c0_i32_0 = arith.constant 0 : i32
    %c0_i32_1 = arith.constant 0 : i32
    return %c0_i32, %c0_i32_0 : i32, i32
  }
  func.func @transform_20(%arg0: i32) -> (i32, i32) {
    %c0_i32 = arith.constant 0 : i32
    %c0_i32_0 = arith.constant 0 : i32
    %c0_i32_1 = arith.constant 0 : i32
    return %c0_i32, %c0_i32_0 : i32, i32
  }
  func.func @transform_21(%arg0: i32) -> (i32, i32) {
    %c0_i32 = arith.constant 0 : i32
    %c0_i32_0 = arith.constant 0 : i32
    %c0_i32_1 = arith.constant 0 : i32
    return %c0_i32, %c0_i32_0 : i32, i32
  }
  func.func @transform_22(%arg0: i32) -> (i32, i32) {
    %c0_i32 = arith.constant 0 : i32
    %c0_i32_0 = arith.constant 0 : i32
    return %arg0, %c0_i32 : i32, i32
  }
}

</mosaic_0001>

<sc_bundles>
// kernel: kernel.16.cloned.1.call-start
scs
__scs_entry_jumppad:
0x0: {  	(pc) =	sbr.rel $0x88, $3  }
0x1: {  	(tag) =	ssettag $0x0;
	lr =	simm.s32 $0x1  }
0x2: {  	[smem:$0x3F76] =	sst lr;
	_ =	strace $0xD0000000  }
0x3: {  	_ = 	snop  }
0x4: {  	_ = 	snop  }
0x5: {  	_ = 	snop  }
0x6: {  	_ = 	snop  }
0x7: {  	_ = 	snop  }
__scs_overlays_trampoline_lowered:
0x8: {  	[smem:$0x3F85] =	sst s0  }
0x9: {  	[smem:$0x3F86] =	sst s1  }
0xa: {  	[smem:$0x3F87] =	sst s2  }
0xb: {  	[smem:$0x3F88] =	sst s3  }
0xc: {  	[smem:$0x3F89] =	sst s4  }
0xd: {  	[smem:$0x3F8A] =	sst s5  }
0xe: {  	[smem:$0x3F8B] =	sst s6  }
0xf: {  	[smem:$0x3F8C] =	sst s7  }
0x10: {  	[smem:$0x3F8D] =	sst s8  }
0x11: {  	[smem:$0x3F8E] =	sst s9;
	s0 =	simm.s32 @!p0 $0x0  }
0x12: {  	s1 =	sld [smem:$0x3F74];
	s0 =	simm.s32 @p0 $0x1  }
0x13: {  	[smem:$0x3F8F] =	sst s0;
	s0 =	simm.s32 @!p1 $0x0  }
0x14: {  	s2 =	sld [smem:$0x3F73];
	s0 =	simm.s32 @p1 $0x1  }
0x15: {  	[smem:$0x3F90] =	sst s0;
	s0 =	simm.s32 @!p2 $0x0  }
0x16: {  	s3 =	sld [smem:$0x3FDB];
	s0 =	simm.s32 @p2 $0x1  }
0x17: {  	s4 =	simm.s32 $0x1BF5;
	[smem:$0x3F92] =	sst s0  }
0x18: {  	s0 =	sld [smem:$0x3F75];
	_ =	swait.ge [sflag:s4], $0x0  }
0x19: {  	s7 =	sld [smem:$0x3F76]  }
0x1a: {  	s8 =	sadd.s32 $0xFFFFE003, lr  }
0x1b: {  	s9 =	sadd.s32 $0xFFFFFEF7, lr;
	s5 =	simm.s32 $0xFFFFFFFF;
	p2 =	slt.u32 s8, $0xFFFFF086  }
0x1c: {  	p1 =	slt.u32 s9, $0xF7A;
	s5 =	simm.s32 @!p2 $0x0  }
0x1d: {  	s5 =	simm.s32 @p1 $0x1;
	p0 =	seq.s32 s7, s2  }
0x1e: {  	s7 =	smul.u32 @!p0 $0xF7A, s2;
	p2 =	seq.s32 @!p0 s5, $0x0  }
0x1f: {  	s9 =	smul.u32 $0xF7A, s1;
	s8 =	simm.s32 @!p0 $0x1BF5;
	p2 =	por !p2, p0  }
0x20: {  	[sflag:s8] =	ssyncset.s32 @!p0 $0xFFFFF086;
	s6 =	sadd.s32 @!p0 s3, s7;
	s7 =	simm.s32 @!p0 $0x108  }
0x21: {  	s3 =	sadd.s32 s3, s9;
	s6 =	sadd.s32 @!p0 $0x88, s6;
	s7 =	simm.s32 @p2 $0x1082  }
0x22: {  	[simem:s7], [sflag:s8] =	dma.local @!p0 [hbm:s6], $0xF7A  }
0x23: {  	s9 =	sor.u32 $0xD0000000, s2;
	s6 =	simm.s32 $0x108;
	_ =	swait.ge @!p0 [sflag:s8], $0x0  }
0x24: {  	s3 =	sadd.s32 $0x88, s3;
	s6 =	simm.s32 @!p1 $0x1082;
	[sflag:s4] =	ssyncset.s32 $0xFFFFF086  }
0x25: {  	[simem:s6], [sflag:s4] =	dma.local [hbm:s3], $0xF7A  }
0x26: {  	[smem:$0x3F76] =	sst s1;
	(tag) =	ssettag s2;
	_ =	strace s9  }
0x27: {  	s1 =	sld [smem:$0x3F86]  }
0x28: {  	s2 =	sld [smem:$0x3F87]  }
0x29: {  	s4 =	sld [smem:$0x3F89]  }
0x2a: {  	p0 =	seq.s32 s5, $0x0;
	s5 =	sld [smem:$0x3F8A]  }
0x2b: {  	s6 =	sld [smem:$0x3F8B]  }
0x2c: {  	s7 =	sld [smem:$0x3F8C]  }
0x2d: {  	s3 =	simm.s32 $0x108;
	s8 =	sld [smem:$0x3F8D]  }
0x2e: {  	s3 =	simm.s32 @!p0 $0x1082;
	s9 =	sld [smem:$0x3F8E]  }
0x2f: {  	lr =	sadd.s32 s0, s3;
	s0 =	sld [smem:$0x3F85]  }
0x30: {  	s3 =	sld [smem:$0x3F88]  }
0x31: {  	[smem:$0x3F91] =	sst s10  }
0x32: {  	s10 =	sld [smem:$0x3F8F];
	_ =	sdelay $0x3  }
0x33: {  	p0 =	seq.s32 s10, $0x1;
	s10 =	sld [smem:$0x3F91];
	_ =	sdelay $0x3  }
0x34: {  	[smem:$0x3F91] =	sst s10  }
0x35: {  	s10 =	sld [smem:$0x3F90];
	_ =	sdelay $0x3  }
0x36: {  	p1 =	seq.s32 s10, $0x1;
	s10 =	sld [smem:$0x3F91];
	_ =	sdelay $0x3  }
0x37: {  	[smem:$0x3F91] =	sst s10  }
0x38: {  	s10 =	sld [smem:$0x3F92]  }
0x39: {  	_ = 	snop;
	(pc) =	sbr.ind lr, $3  }
0x3a: {  	_ = 	snop  }
0x3b: {  	_ = 	snop  }
0x3c: {  	p2 =	seq.s32 s10, $0x1;
	s10 =	sld [smem:$0x3F91]  }
0x3d: {  	_ =	shalt  }
0x3e: {  	_ =	shalt  }
0x3f: {  	_ =	shalt  }
0x40: {  	_ =	shalt  }
0x41: {  	_ =	shalt  }
0x42: {  	_ =	shalt  }
0x43: {  	_ =	shalt  }
0x44: {  	_ =	shalt  }
0x45: {  	_ =	shalt  }
0x46: {  	_ =	shalt  }
0x47: {  	_ =	shalt  }
0x48: {  	_ =	shalt  }
0x49: {  	_ =	shalt  }
0x4a: {  	_ =	shalt  }
0x4b: {  	_ =	shalt  }
0x4c: {  	_ =	shalt  }
0x4d: {  	_ =	shalt  }
0x4e: {  	_ =	shalt  }
0x4f: {  	_ =	shalt  }
0x50: {  	_ =	shalt  }
0x51: {  	_ =	shalt  }
0x52: {  	_ =	shalt  }
0x53: {  	_ =	shalt  }
0x54: {  	_ =	shalt  }
0x55: {  	_ =	shalt  }
0x56: {  	_ =	shalt  }
0x57: {  	_ =	shalt  }
0x58: {  	_ =	shalt  }
0x59: {  	_ =	shalt  }
0x5a: {  	_ =	shalt  }
0x5b: {  	_ =	shalt  }
0x5c: {  	_ =	shalt  }
0x5d: {  	_ =	shalt  }
0x5e: {  	_ =	shalt  }
0x5f: {  	_ =	shalt  }
0x60: {  	_ =	shalt  }
0x61: {  	_ =	shalt  }
0x62: {  	_ =	shalt  }
0x63: {  	_ =	shalt  }
0x64: {  	_ =	shalt  }
0x65: {  	_ =	shalt  }
0x66: {  	_ =	shalt  }
0x67: {  	_ =	shalt  }
0x68: {  	_ =	shalt  }
0x69: {  	_ =	shalt  }
0x6a: {  	_ =	shalt  }
0x6b: {  	_ =	shalt  }
0x6c: {  	_ =	shalt  }
0x6d: {  	_ =	shalt  }
0x6e: {  	_ =	shalt  }
0x6f: {  	_ =	shalt  }
0x70: {  	_ =	shalt  }
0x71: {  	_ =	shalt  }
0x72: {  	_ =	shalt  }
0x73: {  	_ =	shalt  }
0x74: {  	_ =	shalt  }
0x75: {  	_ =	shalt  }
0x76: {  	_ =	shalt  }
0x77: {  	_ =	shalt  }
0x78: {  	_ =	shalt  }
0x79: {  	_ =	shalt  }
0x7a: {  	_ =	shalt  }
0x7b: {  	_ =	shalt  }
0x7c: {  	_ =	shalt  }
0x7d: {  	_ =	shalt  }
0x7e: {  	_ =	shalt  }
0x7f: {  	_ =	shalt  }
0x80: {  	_ =	shalt  }
0x81: {  	_ =	shalt  }
0x82: {  	_ =	shalt  }
0x83: {  	_ =	shalt  }
0x84: {  	_ =	shalt  }
0x85: {  	_ =	shalt  }
0x86: {  	_ =	shalt  }
0x87: {  	_ =	shalt  }
.Lfunc_end0:
.L_simem_size_0:
called_computation_lowered:
.L_overlay_start_0:
0x88: {  	s2 =	sld [smem:$0x3FD9]  }
0x89: {  	s3 =	sld [smem:$0x3FFE];
	_ =	sdelay $0x1  }
0x8a: {  	s1 =	srdreg.scid  }
0x8b: {  	s0 =	sand.u32 $0x1, s1  }
0x8c: {  	s17 =	sshll.u32 s0, $0xA;
	s2 =	sadd.s32 s3, s2  }
0x8d: {  	s2 =	sadd.s32 s2, s17  }
0x8e: {  	[smem:$0x3F9D] =	sst s2  }
0x8f: {  	_ = 	snop  }
0x90: {  	(tm) =	ssettm $0x1  }
0x91: {  	s18 =	sld [smem:$0x3FFB];
	_ =	sdelay $0x3  }
0x92: {  	_ =	strace s18  }
0x93: {  	s2 =	sld [smem:$0x3FFC];
	_ =	sdelay $0x3  }
0x94: {  	_ =	strace s2  }
0x95: {  	s2 =	sld [smem:$0x3FFD];
	_ =	sdelay $0x3  }
0x96: {  	_ =	strace s2  }
0x97: {  	_ =	strace $0x8FFFFFFF  }
0x98: {  	s19 =	sld [smem:$0x3FDB];
	_ =	sdelay $0x1  }
0x99: {  	s20 =	simm.s32 $_scs_section_size  }
0x9a: {  	s4 =	simm.s32 $_size__tile_overlayer_lowered;
	s5 =	simm.s32 $_tile_overlayer_lowered  }
0x9b: {  	s6 =	simm.s32 $0x1BFF;
	s21 =	sshll.u32 s5, $0x1;
	s3 =	sadd.s32 s20, s19  }
0x9c: {  	s22 =	simm.s32 $0x0;
	s4 =	sshll.u32 s4, $0x1;
	s5 =	sadd.s32 s21, s3  }
0x9d: {  	[timem:s22], [sflag:s6] =	dma.local [hbm:s5], s4  }
0x9e: {  	_ =	swait.ge [sflag:s6], s4  }
0x9f: {  	s4 =	ssub.s32 $0x0, s4;
	[sflag:s6] =	ssyncset.done $0x0  }
0xa0: {  	[sflag:s6] =	ssyncadd.s32 s4;
	_ =	sdelay $0x1  }
0xa1: {  	s23 =	simm.s32 $0x1B8B  }
0xa2: {  	_ =	swait.ge [sflag:s23], $0x1  }
0xa3: {  	[sflag:s23] =	ssyncset.done $0x0  }
0xa4: {  	[sflag:s23] =	ssyncadd.s32 $0xFFFFFFFF  }
0xa5: {  	s4 =	sld [smem:$0x0]  }
0xa6: {  	s5 =	sand.u32 $0xFFFFFFFE, s1  }
0xa7: {  	p0 =	sne.s32 s1, s5  }
0xa8: {  	s5 =	sshll.u32 @p0 s5, $0xE  }
0xa9: {  	s5 =	sadd.s32 @p0 $0x11B8D, s5;
	s6 =	sshll.u32 @p0 s4, $0x11  }
0xaa: {  	s5 =	sor.u32 @p0 s6, s5  }
0xab: {  	[sflag:s5] =	ssyncadd.remote.s32 @p0 $0x1;
	_ =	sdelay $0x1  }
0xac: {  	s5 =	simm.s32 @p0 $0x1B8D  }
0xad: {  	_ =	swait.eq @p0 [sflag:s5], $0x1  }
0xae: {  	[sflag:s5] =	ssyncadd.s32 @p0 $0xFFFFFFFF  }
0xaf: {  	s6 =	sshll.u32 @!p0 s1, $0xE  }
0xb0: {  	s6 =	sor.u32 @!p0 $0x4000, s6;
	s5 =	simm.s32 @!p0 $0x1B8D  }
0xb1: {  	s4 =	sshll.u32 @!p0 s4, $0x11;
	s6 =	sadd.s32 @!p0 $0x11B8D, s6;
	_ =	swait.eq @!p0 [sflag:s5], $0x1  }
0xb2: {  	s4 =	sor.u32 @!p0 s4, s6;
	[sflag:s5] =	ssyncadd.s32 @!p0 $0xFFFFFFFF  }
0xb3: {  	s25 =	simm.s32 $0x1B8E;
	s24 =	sld [smem:$0x3FFE];
	[sflag:s4] =	ssyncadd.remote.s32 @!p0 $0x1  }
0xb4: {  	s26 =	simm.s32 $execute0_lowered;
	[smem:$0x3FD2] =	sst s25  }
0xb5: {  	s5 =	sshll.u32 s26, $0x1;
	_ =	strace $0x80000049;
	[dreg:$0x1] =	wrdreg $0xFFFFFFFF  }
0xb6: {  	s28 =	simm.s32 $_size_execute0_lowered;
	s3 =	sadd.s32 s3, s5;
	[dreg:$0x0] =	wrdreg $0x0  }
0xb7: {  	s5 =	sshll.u32 s28, $0x1;
	[dreg:$0x2] =	wrdreg s3  }
0xb8: {  	[dreg:$0x3] =	wrdreg s5  }
0xb9: {  	[dreg:$0x4] =	wrdreg $0xC0  }
0xba: {  	_ =	task [dreg:s22], $0x5FFFF  }
0xbb: {  	[dreg:$0x1] =	wrdreg $0xFFFFFFFF  }
0xbc: {  	[dreg:$0x0] =	wrdreg $0x60  }
0xbd: {  	[dreg:$0x2] =	wrdreg s24  }
0xbe: {  	[dreg:$0x3] =	wrdreg $0x9  }
0xbf: {  	_ =	task.clear_ibuf [dreg:s22], $0x4FFFF;
	_ =	strace $0x90000049  }
0xc0: {  	s29 =	simm.s32 $0x9;
	_ =	strace $0x8000004B  }
0xc1: {  	_ =	swait.ge [sflag:s29], $0x1  }
0xc2: {  	[sflag:s29] =	ssyncadd.s32 $0xFFFFFFFF  }
0xc3: {  	_ =	strace $0x9000004B  }
0xc4: {  	_ =	sfence  }
0xc5: {  	s30 =	sld [smem:$0x0];
	_ =	sdelay $0x2  }
0xc6: {  	s31 =	sshll.u32 s1, $0xD;
	s1 =	sshrl.u32 s1, $0x2  }
0xc7: {  	s4 =	sand.u32 $0x4000, s31;
	s1 =	sadd.s32 s1, s30  }
0xc8: {  	s0 =	sor.u32 s4, s0;
	s1 =	sshll.u32 s1, $0x11  }
0xc9: {  	s0 =	sor.u32 s1, s0  }
0xca: {  	s0 =	sadd.s32 $0x8F2B, s0  }
0xcb: {  	[sflag:s0] =	ssyncadd.remote.s32 $0x1  }
0xcc: {  	_ =	sfence.sel $0xFFFF  }
0xcd: {  	[dreg:$0x0] =	wrdreg $0xFFFFFFFF;
	(pc) =	sbr.abs _section_cstart, $3  }
0xce: {  	[dreg:$0x1] =	wrdreg $0xFFFFFFFF  }
0xcf: {  	_ =	task.clear_ibuf [dreg:s22], $0x2FFFF;
	_ =	strace $0x9FFFFFFF  }
0xd0: {  	(tm) =	ssettm $0x7FFFFFFF  }
0xd1: {  	_ =	shalt  }
tec
execute0_lowered:
.L_overlay_start_1:
0x0: {  	(tag) =	ssettag $0x1  }
0x1: {  	s1 =	srdreg.scid;
	s0 =	stileid.u32  }
0x2: {  	s1 =	sand.u32 $0x1, s1;
	s2 =	smul.u32 $0xD20, s0  }
0x3: {  	s3 =	smul.u32 $0x690, s1;
	_ =	sdelay $0x1  }
0x4: {  	s5 =	rddreg [dreg:$0x0];
	s3 =	sadd.s32 s3, s2;
	s2 =	simm.s32 $0x0  }
0x5: {  	s22 =	simm.s32 $0x80;
	[smem:$0x7FF] =	sst s2  }
0x6: {  	s23 =	simm.s32 $0x900;
	_ =	strace $0x8000004A;
	[dreg:$0x4] =	wrdreg s22  }
0x7: {  	s24 =	simm.s32 $0x1100;
	[dreg:$0x5] =	wrdreg s23  }
0x8: {  	s25 =	simm.s32 $0x1900;
	[dreg:$0x6] =	wrdreg s24  }
0x9: {  	s26 =	simm.s32 $0x2100;
	[dreg:$0x7] =	wrdreg s25  }
0xa: {  	s30 =	simm.s32 $0x2900;
	[dreg:$0x8] =	wrdreg s26  }
0xb: {  	s31 =	simm.s32 $0x3100;
	[dreg:$0x9] =	wrdreg s30  }
0xc: {  	s7 =	simm.s32 $0x4100;
	[dreg:$0xa] =	wrdreg s31  }
0xd: {  	s8 =	simm.s32 $0x4900;
	[dreg:$0xc] =	wrdreg s7  }
0xe: {  	s9 =	simm.s32 $0x5100;
	[dreg:$0xd] =	wrdreg s8  }
0xf: {  	s10 =	simm.s32 $0x6100;
	s11 =	simm.s32 $0x6900;
	[dreg:$0xe] =	wrdreg s9  }
0x10: {  	s12 =	simm.s32 $0x7100;
	s13 =	simm.s32 $0x8100;
	[dreg:$0x10] =	wrdreg s10  }
0x11: {  	s14 =	simm.s32 $0x8500;
	s16 =	simm.s32 $0x8D00;
	[dreg:$0x11] =	wrdreg s11  }
0x12: {  	s17 =	simm.s32 $0x9100;
	s18 =	simm.s32 $0x9900;
	[dreg:$0x12] =	wrdreg s12  }
0x13: {  	s19 =	simm.s32 $0x9D00;
	s20 =	simm.s32 $0xA500;
	[dreg:$0x13] =	wrdreg s13  }
0x14: {  	s28 =	simm.s32 $0x1;
	s29 =	simm.s32 $0x0;
	[dreg:$0x14] =	wrdreg s14  }
0x15: {  	s15 =	ssub.s32 $0x2, s1;
	s6 =	sshrl.u32 s3, $0x3;
	[dreg:$0x15] =	wrdreg s16  }
0x16: {  	s1 =	smul.u32 $0xD200, s1;
	s3 =	sadd.s32 s6, s5;
	[dreg:$0x16] =	wrdreg s17  }
0x17: {  	s7 =	simm.s32 $0x5900;
	s8 =	smul.u32 $0x1A400, s0;
	[dreg:$0x17] =	wrdreg s18  }
0x18: {  	s6 =	smul.u32 $0x180, s6;
	s10 =	sshrl.u32 s15, $0x1;
	[dreg:$0x18] =	wrdreg s19  }
0x19: {  	[dreg:$0x19] =	wrdreg s20;
	s22 =	simm.s32 $0xA900;
	s23 =	simm.s32 $0xB100  }
0x1a: {  	s24 =	simm.s32 $0xB500;
	s25 =	simm.s32 $0xBD00;
	s26 =	simm.s32 $0xC100  }
0x1b: {  	s30 =	simm.s32 $0xC900;
	s11 =	simm.s32 $0x7900;
	[dreg:$0xf] =	wrdreg s7  }
0x1c: {  	s31 =	simm.s32 $0xCD00;
	s12 =	simm.s32 $0xD500;
	[dreg:$0x1a] =	wrdreg s22  }
0x1d: {  	s13 =	simm.s32 $0xD900;
	s14 =	simm.s32 $0xE100;
	[dreg:$0x1b] =	wrdreg s23  }
0x1e: {  	s16 =	simm.s32 $0xED00;
	s17 =	simm.s32 $0xF100;
	[dreg:$0x1c] =	wrdreg s24  }
0x1f: {  	s18 =	simm.s32 $0xF900;
	s19 =	simm.s32 $0xFD00;
	[dreg:$0x1d] =	wrdreg s25  }
0x20: {  	s20 =	simm.s32 $0x10500;
	s4 =	sadd.s32 $0x517A00, s3;
	[dreg:$0x1e] =	wrdreg s26  }
0x21: {  	s3 =	sadd.s32 $0x515E00, s3;
	s7 =	ssub.s32 s15, s10;
	[dreg:$0x1f] =	wrdreg s30  }
0x22: {  	s10 =	simm.s32 $0x100;
	[smem:$0x7FD] =	sst s31;
	s15 =	simm.s32 $0xE500  }
0x23: {  	s22 =	simm.s32 $0x11100;
	s23 =	simm.s32 $0x11500;
	s24 =	simm.s32 $0x11D00  }
0x24: {  	s25 =	simm.s32 $0x12100;
	s26 =	simm.s32 $0x12900;
	[dreg:$0x2] =	wrdreg s4  }
0x25: {  	[dreg:$0x3] =	wrdreg s3;
	s4 =	simm.s32 $0x3900;
	s3 =	sadd.s32 $0xFA00, s5  }
0x26: {  	s8 =	sadd.s32 s8, s5;
	s9 =	sadd.s32 s6, s5;
	s21 =	smax.u32 s7, $0x1  }
0x27: {  	v2 =	vlaneseq.u32;
	[dreg:$0xb] =	wrdreg s4;
	s4 =	sadd.s32 $0x5E600, s5;
	s5 =	sadd.s32 $0x5E700, s5  }
0x28: {  	vm0 =	vmmov $0xffff;
	vm1 =	vmmov $0xff;
	v1 =	vshrl.u32 v2, $0x3;
	[smem:$0x7FC] =	sst s21;
	s1 =	sadd.s32 s1, s8;
	s8 =	sadd.s32 $0x6BD600, s9  }
0x29: {  	v0 =	vand.u32 $0x7, v2;
	v2 =	vor.u32 $0x8, v2;
	v1 =	vmul.u32 $0x8, v1;
	s9 =	simm.s32 $0x2;
	s21 =	simm.s32 $0x10900;
	s7 =	sadd.s32 $0x519600, s1  }
.LBB2_1:
0x2a: {  	s30 =	smov.u32 s8;
	s31 =	smov.u32 s7;
	s1 =	simm.s32 $0x0  }
.LBB2_2:
0x2b: {  	s0 =	rddreg [dreg:$0x3]  }
0x2c: {  	s0 =	sadd.s32 s1, s0  }
0x2d: {  	[tilespmem:s2], [sflag:$0x2] =	stream.linear.gather [hbm4b:s0+s2], $0x78, $0x38;
	[tilespmem:$0x12D00] =	vst v63  }
0x2e: {  	_ =	swait.ge [sflag:s9], $0x78  }
0x2f: {  	s0 =	rddreg [dreg:$0x2];
	[sflag:s9] =	ssyncset.done $0x0  }
0x30: {  	s6 =	rddreg [dreg:$0x4];
	[sflag:s9] =	ssyncadd.s32 $0xFFFFFF88;
	s0 =	sadd.s32 s1, s0  }
0x31: {  	[tilespmem:s6], [sflag:$0x2] =	stream.linear.gather [hbm4b:s0+s2], $0x78, $0x38;
	[tilespmem:$0x12D00] =	vst v63  }
0x32: {  	_ =	swait.ge [sflag:s9], $0x78  }
0x33: {  	[sflag:s9] =	ssyncset.done $0x0  }
0x34: {  	[sflag:s9] =	ssyncadd.s32 $0xFFFFFF88  }
0x35: {  	v3 =	vld [tilespmem:$0x80];
	_ =	sdelay $0x4  }
0x36: {  	v4 =	vshll.u32 v3, $0x1  }
0x37: {  	v3 =	vand.u32 $0x7, v3;
	v4 =	vand.u32 $0xFFFFFFF0, v4  }
0x38: {  	v3 =	vor.u32 v3, v4  }
0x39: {  	v4 =	vperm.xlane v3, v0;
	_ =	sdelay $0x1  }
0x3a: {  	v3 =	vperm.xlane v3, v2;
	v4 =	vadd.s32 v1, v4;
	_ =	sdelay $0x1  }
0x3b: {  	v3 =	vadd.s32 v1, v3;
	_ =	sdelay $0x2  }
0x3c: {  	[tilespmem:s10], [sflag:$0x1] =	stream.indirect_vreg.gather [hbm4b:s3+s2], $0x80, v4, vm0, $0xb8;
	[tilespmem:$0x12D00] =	vst v63  }
0x3d: {  	s6 =	rddreg [dreg:$0x5]  }
0x3e: {  	[tilespmem:s6], [sflag:$0x1] =	stream.indirect_vreg.gather [hbm4b:s3+s2], $0x80, v3, vm0, $0xb8;
	[tilespmem:$0x12D00] =	vst v63  }
0x3f: {  	v3 =	vld [tilespmem:$0x90];
	_ =	sdelay $0x4  }
0x40: {  	v49 =	vshll.u32 v3, $0x1  }
0x41: {  	v3 =	vand.u32 $0x7, v3;
	v4 =	vand.u32 $0xFFFFFFF0, v49  }
0x42: {  	v3 =	vor.u32 v3, v4  }
0x43: {  	v4 =	vperm.xlane v3, v0;
	_ =	sdelay $0x1  }
0x44: {  	v3 =	vperm.xlane v3, v2;
	v4 =	vadd.s32 v1, v4;
	_ =	sdelay $0x1  }
0x45: {  	v3 =	vadd.s32 v1, v3;
	_ =	sdelay $0x1  }
0x46: {  	s0 =	rddreg [dreg:$0x6]  }
0x47: {  	[tilespmem:s0], [sflag:$0x1] =	stream.indirect_vreg.gather [hbm4b:s3+s2], $0x80, v4, vm0, $0xb8;
	[tilespmem:$0x12D00] =	vst v63  }
0x48: {  	s6 =	rddreg [dreg:$0x7]  }
0x49: {  	[tilespmem:s6], [sflag:$0x1] =	stream.indirect_vreg.gather [hbm4b:s3+s2], $0x80, v3, vm0, $0xb8;
	[tilespmem:$0x12D00] =	vst v63  }
0x4a: {  	v3 =	vld [tilespmem:$0xA0];
	_ =	sdelay $0x4  }
0x4b: {  	v50 =	vshll.u32 v3, $0x1  }
0x4c: {  	v3 =	vand.u32 $0x7, v3;
	v4 =	vand.u32 $0xFFFFFFF0, v50  }
0x4d: {  	v3 =	vor.u32 v3, v4  }
0x4e: {  	v4 =	vperm.xlane v3, v0;
	_ =	sdelay $0x1  }
0x4f: {  	v3 =	vperm.xlane v3, v2;
	v4 =	vadd.s32 v1, v4;
	_ =	sdelay $0x1  }
0x50: {  	v3 =	vadd.s32 v1, v3;
	_ =	sdelay $0x1  }
0x51: {  	s0 =	rddreg [dreg:$0x8]  }
0x52: {  	[tilespmem:s0], [sflag:$0x1] =	stream.indirect_vreg.gather [hbm4b:s3+s2], $0x80, v4, vm0, $0xb8;
	[tilespmem:$0x12D00] =	vst v63  }
0x53: {  	s6 =	rddreg [dreg:$0x9]  }
0x54: {  	[tilespmem:s6], [sflag:$0x1] =	stream.indirect_vreg.gather [hbm4b:s3+s2], $0x80, v3, vm0, $0xb8;
	[tilespmem:$0x12D00] =	vst v63  }
0x55: {  	v3 =	vld [tilespmem:$0xB0];
	_ =	sdelay $0x4  }
0x56: {  	v51 =	vshll.u32 v3, $0x1  }
0x57: {  	v3 =	vand.u32 $0x7, v3;
	v4 =	vand.u32 $0xFFFFFFF0, v51  }
0x58: {  	v3 =	vor.u32 v3, v4  }
0x59: {  	v4 =	vperm.xlane v3, v0;
	_ =	sdelay $0x1  }
0x5a: {  	v3 =	vperm.xlane v3, v2;
	v4 =	vadd.s32 v1, v4;
	_ =	sdelay $0x1  }
0x5b: {  	v3 =	vadd.s32 v1, v3;
	_ =	sdelay $0x1  }
0x5c: {  	s0 =	rddreg [dreg:$0xa]  }
0x5d: {  	[tilespmem:s0], [sflag:$0x1] =	stream.indirect_vreg.gather [hbm4b:s3+s2], $0x80, v4, vm0, $0xb8;
	[tilespmem:$0x12D00] =	vst v63  }
0x5e: {  	s6 =	rddreg [dreg:$0xb]  }
0x5f: {  	[tilespmem:s6], [sflag:$0x1] =	stream.indirect_vreg.gather [hbm4b:s3+s2], $0x80, v3, vm0, $0xb8;
	[tilespmem:$0x12D00] =	vst v63  }
0x60: {  	v3 =	vld [tilespmem:$0xC0];
	_ =	sdelay $0x4  }
0x61: {  	v52 =	vshll.u32 v3, $0x1  }
0x62: {  	v3 =	vand.u32 $0x7, v3;
	v4 =	vand.u32 $0xFFFFFFF0, v52  }
0x63: {  	v3 =	vor.u32 v3, v4  }
0x64: {  	v4 =	vperm.xlane v3, v0;
	_ =	sdelay $0x1  }
0x65: {  	v3 =	vperm.xlane v3, v2;
	v4 =	vadd.s32 v1, v4;
	_ =	sdelay $0x1  }
0x66: {  	v3 =	vadd.s32 v1, v3;
	_ =	sdelay $0x1  }
0x67: {  	s0 =	rddreg [dreg:$0xc]  }
0x68: {  	[tilespmem:s0], [sflag:$0x1] =	stream.indirect_vreg.gather [hbm4b:s3+s2], $0x80, v4, vm0, $0xb8;
	[tilespmem:$0x12D00] =	vst v63  }
0x69: {  	s6 =	rddreg [dreg:$0xd]  }
0x6a: {  	[tilespmem:s6], [sflag:$0x1] =	stream.indirect_vreg.gather [hbm4b:s3+s2], $0x80, v3, vm0, $0xb8;
	[tilespmem:$0x12D00] =	vst v63  }
0x6b: {  	v3 =	vld [tilespmem:$0xD0];
	_ =	sdelay $0x4  }
0x6c: {  	v53 =	vshll.u32 v3, $0x1  }
0x6d: {  	v3 =	vand.u32 $0x7, v3;
	v4 =	vand.u32 $0xFFFFFFF0, v53  }
0x6e: {  	v3 =	vor.u32 v3, v4  }
0x6f: {  	v4 =	vperm.xlane v3, v0;
	_ =	sdelay $0x1  }
0x70: {  	v3 =	vperm.xlane v3, v2;
	v4 =	vadd.s32 v1, v4;
	_ =	sdelay $0x1  }
0x71: {  	v3 =	vadd.s32 v1, v3;
	_ =	sdelay $0x1  }
0x72: {  	s0 =	rddreg [dreg:$0xe]  }
0x73: {  	[tilespmem:s0], [sflag:$0x1] =	stream.indirect_vreg.gather [hbm4b:s3+s2], $0x80, v4, vm0, $0xb8;
	[tilespmem:$0x12D00] =	vst v63  }
0x74: {  	s6 =	rddreg [dreg:$0xf]  }
0x75: {  	[tilespmem:s6], [sflag:$0x1] =	stream.indirect_vreg.gather [hbm4b:s3+s2], $0x80, v3, vm0, $0xb8;
	[tilespmem:$0x12D00] =	vst v63  }
0x76: {  	v3 =	vld [tilespmem:$0xE0];
	_ =	sdelay $0x4  }
0x77: {  	v54 =	vshll.u32 v3, $0x1  }
0x78: {  	v3 =	vand.u32 $0x7, v3;
	v4 =	vand.u32 $0xFFFFFFF0, v54  }
0x79: {  	v3 =	vor.u32 v3, v4  }
0x7a: {  	v4 =	vperm.xlane v3, v0;
	_ =	sdelay $0x1  }
0x7b: {  	v3 =	vperm.xlane v3, v2;
	v4 =	vadd.s32 v1, v4;
	_ =	sdelay $0x1  }
0x7c: {  	v3 =	vadd.s32 v1, v3;
	_ =	sdelay $0x1  }
0x7d: {  	s0 =	rddreg [dreg:$0x10]  }
0x7e: {  	[tilespmem:s0], [sflag:$0x1] =	stream.indirect_vreg.gather [hbm4b:s3+s2], $0x80, v4, vm0, $0xb8;
	[tilespmem:$0x12D00] =	vst v63  }
0x7f: {  	s6 =	rddreg [dreg:$0x11]  }
0x80: {  	[tilespmem:s6], [sflag:$0x1] =	stream.indirect_vreg.gather [hbm4b:s3+s2], $0x80, v3, vm0, $0xb8;
	[tilespmem:$0x12D00] =	vst v63  }
0x81: {  	v3 =	vld.msk [tilespmem:$0xF0], $0xff;
	_ =	sdelay $0x4  }
0x82: {  	v55 =	vshll.u32 v3, $0x1  }
0x83: {  	v3 =	vand.u32 $0x7, v3;
	v4 =	vand.u32 $0xFFFFFFF0, v55  }
0x84: {  	v3 =	vor.u32 v3, v4  }
0x85: {  	v3 =	vperm.xlane v3, v0;
	_ =	sdelay $0x1  }
0x86: {  	v3 =	vadd.s32 v1, v3;
	_ =	sdelay $0x3  }
0x87: {  	s6 =	rddreg [dreg:$0x12]  }
0x88: {  	[tilespmem:s6], [sflag:$0x1] =	stream.indirect_vreg.gather [hbm4b:s3+s2], $0x80, v3, vm0, $0xb8;
	[tilespmem:$0x12D00] =	vst v63  }
0x89: {  	v3 =	vld [tilespmem:$0x0];
	_ =	sdelay $0x4  }
0x8a: {  	v56 =	vshrl.u32 v3, $0x3  }
0x8b: {  	v4 =	vmul.u32 $0x18, v56  }
0x8c: {  	v3 =	vand.u32 $0x7, v3  }
0x8d: {  	v3 =	vor.u32 v3, v4  }
0x8e: {  	v4 =	vperm.xlane v3, v0;
	_ =	sdelay $0x1  }
0x8f: {  	v4 =	vadd.s32 v1, v4;
	_ =	sdelay $0x1  }
0x90: {  	v3 =	vperm.xlane v3, v2;
	_ =	sdelay $0x1  }
0x91: {  	v3 =	vadd.s32 v1, v3  }
0x92: {  	[tilespmem:s11], [sflag:$0x1] =	stream.indirect_vreg.gather [hbm4b:s4+s2], $0x80, v4, vm0, $0xb8;
	[tilespmem:$0x12D00] =	vst v63  }
0x93: {  	s0 =	rddreg [dreg:$0x13]  }
0x94: {  	[tilespmem:s0], [sflag:$0x1] =	stream.indirect_vreg.gather [hbm4b:s5+s2], $0x80, v4, vm1, $0xb8;
	[tilespmem:$0x12D00] =	vst v63  }
0x95: {  	s6 =	rddreg [dreg:$0x14]  }
0x96: {  	[tilespmem:s6], [sflag:$0x1] =	stream.indirect_vreg.gather [hbm4b:s4+s2], $0x80, v3, vm0, $0xb8;
	[tilespmem:$0x12D00] =	vst v63  }
0x97: {  	s0 =	rddreg [dreg:$0x15]  }
0x98: {  	[tilespmem:s0], [sflag:$0x1] =	stream.indirect_vreg.gather [hbm4b:s5+s2], $0x80, v3, vm1, $0xb8;
	[tilespmem:$0x12D00] =	vst v63  }
0x99: {  	v3 =	vld [tilespmem:$0x10];
	_ =	sdelay $0x4  }
0x9a: {  	v57 =	vshrl.u32 v3, $0x3  }
0x9b: {  	v4 =	vmul.u32 $0x18, v57  }
0x9c: {  	v3 =	vand.u32 $0x7, v3  }
0x9d: {  	v3 =	vor.u32 v3, v4  }
0x9e: {  	v4 =	vperm.xlane v3, v0;
	_ =	sdelay $0x1  }
0x9f: {  	v4 =	vadd.s32 v1, v4;
	_ =	sdelay $0x1  }
0xa0: {  	v3 =	vperm.xlane v3, v2;
	_ =	sdelay $0x1  }
0xa1: {  	s0 =	rddreg [dreg:$0x16];
	v3 =	vadd.s32 v1, v3  }
0xa2: {  	[tilespmem:s0], [sflag:$0x1] =	stream.indirect_vreg.gather [hbm4b:s4+s2], $0x80, v4, vm0, $0xb8;
	[tilespmem:$0x12D00] =	vst v63  }
0xa3: {  	s6 =	rddreg [dreg:$0x17]  }
0xa4: {  	[tilespmem:s6], [sflag:$0x1] =	stream.indirect_vreg.gather [hbm4b:s5+s2], $0x80, v4, vm1, $0xb8;
	[tilespmem:$0x12D00] =	vst v63  }
0xa5: {  	s0 =	rddreg [dreg:$0x18]  }
0xa6: {  	[tilespmem:s0], [sflag:$0x1] =	stream.indirect_vreg.gather [hbm4b:s4+s2], $0x80, v3, vm0, $0xb8;
	[tilespmem:$0x12D00] =	vst v63  }
0xa7: {  	s6 =	rddreg [dreg:$0x19]  }
0xa8: {  	[tilespmem:s6], [sflag:$0x1] =	stream.indirect_vreg.gather [hbm4b:s5+s2], $0x80, v3, vm1, $0xb8;
	[tilespmem:$0x12D00] =	vst v63  }
0xa9: {  	v3 =	vld [tilespmem:$0x20];
	_ =	sdelay $0x4  }
0xaa: {  	v58 =	vshrl.u32 v3, $0x3  }
0xab: {  	v4 =	vmul.u32 $0x18, v58  }
0xac: {  	v3 =	vand.u32 $0x7, v3  }
0xad: {  	v3 =	vor.u32 v3, v4  }
0xae: {  	v4 =	vperm.xlane v3, v0;
	_ =	sdelay $0x1  }
0xaf: {  	v4 =	vadd.s32 v1, v4;
	_ =	sdelay $0x1  }
0xb0: {  	v3 =	vperm.xlane v3, v2;
	_ =	sdelay $0x1  }
0xb1: {  	s0 =	rddreg [dreg:$0x1a];
	v3 =	vadd.s32 v1, v3  }
0xb2: {  	[tilespmem:s0], [sflag:$0x1] =	stream.indirect_vreg.gather [hbm4b:s4+s2], $0x80, v4, vm0, $0xb8;
	[tilespmem:$0x12D00] =	vst v63  }
0xb3: {  	s6 =	rddreg [dreg:$0x1b]  }
0xb4: {  	[tilespmem:s6], [sflag:$0x1] =	stream.indirect_vreg.gather [hbm4b:s5+s2], $0x80, v4, vm1, $0xb8;
	[tilespmem:$0x12D00] =	vst v63  }
0xb5: {  	s0 =	rddreg [dreg:$0x1c]  }
0xb6: {  	[tilespmem:s0], [sflag:$0x1] =	stream.indirect_vreg.gather [hbm4b:s4+s2], $0x80, v3, vm0, $0xb8;
	[tilespmem:$0x12D00] =	vst v63  }
0xb7: {  	s6 =	rddreg [dreg:$0x1d]  }
0xb8: {  	[tilespmem:s6], [sflag:$0x1] =	stream.indirect_vreg.gather [hbm4b:s5+s2], $0x80, v3, vm1, $0xb8;
	[tilespmem:$0x12D00] =	vst v63  }
0xb9: {  	v3 =	vld [tilespmem:$0x30];
	_ =	sdelay $0x4  }
0xba: {  	v59 =	vshrl.u32 v3, $0x3  }
0xbb: {  	v4 =	vmul.u32 $0x18, v59  }
0xbc: {  	v3 =	vand.u32 $0x7, v3  }
0xbd: {  	v3 =	vor.u32 v3, v4  }
0xbe: {  	v4 =	vperm.xlane v3, v0;
	_ =	sdelay $0x1  }
0xbf: {  	v4 =	vadd.s32 v1, v4;
	_ =	sdelay $0x1  }
0xc0: {  	v3 =	vperm.xlane v3, v2  }
0xc1: {  	s0 =	rddreg [dreg:$0x1e]  }
0xc2: {  	s6 =	rddreg [dreg:$0x1f];
	v3 =	vadd.s32 v1, v3  }
0xc3: {  	[tilespmem:s0], [sflag:$0x1] =	stream.indirect_vreg.gather [hbm4b:s4+s2], $0x80, v4, vm0, $0xb8;
	[tilespmem:$0x12D00] =	vst v63  }
0xc4: {  	s0 =	sld [smem:$0x7FD]  }
0xc5: {  	[tilespmem:s6], [sflag:$0x1] =	stream.indirect_vreg.gather [hbm4b:s5+s2], $0x80, v4, vm1, $0xb8;
	[tilespmem:$0x12D00] =	vst v63  }
0xc6: {  	_ = 	snop  }
0xc7: {  	[tilespmem:s0], [sflag:$0x1] =	stream.indirect_vreg.gather [hbm4b:s4+s2], $0x80, v3, vm0, $0xb8;
	[tilespmem:$0x12D00] =	vst v63  }
0xc8: {  	_ = 	snop  }
0xc9: {  	[tilespmem:s12], [sflag:$0x1] =	stream.indirect_vreg.gather [hbm4b:s5+s2], $0x80, v3, vm1, $0xb8;
	[tilespmem:$0x12D00] =	vst v63  }
0xca: {  	v3 =	vld [tilespmem:$0x40];
	_ =	sdelay $0x4  }
0xcb: {  	v60 =	vshrl.u32 v3, $0x3  }
0xcc: {  	v4 =	vmul.u32 $0x18, v60  }
0xcd: {  	v3 =	vand.u32 $0x7, v3  }
0xce: {  	v3 =	vor.u32 v3, v4  }
0xcf: {  	v4 =	vperm.xlane v3, v0;
	_ =	sdelay $0x1  }
0xd0: {  	v4 =	vadd.s32 v1, v4;
	_ =	sdelay $0x1  }
0xd1: {  	v3 =	vperm.xlane v3, v2;
	_ =	sdelay $0x1  }
0xd2: {  	v3 =	vadd.s32 v1, v3  }
0xd3: {  	[tilespmem:s13], [sflag:$0x1] =	stream.indirect_vreg.gather [hbm4b:s4+s2], $0x80, v4, vm0, $0xb8;
	[tilespmem:$0x12D00] =	vst v63  }
0xd4: {  	_ = 	snop  }
0xd5: {  	[tilespmem:s14], [sflag:$0x1] =	stream.indirect_vreg.gather [hbm4b:s5+s2], $0x80, v4, vm1, $0xb8;
	[tilespmem:$0x12D00] =	vst v63  }
0xd6: {  	_ = 	snop  }
0xd7: {  	[tilespmem:s15], [sflag:$0x1] =	stream.indirect_vreg.gather [hbm4b:s4+s2], $0x80, v3, vm0, $0xb8;
	[tilespmem:$0x12D00] =	vst v63  }
0xd8: {  	_ = 	snop  }
0xd9: {  	[tilespmem:s16], [sflag:$0x1] =	stream.indirect_vreg.gather [hbm4b:s5+s2], $0x80, v3, vm1, $0xb8;
	[tilespmem:$0x12D00] =	vst v63  }
0xda: {  	v3 =	vld [tilespmem:$0x50];
	_ =	sdelay $0x4  }
0xdb: {  	v61 =	vshrl.u32 v3, $0x3  }
0xdc: {  	v4 =	vmul.u32 $0x18, v61  }
0xdd: {  	v3 =	vand.u32 $0x7, v3  }
0xde: {  	v3 =	vor.u32 v3, v4  }
0xdf: {  	v4 =	vperm.xlane v3, v0;
	_ =	sdelay $0x1  }
0xe0: {  	v4 =	vadd.s32 v1, v4;
	_ =	sdelay $0x1  }
0xe1: {  	v3 =	vperm.xlane v3, v2;
	_ =	sdelay $0x1  }
0xe2: {  	v3 =	vadd.s32 v1, v3  }
0xe3: {  	[tilespmem:s17], [sflag:$0x1] =	stream.indirect_vreg.gather [hbm4b:s4+s2], $0x80, v4, vm0, $0xb8;
	[tilespmem:$0x12D00] =	vst v63  }
0xe4: {  	_ = 	snop  }
0xe5: {  	[tilespmem:s18], [sflag:$0x1] =	stream.indirect_vreg.gather [hbm4b:s5+s2], $0x80, v4, vm1, $0xb8;
	[tilespmem:$0x12D00] =	vst v63  }
0xe6: {  	_ = 	snop  }
0xe7: {  	[tilespmem:s19], [sflag:$0x1] =	stream.indirect_vreg.gather [hbm4b:s4+s2], $0x80, v3, vm0, $0xb8;
	[tilespmem:$0x12D00] =	vst v63  }
0xe8: {  	_ = 	snop  }
0xe9: {  	[tilespmem:s20], [sflag:$0x1] =	stream.indirect_vreg.gather [hbm4b:s5+s2], $0x80, v3, vm1, $0xb8;
	[tilespmem:$0x12D00] =	vst v63  }
0xea: {  	v3 =	vld [tilespmem:$0x60];
	_ =	sdelay $0x4  }
0xeb: {  	v62 =	vshrl.u32 v3, $0x3  }
0xec: {  	v4 =	vmul.u32 $0x18, v62  }
0xed: {  	v3 =	vand.u32 $0x7, v3  }
0xee: {  	v3 =	vor.u32 v3, v4  }
0xef: {  	v4 =	vperm.xlane v3, v0;
	_ =	sdelay $0x1  }
0xf0: {  	v4 =	vadd.s32 v1, v4;
	_ =	sdelay $0x1  }
0xf1: {  	v3 =	vperm.xlane v3, v2;
	_ =	sdelay $0x1  }
0xf2: {  	v3 =	vadd.s32 v1, v3  }
0xf3: {  	[tilespmem:s21], [sflag:$0x1] =	stream.indirect_vreg.gather [hbm4b:s4+s2], $0x80, v4, vm0, $0xb8;
	[tilespmem:$0x12D00] =	vst v63  }
0xf4: {  	_ = 	snop  }
0xf5: {  	[tilespmem:s22], [sflag:$0x1] =	stream.indirect_vreg.gather [hbm4b:s5+s2], $0x80, v4, vm1, $0xb8;
	[tilespmem:$0x12D00] =	vst v63  }
0xf6: {  	_ = 	snop  }
0xf7: {  	[tilespmem:s23], [sflag:$0x1] =	stream.indirect_vreg.gather [hbm4b:s4+s2], $0x80, v3, vm0, $0xb8;
	[tilespmem:$0x12D00] =	vst v63  }
0xf8: {  	_ = 	snop  }
0xf9: {  	[tilespmem:s24], [sflag:$0x1] =	stream.indirect_vreg.gather [hbm4b:s5+s2], $0x80, v3, vm1, $0xb8;
	[tilespmem:$0x12D00] =	vst v63  }
0xfa: {  	v3 =	vld.msk [tilespmem:$0x70], $0xff;
	_ =	sdelay $0x4  }
0xfb: {  	v63 =	vshrl.u32 v3, $0x3  }
0xfc: {  	v4 =	vmul.u32 $0x18, v63  }
0xfd: {  	v3 =	vand.u32 $0x7, v3  }
0xfe: {  	v3 =	vor.u32 v3, v4  }
0xff: {  	v3 =	vperm.xlane v3, v0;
	_ =	sdelay $0x1  }
0x100: {  	v3 =	vadd.s32 v1, v3;
	_ =	sdelay $0x4  }
0x101: {  	[tilespmem:s25], [sflag:$0x1] =	stream.indirect_vreg.gather [hbm4b:s4+s2], $0x80, v3, vm0, $0xb8;
	[tilespmem:$0x12D00] =	vst v63  }
0x102: {  	_ = 	snop  }
0x103: {  	[tilespmem:s26], [sflag:$0x1] =	stream.indirect_vreg.gather [hbm4b:s5+s2], $0x80, v3, vm1, $0xb8;
	[tilespmem:$0x12D00] =	vst v63  }
0x104: {  	_ =	swait.ge [sflag:s28], $0x7800  }
0x105: {  	[sflag:s28] =	ssyncset.done $0x0  }
0x106: {  	[sflag:s28] =	ssyncadd.s32 $0xFFFF8800  }
0x107: {  	_ =	swait.ge [sflag:s28], $0xB400  }
0x108: {  	[sflag:s28] =	ssyncset.done $0x0  }
0x109: {  	[sflag:s28] =	ssyncadd.s32 $0xFFFF4C00  }
0x10a: {  	[hbm4b:s31+s2] =	stream.linear.scatter [tilespmem:s10], [sflag:$0x2], $0x7800, $0x38;
	[tilespmem:$0x12D00] =	vst v63  }
0x10b: {  	_ =	swait.ge [sflag:s9], $0x7800  }
0x10c: {  	p0 =	sne.s32 s1, $0xC3;
	[sflag:s9] =	ssyncset.done $0x0  }
.Ltmp0:
0x10d: {  	[sflag:s9] =	ssyncadd.s32 $0xFFFF8800;
	(pc) =	sbr.rel @p0 .LBB2_2-.Ltmp0, $4  }
0x10e: {  	[hbm4b:s30+s2] =	stream.linear.scatter [tilespmem:s11], [sflag:$0x2], $0xB400, $0x38;
	[tilespmem:$0x12D00] =	vst v63  }
0x10f: {  	_ =	swait.ge [sflag:s9], $0xB400  }
0x110: {  	s1 =	sadd.s32 $0xF, s1;
	[sflag:s9] =	ssyncset.done $0x0  }
0x111: {  	s31 =	sadd.s32 $0xF00, s31;
	s30 =	sadd.s32 $0x1680, s30;
	[sflag:s9] =	ssyncadd.s32 $0xFFFF4C00  }
0x112: {  	s0 =	sld [smem:$0x7FC];
	_ =	sdelay $0x1  }
0x113: {  	s29 =	sadd.s32 $0x1, s29  }
0x114: {  	p0 =	sne.s32 s29, s0  }
.Ltmp1:
0x115: {  	_ = 	snop;
	(pc) =	sbr.rel @p0 .LBB2_1-.Ltmp1, $1  }
0x116: {  	_ =	sdelay $0x3  }
0x117: {  	_ =	sfence.sel $0x180000  }
0x118: {  	[bflag:$0x0] =	sbarrier.arrive $0xFFFF  }
0x119: {  	_ =	strace $0x9000004A  }
0x11a: {  	s0 =	stileid.u32;
	[bflag:$0x2] =	sbarrier.arrive $0xFFFF  }
0x11b: {  	p0 =	sne.s32 s0, $0x0;
	s0 =	rddreg [dreg:$0x1]  }
0x11c: {  	s0 =	sadd.s32 @!p0 $0x100000, s0  }
0x11d: {  	[sflag:s0] =	ssyncadd.tile.s32 @!p0 $0x1;
	_ =	shalt  }
.Lfunc_end2:
_tile_overlayer_lowered:
.L_overlay_start_2:
0x11e: {  	(tag) =	ssettag $0x2  }
0x11f: {  	s0 =	rddreg [dreg:$0x0];
	s2 =	stileid.u32  }
0x120: {  	s1 =	rddreg [dreg:$0x1];
	p0 =	sne.s32 s2, $0x0  }
0x121: {  	s3 =	rddreg [dreg:$0x2];
	[bflag:$0x3] =	sbarrier.arrive $0xFFFF;
	s2 =	simm.s32 @!p0 $0x1C02  }
0x122: {  	[timem:s3], [sflag:s2] =	dma.local @!p0 [hbm:s0], s1  }
0x123: {  	s0 =	simm.s32 @!p0 $0x2  }
0x124: {  	_ =	swait.ge @!p0 [sflag:s0], s1  }
0x125: {  	s1 =	ssub.s32 @!p0 $0x0, s1;
	[sflag:s0] =	ssyncset.done @!p0 $0x0  }
0x126: {  	[sflag:s0] =	ssyncadd.s32 @!p0 s1  }
0x127: {  	[bflag:$0x3] =	sbarrier.arrive $0xFFFF  }
0x128: {  	_ =	shalt  }

// kernel: kernel.19.cloned.1.call-start
scs
__scs_entry_jumppad:
0x0: {  	(pc) =	sbr.rel $0x88, $3  }
0x1: {  	(tag) =	ssettag $0x0;
	lr =	simm.s32 $0x1  }
0x2: {  	[smem:$0x3F76] =	sst lr;
	_ =	strace $0xD0000000  }
0x3: {  	_ = 	snop  }
0x4: {  	_ = 	snop  }
0x5: {  	_ = 	snop  }
0x6: {  	_ = 	snop  }
0x7: {  	_ = 	snop  }
__scs_overlays_trampoline_lowered:
0x8: {  	[smem:$0x3F85] =	sst s0  }
0x9: {  	[smem:$0x3F86] =	sst s1  }
0xa: {  	[smem:$0x3F87] =	sst s2  }
0xb: {  	[smem:$0x3F88] =	sst s3  }
0xc: {  	[smem:$0x3F89] =	sst s4  }
0xd: {  	[smem:$0x3F8A] =	sst s5  }
0xe: {  	[smem:$0x3F8B] =	sst s6  }
0xf: {  	[smem:$0x3F8C] =	sst s7  }
0x10: {  	[smem:$0x3F8D] =	sst s8  }
0x11: {  	[smem:$0x3F8E] =	sst s9;
	s0 =	simm.s32 @!p0 $0x0  }
0x12: {  	s1 =	sld [smem:$0x3F74];
	s0 =	simm.s32 @p0 $0x1  }
0x13: {  	[smem:$0x3F8F] =	sst s0;
	s0 =	simm.s32 @!p1 $0x0  }
0x14: {  	s2 =	sld [smem:$0x3F73];
	s0 =	simm.s32 @p1 $0x1  }
0x15: {  	[smem:$0x3F90] =	sst s0;
	s0 =	simm.s32 @!p2 $0x0  }
0x16: {  	s3 =	sld [smem:$0x3FDB];
	s0 =	simm.s32 @p2 $0x1  }
0x17: {  	s4 =	simm.s32 $0x1BF5;
	[smem:$0x3F92] =	sst s0  }
0x18: {  	s0 =	sld [smem:$0x3F75];
	_ =	swait.ge [sflag:s4], $0x0  }
0x19: {  	s7 =	sld [smem:$0x3F76]  }
0x1a: {  	s8 =	sadd.s32 $0xFFFFE003, lr  }
0x1b: {  	s9 =	sadd.s32 $0xFFFFFEF7, lr;
	s5 =	simm.s32 $0xFFFFFFFF;
	p2 =	slt.u32 s8, $0xFFFFF086  }
0x1c: {  	p1 =	slt.u32 s9, $0xF7A;
	s5 =	simm.s32 @!p2 $0x0  }
0x1d: {  	s5 =	simm.s32 @p1 $0x1;
	p0 =	seq.s32 s7, s2  }
0x1e: {  	s7 =	smul.u32 @!p0 $0xF7A, s2;
	p2 =	seq.s32 @!p0 s5, $0x0  }
0x1f: {  	s9 =	smul.u32 $0xF7A, s1;
	s8 =	simm.s32 @!p0 $0x1BF5;
	p2 =	por !p2, p0  }
0x20: {  	[sflag:s8] =	ssyncset.s32 @!p0 $0xFFFFF086;
	s6 =	sadd.s32 @!p0 s3, s7;
	s7 =	simm.s32 @!p0 $0x108  }
0x21: {  	s3 =	sadd.s32 s3, s9;
	s6 =	sadd.s32 @!p0 $0x88, s6;
	s7 =	simm.s32 @p2 $0x1082  }
0x22: {  	[simem:s7], [sflag:s8] =	dma.local @!p0 [hbm:s6], $0xF7A  }
0x23: {  	s9 =	sor.u32 $0xD0000000, s2;
	s6 =	simm.s32 $0x108;
	_ =	swait.ge @!p0 [sflag:s8], $0x0  }
0x24: {  	s3 =	sadd.s32 $0x88, s3;
	s6 =	simm.s32 @!p1 $0x1082;
	[sflag:s4] =	ssyncset.s32 $0xFFFFF086  }
0x25: {  	[simem:s6], [sflag:s4] =	dma.local [hbm:s3], $0xF7A  }
0x26: {  	[smem:$0x3F76] =	sst s1;
	(tag) =	ssettag s2;
	_ =	strace s9  }
0x27: {  	s1 =	sld [smem:$0x3F86]  }
0x28: {  	s2 =	sld [smem:$0x3F87]  }
0x29: {  	s4 =	sld [smem:$0x3F89]  }
0x2a: {  	p0 =	seq.s32 s5, $0x0;
	s5 =	sld [smem:$0x3F8A]  }
0x2b: {  	s6 =	sld [smem:$0x3F8B]  }
0x2c: {  	s7 =	sld [smem:$0x3F8C]  }
0x2d: {  	s3 =	simm.s32 $0x108;
	s8 =	sld [smem:$0x3F8D]  }
0x2e: {  	s3 =	simm.s32 @!p0 $0x1082;
	s9 =	sld [smem:$0x3F8E]  }
0x2f: {  	lr =	sadd.s32 s0, s3;
	s0 =	sld [smem:$0x3F85]  }
0x30: {  	s3 =	sld [smem:$0x3F88]  }
0x31: {  	[smem:$0x3F91] =	sst s10  }
0x32: {  	s10 =	sld [smem:$0x3F8F];
	_ =	sdelay $0x3  }
0x33: {  	p0 =	seq.s32 s10, $0x1;
	s10 =	sld [smem:$0x3F91];
	_ =	sdelay $0x3  }
0x34: {  	[smem:$0x3F91] =	sst s10  }
0x35: {  	s10 =	sld [smem:$0x3F90];
	_ =	sdelay $0x3  }
0x36: {  	p1 =	seq.s32 s10, $0x1;
	s10 =	sld [smem:$0x3F91];
	_ =	sdelay $0x3  }
0x37: {  	[smem:$0x3F91] =	sst s10  }
0x38: {  	s10 =	sld [smem:$0x3F92]  }
0x39: {  	_ = 	snop;
	(pc) =	sbr.ind lr, $3  }
0x3a: {  	_ = 	snop  }
0x3b: {  	_ = 	snop  }
0x3c: {  	p2 =	seq.s32 s10, $0x1;
	s10 =	sld [smem:$0x3F91]  }
0x3d: {  	_ =	shalt  }
0x3e: {  	_ =	shalt  }
0x3f: {  	_ =	shalt  }
0x40: {  	_ =	shalt  }
0x41: {  	_ =	shalt  }
0x42: {  	_ =	shalt  }
0x43: {  	_ =	shalt  }
0x44: {  	_ =	shalt  }
0x45: {  	_ =	shalt  }
0x46: {  	_ =	shalt  }
0x47: {  	_ =	shalt  }
0x48: {  	_ =	shalt  }
0x49: {  	_ =	shalt  }
0x4a: {  	_ =	shalt  }
0x4b: {  	_ =	shalt  }
0x4c: {  	_ =	shalt  }
0x4d: {  	_ =	shalt  }
0x4e: {  	_ =	shalt  }
0x4f: {  	_ =	shalt  }
0x50: {  	_ =	shalt  }
0x51: {  	_ =	shalt  }
0x52: {  	_ =	shalt  }
0x53: {  	_ =	shalt  }
0x54: {  	_ =	shalt  }
0x55: {  	_ =	shalt  }
0x56: {  	_ =	shalt  }
0x57: {  	_ =	shalt  }
0x58: {  	_ =	shalt  }
0x59: {  	_ =	shalt  }
0x5a: {  	_ =	shalt  }
0x5b: {  	_ =	shalt  }
0x5c: {  	_ =	shalt  }
0x5d: {  	_ =	shalt  }
0x5e: {  	_ =	shalt  }
0x5f: {  	_ =	shalt  }
0x60: {  	_ =	shalt  }
0x61: {  	_ =	shalt  }
0x62: {  	_ =	shalt  }
0x63: {  	_ =	shalt  }
0x64: {  	_ =	shalt  }
0x65: {  	_ =	shalt  }
0x66: {  	_ =	shalt  }
0x67: {  	_ =	shalt  }
0x68: {  	_ =	shalt  }
0x69: {  	_ =	shalt  }
0x6a: {  	_ =	shalt  }
0x6b: {  	_ =	shalt  }
0x6c: {  	_ =	shalt  }
0x6d: {  	_ =	shalt  }
0x6e: {  	_ =	shalt  }
0x6f: {  	_ =	shalt  }
0x70: {  	_ =	shalt  }
0x71: {  	_ =	shalt  }
0x72: {  	_ =	shalt  }
0x73: {  	_ =	shalt  }
0x74: {  	_ =	shalt  }
0x75: {  	_ =	shalt  }
0x76: {  	_ =	shalt  }
0x77: {  	_ =	shalt  }
0x78: {  	_ =	shalt  }
0x79: {  	_ =	shalt  }
0x7a: {  	_ =	shalt  }
0x7b: {  	_ =	shalt  }
0x7c: {  	_ =	shalt  }
0x7d: {  	_ =	shalt  }
0x7e: {  	_ =	shalt  }
0x7f: {  	_ =	shalt  }
0x80: {  	_ =	shalt  }
0x81: {  	_ =	shalt  }
0x82: {  	_ =	shalt  }
0x83: {  	_ =	shalt  }
0x84: {  	_ =	shalt  }
0x85: {  	_ =	shalt  }
0x86: {  	_ =	shalt  }
0x87: {  	_ =	shalt  }
.Lfunc_end0:
.L_simem_size_0:
called_computation.1_lowered:
.L_overlay_start_0:
0x88: {  	s2 =	sld [smem:$0x3FD9]  }
0x89: {  	s3 =	sld [smem:$0x3FFE];
	_ =	sdelay $0x1  }
0x8a: {  	s1 =	srdreg.scid  }
0x8b: {  	s0 =	sand.u32 $0x1, s1  }
0x8c: {  	s17 =	sshll.u32 s0, $0xA;
	s2 =	sadd.s32 s3, s2  }
0x8d: {  	s2 =	sadd.s32 s2, s17  }
0x8e: {  	[smem:$0x3F9D] =	sst s2  }
0x8f: {  	_ = 	snop  }
0x90: {  	(tm) =	ssettm $0x1  }
0x91: {  	s18 =	sld [smem:$0x3FFB];
	_ =	sdelay $0x3  }
0x92: {  	_ =	strace s18  }
0x93: {  	s2 =	sld [smem:$0x3FFC];
	_ =	sdelay $0x3  }
0x94: {  	_ =	strace s2  }
0x95: {  	s2 =	sld [smem:$0x3FFD];
	_ =	sdelay $0x3  }
0x96: {  	_ =	strace s2  }
0x97: {  	_ =	strace $0x8FFFFFFF  }
0x98: {  	s19 =	sld [smem:$0x3FDB];
	_ =	sdelay $0x1  }
0x99: {  	s20 =	simm.s32 $_scs_section_size  }
0x9a: {  	s4 =	simm.s32 $_size__tile_overlayer_lowered;
	s5 =	simm.s32 $_tile_overlayer_lowered  }
0x9b: {  	s6 =	simm.s32 $0x1BFF;
	s21 =	sshll.u32 s5, $0x1;
	s3 =	sadd.s32 s20, s19  }
0x9c: {  	s22 =	simm.s32 $0x0;
	s4 =	sshll.u32 s4, $0x1;
	s5 =	sadd.s32 s21, s3  }
0x9d: {  	[timem:s22], [sflag:s6] =	dma.local [hbm:s5], s4  }
0x9e: {  	_ =	swait.ge [sflag:s6], s4  }
0x9f: {  	s4 =	ssub.s32 $0x0, s4;
	[sflag:s6] =	ssyncset.done $0x0  }
0xa0: {  	[sflag:s6] =	ssyncadd.s32 s4;
	_ =	sdelay $0x1  }
0xa1: {  	s23 =	simm.s32 $0x1B8B  }
0xa2: {  	_ =	swait.ge [sflag:s23], $0x1  }
0xa3: {  	[sflag:s23] =	ssyncset.done $0x0  }
0xa4: {  	[sflag:s23] =	ssyncadd.s32 $0xFFFFFFFF  }
0xa5: {  	s4 =	sld [smem:$0x0]  }
0xa6: {  	s5 =	sand.u32 $0xFFFFFFFE, s1  }
0xa7: {  	p0 =	sne.s32 s1, s5  }
0xa8: {  	s5 =	sshll.u32 @p0 s5, $0xE  }
0xa9: {  	s5 =	sadd.s32 @p0 $0x11B8D, s5;
	s6 =	sshll.u32 @p0 s4, $0x11  }
0xaa: {  	s5 =	sor.u32 @p0 s6, s5  }
0xab: {  	[sflag:s5] =	ssyncadd.remote.s32 @p0 $0x1;
	_ =	sdelay $0x1  }
0xac: {  	s5 =	simm.s32 @p0 $0x1B8D  }
0xad: {  	_ =	swait.eq @p0 [sflag:s5], $0x1  }
0xae: {  	[sflag:s5] =	ssyncadd.s32 @p0 $0xFFFFFFFF  }
0xaf: {  	s6 =	sshll.u32 @!p0 s1, $0xE  }
0xb0: {  	s6 =	sor.u32 @!p0 $0x4000, s6;
	s5 =	simm.s32 @!p0 $0x1B8D  }
0xb1: {  	s4 =	sshll.u32 @!p0 s4, $0x11;
	s6 =	sadd.s32 @!p0 $0x11B8D, s6;
	_ =	swait.eq @!p0 [sflag:s5], $0x1  }
0xb2: {  	s4 =	sor.u32 @!p0 s4, s6;
	[sflag:s5] =	ssyncadd.s32 @!p0 $0xFFFFFFFF  }
0xb3: {  	s25 =	simm.s32 $0x1B8E;
	s24 =	sld [smem:$0x3FFE];
	[sflag:s4] =	ssyncadd.remote.s32 @!p0 $0x1  }
0xb4: {  	s26 =	simm.s32 $execute0_lowered;
	[smem:$0x3FD2] =	sst s25  }
0xb5: {  	s5 =	sshll.u32 s26, $0x1;
	_ =	strace $0x8000004C;
	[dreg:$0x1] =	wrdreg $0xFFFFFFFF  }
0xb6: {  	s28 =	simm.s32 $_size_execute0_lowered;
	s3 =	sadd.s32 s3, s5;
	[dreg:$0x0] =	wrdreg $0x0  }
0xb7: {  	s5 =	sshll.u32 s28, $0x1;
	[dreg:$0x2] =	wrdreg s3  }
0xb8: {  	[dreg:$0x3] =	wrdreg s5  }
0xb9: {  	[dreg:$0x4] =	wrdreg $0xC0  }
0xba: {  	_ =	task [dreg:s22], $0x5FFFF  }
0xbb: {  	[dreg:$0x1] =	wrdreg $0xFFFFFFFF  }
0xbc: {  	[dreg:$0x0] =	wrdreg $0x60  }
0xbd: {  	[dreg:$0x2] =	wrdreg s24  }
0xbe: {  	[dreg:$0x3] =	wrdreg $0xA  }
0xbf: {  	_ =	task.clear_ibuf [dreg:s22], $0x4FFFF;
	_ =	strace $0x9000004C  }
0xc0: {  	s29 =	simm.s32 $0xA;
	_ =	strace $0x8000004E  }
0xc1: {  	_ =	swait.ge [sflag:s29], $0x1  }
0xc2: {  	[sflag:s29] =	ssyncadd.s32 $0xFFFFFFFF  }
0xc3: {  	_ =	strace $0x9000004E  }
0xc4: {  	_ =	sfence  }
0xc5: {  	s30 =	sld [smem:$0x0];
	_ =	sdelay $0x2  }
0xc6: {  	s31 =	sshll.u32 s1, $0xD;
	s1 =	sshrl.u32 s1, $0x2  }
0xc7: {  	s4 =	sand.u32 $0x4000, s31;
	s1 =	sadd.s32 s1, s30  }
0xc8: {  	s0 =	sor.u32 s4, s0;
	s1 =	sshll.u32 s1, $0x11  }
0xc9: {  	s0 =	sor.u32 s1, s0  }
0xca: {  	s0 =	sadd.s32 $0x8F2B, s0  }
0xcb: {  	[sflag:s0] =	ssyncadd.remote.s32 $0x1  }
0xcc: {  	_ =	sfence.sel $0xFFFF  }
0xcd: {  	[dreg:$0x0] =	wrdreg $0xFFFFFFFF;
	(pc) =	sbr.abs _section_cstart, $3  }
0xce: {  	[dreg:$0x1] =	wrdreg $0xFFFFFFFF  }
0xcf: {  	_ =	task.clear_ibuf [dreg:s22], $0x2FFFF;
	_ =	strace $0x9FFFFFFF  }
0xd0: {  	(tm) =	ssettm $0x7FFFFFFF  }
0xd1: {  	_ =	shalt  }
tec
execute0_lowered:
.L_overlay_start_1:
0x0: {  	(tag) =	ssettag $0x1  }
0x1: {  	s1 =	srdreg.scid;
	s0 =	stileid.u32  }
0x2: {  	s1 =	sand.u32 $0x1, s1;
	s2 =	smul.u32 $0xD20, s0  }
0x3: {  	s3 =	smul.u32 $0x690, s1;
	_ =	sdelay $0x1  }
0x4: {  	s5 =	rddreg [dreg:$0x0];
	s3 =	sadd.s32 s3, s2;
	s2 =	simm.s32 $0x0  }
0x5: {  	s22 =	simm.s32 $0x80;
	[smem:$0x7FF] =	sst s2  }
0x6: {  	s23 =	simm.s32 $0x900;
	_ =	strace $0x8000004D;
	[dreg:$0x4] =	wrdreg s22  }
0x7: {  	s24 =	simm.s32 $0x1100;
	[dreg:$0x5] =	wrdreg s23  }
0x8: {  	s25 =	simm.s32 $0x1900;
	[dreg:$0x6] =	wrdreg s24  }
0x9: {  	s26 =	simm.s32 $0x2100;
	[dreg:$0x7] =	wrdreg s25  }
0xa: {  	s30 =	simm.s32 $0x2900;
	[dreg:$0x8] =	wrdreg s26  }
0xb: {  	s31 =	simm.s32 $0x3100;
	[dreg:$0x9] =	wrdreg s30  }
0xc: {  	s7 =	simm.s32 $0x4100;
	[dreg:$0xa] =	wrdreg s31  }
0xd: {  	s8 =	simm.s32 $0x4900;
	[dreg:$0xc] =	wrdreg s7  }
0xe: {  	s9 =	simm.s32 $0x5100;
	[dreg:$0xd] =	wrdreg s8  }
0xf: {  	s10 =	simm.s32 $0x6100;
	s11 =	simm.s32 $0x6900;
	[dreg:$0xe] =	wrdreg s9  }
0x10: {  	s12 =	simm.s32 $0x7100;
	s13 =	simm.s32 $0x8100;
	[dreg:$0x10] =	wrdreg s10  }
0x11: {  	s14 =	simm.s32 $0x8500;
	s16 =	simm.s32 $0x8D00;
	[dreg:$0x11] =	wrdreg s11  }
0x12: {  	s17 =	simm.s32 $0x9100;
	s18 =	simm.s32 $0x9900;
	[dreg:$0x12] =	wrdreg s12  }
0x13: {  	s19 =	simm.s32 $0x9D00;
	s20 =	simm.s32 $0xA500;
	[dreg:$0x13] =	wrdreg s13  }
0x14: {  	s28 =	simm.s32 $0x1;
	s29 =	simm.s32 $0x0;
	[dreg:$0x14] =	wrdreg s14  }
0x15: {  	s15 =	ssub.s32 $0x2, s1;
	s6 =	sshrl.u32 s3, $0x3;
	[dreg:$0x15] =	wrdreg s16  }
0x16: {  	s1 =	smul.u32 $0xD200, s1;
	s3 =	sadd.s32 s6, s5;
	[dreg:$0x16] =	wrdreg s17  }
0x17: {  	s7 =	simm.s32 $0x5900;
	s8 =	smul.u32 $0x1A400, s0;
	[dreg:$0x17] =	wrdreg s18  }
0x18: {  	s6 =	smul.u32 $0x180, s6;
	s10 =	sshrl.u32 s15, $0x1;
	[dreg:$0x18] =	wrdreg s19  }
0x19: {  	[dreg:$0x19] =	wrdreg s20;
	s22 =	simm.s32 $0xA900;
	s23 =	simm.s32 $0xB100  }
0x1a: {  	s24 =	simm.s32 $0xB500;
	s25 =	simm.s32 $0xBD00;
	s26 =	simm.s32 $0xC100  }
0x1b: {  	s30 =	simm.s32 $0xC900;
	s11 =	simm.s32 $0x7900;
	[dreg:$0xf] =	wrdreg s7  }
0x1c: {  	s31 =	simm.s32 $0xCD00;
	s12 =	simm.s32 $0xD500;
	[dreg:$0x1a] =	wrdreg s22  }
0x1d: {  	s13 =	simm.s32 $0xD900;
	s14 =	simm.s32 $0xE100;
	[dreg:$0x1b] =	wrdreg s23  }
0x1e: {  	s16 =	simm.s32 $0xED00;
	s17 =	simm.s32 $0xF100;
	[dreg:$0x1c] =	wrdreg s24  }
0x1f: {  	s18 =	simm.s32 $0xF900;
	s19 =	simm.s32 $0xFD00;
	[dreg:$0x1d] =	wrdreg s25  }
0x20: {  	s20 =	simm.s32 $0x10500;
	s4 =	sadd.s32 $0xDE00, s3;
	[dreg:$0x1e] =	wrdreg s26  }
0x21: {  	s3 =	sadd.s32 $0xA600, s3;
	s7 =	ssub.s32 s15, s10;
	[dreg:$0x1f] =	wrdreg s30  }
0x22: {  	s10 =	simm.s32 $0x100;
	[smem:$0x7FD] =	sst s31;
	s15 =	simm.s32 $0xE500  }
0x23: {  	s22 =	simm.s32 $0x11100;
	s23 =	simm.s32 $0x11500;
	s24 =	simm.s32 $0x11D00  }
0x24: {  	s25 =	simm.s32 $0x12100;
	s26 =	simm.s32 $0x12900;
	[dreg:$0x2] =	wrdreg s4  }
0x25: {  	[dreg:$0x3] =	wrdreg s3;
	s4 =	simm.s32 $0x3900;
	s3 =	sadd.s32 $0xFA00, s5  }
0x26: {  	s8 =	sadd.s32 s8, s5;
	s9 =	sadd.s32 s6, s5;
	s21 =	smax.u32 s7, $0x1  }
0x27: {  	v2 =	vlaneseq.u32;
	[dreg:$0xb] =	wrdreg s4;
	s4 =	sadd.s32 $0x5E600, s5;
	s5 =	sadd.s32 $0x5E700, s5  }
0x28: {  	vm0 =	vmmov $0xffff;
	vm1 =	vmmov $0xff;
	v1 =	vshrl.u32 v2, $0x3;
	[smem:$0x7FC] =	sst s21;
	s1 =	sadd.s32 s1, s8;
	s8 =	sadd.s32 $0xAD7600, s9  }
0x29: {  	v0 =	vand.u32 $0x7, v2;
	v2 =	vor.u32 $0x8, v2;
	v1 =	vmul.u32 $0x8, v1;
	s9 =	simm.s32 $0x2;
	s21 =	simm.s32 $0x10900;
	s7 =	sadd.s32 $0x933600, s1  }
.LBB2_1:
0x2a: {  	s30 =	smov.u32 s8;
	s31 =	smov.u32 s7;
	s1 =	simm.s32 $0x0  }
.LBB2_2:
0x2b: {  	s0 =	rddreg [dreg:$0x3]  }
0x2c: {  	s0 =	sadd.s32 s1, s0  }
0x2d: {  	[tilespmem:s2], [sflag:$0x2] =	stream.linear.gather [hbm4b:s0+s2], $0x78, $0x38;
	[tilespmem:$0x12D00] =	vst v63  }
0x2e: {  	_ =	swait.ge [sflag:s9], $0x78  }
0x2f: {  	s0 =	rddreg [dreg:$0x2];
	[sflag:s9] =	ssyncset.done $0x0  }
0x30: {  	s6 =	rddreg [dreg:$0x4];
	[sflag:s9] =	ssyncadd.s32 $0xFFFFFF88;
	s0 =	sadd.s32 s1, s0  }
0x31: {  	[tilespmem:s6], [sflag:$0x2] =	stream.linear.gather [hbm4b:s0+s2], $0x78, $0x38;
	[tilespmem:$0x12D00] =	vst v63  }
0x32: {  	_ =	swait.ge [sflag:s9], $0x78  }
0x33: {  	[sflag:s9] =	ssyncset.done $0x0  }
0x34: {  	[sflag:s9] =	ssyncadd.s32 $0xFFFFFF88  }
0x35: {  	v3 =	vld [tilespmem:$0x80];
	_ =	sdelay $0x4  }
0x36: {  	v4 =	vshll.u32 v3, $0x1  }
0x37: {  	v3 =	vand.u32 $0x7, v3;
	v4 =	vand.u32 $0xFFFFFFF0, v4  }
0x38: {  	v3 =	vor.u32 v3, v4  }
0x39: {  	v4 =	vperm.xlane v3, v0;
	_ =	sdelay $0x1  }
0x3a: {  	v3 =	vperm.xlane v3, v2;
	v4 =	vadd.s32 v1, v4;
	_ =	sdelay $0x1  }
0x3b: {  	v3 =	vadd.s32 v1, v3;
	_ =	sdelay $0x2  }
0x3c: {  	[tilespmem:s10], [sflag:$0x1] =	stream.indirect_vreg.gather [hbm4b:s3+s2], $0x80, v4, vm0, $0xb8;
	[tilespmem:$0x12D00] =	vst v63  }
0x3d: {  	s6 =	rddreg [dreg:$0x5]  }
0x3e: {  	[tilespmem:s6], [sflag:$0x1] =	stream.indirect_vreg.gather [hbm4b:s3+s2], $0x80, v3, vm0, $0xb8;
	[tilespmem:$0x12D00] =	vst v63  }
0x3f: {  	v3 =	vld [tilespmem:$0x90];
	_ =	sdelay $0x4  }
0x40: {  	v49 =	vshll.u32 v3, $0x1  }
0x41: {  	v3 =	vand.u32 $0x7, v3;
	v4 =	vand.u32 $0xFFFFFFF0, v49  }
0x42: {  	v3 =	vor.u32 v3, v4  }
0x43: {  	v4 =	vperm.xlane v3, v0;
	_ =	sdelay $0x1  }
0x44: {  	v3 =	vperm.xlane v3, v2;
	v4 =	vadd.s32 v1, v4;
	_ =	sdelay $0x1  }
0x45: {  	v3 =	vadd.s32 v1, v3;
	_ =	sdelay $0x1  }
0x46: {  	s0 =	rddreg [dreg:$0x6]  }
0x47: {  	[tilespmem:s0], [sflag:$0x1] =	stream.indirect_vreg.gather [hbm4b:s3+s2], $0x80, v4, vm0, $0xb8;
	[tilespmem:$0x12D00] =	vst v63  }
0x48: {  	s6 =	rddreg [dreg:$0x7]  }
0x49: {  	[tilespmem:s6], [sflag:$0x1] =	stream.indirect_vreg.gather [hbm4b:s3+s2], $0x80, v3, vm0, $0xb8;
	[tilespmem:$0x12D00] =	vst v63  }
0x4a: {  	v3 =	vld [tilespmem:$0xA0];
	_ =	sdelay $0x4  }
0x4b: {  	v50 =	vshll.u32 v3, $0x1  }
0x4c: {  	v3 =	vand.u32 $0x7, v3;
	v4 =	vand.u32 $0xFFFFFFF0, v50  }
0x4d: {  	v3 =	vor.u32 v3, v4  }
0x4e: {  	v4 =	vperm.xlane v3, v0;
	_ =	sdelay $0x1  }
0x4f: {  	v3 =	vperm.xlane v3, v2;
	v4 =	vadd.s32 v1, v4;
	_ =	sdelay $0x1  }
0x50: {  	v3 =	vadd.s32 v1, v3;
	_ =	sdelay $0x1  }
0x51: {  	s0 =	rddreg [dreg:$0x8]  }
0x52: {  	[tilespmem:s0], [sflag:$0x1] =	stream.indirect_vreg.gather [hbm4b:s3+s2], $0x80, v4, vm0, $0xb8;
	[tilespmem:$0x12D00] =	vst v63  }
0x53: {  	s6 =	rddreg [dreg:$0x9]  }
0x54: {  	[tilespmem:s6], [sflag:$0x1] =	stream.indirect_vreg.gather [hbm4b:s3+s2], $0x80, v3, vm0, $0xb8;
	[tilespmem:$0x12D00] =	vst v63  }
0x55: {  	v3 =	vld [tilespmem:$0xB0];
	_ =	sdelay $0x4  }
0x56: {  	v51 =	vshll.u32 v3, $0x1  }
0x57: {  	v3 =	vand.u32 $0x7, v3;
	v4 =	vand.u32 $0xFFFFFFF0, v51  }
0x58: {  	v3 =	vor.u32 v3, v4  }
0x59: {  	v4 =	vperm.xlane v3, v0;
	_ =	sdelay $0x1  }
0x5a: {  	v3 =	vperm.xlane v3, v2;
	v4 =	vadd.s32 v1, v4;
	_ =	sdelay $0x1  }
0x5b: {  	v3 =	vadd.s32 v1, v3;
	_ =	sdelay $0x1  }
0x5c: {  	s0 =	rddreg [dreg:$0xa]  }
0x5d: {  	[tilespmem:s0], [sflag:$0x1] =	stream.indirect_vreg.gather [hbm4b:s3+s2], $0x80, v4, vm0, $0xb8;
	[tilespmem:$0x12D00] =	vst v63  }
0x5e: {  	s6 =	rddreg [dreg:$0xb]  }
0x5f: {  	[tilespmem:s6], [sflag:$0x1] =	stream.indirect_vreg.gather [hbm4b:s3+s2], $0x80, v3, vm0, $0xb8;
	[tilespmem:$0x12D00] =	vst v63  }
0x60: {  	v3 =	vld [tilespmem:$0xC0];
	_ =	sdelay $0x4  }
0x61: {  	v52 =	vshll.u32 v3, $0x1  }
0x62: {  	v3 =	vand.u32 $0x7, v3;
	v4 =	vand.u32 $0xFFFFFFF0, v52  }
0x63: {  	v3 =	vor.u32 v3, v4  }
0x64: {  	v4 =	vperm.xlane v3, v0;
	_ =	sdelay $0x1  }
0x65: {  	v3 =	vperm.xlane v3, v2;
	v4 =	vadd.s32 v1, v4;
	_ =	sdelay $0x1  }
0x66: {  	v3 =	vadd.s32 v1, v3;
	_ =	sdelay $0x1  }
0x67: {  	s0 =	rddreg [dreg:$0xc]  }
0x68: {  	[tilespmem:s0], [sflag:$0x1] =	stream.indirect_vreg.gather [hbm4b:s3+s2], $0x80, v4, vm0, $0xb8;
	[tilespmem:$0x12D00] =	vst v63  }
0x69: {  	s6 =	rddreg [dreg:$0xd]  }
0x6a: {  	[tilespmem:s6], [sflag:$0x1] =	stream.indirect_vreg.gather [hbm4b:s3+s2], $0x80, v3, vm0, $0xb8;
	[tilespmem:$0x12D00] =	vst v63  }
0x6b: {  	v3 =	vld [tilespmem:$0xD0];
	_ =	sdelay $0x4  }
0x6c: {  	v53 =	vshll.u32 v3, $0x1  }
0x6d: {  	v3 =	vand.u32 $0x7, v3;
	v4 =	vand.u32 $0xFFFFFFF0, v53  }
0x6e: {  	v3 =	vor.u32 v3, v4  }
0x6f: {  	v4 =	vperm.xlane v3, v0;
	_ =	sdelay $0x1  }
0x70: {  	v3 =	vperm.xlane v3, v2;
	v4 =	vadd.s32 v1, v4;
	_ =	sdelay $0x1  }
0x71: {  	v3 =	vadd.s32 v1, v3;
	_ =	sdelay $0x1  }
0x72: {  	s0 =	rddreg [dreg:$0xe]  }
0x73: {  	[tilespmem:s0], [sflag:$0x1] =	stream.indirect_vreg.gather [hbm4b:s3+s2], $0x80, v4, vm0, $0xb8;
	[tilespmem:$0x12D00] =	vst v63  }
0x74: {  	s6 =	rddreg [dreg:$0xf]  }
0x75: {  	[tilespmem:s6], [sflag:$0x1] =	stream.indirect_vreg.gather [hbm4b:s3+s2], $0x80, v3, vm0, $0xb8;
	[tilespmem:$0x12D00] =	vst v63  }
0x76: {  	v3 =	vld [tilespmem:$0xE0];
	_ =	sdelay $0x4  }
0x77: {  	v54 =	vshll.u32 v3, $0x1  }
0x78: {  	v3 =	vand.u32 $0x7, v3;
	v4 =	vand.u32 $0xFFFFFFF0, v54  }
0x79: {  	v3 =	vor.u32 v3, v4  }
0x7a: {  	v4 =	vperm.xlane v3, v0;
	_ =	sdelay $0x1  }
0x7b: {  	v3 =	vperm.xlane v3, v2;
	v4 =	vadd.s32 v1, v4;
	_ =	sdelay $0x1  }
0x7c: {  	v3 =	vadd.s32 v1, v3;
	_ =	sdelay $0x1  }
0x7d: {  	s0 =	rddreg [dreg:$0x10]  }
0x7e: {  	[tilespmem:s0], [sflag:$0x1] =	stream.indirect_vreg.gather [hbm4b:s3+s2], $0x80, v4, vm0, $0xb8;
	[tilespmem:$0x12D00] =	vst v63  }
0x7f: {  	s6 =	rddreg [dreg:$0x11]  }
0x80: {  	[tilespmem:s6], [sflag:$0x1] =	stream.indirect_vreg.gather [hbm4b:s3+s2], $0x80, v3, vm0, $0xb8;
	[tilespmem:$0x12D00] =	vst v63  }
0x81: {  	v3 =	vld.msk [tilespmem:$0xF0], $0xff;
	_ =	sdelay $0x4  }
0x82: {  	v55 =	vshll.u32 v3, $0x1  }
0x83: {  	v3 =	vand.u32 $0x7, v3;
	v4 =	vand.u32 $0xFFFFFFF0, v55  }
0x84: {  	v3 =	vor.u32 v3, v4  }
0x85: {  	v3 =	vperm.xlane v3, v0;
	_ =	sdelay $0x1  }
0x86: {  	v3 =	vadd.s32 v1, v3;
	_ =	sdelay $0x3  }
0x87: {  	s6 =	rddreg [dreg:$0x12]  }
0x88: {  	[tilespmem:s6], [sflag:$0x1] =	stream.indirect_vreg.gather [hbm4b:s3+s2], $0x80, v3, vm0, $0xb8;
	[tilespmem:$0x12D00] =	vst v63  }
0x89: {  	v3 =	vld [tilespmem:$0x0];
	_ =	sdelay $0x4  }
0x8a: {  	v56 =	vshrl.u32 v3, $0x3  }
0x8b: {  	v4 =	vmul.u32 $0x18, v56  }
0x8c: {  	v3 =	vand.u32 $0x7, v3  }
0x8d: {  	v3 =	vor.u32 v3, v4  }
0x8e: {  	v4 =	vperm.xlane v3, v0;
	_ =	sdelay $0x1  }
0x8f: {  	v4 =	vadd.s32 v1, v4;
	_ =	sdelay $0x1  }
0x90: {  	v3 =	vperm.xlane v3, v2;
	_ =	sdelay $0x1  }
0x91: {  	v3 =	vadd.s32 v1, v3  }
0x92: {  	[tilespmem:s11], [sflag:$0x1] =	stream.indirect_vreg.gather [hbm4b:s4+s2], $0x80, v4, vm0, $0xb8;
	[tilespmem:$0x12D00] =	vst v63  }
0x93: {  	s0 =	rddreg [dreg:$0x13]  }
0x94: {  	[tilespmem:s0], [sflag:$0x1] =	stream.indirect_vreg.gather [hbm4b:s5+s2], $0x80, v4, vm1, $0xb8;
	[tilespmem:$0x12D00] =	vst v63  }
0x95: {  	s6 =	rddreg [dreg:$0x14]  }
0x96: {  	[tilespmem:s6], [sflag:$0x1] =	stream.indirect_vreg.gather [hbm4b:s4+s2], $0x80, v3, vm0, $0xb8;
	[tilespmem:$0x12D00] =	vst v63  }
0x97: {  	s0 =	rddreg [dreg:$0x15]  }
0x98: {  	[tilespmem:s0], [sflag:$0x1] =	stream.indirect_vreg.gather [hbm4b:s5+s2], $0x80, v3, vm1, $0xb8;
	[tilespmem:$0x12D00] =	vst v63  }
0x99: {  	v3 =	vld [tilespmem:$0x10];
	_ =	sdelay $0x4  }
0x9a: {  	v57 =	vshrl.u32 v3, $0x3  }
0x9b: {  	v4 =	vmul.u32 $0x18, v57  }
0x9c: {  	v3 =	vand.u32 $0x7, v3  }
0x9d: {  	v3 =	vor.u32 v3, v4  }
0x9e: {  	v4 =	vperm.xlane v3, v0;
	_ =	sdelay $0x1  }
0x9f: {  	v4 =	vadd.s32 v1, v4;
	_ =	sdelay $0x1  }
0xa0: {  	v3 =	vperm.xlane v3, v2;
	_ =	sdelay $0x1  }
0xa1: {  	s0 =	rddreg [dreg:$0x16];
	v3 =	vadd.s32 v1, v3  }
0xa2: {  	[tilespmem:s0], [sflag:$0x1] =	stream.indirect_vreg.gather [hbm4b:s4+s2], $0x80, v4, vm0, $0xb8;
	[tilespmem:$0x12D00] =	vst v63  }
0xa3: {  	s6 =	rddreg [dreg:$0x17]  }
0xa4: {  	[tilespmem:s6], [sflag:$0x1] =	stream.indirect_vreg.gather [hbm4b:s5+s2], $0x80, v4, vm1, $0xb8;
	[tilespmem:$0x12D00] =	vst v63  }
0xa5: {  	s0 =	rddreg [dreg:$0x18]  }
0xa6: {  	[tilespmem:s0], [sflag:$0x1] =	stream.indirect_vreg.gather [hbm4b:s4+s2], $0x80, v3, vm0, $0xb8;
	[tilespmem:$0x12D00] =	vst v63  }
0xa7: {  	s6 =	rddreg [dreg:$0x19]  }
0xa8: {  	[tilespmem:s6], [sflag:$0x1] =	stream.indirect_vreg.gather [hbm4b:s5+s2], $0x80, v3, vm1, $0xb8;
	[tilespmem:$0x12D00] =	vst v63  }
0xa9: {  	v3 =	vld [tilespmem:$0x20];
	_ =	sdelay $0x4  }
0xaa: {  	v58 =	vshrl.u32 v3, $0x3  }
0xab: {  	v4 =	vmul.u32 $0x18, v58  }
0xac: {  	v3 =	vand.u32 $0x7, v3  }
0xad: {  	v3 =	vor.u32 v3, v4  }
0xae: {  	v4 =	vperm.xlane v3, v0;
	_ =	sdelay $0x1  }
0xaf: {  	v4 =	vadd.s32 v1, v4;
	_ =	sdelay $0x1  }
0xb0: {  	v3 =	vperm.xlane v3, v2;
	_ =	sdelay $0x1  }
0xb1: {  	s0 =	rddreg [dreg:$0x1a];
	v3 =	vadd.s32 v1, v3  }
0xb2: {  	[tilespmem:s0], [sflag:$0x1] =	stream.indirect_vreg.gather [hbm4b:s4+s2], $0x80, v4, vm0, $0xb8;
	[tilespmem:$0x12D00] =	vst v63  }
0xb3: {  	s6 =	rddreg [dreg:$0x1b]  }
0xb4: {  	[tilespmem:s6], [sflag:$0x1] =	stream.indirect_vreg.gather [hbm4b:s5+s2], $0x80, v4, vm1, $0xb8;
	[tilespmem:$0x12D00] =	vst v63  }
0xb5: {  	s0 =	rddreg [dreg:$0x1c]  }
0xb6: {  	[tilespmem:s0], [sflag:$0x1] =	stream.indirect_vreg.gather [hbm4b:s4+s2], $0x80, v3, vm0, $0xb8;
	[tilespmem:$0x12D00] =	vst v63  }
0xb7: {  	s6 =	rddreg [dreg:$0x1d]  }
0xb8: {  	[tilespmem:s6], [sflag:$0x1] =	stream.indirect_vreg.gather [hbm4b:s5+s2], $0x80, v3, vm1, $0xb8;
	[tilespmem:$0x12D00] =	vst v63  }
0xb9: {  	v3 =	vld [tilespmem:$0x30];
	_ =	sdelay $0x4  }
0xba: {  	v59 =	vshrl.u32 v3, $0x3  }
0xbb: {  	v4 =	vmul.u32 $0x18, v59  }
0xbc: {  	v3 =	vand.u32 $0x7, v3  }
0xbd: {  	v3 =	vor.u32 v3, v4  }
0xbe: {  	v4 =	vperm.xlane v3, v0;
	_ =	sdelay $0x1  }
0xbf: {  	v4 =	vadd.s32 v1, v4;
	_ =	sdelay $0x1  }
0xc0: {  	v3 =	vperm.xlane v3, v2  }
0xc1: {  	s0 =	rddreg [dreg:$0x1e]  }
0xc2: {  	s6 =	rddreg [dreg:$0x1f];
	v3 =	vadd.s32 v1, v3  }
0xc3: {  	[tilespmem:s0], [sflag:$0x1] =	stream.indirect_vreg.gather [hbm4b:s4+s2], $0x80, v4, vm0, $0xb8;
	[tilespmem:$0x12D00] =	vst v63  }
0xc4: {  	s0 =	sld [smem:$0x7FD]  }
0xc5: {  	[tilespmem:s6], [sflag:$0x1] =	stream.indirect_vreg.gather [hbm4b:s5+s2], $0x80, v4, vm1, $0xb8;
	[tilespmem:$0x12D00] =	vst v63  }
0xc6: {  	_ = 	snop  }
0xc7: {  	[tilespmem:s0], [sflag:$0x1] =	stream.indirect_vreg.gather [hbm4b:s4+s2], $0x80, v3, vm0, $0xb8;
	[tilespmem:$0x12D00] =	vst v63  }
0xc8: {  	_ = 	snop  }
0xc9: {  	[tilespmem:s12], [sflag:$0x1] =	stream.indirect_vreg.gather [hbm4b:s5+s2], $0x80, v3, vm1, $0xb8;
	[tilespmem:$0x12D00] =	vst v63  }
0xca: {  	v3 =	vld [tilespmem:$0x40];
	_ =	sdelay $0x4  }
0xcb: {  	v60 =	vshrl.u32 v3, $0x3  }
0xcc: {  	v4 =	vmul.u32 $0x18, v60  }
0xcd: {  	v3 =	vand.u32 $0x7, v3  }
0xce: {  	v3 =	vor.u32 v3, v4  }
0xcf: {  	v4 =	vperm.xlane v3, v0;
	_ =	sdelay $0x1  }
0xd0: {  	v4 =	vadd.s32 v1, v4;
	_ =	sdelay $0x1  }
0xd1: {  	v3 =	vperm.xlane v3, v2;
	_ =	sdelay $0x1  }
0xd2: {  	v3 =	vadd.s32 v1, v3  }
0xd3: {  	[tilespmem:s13], [sflag:$0x1] =	stream.indirect_vreg.gather [hbm4b:s4+s2], $0x80, v4, vm0, $0xb8;
	[tilespmem:$0x12D00] =	vst v63  }
0xd4: {  	_ = 	snop  }
0xd5: {  	[tilespmem:s14], [sflag:$0x1] =	stream.indirect_vreg.gather [hbm4b:s5+s2], $0x80, v4, vm1, $0xb8;
	[tilespmem:$0x12D00] =	vst v63  }
0xd6: {  	_ = 	snop  }
0xd7: {  	[tilespmem:s15], [sflag:$0x1] =	stream.indirect_vreg.gather [hbm4b:s4+s2], $0x80, v3, vm0, $0xb8;
	[tilespmem:$0x12D00] =	vst v63  }
0xd8: {  	_ = 	snop  }
0xd9: {  	[tilespmem:s16], [sflag:$0x1] =	stream.indirect_vreg.gather [hbm4b:s5+s2], $0x80, v3, vm1, $0xb8;
	[tilespmem:$0x12D00] =	vst v63  }
0xda: {  	v3 =	vld [tilespmem:$0x50];
	_ =	sdelay $0x4  }
0xdb: {  	v61 =	vshrl.u32 v3, $0x3  }
0xdc: {  	v4 =	vmul.u32 $0x18, v61  }
0xdd: {  	v3 =	vand.u32 $0x7, v3  }
0xde: {  	v3 =	vor.u32 v3, v4  }
0xdf: {  	v4 =	vperm.xlane v3, v0;
	_ =	sdelay $0x1  }
0xe0: {  	v4 =	vadd.s32 v1, v4;
	_ =	sdelay $0x1  }
0xe1: {  	v3 =	vperm.xlane v3, v2;
	_ =	sdelay $0x1  }
0xe2: {  	v3 =	vadd.s32 v1, v3  }
0xe3: {  	[tilespmem:s17], [sflag:$0x1] =	stream.indirect_vreg.gather [hbm4b:s4+s2], $0x80, v4, vm0, $0xb8;
	[tilespmem:$0x12D00] =	vst v63  }
0xe4: {  	_ = 	snop  }
0xe5: {  	[tilespmem:s18], [sflag:$0x1] =	stream.indirect_vreg.gather [hbm4b:s5+s2], $0x80, v4, vm1, $0xb8;
	[tilespmem:$0x12D00] =	vst v63  }
0xe6: {  	_ = 	snop  }
0xe7: {  	[tilespmem:s19], [sflag:$0x1] =	stream.indirect_vreg.gather [hbm4b:s4+s2], $0x80, v3, vm0, $0xb8;
	[tilespmem:$0x12D00] =	vst v63  }
0xe8: {  	_ = 	snop  }
0xe9: {  	[tilespmem:s20], [sflag:$0x1] =	stream.indirect_vreg.gather [hbm4b:s5+s2], $0x80, v3, vm1, $0xb8;
	[tilespmem:$0x12D00] =	vst v63  }
0xea: {  	v3 =	vld [tilespmem:$0x60];
	_ =	sdelay $0x4  }
0xeb: {  	v62 =	vshrl.u32 v3, $0x3  }
0xec: {  	v4 =	vmul.u32 $0x18, v62  }
0xed: {  	v3 =	vand.u32 $0x7, v3  }
0xee: {  	v3 =	vor.u32 v3, v4  }
0xef: {  	v4 =	vperm.xlane v3, v0;
	_ =	sdelay $0x1  }
0xf0: {  	v4 =	vadd.s32 v1, v4;
	_ =	sdelay $0x1  }
0xf1: {  	v3 =	vperm.xlane v3, v2;
	_ =	sdelay $0x1  }
0xf2: {  	v3 =	vadd.s32 v1, v3  }
0xf3: {  	[tilespmem:s21], [sflag:$0x1] =	stream.indirect_vreg.gather [hbm4b:s4+s2], $0x80, v4, vm0, $0xb8;
	[tilespmem:$0x12D00] =	vst v63  }
0xf4: {  	_ = 	snop  }
0xf5: {  	[tilespmem:s22], [sflag:$0x1] =	stream.indirect_vreg.gather [hbm4b:s5+s2], $0x80, v4, vm1, $0xb8;
	[tilespmem:$0x12D00] =	vst v63  }
0xf6: {  	_ = 	snop  }
0xf7: {  	[tilespmem:s23], [sflag:$0x1] =	stream.indirect_vreg.gather [hbm4b:s4+s2], $0x80, v3, vm0, $0xb8;
	[tilespmem:$0x12D00] =	vst v63  }
0xf8: {  	_ = 	snop  }
0xf9: {  	[tilespmem:s24], [sflag:$0x1] =	stream.indirect_vreg.gather [hbm4b:s5+s2], $0x80, v3, vm1, $0xb8;
	[tilespmem:$0x12D00] =	vst v63  }
0xfa: {  	v3 =	vld.msk [tilespmem:$0x70], $0xff;
	_ =	sdelay $0x4  }
0xfb: {  	v63 =	vshrl.u32 v3, $0x3  }
0xfc: {  	v4 =	vmul.u32 $0x18, v63  }
0xfd: {  	v3 =	vand.u32 $0x7, v3  }
0xfe: {  	v3 =	vor.u32 v3, v4  }
0xff: {  	v3 =	vperm.xlane v3, v0;
	_ =	sdelay $0x1  }
0x100: {  	v3 =	vadd.s32 v1, v3;
	_ =	sdelay $0x4  }
0x101: {  	[tilespmem:s25], [sflag:$0x1] =	stream.indirect_vreg.gather [hbm4b:s4+s2], $0x80, v3, vm0, $0xb8;
	[tilespmem:$0x12D00] =	vst v63  }
0x102: {  	_ = 	snop  }
0x103: {  	[tilespmem:s26], [sflag:$0x1] =	stream.indirect_vreg.gather [hbm4b:s5+s2], $0x80, v3, vm1, $0xb8;
	[tilespmem:$0x12D00] =	vst v63  }
0x104: {  	_ =	swait.ge [sflag:s28], $0x7800  }
0x105: {  	[sflag:s28] =	ssyncset.done $0x0  }
0x106: {  	[sflag:s28] =	ssyncadd.s32 $0xFFFF8800  }
0x107: {  	_ =	swait.ge [sflag:s28], $0xB400  }
0x108: {  	[sflag:s28] =	ssyncset.done $0x0  }
0x109: {  	[sflag:s28] =	ssyncadd.s32 $0xFFFF4C00  }
0x10a: {  	[hbm4b:s31+s2] =	stream.linear.scatter [tilespmem:s10], [sflag:$0x2], $0x7800, $0x38;
	[tilespmem:$0x12D00] =	vst v63  }
0x10b: {  	_ =	swait.ge [sflag:s9], $0x7800  }
0x10c: {  	p0 =	sne.s32 s1, $0xC3;
	[sflag:s9] =	ssyncset.done $0x0  }
.Ltmp0:
0x10d: {  	[sflag:s9] =	ssyncadd.s32 $0xFFFF8800;
	(pc) =	sbr.rel @p0 .LBB2_2-.Ltmp0, $4  }
0x10e: {  	[hbm4b:s30+s2] =	stream.linear.scatter [tilespmem:s11], [sflag:$0x2], $0xB400, $0x38;
	[tilespmem:$0x12D00] =	vst v63  }
0x10f: {  	_ =	swait.ge [sflag:s9], $0xB400  }
0x110: {  	s1 =	sadd.s32 $0xF, s1;
	[sflag:s9] =	ssyncset.done $0x0  }
0x111: {  	s31 =	sadd.s32 $0xF00, s31;
	s30 =	sadd.s32 $0x1680, s30;
	[sflag:s9] =	ssyncadd.s32 $0xFFFF4C00  }
0x112: {  	s0 =	sld [smem:$0x7FC];
	_ =	sdelay $0x1  }
0x113: {  	s29 =	sadd.s32 $0x1, s29  }
0x114: {  	p0 =	sne.s32 s29, s0  }
.Ltmp1:
0x115: {  	_ = 	snop;
	(pc) =	sbr.rel @p0 .LBB2_1-.Ltmp1, $1  }
0x116: {  	_ =	sdelay $0x3  }
0x117: {  	_ =	sfence.sel $0x180000  }
0x118: {  	[bflag:$0x0] =	sbarrier.arrive $0xFFFF  }
0x119: {  	_ =	strace $0x9000004D  }
0x11a: {  	s0 =	stileid.u32;
	[bflag:$0x2] =	sbarrier.arrive $0xFFFF  }
0x11b: {  	p0 =	sne.s32 s0, $0x0;
	s0 =	rddreg [dreg:$0x1]  }
0x11c: {  	s0 =	sadd.s32 @!p0 $0x100000, s0  }
0x11d: {  	[sflag:s0] =	ssyncadd.tile.s32 @!p0 $0x1;
	_ =	shalt  }
.Lfunc_end2:
_tile_overlayer_lowered:
.L_overlay_start_2:
0x11e: {  	(tag) =	ssettag $0x2  }
0x11f: {  	s0 =	rddreg [dreg:$0x0];
	s2 =	stileid.u32  }
0x120: {  	s1 =	rddreg [dreg:$0x1];
	p0 =	sne.s32 s2, $0x0  }
0x121: {  	s3 =	rddreg [dreg:$0x2];
	[bflag:$0x3] =	sbarrier.arrive $0xFFFF;
	s2 =	simm.s32 @!p0 $0x1C02  }
0x122: {  	[timem:s3], [sflag:s2] =	dma.local @!p0 [hbm:s0], s1  }
0x123: {  	s0 =	simm.s32 @!p0 $0x2  }
0x124: {  	_ =	swait.ge @!p0 [sflag:s0], s1  }
0x125: {  	s1 =	ssub.s32 @!p0 $0x0, s1;
	[sflag:s0] =	ssyncset.done @!p0 $0x0  }
0x126: {  	[sflag:s0] =	ssyncadd.s32 @!p0 s1  }
0x127: {  	[bflag:$0x3] =	sbarrier.arrive $0xFFFF  }
0x128: {  	_ =	shalt  }

// kernel: kernel.22.cloned.1.call-start
scs
__scs_entry_jumppad:
0x0: {  	(pc) =	sbr.rel $0x88, $3  }
0x1: {  	(tag) =	ssettag $0x0;
	lr =	simm.s32 $0x1  }
0x2: {  	[smem:$0x3F76] =	sst lr;
	_ =	strace $0xD0000000  }
0x3: {  	_ = 	snop  }
0x4: {  	_ = 	snop  }
0x5: {  	_ = 	snop  }
0x6: {  	_ = 	snop  }
0x7: {  	_ = 	snop  }
__scs_overlays_trampoline_lowered:
0x8: {  	[smem:$0x3F85] =	sst s0  }
0x9: {  	[smem:$0x3F86] =	sst s1  }
0xa: {  	[smem:$0x3F87] =	sst s2  }
0xb: {  	[smem:$0x3F88] =	sst s3  }
0xc: {  	[smem:$0x3F89] =	sst s4  }
0xd: {  	[smem:$0x3F8A] =	sst s5  }
0xe: {  	[smem:$0x3F8B] =	sst s6  }
0xf: {  	[smem:$0x3F8C] =	sst s7  }
0x10: {  	[smem:$0x3F8D] =	sst s8  }
0x11: {  	[smem:$0x3F8E] =	sst s9;
	s0 =	simm.s32 @!p0 $0x0  }
0x12: {  	s1 =	sld [smem:$0x3F74];
	s0 =	simm.s32 @p0 $0x1  }
0x13: {  	[smem:$0x3F8F] =	sst s0;
	s0 =	simm.s32 @!p1 $0x0  }
0x14: {  	s2 =	sld [smem:$0x3F73];
	s0 =	simm.s32 @p1 $0x1  }
0x15: {  	[smem:$0x3F90] =	sst s0;
	s0 =	simm.s32 @!p2 $0x0  }
0x16: {  	s3 =	sld [smem:$0x3FDB];
	s0 =	simm.s32 @p2 $0x1  }
0x17: {  	s4 =	simm.s32 $0x1BF5;
	[smem:$0x3F92] =	sst s0  }
0x18: {  	s0 =	sld [smem:$0x3F75];
	_ =	swait.ge [sflag:s4], $0x0  }
0x19: {  	s7 =	sld [smem:$0x3F76]  }
0x1a: {  	s8 =	sadd.s32 $0xFFFFE003, lr  }
0x1b: {  	s9 =	sadd.s32 $0xFFFFFEF7, lr;
	s5 =	simm.s32 $0xFFFFFFFF;
	p2 =	slt.u32 s8, $0xFFFFF086  }
0x1c: {  	p1 =	slt.u32 s9, $0xF7A;
	s5 =	simm.s32 @!p2 $0x0  }
0x1d: {  	s5 =	simm.s32 @p1 $0x1;
	p0 =	seq.s32 s7, s2  }
0x1e: {  	s7 =	smul.u32 @!p0 $0xF7A, s2;
	p2 =	seq.s32 @!p0 s5, $0x0  }
0x1f: {  	s9 =	smul.u32 $0xF7A, s1;
	s8 =	simm.s32 @!p0 $0x1BF5;
	p2 =	por !p2, p0  }
0x20: {  	[sflag:s8] =	ssyncset.s32 @!p0 $0xFFFFF086;
	s6 =	sadd.s32 @!p0 s3, s7;
	s7 =	simm.s32 @!p0 $0x108  }
0x21: {  	s3 =	sadd.s32 s3, s9;
	s6 =	sadd.s32 @!p0 $0x88, s6;
	s7 =	simm.s32 @p2 $0x1082  }
0x22: {  	[simem:s7], [sflag:s8] =	dma.local @!p0 [hbm:s6], $0xF7A  }
0x23: {  	s9 =	sor.u32 $0xD0000000, s2;
	s6 =	simm.s32 $0x108;
	_ =	swait.ge @!p0 [sflag:s8], $0x0  }
0x24: {  	s3 =	sadd.s32 $0x88, s3;
	s6 =	simm.s32 @!p1 $0x1082;
	[sflag:s4] =	ssyncset.s32 $0xFFFFF086  }
0x25: {  	[simem:s6], [sflag:s4] =	dma.local [hbm:s3], $0xF7A  }
0x26: {  	[smem:$0x3F76] =	sst s1;
	(tag) =	ssettag s2;
	_ =	strace s9  }
0x27: {  	s1 =	sld [smem:$0x3F86]  }
0x28: {  	s2 =	sld [smem:$0x3F87]  }
0x29: {  	s4 =	sld [smem:$0x3F89]  }
0x2a: {  	p0 =	seq.s32 s5, $0x0;
	s5 =	sld [smem:$0x3F8A]  }
0x2b: {  	s6 =	sld [smem:$0x3F8B]  }
0x2c: {  	s7 =	sld [smem:$0x3F8C]  }
0x2d: {  	s3 =	simm.s32 $0x108;
	s8 =	sld [smem:$0x3F8D]  }
0x2e: {  	s3 =	simm.s32 @!p0 $0x1082;
	s9 =	sld [smem:$0x3F8E]  }
0x2f: {  	lr =	sadd.s32 s0, s3;
	s0 =	sld [smem:$0x3F85]  }
0x30: {  	s3 =	sld [smem:$0x3F88]  }
0x31: {  	[smem:$0x3F91] =	sst s10  }
0x32: {  	s10 =	sld [smem:$0x3F8F];
	_ =	sdelay $0x3  }
0x33: {  	p0 =	seq.s32 s10, $0x1;
	s10 =	sld [smem:$0x3F91];
	_ =	sdelay $0x3  }
0x34: {  	[smem:$0x3F91] =	sst s10  }
0x35: {  	s10 =	sld [smem:$0x3F90];
	_ =	sdelay $0x3  }
0x36: {  	p1 =	seq.s32 s10, $0x1;
	s10 =	sld [smem:$0x3F91];
	_ =	sdelay $0x3  }
0x37: {  	[smem:$0x3F91] =	sst s10  }
0x38: {  	s10 =	sld [smem:$0x3F92]  }
0x39: {  	_ = 	snop;
	(pc) =	sbr.ind lr, $3  }
0x3a: {  	_ = 	snop  }
0x3b: {  	_ = 	snop  }
0x3c: {  	p2 =	seq.s32 s10, $0x1;
	s10 =	sld [smem:$0x3F91]  }
0x3d: {  	_ =	shalt  }
0x3e: {  	_ =	shalt  }
0x3f: {  	_ =	shalt  }
0x40: {  	_ =	shalt  }
0x41: {  	_ =	shalt  }
0x42: {  	_ =	shalt  }
0x43: {  	_ =	shalt  }
0x44: {  	_ =	shalt  }
0x45: {  	_ =	shalt  }
0x46: {  	_ =	shalt  }
0x47: {  	_ =	shalt  }
0x48: {  	_ =	shalt  }
0x49: {  	_ =	shalt  }
0x4a: {  	_ =	shalt  }
0x4b: {  	_ =	shalt  }
0x4c: {  	_ =	shalt  }
0x4d: {  	_ =	shalt  }
0x4e: {  	_ =	shalt  }
0x4f: {  	_ =	shalt  }
0x50: {  	_ =	shalt  }
0x51: {  	_ =	shalt  }
0x52: {  	_ =	shalt  }
0x53: {  	_ =	shalt  }
0x54: {  	_ =	shalt  }
0x55: {  	_ =	shalt  }
0x56: {  	_ =	shalt  }
0x57: {  	_ =	shalt  }
0x58: {  	_ =	shalt  }
0x59: {  	_ =	shalt  }
0x5a: {  	_ =	shalt  }
0x5b: {  	_ =	shalt  }
0x5c: {  	_ =	shalt  }
0x5d: {  	_ =	shalt  }
0x5e: {  	_ =	shalt  }
0x5f: {  	_ =	shalt  }
0x60: {  	_ =	shalt  }
0x61: {  	_ =	shalt  }
0x62: {  	_ =	shalt  }
0x63: {  	_ =	shalt  }
0x64: {  	_ =	shalt  }
0x65: {  	_ =	shalt  }
0x66: {  	_ =	shalt  }
0x67: {  	_ =	shalt  }
0x68: {  	_ =	shalt  }
0x69: {  	_ =	shalt  }
0x6a: {  	_ =	shalt  }
0x6b: {  	_ =	shalt  }
0x6c: {  	_ =	shalt  }
0x6d: {  	_ =	shalt  }
0x6e: {  	_ =	shalt  }
0x6f: {  	_ =	shalt  }
0x70: {  	_ =	shalt  }
0x71: {  	_ =	shalt  }
0x72: {  	_ =	shalt  }
0x73: {  	_ =	shalt  }
0x74: {  	_ =	shalt  }
0x75: {  	_ =	shalt  }
0x76: {  	_ =	shalt  }
0x77: {  	_ =	shalt  }
0x78: {  	_ =	shalt  }
0x79: {  	_ =	shalt  }
0x7a: {  	_ =	shalt  }
0x7b: {  	_ =	shalt  }
0x7c: {  	_ =	shalt  }
0x7d: {  	_ =	shalt  }
0x7e: {  	_ =	shalt  }
0x7f: {  	_ =	shalt  }
0x80: {  	_ =	shalt  }
0x81: {  	_ =	shalt  }
0x82: {  	_ =	shalt  }
0x83: {  	_ =	shalt  }
0x84: {  	_ =	shalt  }
0x85: {  	_ =	shalt  }
0x86: {  	_ =	shalt  }
0x87: {  	_ =	shalt  }
.Lfunc_end0:
.L_simem_size_0:
called_computation.2_lowered:
.L_overlay_start_0:
0x88: {  	s2 =	sld [smem:$0x3FD9]  }
0x89: {  	s3 =	sld [smem:$0x3FFE];
	_ =	sdelay $0x1  }
0x8a: {  	s1 =	srdreg.scid  }
0x8b: {  	s0 =	sand.u32 $0x1, s1  }
0x8c: {  	s16 =	sshll.u32 s0, $0xA;
	s2 =	sadd.s32 s3, s2  }
0x8d: {  	s2 =	sadd.s32 s2, s16  }
0x8e: {  	[smem:$0x3F9D] =	sst s2  }
0x8f: {  	_ = 	snop  }
0x90: {  	(tm) =	ssettm $0x1  }
0x91: {  	s17 =	sld [smem:$0x3FFB];
	_ =	sdelay $0x3  }
0x92: {  	_ =	strace s17  }
0x93: {  	s2 =	sld [smem:$0x3FFC];
	_ =	sdelay $0x3  }
0x94: {  	_ =	strace s2  }
0x95: {  	s2 =	sld [smem:$0x3FFD];
	_ =	sdelay $0x3  }
0x96: {  	_ =	strace s2  }
0x97: {  	_ =	strace $0x8FFFFFFF  }
0x98: {  	s18 =	sld [smem:$0x3FDB];
	_ =	sdelay $0x1  }
0x99: {  	s19 =	simm.s32 $_scs_section_size  }
0x9a: {  	s4 =	simm.s32 $_size__tile_overlayer_lowered;
	s5 =	simm.s32 $_tile_overlayer_lowered  }
0x9b: {  	s22 =	simm.s32 $0x1BFF;
	s21 =	sshll.u32 s5, $0x1;
	s2 =	sadd.s32 s19, s18  }
0x9c: {  	s6 =	simm.s32 $0x0;
	s20 =	sshll.u32 s4, $0x1;
	s4 =	sadd.s32 s21, s2  }
0x9d: {  	[timem:s6], [sflag:s22] =	dma.local [hbm:s4], s20  }
0x9e: {  	_ =	swait.ge [sflag:s22], s20  }
0x9f: {  	s3 =	ssub.s32 $0x0, s20;
	[sflag:s22] =	ssyncset.done $0x0  }
0xa0: {  	[sflag:s22] =	ssyncadd.s32 s3;
	_ =	sdelay $0x1  }
0xa1: {  	s23 =	simm.s32 $0x1B8B  }
0xa2: {  	_ =	swait.ge [sflag:s23], $0x1  }
0xa3: {  	[sflag:s23] =	ssyncset.done $0x0  }
0xa4: {  	s25 =	simm.s32 $0x1B8E;
	s24 =	sld [smem:$0x3FFE];
	[sflag:s23] =	ssyncadd.s32 $0xFFFFFFFF  }
0xa5: {  	s26 =	simm.s32 $execute0_lowered;
	[smem:$0x3FD2] =	sst s25  }
0xa6: {  	s4 =	sshll.u32 s26, $0x1;
	_ =	strace $0x80000046;
	[dreg:$0x1] =	wrdreg $0xFFFFFFFF  }
0xa7: {  	s28 =	simm.s32 $_size_execute0_lowered;
	s2 =	sadd.s32 s2, s4;
	[dreg:$0x0] =	wrdreg $0x0  }
0xa8: {  	s4 =	sshll.u32 s28, $0x1;
	[dreg:$0x2] =	wrdreg s2  }
0xa9: {  	[dreg:$0x3] =	wrdreg s4  }
0xaa: {  	[dreg:$0x4] =	wrdreg $0xC0  }
0xab: {  	_ =	task [dreg:s6], $0x5FFFF  }
0xac: {  	[dreg:$0x1] =	wrdreg $0xFFFFFFFF  }
0xad: {  	[dreg:$0x0] =	wrdreg $0x60  }
0xae: {  	[dreg:$0x2] =	wrdreg s24  }
0xaf: {  	[dreg:$0x3] =	wrdreg $0xB  }
0xb0: {  	_ =	task.clear_ibuf [dreg:s6], $0x4FFFF;
	_ =	strace $0x90000046  }
0xb1: {  	s29 =	simm.s32 $0xB;
	_ =	strace $0x80000048  }
0xb2: {  	_ =	swait.ge [sflag:s29], $0x1  }
0xb3: {  	[sflag:s29] =	ssyncadd.s32 $0xFFFFFFFF  }
0xb4: {  	_ =	strace $0x90000048  }
0xb5: {  	_ =	sfence  }
0xb6: {  	s30 =	sld [smem:$0x0];
	_ =	sdelay $0x2  }
0xb7: {  	s31 =	sshll.u32 s1, $0xD;
	s1 =	sshrl.u32 s1, $0x2  }
0xb8: {  	s3 =	sand.u32 $0x4000, s31;
	s1 =	sadd.s32 s1, s30  }
0xb9: {  	s0 =	sor.u32 s3, s0;
	s1 =	sshll.u32 s1, $0x11  }
0xba: {  	s0 =	sor.u32 s1, s0  }
0xbb: {  	s0 =	sadd.s32 $0x8F2B, s0  }
0xbc: {  	[sflag:s0] =	ssyncadd.remote.s32 $0x1  }
0xbd: {  	_ =	sfence.sel $0xFFFF  }
0xbe: {  	[dreg:$0x0] =	wrdreg $0xFFFFFFFF;
	(pc) =	sbr.abs _section_cstart, $3  }
0xbf: {  	[dreg:$0x1] =	wrdreg $0xFFFFFFFF  }
0xc0: {  	_ =	task.clear_ibuf [dreg:s6], $0x2FFFF;
	_ =	strace $0x9FFFFFFF  }
0xc1: {  	(tm) =	ssettm $0x7FFFFFFF  }
tec
execute0_lowered:
.L_overlay_start_1:
0x0: {  	(tag) =	ssettag $0x1  }
0x1: {  	s1 =	srdreg.scid;
	s0 =	stileid.u32  }
0x2: {  	s1 =	sand.u32 $0x1, s1;
	s2 =	smul.u32 $0xD20, s0  }
0x3: {  	s3 =	smul.u32 $0x690, s1;
	_ =	sdelay $0x1  }
0x4: {  	s5 =	rddreg [dreg:$0x0];
	s3 =	sadd.s32 s3, s2;
	s2 =	simm.s32 $0x0  }
0x5: {  	s22 =	simm.s32 $0x80;
	[smem:$0x7FF] =	sst s2  }
0x6: {  	s23 =	simm.s32 $0x900;
	_ =	strace $0x80000047;
	[dreg:$0x4] =	wrdreg s22  }
0x7: {  	s24 =	simm.s32 $0x1100;
	[dreg:$0x5] =	wrdreg s23  }
0x8: {  	s25 =	simm.s32 $0x1900;
	[dreg:$0x6] =	wrdreg s24  }
0x9: {  	s26 =	simm.s32 $0x2100;
	[dreg:$0x7] =	wrdreg s25  }
0xa: {  	s30 =	simm.s32 $0x2900;
	[dreg:$0x8] =	wrdreg s26  }
0xb: {  	s31 =	simm.s32 $0x3100;
	[dreg:$0x9] =	wrdreg s30  }
0xc: {  	s7 =	simm.s32 $0x4100;
	[dreg:$0xa] =	wrdreg s31  }
0xd: {  	s8 =	simm.s32 $0x4900;
	[dreg:$0xc] =	wrdreg s7  }
0xe: {  	s9 =	simm.s32 $0x5100;
	[dreg:$0xd] =	wrdreg s8  }
0xf: {  	s10 =	simm.s32 $0x6100;
	s11 =	simm.s32 $0x6900;
	[dreg:$0xe] =	wrdreg s9  }
0x10: {  	s12 =	simm.s32 $0x7100;
	s13 =	simm.s32 $0x8100;
	[dreg:$0x10] =	wrdreg s10  }
0x11: {  	s14 =	simm.s32 $0x8500;
	s16 =	simm.s32 $0x8D00;
	[dreg:$0x11] =	wrdreg s11  }
0x12: {  	s17 =	simm.s32 $0x9100;
	s18 =	simm.s32 $0x9900;
	[dreg:$0x12] =	wrdreg s12  }
0x13: {  	s19 =	simm.s32 $0x9D00;
	s20 =	simm.s32 $0xA500;
	[dreg:$0x13] =	wrdreg s13  }
0x14: {  	s28 =	simm.s32 $0x1;
	s29 =	simm.s32 $0x0;
	[dreg:$0x14] =	wrdreg s14  }
0x15: {  	s15 =	ssub.s32 $0x2, s1;
	s6 =	sshrl.u32 s3, $0x3;
	[dreg:$0x15] =	wrdreg s16  }
0x16: {  	s1 =	smul.u32 $0xD200, s1;
	s3 =	sadd.s32 s6, s5;
	[dreg:$0x16] =	wrdreg s17  }
0x17: {  	s7 =	simm.s32 $0x5900;
	s8 =	smul.u32 $0x1A400, s0;
	[dreg:$0x17] =	wrdreg s18  }
0x18: {  	s6 =	smul.u32 $0x180, s6;
	s10 =	sshrl.u32 s15, $0x1;
	[dreg:$0x18] =	wrdreg s19  }
0x19: {  	[dreg:$0x19] =	wrdreg s20;
	s22 =	simm.s32 $0xA900;
	s23 =	simm.s32 $0xB100  }
0x1a: {  	s24 =	simm.s32 $0xB500;
	s25 =	simm.s32 $0xBD00;
	s26 =	simm.s32 $0xC100  }
0x1b: {  	s30 =	simm.s32 $0xC900;
	s11 =	simm.s32 $0x7900;
	[dreg:$0xf] =	wrdreg s7  }
0x1c: {  	s31 =	simm.s32 $0xCD00;
	s12 =	simm.s32 $0xD500;
	[dreg:$0x1a] =	wrdreg s22  }
0x1d: {  	s13 =	simm.s32 $0xD900;
	s14 =	simm.s32 $0xE100;
	[dreg:$0x1b] =	wrdreg s23  }
0x1e: {  	s16 =	simm.s32 $0xED00;
	s17 =	simm.s32 $0xF100;
	[dreg:$0x1c] =	wrdreg s24  }
0x1f: {  	s18 =	simm.s32 $0xF900;
	s19 =	simm.s32 $0xFD00;
	[dreg:$0x1d] =	wrdreg s25  }
0x20: {  	s20 =	simm.s32 $0x10500;
	s4 =	sadd.s32 $0xC200, s3;
	[dreg:$0x1e] =	wrdreg s26  }
0x21: {  	s3 =	sadd.s32 $0x8A00, s3;
	s7 =	ssub.s32 s15, s10;
	[dreg:$0x1f] =	wrdreg s30  }
0x22: {  	s10 =	simm.s32 $0x100;
	[smem:$0x7FD] =	sst s31;
	s15 =	simm.s32 $0xE500  }
0x23: {  	s22 =	simm.s32 $0x11100;
	s23 =	simm.s32 $0x11500;
	s24 =	simm.s32 $0x11D00  }
0x24: {  	s25 =	simm.s32 $0x12100;
	s26 =	simm.s32 $0x12900;
	[dreg:$0x2] =	wrdreg s4  }
0x25: {  	[dreg:$0x3] =	wrdreg s3;
	s4 =	simm.s32 $0x3900;
	s3 =	sadd.s32 $0xFA00, s5  }
0x26: {  	s8 =	sadd.s32 s8, s5;
	s9 =	sadd.s32 s6, s5;
	s21 =	smax.u32 s7, $0x1  }
0x27: {  	v2 =	vlaneseq.u32;
	[dreg:$0xb] =	wrdreg s4;
	s4 =	sadd.s32 $0x5E600, s5;
	s5 =	sadd.s32 $0x5E700, s5  }
0x28: {  	vm0 =	vmmov $0xffff;
	vm1 =	vmmov $0xff;
	v1 =	vshrl.u32 v2, $0x3;
	[smem:$0x7FC] =	sst s21;
	s1 =	sadd.s32 s1, s8;
	s8 =	sadd.s32 $0x29FE00, s9  }
0x29: {  	v0 =	vand.u32 $0x7, v2;
	v2 =	vor.u32 $0x8, v2;
	v1 =	vmul.u32 $0x8, v1;
	s9 =	simm.s32 $0x2;
	s21 =	simm.s32 $0x10900;
	s7 =	sadd.s32 $0xFBE00, s1  }
.LBB2_1:
0x2a: {  	s30 =	smov.u32 s8;
	s31 =	smov.u32 s7;
	s1 =	simm.s32 $0x0  }
.LBB2_2:
0x2b: {  	s0 =	rddreg [dreg:$0x3]  }
0x2c: {  	s0 =	sadd.s32 s1, s0  }
0x2d: {  	[tilespmem:s2], [sflag:$0x2] =	stream.linear.gather [hbm4b:s0+s2], $0x78, $0x38;
	[tilespmem:$0x12D00] =	vst v63  }
0x2e: {  	_ =	swait.ge [sflag:s9], $0x78  }
0x2f: {  	s0 =	rddreg [dreg:$0x2];
	[sflag:s9] =	ssyncset.done $0x0  }
0x30: {  	s6 =	rddreg [dreg:$0x4];
	[sflag:s9] =	ssyncadd.s32 $0xFFFFFF88;
	s0 =	sadd.s32 s1, s0  }
0x31: {  	[tilespmem:s6], [sflag:$0x2] =	stream.linear.gather [hbm4b:s0+s2], $0x78, $0x38;
	[tilespmem:$0x12D00] =	vst v63  }
0x32: {  	_ =	swait.ge [sflag:s9], $0x78  }
0x33: {  	[sflag:s9] =	ssyncset.done $0x0  }
0x34: {  	[sflag:s9] =	ssyncadd.s32 $0xFFFFFF88  }
0x35: {  	v3 =	vld [tilespmem:$0x80];
	_ =	sdelay $0x4  }
0x36: {  	v4 =	vshll.u32 v3, $0x1  }
0x37: {  	v3 =	vand.u32 $0x7, v3;
	v4 =	vand.u32 $0xFFFFFFF0, v4  }
0x38: {  	v3 =	vor.u32 v3, v4  }
0x39: {  	v4 =	vperm.xlane v3, v0;
	_ =	sdelay $0x1  }
0x3a: {  	v3 =	vperm.xlane v3, v2;
	v4 =	vadd.s32 v1, v4;
	_ =	sdelay $0x1  }
0x3b: {  	v3 =	vadd.s32 v1, v3;
	_ =	sdelay $0x2  }
0x3c: {  	[tilespmem:s10], [sflag:$0x1] =	stream.indirect_vreg.gather [hbm4b:s3+s2], $0x80, v4, vm0, $0xb8;
	[tilespmem:$0x12D00] =	vst v63  }
0x3d: {  	s6 =	rddreg [dreg:$0x5]  }
0x3e: {  	[tilespmem:s6], [sflag:$0x1] =	stream.indirect_vreg.gather [hbm4b:s3+s2], $0x80, v3, vm0, $0xb8;
	[tilespmem:$0x12D00] =	vst v63  }
0x3f: {  	v3 =	vld [tilespmem:$0x90];
	_ =	sdelay $0x4  }
0x40: {  	v49 =	vshll.u32 v3, $0x1  }
0x41: {  	v3 =	vand.u32 $0x7, v3;
	v4 =	vand.u32 $0xFFFFFFF0, v49  }
0x42: {  	v3 =	vor.u32 v3, v4  }
0x43: {  	v4 =	vperm.xlane v3, v0;
	_ =	sdelay $0x1  }
0x44: {  	v3 =	vperm.xlane v3, v2;
	v4 =	vadd.s32 v1, v4;
	_ =	sdelay $0x1  }
0x45: {  	v3 =	vadd.s32 v1, v3;
	_ =	sdelay $0x1  }
0x46: {  	s0 =	rddreg [dreg:$0x6]  }
0x47: {  	[tilespmem:s0], [sflag:$0x1] =	stream.indirect_vreg.gather [hbm4b:s3+s2], $0x80, v4, vm0, $0xb8;
	[tilespmem:$0x12D00] =	vst v63  }
0x48: {  	s6 =	rddreg [dreg:$0x7]  }
0x49: {  	[tilespmem:s6], [sflag:$0x1] =	stream.indirect_vreg.gather [hbm4b:s3+s2], $0x80, v3, vm0, $0xb8;
	[tilespmem:$0x12D00] =	vst v63  }
0x4a: {  	v3 =	vld [tilespmem:$0xA0];
	_ =	sdelay $0x4  }
0x4b: {  	v50 =	vshll.u32 v3, $0x1  }
0x4c: {  	v3 =	vand.u32 $0x7, v3;
	v4 =	vand.u32 $0xFFFFFFF0, v50  }
0x4d: {  	v3 =	vor.u32 v3, v4  }
0x4e: {  	v4 =	vperm.xlane v3, v0;
	_ =	sdelay $0x1  }
0x4f: {  	v3 =	vperm.xlane v3, v2;
	v4 =	vadd.s32 v1, v4;
	_ =	sdelay $0x1  }
0x50: {  	v3 =	vadd.s32 v1, v3;
	_ =	sdelay $0x1  }
0x51: {  	s0 =	rddreg [dreg:$0x8]  }
0x52: {  	[tilespmem:s0], [sflag:$0x1] =	stream.indirect_vreg.gather [hbm4b:s3+s2], $0x80, v4, vm0, $0xb8;
	[tilespmem:$0x12D00] =	vst v63  }
0x53: {  	s6 =	rddreg [dreg:$0x9]  }
0x54: {  	[tilespmem:s6], [sflag:$0x1] =	stream.indirect_vreg.gather [hbm4b:s3+s2], $0x80, v3, vm0, $0xb8;
	[tilespmem:$0x12D00] =	vst v63  }
0x55: {  	v3 =	vld [tilespmem:$0xB0];
	_ =	sdelay $0x4  }
0x56: {  	v51 =	vshll.u32 v3, $0x1  }
0x57: {  	v3 =	vand.u32 $0x7, v3;
	v4 =	vand.u32 $0xFFFFFFF0, v51  }
0x58: {  	v3 =	vor.u32 v3, v4  }
0x59: {  	v4 =	vperm.xlane v3, v0;
	_ =	sdelay $0x1  }
0x5a: {  	v3 =	vperm.xlane v3, v2;
	v4 =	vadd.s32 v1, v4;
	_ =	sdelay $0x1  }
0x5b: {  	v3 =	vadd.s32 v1, v3;
	_ =	sdelay $0x1  }
0x5c: {  	s0 =	rddreg [dreg:$0xa]  }
0x5d: {  	[tilespmem:s0], [sflag:$0x1] =	stream.indirect_vreg.gather [hbm4b:s3+s2], $0x80, v4, vm0, $0xb8;
	[tilespmem:$0x12D00] =	vst v63  }
0x5e: {  	s6 =	rddreg [dreg:$0xb]  }
0x5f: {  	[tilespmem:s6], [sflag:$0x1] =	stream.indirect_vreg.gather [hbm4b:s3+s2], $0x80, v3, vm0, $0xb8;
	[tilespmem:$0x12D00] =	vst v63  }
0x60: {  	v3 =	vld [tilespmem:$0xC0];
	_ =	sdelay $0x4  }
0x61: {  	v52 =	vshll.u32 v3, $0x1  }
0x62: {  	v3 =	vand.u32 $0x7, v3;
	v4 =	vand.u32 $0xFFFFFFF0, v52  }
0x63: {  	v3 =	vor.u32 v3, v4  }
0x64: {  	v4 =	vperm.xlane v3, v0;
	_ =	sdelay $0x1  }
0x65: {  	v3 =	vperm.xlane v3, v2;
	v4 =	vadd.s32 v1, v4;
	_ =	sdelay $0x1  }
0x66: {  	v3 =	vadd.s32 v1, v3;
	_ =	sdelay $0x1  }
0x67: {  	s0 =	rddreg [dreg:$0xc]  }
0x68: {  	[tilespmem:s0], [sflag:$0x1] =	stream.indirect_vreg.gather [hbm4b:s3+s2], $0x80, v4, vm0, $0xb8;
	[tilespmem:$0x12D00] =	vst v63  }
0x69: {  	s6 =	rddreg [dreg:$0xd]  }
0x6a: {  	[tilespmem:s6], [sflag:$0x1] =	stream.indirect_vreg.gather [hbm4b:s3+s2], $0x80, v3, vm0, $0xb8;
	[tilespmem:$0x12D00] =	vst v63  }
0x6b: {  	v3 =	vld [tilespmem:$0xD0];
	_ =	sdelay $0x4  }
0x6c: {  	v53 =	vshll.u32 v3, $0x1  }
0x6d: {  	v3 =	vand.u32 $0x7, v3;
	v4 =	vand.u32 $0xFFFFFFF0, v53  }
0x6e: {  	v3 =	vor.u32 v3, v4  }
0x6f: {  	v4 =	vperm.xlane v3, v0;
	_ =	sdelay $0x1  }
0x70: {  	v3 =	vperm.xlane v3, v2;
	v4 =	vadd.s32 v1, v4;
	_ =	sdelay $0x1  }
0x71: {  	v3 =	vadd.s32 v1, v3;
	_ =	sdelay $0x1  }
0x72: {  	s0 =	rddreg [dreg:$0xe]  }
0x73: {  	[tilespmem:s0], [sflag:$0x1] =	stream.indirect_vreg.gather [hbm4b:s3+s2], $0x80, v4, vm0, $0xb8;
	[tilespmem:$0x12D00] =	vst v63  }
0x74: {  	s6 =	rddreg [dreg:$0xf]  }
0x75: {  	[tilespmem:s6], [sflag:$0x1] =	stream.indirect_vreg.gather [hbm4b:s3+s2], $0x80, v3, vm0, $0xb8;
	[tilespmem:$0x12D00] =	vst v63  }
0x76: {  	v3 =	vld [tilespmem:$0xE0];
	_ =	sdelay $0x4  }
0x77: {  	v54 =	vshll.u32 v3, $0x1  }
0x78: {  	v3 =	vand.u32 $0x7, v3;
	v4 =	vand.u32 $0xFFFFFFF0, v54  }
0x79: {  	v3 =	vor.u32 v3, v4  }
0x7a: {  	v4 =	vperm.xlane v3, v0;
	_ =	sdelay $0x1  }
0x7b: {  	v3 =	vperm.xlane v3, v2;
	v4 =	vadd.s32 v1, v4;
	_ =	sdelay $0x1  }
0x7c: {  	v3 =	vadd.s32 v1, v3;
	_ =	sdelay $0x1  }
0x7d: {  	s0 =	rddreg [dreg:$0x10]  }
0x7e: {  	[tilespmem:s0], [sflag:$0x1] =	stream.indirect_vreg.gather [hbm4b:s3+s2], $0x80, v4, vm0, $0xb8;
	[tilespmem:$0x12D00] =	vst v63  }
0x7f: {  	s6 =	rddreg [dreg:$0x11]  }
0x80: {  	[tilespmem:s6], [sflag:$0x1] =	stream.indirect_vreg.gather [hbm4b:s3+s2], $0x80, v3, vm0, $0xb8;
	[tilespmem:$0x12D00] =	vst v63  }
0x81: {  	v3 =	vld.msk [tilespmem:$0xF0], $0xff;
	_ =	sdelay $0x4  }
0x82: {  	v55 =	vshll.u32 v3, $0x1  }
0x83: {  	v3 =	vand.u32 $0x7, v3;
	v4 =	vand.u32 $0xFFFFFFF0, v55  }
0x84: {  	v3 =	vor.u32 v3, v4  }
0x85: {  	v3 =	vperm.xlane v3, v0;
	_ =	sdelay $0x1  }
0x86: {  	v3 =	vadd.s32 v1, v3;
	_ =	sdelay $0x3  }
0x87: {  	s6 =	rddreg [dreg:$0x12]  }
0x88: {  	[tilespmem:s6], [sflag:$0x1] =	stream.indirect_vreg.gather [hbm4b:s3+s2], $0x80, v3, vm0, $0xb8;
	[tilespmem:$0x12D00] =	vst v63  }
0x89: {  	v3 =	vld [tilespmem:$0x0];
	_ =	sdelay $0x4  }
0x8a: {  	v56 =	vshrl.u32 v3, $0x3  }
0x8b: {  	v4 =	vmul.u32 $0x18, v56  }
0x8c: {  	v3 =	vand.u32 $0x7, v3  }
0x8d: {  	v3 =	vor.u32 v3, v4  }
0x8e: {  	v4 =	vperm.xlane v3, v0;
	_ =	sdelay $0x1  }
0x8f: {  	v4 =	vadd.s32 v1, v4;
	_ =	sdelay $0x1  }
0x90: {  	v3 =	vperm.xlane v3, v2;
	_ =	sdelay $0x1  }
0x91: {  	v3 =	vadd.s32 v1, v3  }
0x92: {  	[tilespmem:s11], [sflag:$0x1] =	stream.indirect_vreg.gather [hbm4b:s4+s2], $0x80, v4, vm0, $0xb8;
	[tilespmem:$0x12D00] =	vst v63  }
0x93: {  	s0 =	rddreg [dreg:$0x13]  }
0x94: {  	[tilespmem:s0], [sflag:$0x1] =	stream.indirect_vreg.gather [hbm4b:s5+s2], $0x80, v4, vm1, $0xb8;
	[tilespmem:$0x12D00] =	vst v63  }
0x95: {  	s6 =	rddreg [dreg:$0x14]  }
0x96: {  	[tilespmem:s6], [sflag:$0x1] =	stream.indirect_vreg.gather [hbm4b:s4+s2], $0x80, v3, vm0, $0xb8;
	[tilespmem:$0x12D00] =	vst v63  }
0x97: {  	s0 =	rddreg [dreg:$0x15]  }
0x98: {  	[tilespmem:s0], [sflag:$0x1] =	stream.indirect_vreg.gather [hbm4b:s5+s2], $0x80, v3, vm1, $0xb8;
	[tilespmem:$0x12D00] =	vst v63  }
0x99: {  	v3 =	vld [tilespmem:$0x10];
	_ =	sdelay $0x4  }
0x9a: {  	v57 =	vshrl.u32 v3, $0x3  }
0x9b: {  	v4 =	vmul.u32 $0x18, v57  }
0x9c: {  	v3 =	vand.u32 $0x7, v3  }
0x9d: {  	v3 =	vor.u32 v3, v4  }
0x9e: {  	v4 =	vperm.xlane v3, v0;
	_ =	sdelay $0x1  }
0x9f: {  	v4 =	vadd.s32 v1, v4;
	_ =	sdelay $0x1  }
0xa0: {  	v3 =	vperm.xlane v3, v2;
	_ =	sdelay $0x1  }
0xa1: {  	s0 =	rddreg [dreg:$0x16];
	v3 =	vadd.s32 v1, v3  }
0xa2: {  	[tilespmem:s0], [sflag:$0x1] =	stream.indirect_vreg.gather [hbm4b:s4+s2], $0x80, v4, vm0, $0xb8;
	[tilespmem:$0x12D00] =	vst v63  }
0xa3: {  	s6 =	rddreg [dreg:$0x17]  }
0xa4: {  	[tilespmem:s6], [sflag:$0x1] =	stream.indirect_vreg.gather [hbm4b:s5+s2], $0x80, v4, vm1, $0xb8;
	[tilespmem:$0x12D00] =	vst v63  }
0xa5: {  	s0 =	rddreg [dreg:$0x18]  }
0xa6: {  	[tilespmem:s0], [sflag:$0x1] =	stream.indirect_vreg.gather [hbm4b:s4+s2], $0x80, v3, vm0, $0xb8;
	[tilespmem:$0x12D00] =	vst v63  }
0xa7: {  	s6 =	rddreg [dreg:$0x19]  }
0xa8: {  	[tilespmem:s6], [sflag:$0x1] =	stream.indirect_vreg.gather [hbm4b:s5+s2], $0x80, v3, vm1, $0xb8;
	[tilespmem:$0x12D00] =	vst v63  }
0xa9: {  	v3 =	vld [tilespmem:$0x20];
	_ =	sdelay $0x4  }
0xaa: {  	v58 =	vshrl.u32 v3, $0x3  }
0xab: {  	v4 =	vmul.u32 $0x18, v58  }
0xac: {  	v3 =	vand.u32 $0x7, v3  }
0xad: {  	v3 =	vor.u32 v3, v4  }
0xae: {  	v4 =	vperm.xlane v3, v0;
	_ =	sdelay $0x1  }
0xaf: {  	v4 =	vadd.s32 v1, v4;
	_ =	sdelay $0x1  }
0xb0: {  	v3 =	vperm.xlane v3, v2;
	_ =	sdelay $0x1  }
0xb1: {  	s0 =	rddreg [dreg:$0x1a];
	v3 =	vadd.s32 v1, v3  }
0xb2: {  	[tilespmem:s0], [sflag:$0x1] =	stream.indirect_vreg.gather [hbm4b:s4+s2], $0x80, v4, vm0, $0xb8;
	[tilespmem:$0x12D00] =	vst v63  }
0xb3: {  	s6 =	rddreg [dreg:$0x1b]  }
0xb4: {  	[tilespmem:s6], [sflag:$0x1] =	stream.indirect_vreg.gather [hbm4b:s5+s2], $0x80, v4, vm1, $0xb8;
	[tilespmem:$0x12D00] =	vst v63  }
0xb5: {  	s0 =	rddreg [dreg:$0x1c]  }
0xb6: {  	[tilespmem:s0], [sflag:$0x1] =	stream.indirect_vreg.gather [hbm4b:s4+s2], $0x80, v3, vm0, $0xb8;
	[tilespmem:$0x12D00] =	vst v63  }
0xb7: {  	s6 =	rddreg [dreg:$0x1d]  }
0xb8: {  	[tilespmem:s6], [sflag:$0x1] =	stream.indirect_vreg.gather [hbm4b:s5+s2], $0x80, v3, vm1, $0xb8;
	[tilespmem:$0x12D00] =	vst v63  }
0xb9: {  	v3 =	vld [tilespmem:$0x30];
	_ =	sdelay $0x4  }
0xba: {  	v59 =	vshrl.u32 v3, $0x3  }
0xbb: {  	v4 =	vmul.u32 $0x18, v59  }
0xbc: {  	v3 =	vand.u32 $0x7, v3  }
0xbd: {  	v3 =	vor.u32 v3, v4  }
0xbe: {  	v4 =	vperm.xlane v3, v0;
	_ =	sdelay $0x1  }
0xbf: {  	v4 =	vadd.s32 v1, v4;
	_ =	sdelay $0x1  }
0xc0: {  	v3 =	vperm.xlane v3, v2  }
0xc1: {  	s0 =	rddreg [dreg:$0x1e]  }
0xc2: {  	s6 =	rddreg [dreg:$0x1f];
	v3 =	vadd.s32 v1, v3  }
0xc3: {  	[tilespmem:s0], [sflag:$0x1] =	stream.indirect_vreg.gather [hbm4b:s4+s2], $0x80, v4, vm0, $0xb8;
	[tilespmem:$0x12D00] =	vst v63  }
0xc4: {  	s0 =	sld [smem:$0x7FD]  }
0xc5: {  	[tilespmem:s6], [sflag:$0x1] =	stream.indirect_vreg.gather [hbm4b:s5+s2], $0x80, v4, vm1, $0xb8;
	[tilespmem:$0x12D00] =	vst v63  }
0xc6: {  	_ = 	snop  }
0xc7: {  	[tilespmem:s0], [sflag:$0x1] =	stream.indirect_vreg.gather [hbm4b:s4+s2], $0x80, v3, vm0, $0xb8;
	[tilespmem:$0x12D00] =	vst v63  }
0xc8: {  	_ = 	snop  }
0xc9: {  	[tilespmem:s12], [sflag:$0x1] =	stream.indirect_vreg.gather [hbm4b:s5+s2], $0x80, v3, vm1, $0xb8;
	[tilespmem:$0x12D00] =	vst v63  }
0xca: {  	v3 =	vld [tilespmem:$0x40];
	_ =	sdelay $0x4  }
0xcb: {  	v60 =	vshrl.u32 v3, $0x3  }
0xcc: {  	v4 =	vmul.u32 $0x18, v60  }
0xcd: {  	v3 =	vand.u32 $0x7, v3  }
0xce: {  	v3 =	vor.u32 v3, v4  }
0xcf: {  	v4 =	vperm.xlane v3, v0;
	_ =	sdelay $0x1  }
0xd0: {  	v4 =	vadd.s32 v1, v4;
	_ =	sdelay $0x1  }
0xd1: {  	v3 =	vperm.xlane v3, v2;
	_ =	sdelay $0x1  }
0xd2: {  	v3 =	vadd.s32 v1, v3  }
0xd3: {  	[tilespmem:s13], [sflag:$0x1] =	stream.indirect_vreg.gather [hbm4b:s4+s2], $0x80, v4, vm0, $0xb8;
	[tilespmem:$0x12D00] =	vst v63  }
0xd4: {  	_ = 	snop  }
0xd5: {  	[tilespmem:s14], [sflag:$0x1] =	stream.indirect_vreg.gather [hbm4b:s5+s2], $0x80, v4, vm1, $0xb8;
	[tilespmem:$0x12D00] =	vst v63  }
0xd6: {  	_ = 	snop  }
0xd7: {  	[tilespmem:s15], [sflag:$0x1] =	stream.indirect_vreg.gather [hbm4b:s4+s2], $0x80, v3, vm0, $0xb8;
	[tilespmem:$0x12D00] =	vst v63  }
0xd8: {  	_ = 	snop  }
0xd9: {  	[tilespmem:s16], [sflag:$0x1] =	stream.indirect_vreg.gather [hbm4b:s5+s2], $0x80, v3, vm1, $0xb8;
	[tilespmem:$0x12D00] =	vst v63  }
0xda: {  	v3 =	vld [tilespmem:$0x50];
	_ =	sdelay $0x4  }
0xdb: {  	v61 =	vshrl.u32 v3, $0x3  }
0xdc: {  	v4 =	vmul.u32 $0x18, v61  }
0xdd: {  	v3 =	vand.u32 $0x7, v3  }
0xde: {  	v3 =	vor.u32 v3, v4  }
0xdf: {  	v4 =	vperm.xlane v3, v0;
	_ =	sdelay $0x1  }
0xe0: {  	v4 =	vadd.s32 v1, v4;
	_ =	sdelay $0x1  }
0xe1: {  	v3 =	vperm.xlane v3, v2;
	_ =	sdelay $0x1  }
0xe2: {  	v3 =	vadd.s32 v1, v3  }
0xe3: {  	[tilespmem:s17], [sflag:$0x1] =	stream.indirect_vreg.gather [hbm4b:s4+s2], $0x80, v4, vm0, $0xb8;
	[tilespmem:$0x12D00] =	vst v63  }
0xe4: {  	_ = 	snop  }
0xe5: {  	[tilespmem:s18], [sflag:$0x1] =	stream.indirect_vreg.gather [hbm4b:s5+s2], $0x80, v4, vm1, $0xb8;
	[tilespmem:$0x12D00] =	vst v63  }
0xe6: {  	_ = 	snop  }
0xe7: {  	[tilespmem:s19], [sflag:$0x1] =	stream.indirect_vreg.gather [hbm4b:s4+s2], $0x80, v3, vm0, $0xb8;
	[tilespmem:$0x12D00] =	vst v63  }
0xe8: {  	_ = 	snop  }
0xe9: {  	[tilespmem:s20], [sflag:$0x1] =	stream.indirect_vreg.gather [hbm4b:s5+s2], $0x80, v3, vm1, $0xb8;
	[tilespmem:$0x12D00] =	vst v63  }
0xea: {  	v3 =	vld [tilespmem:$0x60];
	_ =	sdelay $0x4  }
0xeb: {  	v62 =	vshrl.u32 v3, $0x3  }
0xec: {  	v4 =	vmul.u32 $0x18, v62  }
0xed: {  	v3 =	vand.u32 $0x7, v3  }
0xee: {  	v3 =	vor.u32 v3, v4  }
0xef: {  	v4 =	vperm.xlane v3, v0;
	_ =	sdelay $0x1  }
0xf0: {  	v4 =	vadd.s32 v1, v4;
	_ =	sdelay $0x1  }
0xf1: {  	v3 =	vperm.xlane v3, v2;
	_ =	sdelay $0x1  }
0xf2: {  	v3 =	vadd.s32 v1, v3  }
0xf3: {  	[tilespmem:s21], [sflag:$0x1] =	stream.indirect_vreg.gather [hbm4b:s4+s2], $0x80, v4, vm0, $0xb8;
	[tilespmem:$0x12D00] =	vst v63  }
0xf4: {  	_ = 	snop  }
0xf5: {  	[tilespmem:s22], [sflag:$0x1] =	stream.indirect_vreg.gather [hbm4b:s5+s2], $0x80, v4, vm1, $0xb8;
	[tilespmem:$0x12D00] =	vst v63  }
0xf6: {  	_ = 	snop  }
0xf7: {  	[tilespmem:s23], [sflag:$0x1] =	stream.indirect_vreg.gather [hbm4b:s4+s2], $0x80, v3, vm0, $0xb8;
	[tilespmem:$0x12D00] =	vst v63  }
0xf8: {  	_ = 	snop  }
0xf9: {  	[tilespmem:s24], [sflag:$0x1] =	stream.indirect_vreg.gather [hbm4b:s5+s2], $0x80, v3, vm1, $0xb8;
	[tilespmem:$0x12D00] =	vst v63  }
0xfa: {  	v3 =	vld.msk [tilespmem:$0x70], $0xff;
	_ =	sdelay $0x4  }
0xfb: {  	v63 =	vshrl.u32 v3, $0x3  }
0xfc: {  	v4 =	vmul.u32 $0x18, v63  }
0xfd: {  	v3 =	vand.u32 $0x7, v3  }
0xfe: {  	v3 =	vor.u32 v3, v4  }
0xff: {  	v3 =	vperm.xlane v3, v0;
	_ =	sdelay $0x1  }
0x100: {  	v3 =	vadd.s32 v1, v3;
	_ =	sdelay $0x4  }
0x101: {  	[tilespmem:s25], [sflag:$0x1] =	stream.indirect_vreg.gather [hbm4b:s4+s2], $0x80, v3, vm0, $0xb8;
	[tilespmem:$0x12D00] =	vst v63  }
0x102: {  	_ = 	snop  }
0x103: {  	[tilespmem:s26], [sflag:$0x1] =	stream.indirect_vreg.gather [hbm4b:s5+s2], $0x80, v3, vm1, $0xb8;
	[tilespmem:$0x12D00] =	vst v63  }
0x104: {  	_ =	swait.ge [sflag:s28], $0x7800  }
0x105: {  	[sflag:s28] =	ssyncset.done $0x0  }
0x106: {  	[sflag:s28] =	ssyncadd.s32 $0xFFFF8800  }
0x107: {  	_ =	swait.ge [sflag:s28], $0xB400  }
0x108: {  	[sflag:s28] =	ssyncset.done $0x0  }
0x109: {  	[sflag:s28] =	ssyncadd.s32 $0xFFFF4C00  }
0x10a: {  	[hbm4b:s31+s2] =	stream.linear.scatter [tilespmem:s10], [sflag:$0x2], $0x7800, $0x38;
	[tilespmem:$0x12D00] =	vst v63  }
0x10b: {  	_ =	swait.ge [sflag:s9], $0x7800  }
0x10c: {  	p0 =	sne.s32 s1, $0xC3;
	[sflag:s9] =	ssyncset.done $0x0  }
.Ltmp0:
0x10d: {  	[sflag:s9] =	ssyncadd.s32 $0xFFFF8800;
	(pc) =	sbr.rel @p0 .LBB2_2-.Ltmp0, $4  }
0x10e: {  	[hbm4b:s30+s2] =	stream.linear.scatter [tilespmem:s11], [sflag:$0x2], $0xB400, $0x38;
	[tilespmem:$0x12D00] =	vst v63  }
0x10f: {  	_ =	swait.ge [sflag:s9], $0xB400  }
0x110: {  	s1 =	sadd.s32 $0xF, s1;
	[sflag:s9] =	ssyncset.done $0x0  }
0x111: {  	s31 =	sadd.s32 $0xF00, s31;
	s30 =	sadd.s32 $0x1680, s30;
	[sflag:s9] =	ssyncadd.s32 $0xFFFF4C00  }
0x112: {  	s0 =	sld [smem:$0x7FC];
	_ =	sdelay $0x1  }
0x113: {  	s29 =	sadd.s32 $0x1, s29  }
0x114: {  	p0 =	sne.s32 s29, s0  }
.Ltmp1:
0x115: {  	_ = 	snop;
	(pc) =	sbr.rel @p0 .LBB2_1-.Ltmp1, $1  }
0x116: {  	_ =	sdelay $0x3  }
0x117: {  	_ =	sfence.sel $0x180000  }
0x118: {  	[bflag:$0x0] =	sbarrier.arrive $0xFFFF  }
0x119: {  	_ =	strace $0x90000047  }
0x11a: {  	s0 =	stileid.u32;
	[bflag:$0x2] =	sbarrier.arrive $0xFFFF  }
0x11b: {  	p0 =	sne.s32 s0, $0x0;
	s0 =	rddreg [dreg:$0x1]  }
0x11c: {  	s0 =	sadd.s32 @!p0 $0x100000, s0  }
0x11d: {  	[sflag:s0] =	ssyncadd.tile.s32 @!p0 $0x1;
	_ =	shalt  }
.Lfunc_end2:
_tile_overlayer_lowered:
.L_overlay_start_2:
0x11e: {  	(tag) =	ssettag $0x2  }
0x11f: {  	s0 =	rddreg [dreg:$0x0];
	s2 =	stileid.u32  }
0x120: {  	s1 =	rddreg [dreg:$0x1];
	p0 =	sne.s32 s2, $0x0  }
0x121: {  	s3 =	rddreg [dreg:$0x2];
	[bflag:$0x3] =	sbarrier.arrive $0xFFFF;
	s2 =	simm.s32 @!p0 $0x1C02  }
0x122: {  	[timem:s3], [sflag:s2] =	dma.local @!p0 [hbm:s0], s1  }
0x123: {  	s0 =	simm.s32 @!p0 $0x2  }
0x124: {  	_ =	swait.ge @!p0 [sflag:s0], s1  }
0x125: {  	s1 =	ssub.s32 @!p0 $0x0, s1;
	[sflag:s0] =	ssyncset.done @!p0 $0x0  }
0x126: {  	[sflag:s0] =	ssyncadd.s32 @!p0 s1  }
0x127: {  	[bflag:$0x3] =	sbarrier.arrive $0xFFFF  }
0x128: {  	_ =	shalt  }

// kernel: kernel.25.cloned.1.call-start
scs
__scs_entry_jumppad:
0x0: {  	(pc) =	sbr.rel $0x88, $3  }
0x1: {  	(tag) =	ssettag $0x0;
	lr =	simm.s32 $0x1  }
0x2: {  	[smem:$0x3F76] =	sst lr;
	_ =	strace $0xD0000000  }
0x3: {  	_ = 	snop  }
0x4: {  	_ = 	snop  }
0x5: {  	_ = 	snop  }
0x6: {  	_ = 	snop  }
0x7: {  	_ = 	snop  }
__scs_overlays_trampoline_lowered:
0x8: {  	[smem:$0x3F85] =	sst s0  }
0x9: {  	[smem:$0x3F86] =	sst s1  }
0xa: {  	[smem:$0x3F87] =	sst s2  }
0xb: {  	[smem:$0x3F88] =	sst s3  }
0xc: {  	[smem:$0x3F89] =	sst s4  }
0xd: {  	[smem:$0x3F8A] =	sst s5  }
0xe: {  	[smem:$0x3F8B] =	sst s6  }
0xf: {  	[smem:$0x3F8C] =	sst s7  }
0x10: {  	[smem:$0x3F8D] =	sst s8  }
0x11: {  	[smem:$0x3F8E] =	sst s9;
	s0 =	simm.s32 @!p0 $0x0  }
0x12: {  	s1 =	sld [smem:$0x3F74];
	s0 =	simm.s32 @p0 $0x1  }
0x13: {  	[smem:$0x3F8F] =	sst s0;
	s0 =	simm.s32 @!p1 $0x0  }
0x14: {  	s2 =	sld [smem:$0x3F73];
	s0 =	simm.s32 @p1 $0x1  }
0x15: {  	[smem:$0x3F90] =	sst s0;
	s0 =	simm.s32 @!p2 $0x0  }
0x16: {  	s3 =	sld [smem:$0x3FDB];
	s0 =	simm.s32 @p2 $0x1  }
0x17: {  	s4 =	simm.s32 $0x1BF5;
	[smem:$0x3F92] =	sst s0  }
0x18: {  	s0 =	sld [smem:$0x3F75];
	_ =	swait.ge [sflag:s4], $0x0  }
0x19: {  	s7 =	sld [smem:$0x3F76]  }
0x1a: {  	s8 =	sadd.s32 $0xFFFFE003, lr  }
0x1b: {  	s9 =	sadd.s32 $0xFFFFFEF7, lr;
	s5 =	simm.s32 $0xFFFFFFFF;
	p2 =	slt.u32 s8, $0xFFFFF086  }
0x1c: {  	p1 =	slt.u32 s9, $0xF7A;
	s5 =	simm.s32 @!p2 $0x0  }
0x1d: {  	s5 =	simm.s32 @p1 $0x1;
	p0 =	seq.s32 s7, s2  }
0x1e: {  	s7 =	smul.u32 @!p0 $0xF7A, s2;
	p2 =	seq.s32 @!p0 s5, $0x0  }
0x1f: {  	s9 =	smul.u32 $0xF7A, s1;
	s8 =	simm.s32 @!p0 $0x1BF5;
	p2 =	por !p2, p0  }
0x20: {  	[sflag:s8] =	ssyncset.s32 @!p0 $0xFFFFF086;
	s6 =	sadd.s32 @!p0 s3, s7;
	s7 =	simm.s32 @!p0 $0x108  }
0x21: {  	s3 =	sadd.s32 s3, s9;
	s6 =	sadd.s32 @!p0 $0x88, s6;
	s7 =	simm.s32 @p2 $0x1082  }
0x22: {  	[simem:s7], [sflag:s8] =	dma.local @!p0 [hbm:s6], $0xF7A  }
0x23: {  	s9 =	sor.u32 $0xD0000000, s2;
	s6 =	simm.s32 $0x108;
	_ =	swait.ge @!p0 [sflag:s8], $0x0  }
0x24: {  	s3 =	sadd.s32 $0x88, s3;
	s6 =	simm.s32 @!p1 $0x1082;
	[sflag:s4] =	ssyncset.s32 $0xFFFFF086  }
0x25: {  	[simem:s6], [sflag:s4] =	dma.local [hbm:s3], $0xF7A  }
0x26: {  	[smem:$0x3F76] =	sst s1;
	(tag) =	ssettag s2;
	_ =	strace s9  }
0x27: {  	s1 =	sld [smem:$0x3F86]  }
0x28: {  	s2 =	sld [smem:$0x3F87]  }
0x29: {  	s4 =	sld [smem:$0x3F89]  }
0x2a: {  	p0 =	seq.s32 s5, $0x0;
	s5 =	sld [smem:$0x3F8A]  }
0x2b: {  	s6 =	sld [smem:$0x3F8B]  }
0x2c: {  	s7 =	sld [smem:$0x3F8C]  }
0x2d: {  	s3 =	simm.s32 $0x108;
	s8 =	sld [smem:$0x3F8D]  }
0x2e: {  	s3 =	simm.s32 @!p0 $0x1082;
	s9 =	sld [smem:$0x3F8E]  }
0x2f: {  	lr =	sadd.s32 s0, s3;
	s0 =	sld [smem:$0x3F85]  }
0x30: {  	s3 =	sld [smem:$0x3F88]  }
0x31: {  	[smem:$0x3F91] =	sst s10  }
0x32: {  	s10 =	sld [smem:$0x3F8F];
	_ =	sdelay $0x3  }
0x33: {  	p0 =	seq.s32 s10, $0x1;
	s10 =	sld [smem:$0x3F91];
	_ =	sdelay $0x3  }
0x34: {  	[smem:$0x3F91] =	sst s10  }
0x35: {  	s10 =	sld [smem:$0x3F90];
	_ =	sdelay $0x3  }
0x36: {  	p1 =	seq.s32 s10, $0x1;
	s10 =	sld [smem:$0x3F91];
	_ =	sdelay $0x3  }
0x37: {  	[smem:$0x3F91] =	sst s10  }
0x38: {  	s10 =	sld [smem:$0x3F92]  }
0x39: {  	_ = 	snop;
	(pc) =	sbr.ind lr, $3  }
0x3a: {  	_ = 	snop  }
0x3b: {  	_ = 	snop  }
0x3c: {  	p2 =	seq.s32 s10, $0x1;
	s10 =	sld [smem:$0x3F91]  }
0x3d: {  	_ =	shalt  }
0x3e: {  	_ =	shalt  }
0x3f: {  	_ =	shalt  }
0x40: {  	_ =	shalt  }
0x41: {  	_ =	shalt  }
0x42: {  	_ =	shalt  }
0x43: {  	_ =	shalt  }
0x44: {  	_ =	shalt  }
0x45: {  	_ =	shalt  }
0x46: {  	_ =	shalt  }
0x47: {  	_ =	shalt  }
0x48: {  	_ =	shalt  }
0x49: {  	_ =	shalt  }
0x4a: {  	_ =	shalt  }
0x4b: {  	_ =	shalt  }
0x4c: {  	_ =	shalt  }
0x4d: {  	_ =	shalt  }
0x4e: {  	_ =	shalt  }
0x4f: {  	_ =	shalt  }
0x50: {  	_ =	shalt  }
0x51: {  	_ =	shalt  }
0x52: {  	_ =	shalt  }
0x53: {  	_ =	shalt  }
0x54: {  	_ =	shalt  }
0x55: {  	_ =	shalt  }
0x56: {  	_ =	shalt  }
0x57: {  	_ =	shalt  }
0x58: {  	_ =	shalt  }
0x59: {  	_ =	shalt  }
0x5a: {  	_ =	shalt  }
0x5b: {  	_ =	shalt  }
0x5c: {  	_ =	shalt  }
0x5d: {  	_ =	shalt  }
0x5e: {  	_ =	shalt  }
0x5f: {  	_ =	shalt  }
0x60: {  	_ =	shalt  }
0x61: {  	_ =	shalt  }
0x62: {  	_ =	shalt  }
0x63: {  	_ =	shalt  }
0x64: {  	_ =	shalt  }
0x65: {  	_ =	shalt  }
0x66: {  	_ =	shalt  }
0x67: {  	_ =	shalt  }
0x68: {  	_ =	shalt  }
0x69: {  	_ =	shalt  }
0x6a: {  	_ =	shalt  }
0x6b: {  	_ =	shalt  }
0x6c: {  	_ =	shalt  }
0x6d: {  	_ =	shalt  }
0x6e: {  	_ =	shalt  }
0x6f: {  	_ =	shalt  }
0x70: {  	_ =	shalt  }
0x71: {  	_ =	shalt  }
0x72: {  	_ =	shalt  }
0x73: {  	_ =	shalt  }
0x74: {  	_ =	shalt  }
0x75: {  	_ =	shalt  }
0x76: {  	_ =	shalt  }
0x77: {  	_ =	shalt  }
0x78: {  	_ =	shalt  }
0x79: {  	_ =	shalt  }
0x7a: {  	_ =	shalt  }
0x7b: {  	_ =	shalt  }
0x7c: {  	_ =	shalt  }
0x7d: {  	_ =	shalt  }
0x7e: {  	_ =	shalt  }
0x7f: {  	_ =	shalt  }
0x80: {  	_ =	shalt  }
0x81: {  	_ =	shalt  }
0x82: {  	_ =	shalt  }
0x83: {  	_ =	shalt  }
0x84: {  	_ =	shalt  }
0x85: {  	_ =	shalt  }
0x86: {  	_ =	shalt  }
0x87: {  	_ =	shalt  }
.Lfunc_end0:
.L_simem_size_0:
called_computation.3_lowered:
.L_overlay_start_0:
0x88: {  	s2 =	sld [smem:$0x3FD9]  }
0x89: {  	s3 =	sld [smem:$0x3FFE];
	_ =	sdelay $0x1  }
0x8a: {  	s1 =	srdreg.scid  }
0x8b: {  	s0 =	sand.u32 $0x1, s1  }
0x8c: {  	s17 =	sshll.u32 s0, $0xA;
	s2 =	sadd.s32 s3, s2  }
0x8d: {  	s2 =	sadd.s32 s2, s17  }
0x8e: {  	[smem:$0x3F9D] =	sst s2  }
0x8f: {  	_ = 	snop  }
0x90: {  	(tm) =	ssettm $0x1  }
0x91: {  	s18 =	sld [smem:$0x3FFB];
	_ =	sdelay $0x3  }
0x92: {  	_ =	strace s18  }
0x93: {  	s2 =	sld [smem:$0x3FFC];
	_ =	sdelay $0x3  }
0x94: {  	_ =	strace s2  }
0x95: {  	s2 =	sld [smem:$0x3FFD];
	_ =	sdelay $0x3  }
0x96: {  	_ =	strace s2  }
0x97: {  	_ =	strace $0x8FFFFFFF  }
0x98: {  	s19 =	sld [smem:$0x3FDB];
	_ =	sdelay $0x1  }
0x99: {  	s20 =	simm.s32 $_scs_section_size  }
0x9a: {  	s4 =	simm.s32 $_size__tile_overlayer_lowered;
	s5 =	simm.s32 $_tile_overlayer_lowered  }
0x9b: {  	s6 =	simm.s32 $0x1BFF;
	s21 =	sshll.u32 s5, $0x1;
	s3 =	sadd.s32 s20, s19  }
0x9c: {  	s22 =	simm.s32 $0x0;
	s4 =	sshll.u32 s4, $0x1;
	s5 =	sadd.s32 s21, s3  }
0x9d: {  	[timem:s22], [sflag:s6] =	dma.local [hbm:s5], s4  }
0x9e: {  	_ =	swait.ge [sflag:s6], s4  }
0x9f: {  	s4 =	ssub.s32 $0x0, s4;
	[sflag:s6] =	ssyncset.done $0x0  }
0xa0: {  	[sflag:s6] =	ssyncadd.s32 s4;
	_ =	sdelay $0x1  }
0xa1: {  	s23 =	simm.s32 $0x1B8B  }
0xa2: {  	_ =	swait.ge [sflag:s23], $0x1  }
0xa3: {  	[sflag:s23] =	ssyncset.done $0x0  }
0xa4: {  	[sflag:s23] =	ssyncadd.s32 $0xFFFFFFFF  }
0xa5: {  	s4 =	sld [smem:$0x0]  }
0xa6: {  	s5 =	sand.u32 $0xFFFFFFFE, s1  }
0xa7: {  	p0 =	sne.s32 s1, s5  }
0xa8: {  	s5 =	sshll.u32 @p0 s5, $0xE  }
0xa9: {  	s5 =	sadd.s32 @p0 $0x11B8D, s5;
	s6 =	sshll.u32 @p0 s4, $0x11  }
0xaa: {  	s5 =	sor.u32 @p0 s6, s5  }
0xab: {  	[sflag:s5] =	ssyncadd.remote.s32 @p0 $0x1;
	_ =	sdelay $0x1  }
0xac: {  	s5 =	simm.s32 @p0 $0x1B8D  }
0xad: {  	_ =	swait.eq @p0 [sflag:s5], $0x1  }
0xae: {  	[sflag:s5] =	ssyncadd.s32 @p0 $0xFFFFFFFF  }
0xaf: {  	s6 =	sshll.u32 @!p0 s1, $0xE  }
0xb0: {  	s6 =	sor.u32 @!p0 $0x4000, s6;
	s5 =	simm.s32 @!p0 $0x1B8D  }
0xb1: {  	s4 =	sshll.u32 @!p0 s4, $0x11;
	s6 =	sadd.s32 @!p0 $0x11B8D, s6;
	_ =	swait.eq @!p0 [sflag:s5], $0x1  }
0xb2: {  	s4 =	sor.u32 @!p0 s4, s6;
	[sflag:s5] =	ssyncadd.s32 @!p0 $0xFFFFFFFF  }
0xb3: {  	s25 =	simm.s32 $0x1B8E;
	s24 =	sld [smem:$0x3FFE];
	[sflag:s4] =	ssyncadd.remote.s32 @!p0 $0x1  }
0xb4: {  	s26 =	simm.s32 $execute0_lowered;
	[smem:$0x3FD2] =	sst s25  }
0xb5: {  	s5 =	sshll.u32 s26, $0x1;
	_ =	strace $0x80000055;
	[dreg:$0x1] =	wrdreg $0xFFFFFFFF  }
0xb6: {  	s28 =	simm.s32 $_size_execute0_lowered;
	s3 =	sadd.s32 s3, s5;
	[dreg:$0x0] =	wrdreg $0x0  }
0xb7: {  	s5 =	sshll.u32 s28, $0x1;
	[dreg:$0x2] =	wrdreg s3  }
0xb8: {  	[dreg:$0x3] =	wrdreg s5  }
0xb9: {  	[dreg:$0x4] =	wrdreg $0xC0  }
0xba: {  	_ =	task [dreg:s22], $0x5FFFF  }
0xbb: {  	[dreg:$0x1] =	wrdreg $0xFFFFFFFF  }
0xbc: {  	[dreg:$0x0] =	wrdreg $0x60  }
0xbd: {  	[dreg:$0x2] =	wrdreg s24  }
0xbe: {  	[dreg:$0x3] =	wrdreg $0xA9800  }
0xbf: {  	[dreg:$0x4] =	wrdreg $0x9  }
0xc0: {  	_ =	task.clear_ibuf [dreg:s22], $0x5FFFF;
	_ =	strace $0x90000055  }
0xc1: {  	s29 =	simm.s32 $0x9;
	_ =	strace $0x80000057  }
0xc2: {  	_ =	swait.ge [sflag:s29], $0x1  }
0xc3: {  	[sflag:s29] =	ssyncadd.s32 $0xFFFFFFFF  }
0xc4: {  	_ =	strace $0x90000057  }
0xc5: {  	_ =	sfence  }
0xc6: {  	s30 =	sld [smem:$0x0];
	_ =	sdelay $0x2  }
0xc7: {  	s31 =	sshll.u32 s1, $0xD;
	s1 =	sshrl.u32 s1, $0x2  }
0xc8: {  	s4 =	sand.u32 $0x4000, s31;
	s1 =	sadd.s32 s1, s30  }
0xc9: {  	s0 =	sor.u32 s4, s0;
	s1 =	sshll.u32 s1, $0x11  }
0xca: {  	s0 =	sor.u32 s1, s0  }
0xcb: {  	s0 =	sadd.s32 $0x8F2B, s0  }
0xcc: {  	[sflag:s0] =	ssyncadd.remote.s32 $0x1  }
0xcd: {  	_ =	sfence.sel $0xFFFF  }
0xce: {  	[dreg:$0x0] =	wrdreg $0xFFFFFFFF;
	(pc) =	sbr.abs _section_cstart, $3  }
0xcf: {  	[dreg:$0x1] =	wrdreg $0xFFFFFFFF  }
0xd0: {  	_ =	task.clear_ibuf [dreg:s22], $0x2FFFF;
	_ =	strace $0x9FFFFFFF  }
0xd1: {  	(tm) =	ssettm $0x7FFFFFFF  }
tec
execute0_lowered:
.L_overlay_start_1:
0x0: {  	(tag) =	ssettag $0x1  }
0x1: {  	s5 =	rddreg [dreg:$0x0]  }
0x2: {  	s1 =	rddreg [dreg:$0x1]  }
0x3: {  	s21 =	rddreg [dreg:$0x2];
	s2 =	simm.s32 $0x0  }
0x4: {  	s0 =	srdreg.scid;
	[smem:$0x7FF] =	sst s2;
	s3 =	sadd.s32 $0x517A00, s5  }
0x5: {  	p4 =	por $0x0, $0x0;
	s8 =	sadd.s32 $0x33D600, s5;
	s4 =	sadd.s32 $0x78F600, s5  }
0x6: {  	s7 =	sadd.s32 $0xFA00, s5;
	s6 =	sand.u32 $0x1, s0;
	s0 =	stileid.u32  }
0x7: {  	s11 =	sadd.s32 $0xFBE00, s5;
	s5 =	sadd.s32 $0x14AA00, s5;
	s10 =	smul.u32 $0x13B000, s6  }
0x8: {  	_ =	strace $0x80000056;
	s9 =	ssub.s32 $0x2, s6;
	s13 =	smul.u32 $0x13C00, s0  }
0x9: {  	s26 =	sshll.u32 s0, $0x1;
	s29 =	smul.u32 $0x4F000, s0;
	p2 =	sne.s32 s0, $0xF  }
0xa: {  	p0 =	sne.s32 s0, $0x0;
	s12 =	sshrl.u32 s9, $0x1;
	p1 =	sne.s32 @p2 s0, $0x0  }
0xb: {  	s9 =	ssub.s32 s9, s12;
	s12 =	sor.u32 s6, s26;
	s28 =	sadd.s32 s13, s10  }
0xc: {  	s30 =	sshrl.u32 s10, $0x3;
	s13 =	sshrl.u32 s29, $0x2;
	s14 =	sshrl.u32 s28, $0x3  }
0xd: {  	s10 =	sadd.s32 $0x128400, s1;
	s16 =	sadd.s32 $0x25080, s30;
	s31 =	sadd.s32 s11, s14  }
0xe: {  	s6 =	sadd.s32 s13, s1;
	s13 =	sadd.s32 s11, s16;
	[dreg:$0x3] =	wrdreg s31  }
0xf: {  	p3 =	por p1, !p2;
	s14 =	sadd.s32 s5, s14;
	[dreg:$0x4] =	wrdreg s13  }
0x10: {  	s15 =	smul.u32 $0x690, s12;
	s5 =	sadd.s32 s5, s16;
	[dreg:$0x5] =	wrdreg s14  }
0x11: {  	p1 =	seq.s32 s0, $0xF;
	s16 =	smul.u32 $0x6900, s12;
	[dreg:$0x6] =	wrdreg s5  }
0x12: {  	s5 =	smax.u32 s9, $0x1;
	s24 =	sshrl.u32 s15, $0x3;
	s26 =	sadd.s32 $0x150, s15  }
0x13: {  	s31 =	sadd.s32 $0x2A0, s15;
	s17 =	sadd.s32 $0x3F0, s15;
	s15 =	sadd.s32 $0x540, s15  }
0x14: {  	s9 =	simm.s32 $0x150;
	s14 =	sadd.s32 s3, s24;
	s25 =	sadd.s32 s8, s16  }
0x15: {  	s28 =	sshrl.u32 s26, $0x3;
	s29 =	sshll.u32 s26, $0x4;
	s22 =	sshll.u32 s31, $0x4  }
0x16: {  	s19 =	sshll.u32 s17, $0x4;
	s20 =	sshll.u32 s15, $0x4;
	s13 =	sshrl.u32 s31, $0x3  }
0x17: {  	s24 =	sadd.s32 s4, s16;
	s5 =	sadd.s32 $0xFFFFFFFF, s5;
	s16 =	sshrl.u32 @!p3 s1, $0x3  }
0x18: {  	[dreg:$0x7] =	wrdreg s25;
	s12 =	sadd.s32 s3, s28;
	s30 =	sadd.s32 s8, s29  }
0x19: {  	s18 =	sadd.s32 s8, s22;
	s23 =	sadd.s32 s8, s19;
	s8 =	sadd.s32 s8, s20  }
0x1a: {  	s13 =	sadd.s32 s3, s13;
	s25 =	sshrl.u32 s17, $0x3;
	[dreg:$0xc] =	wrdreg s24  }
0x1b: {  	s26 =	sadd.s32 s4, s29;
	s28 =	sadd.s32 s4, s22;
	s29 =	sshrl.u32 s15, $0x3  }
0x1c: {  	s31 =	sadd.s32 s4, s20;
	p5 =	sne.s32 s5, $0x0;
	[dreg:$0x8] =	wrdreg s30  }
0x1d: {  	s22 =	sshll.u32 @p2 s0, $0x6;
	s17 =	sshrl.u32 @p2 s6, $0x3;
	[dreg:$0x9] =	wrdreg s18  }
0x1e: {  	s15 =	sshrl.u32 @!p2 s10, $0x3;
	s10 =	sshrl.u32 @p1 s10, $0x3;
	[dreg:$0xa] =	wrdreg s23  }
.Ltmp0:
0x1f: {  	s20 =	sshll.u32 @!p1 s0, $0x6;
	[dreg:$0xb] =	wrdreg s8;
	(pc) =	sbr.rel @!p5 .LBB2_5-.Ltmp0, $4  }
0x20: {  	s6 =	sshrl.u32 @!p1 s6, $0x3;
	s11 =	sadd.s32 s3, s25;
	[dreg:$0xd] =	wrdreg s26  }
0x21: {  	[dreg:$0xe] =	wrdreg s28;
	s30 =	sadd.s32 s4, s19;
	s8 =	sadd.s32 s3, s29  }
0x22: {  	[dreg:$0x10] =	wrdreg s31;
	s3 =	simm.s32 $0x1;
	s4 =	simm.s32 $0x180  }
0x23: {  	s18 =	sshrl.u32 @!p0 s1, $0x3;
	s19 =	simm.s32 @!p0 $0x1;
	[dreg:$0xf] =	wrdreg s30  }
0x24: {  	s0 =	simm.s32 @!p0 $0x1C01  }
0x25: {  	[spmem:s18], [sflag:s0] =	dma.local @!p0 [hbm:s7], $0x27600  }
0x26: {  	_ =	swait.ge @!p0 [sflag:s19], $0x27600  }
0x27: {  	[sflag:s19] =	ssyncset.done @!p0 $0x0  }
0x28: {  	[sflag:s19] =	ssyncadd.s32 @!p0 $0xFFFD8A00  }
0x29: {  	[bflag:$0x0] =	sbarrier.arrive $0xFFFF  }
0x2a: {  	[tilespmem:s2], [sflag:$0x1] =	stream.linear.gather [hbm4b:s14+s2], $0x150, $0x38;
	[tilespmem:$0x1E480] =	vst v63  }
0x2b: {  	_ =	swait.ge [sflag:s3], $0x150  }
0x2c: {  	[sflag:s3] =	ssyncset.done $0x0  }
0x2d: {  	s21 =	rddreg [dreg:$0x7];
	[sflag:s3] =	ssyncadd.s32 $0xFFFFFEB0  }
0x2e: {  	[tilespmem:s4], [sflag:$0x1] =	stream.linear.gather [hbm4b:s21+s2], $0xA800, $0x38;
	[tilespmem:$0x1E480] =	vst v63  }
0x2f: {  	_ =	swait.ge [sflag:s3], $0xA800  }
0x30: {  	[sflag:s3] =	ssyncset.done $0x0  }
0x31: {  	[sflag:s3] =	ssyncadd.s32 $0xFFFF5800  }
0x32: {  	[spmem:s1] =	stream.indirect.scatter.add.f32 [tilespmem:s4], [sflag:$0x1], $0x80, s2, s9, $0xb8;
	[tilespmem:$0x1E480] =	vst v63  }
0x33: {  	_ =	swait.ge [sflag:s3], $0xA800  }
0x34: {  	[sflag:s3] =	ssyncset.done $0x0  }
0x35: {  	[sflag:s3] =	ssyncadd.s32 $0xFFFF5800  }
0x36: {  	[tilespmem:s2], [sflag:$0x1] =	stream.linear.gather [hbm4b:s12+s2], $0x150, $0x38;
	[tilespmem:$0x1E480] =	vst v63  }
0x37: {  	_ =	swait.ge [sflag:s3], $0x150  }
0x38: {  	[sflag:s3] =	ssyncset.done $0x0  }
0x39: {  	s23 =	rddreg [dreg:$0x8];
	[sflag:s3] =	ssyncadd.s32 $0xFFFFFEB0  }
0x3a: {  	[tilespmem:s4], [sflag:$0x1] =	stream.linear.gather [hbm4b:s23+s2], $0xA800, $0x38;
	[tilespmem:$0x1E480] =	vst v63  }
0x3b: {  	_ =	swait.ge [sflag:s3], $0xA800  }
0x3c: {  	[sflag:s3] =	ssyncset.done $0x0  }
0x3d: {  	[sflag:s3] =	ssyncadd.s32 $0xFFFF5800  }
0x3e: {  	[spmem:s1] =	stream.indirect.scatter.add.f32 [tilespmem:s4], [sflag:$0x1], $0x80, s2, s9, $0xb8;
	[tilespmem:$0x1E480] =	vst v63  }
0x3f: {  	_ =	swait.ge [sflag:s3], $0xA800  }
0x40: {  	[sflag:s3] =	ssyncset.done $0x0  }
0x41: {  	[sflag:s3] =	ssyncadd.s32 $0xFFFF5800  }
0x42: {  	[tilespmem:s2], [sflag:$0x1] =	stream.linear.gather [hbm4b:s13+s2], $0x150, $0x38;
	[tilespmem:$0x1E480] =	vst v63  }
0x43: {  	_ =	swait.ge [sflag:s3], $0x150  }
0x44: {  	[sflag:s3] =	ssyncset.done $0x0  }
0x45: {  	s24 =	rddreg [dreg:$0x9];
	[sflag:s3] =	ssyncadd.s32 $0xFFFFFEB0  }
0x46: {  	[tilespmem:s4], [sflag:$0x1] =	stream.linear.gather [hbm4b:s24+s2], $0xA800, $0x38;
	[tilespmem:$0x1E480] =	vst v63  }
0x47: {  	_ =	swait.ge [sflag:s3], $0xA800  }
0x48: {  	[sflag:s3] =	ssyncset.done $0x0  }
0x49: {  	[sflag:s3] =	ssyncadd.s32 $0xFFFF5800  }
0x4a: {  	[spmem:s1] =	stream.indirect.scatter.add.f32 [tilespmem:s4], [sflag:$0x1], $0x80, s2, s9, $0xb8;
	[tilespmem:$0x1E480] =	vst v63  }
0x4b: {  	_ =	swait.ge [sflag:s3], $0xA800  }
0x4c: {  	[sflag:s3] =	ssyncset.done $0x0  }
0x4d: {  	[sflag:s3] =	ssyncadd.s32 $0xFFFF5800  }
0x4e: {  	[tilespmem:s2], [sflag:$0x1] =	stream.linear.gather [hbm4b:s11+s2], $0x150, $0x38;
	[tilespmem:$0x1E480] =	vst v63  }
0x4f: {  	_ =	swait.ge [sflag:s3], $0x150  }
0x50: {  	[sflag:s3] =	ssyncset.done $0x0  }
0x51: {  	s25 =	rddreg [dreg:$0xa];
	[sflag:s3] =	ssyncadd.s32 $0xFFFFFEB0  }
0x52: {  	[tilespmem:s4], [sflag:$0x1] =	stream.linear.gather [hbm4b:s25+s2], $0xA800, $0x38;
	[tilespmem:$0x1E480] =	vst v63  }
0x53: {  	_ =	swait.ge [sflag:s3], $0xA800  }
0x54: {  	[sflag:s3] =	ssyncset.done $0x0  }
0x55: {  	[sflag:s3] =	ssyncadd.s32 $0xFFFF5800  }
0x56: {  	[spmem:s1] =	stream.indirect.scatter.add.f32 [tilespmem:s4], [sflag:$0x1], $0x80, s2, s9, $0xb8;
	[tilespmem:$0x1E480] =	vst v63  }
0x57: {  	_ =	swait.ge [sflag:s3], $0xA800  }
0x58: {  	[sflag:s3] =	ssyncset.done $0x0  }
0x59: {  	[sflag:s3] =	ssyncadd.s32 $0xFFFF5800  }
0x5a: {  	[tilespmem:s2], [sflag:$0x1] =	stream.linear.gather [hbm4b:s8+s2], $0x150, $0x38;
	[tilespmem:$0x1E480] =	vst v63  }
0x5b: {  	_ =	swait.ge [sflag:s3], $0x150  }
0x5c: {  	[sflag:s3] =	ssyncset.done $0x0  }
0x5d: {  	s26 =	rddreg [dreg:$0xb];
	[sflag:s3] =	ssyncadd.s32 $0xFFFFFEB0  }
0x5e: {  	[tilespmem:s4], [sflag:$0x1] =	stream.linear.gather [hbm4b:s26+s2], $0xA800, $0x38;
	[tilespmem:$0x1E480] =	vst v63  }
0x5f: {  	_ =	swait.ge [sflag:s3], $0xA800  }
0x60: {  	[sflag:s3] =	ssyncset.done $0x0  }
0x61: {  	[sflag:s3] =	ssyncadd.s32 $0xFFFF5800  }
0x62: {  	[spmem:s1] =	stream.indirect.scatter.add.f32 [tilespmem:s4], [sflag:$0x1], $0x80, s2, s9, $0xb8;
	[tilespmem:$0x1E480] =	vst v63  }
0x63: {  	_ =	swait.ge [sflag:s3], $0xA800  }
0x64: {  	[sflag:s3] =	ssyncset.done $0x0  }
0x65: {  	[sflag:s3] =	ssyncadd.s32 $0xFFFF5800  }
0x66: {  	[bflag:$0x0] =	sbarrier.arrive $0xFFFF  }
0x67: {  	s0 =	rddreg [dreg:$0x3]  }
0x68: {  	s23 =	simm.s32 @p2 $0x1;
	[dreg:$0x12] =	wrdreg s22;
	s22 =	sor.u32 @p2 $0x1C01, s22  }
0x69: {  	[hbm:s0], [sflag:s22] =	dma.local @p2 [spmem:s17], $0x2780  }
0x6a: {  	_ =	swait.ge @p2 [sflag:s23], $0x2780  }
0x6b: {  	[sflag:s23] =	ssyncset.done @p2 $0x0  }
0x6c: {  	[sflag:s23] =	ssyncadd.s32 @p2 $0xFFFFD880  }
0x6d: {  	s24 =	simm.s32 @!p3 $0x1;
	s25 =	simm.s32 @!p3 $0x1C01;
	[bflag:$0x0] =	sbarrier.arrive @p2 $0xFFFF  }
0x6e: {  	[spmem:s16], [sflag:s25] =	dma.local @!p3 [hbm:s7], $0x27600  }
0x6f: {  	_ =	swait.ge @!p3 [sflag:s24], $0x27600  }
0x70: {  	s28 =	simm.s32 @!p2 $0x1FC1;
	[sflag:s24] =	ssyncset.done @!p3 $0x0  }
0x71: {  	s26 =	simm.s32 @!p2 $0x1;
	s0 =	rddreg [dreg:$0x4];
	[sflag:s24] =	ssyncadd.s32 @!p3 $0xFFFD8A00  }
0x72: {  	[hbm:s0], [sflag:s28] =	dma.local @!p2 [spmem:s15], $0x2580  }
0x73: {  	_ =	swait.ge @!p2 [sflag:s26], $0x2580  }
0x74: {  	[sflag:s26] =	ssyncset.done @!p2 $0x0  }
0x75: {  	[sflag:s26] =	ssyncadd.s32 @!p2 $0xFFFFDA80  }
0x76: {  	[bflag:$0x0] =	sbarrier.arrive @!p2 $0xFFFF  }
0x77: {  	[bflag:$0x0] =	sbarrier.arrive $0xFFFF  }
0x78: {  	[tilespmem:s2], [sflag:$0x1] =	stream.linear.gather [hbm4b:s14+s2], $0x150, $0x38;
	[tilespmem:$0x1E480] =	vst v63  }
0x79: {  	_ =	swait.ge [sflag:s3], $0x150  }
0x7a: {  	[sflag:s3] =	ssyncset.done $0x0  }
0x7b: {  	s21 =	rddreg [dreg:$0xc];
	[sflag:s3] =	ssyncadd.s32 $0xFFFFFEB0  }
0x7c: {  	[tilespmem:s4], [sflag:$0x1] =	stream.linear.gather [hbm4b:s21+s2], $0xA800, $0x38;
	[tilespmem:$0x1E480] =	vst v63  }
0x7d: {  	_ =	swait.ge [sflag:s3], $0xA800  }
0x7e: {  	[sflag:s3] =	ssyncset.done $0x0  }
0x7f: {  	[sflag:s3] =	ssyncadd.s32 $0xFFFF5800  }
0x80: {  	[spmem:s1] =	stream.indirect.scatter.add.f32 [tilespmem:s4], [sflag:$0x1], $0x80, s2, s9, $0xb8;
	[tilespmem:$0x1E480] =	vst v63  }
0x81: {  	_ =	swait.ge [sflag:s3], $0xA800  }
0x82: {  	[sflag:s3] =	ssyncset.done $0x0  }
0x83: {  	[sflag:s3] =	ssyncadd.s32 $0xFFFF5800  }
0x84: {  	[tilespmem:s2], [sflag:$0x1] =	stream.linear.gather [hbm4b:s12+s2], $0x150, $0x38;
	[tilespmem:$0x1E480] =	vst v63  }
0x85: {  	_ =	swait.ge [sflag:s3], $0x150  }
0x86: {  	[sflag:s3] =	ssyncset.done $0x0  }
0x87: {  	s21 =	rddreg [dreg:$0xd];
	[sflag:s3] =	ssyncadd.s32 $0xFFFFFEB0  }
0x88: {  	[tilespmem:s4], [sflag:$0x1] =	stream.linear.gather [hbm4b:s21+s2], $0xA800, $0x38;
	[tilespmem:$0x1E480] =	vst v63  }
0x89: {  	_ =	swait.ge [sflag:s3], $0xA800  }
0x8a: {  	[sflag:s3] =	ssyncset.done $0x0  }
0x8b: {  	[sflag:s3] =	ssyncadd.s32 $0xFFFF5800  }
0x8c: {  	[spmem:s1] =	stream.indirect.scatter.add.f32 [tilespmem:s4], [sflag:$0x1], $0x80, s2, s9, $0xb8;
	[tilespmem:$0x1E480] =	vst v63  }
0x8d: {  	_ =	swait.ge [sflag:s3], $0xA800  }
0x8e: {  	[sflag:s3] =	ssyncset.done $0x0  }
0x8f: {  	[sflag:s3] =	ssyncadd.s32 $0xFFFF5800  }
0x90: {  	[tilespmem:s2], [sflag:$0x1] =	stream.linear.gather [hbm4b:s13+s2], $0x150, $0x38;
	[tilespmem:$0x1E480] =	vst v63  }
0x91: {  	_ =	swait.ge [sflag:s3], $0x150  }
0x92: {  	[sflag:s3] =	ssyncset.done $0x0  }
0x93: {  	s21 =	rddreg [dreg:$0xe];
	[sflag:s3] =	ssyncadd.s32 $0xFFFFFEB0  }
0x94: {  	[tilespmem:s4], [sflag:$0x1] =	stream.linear.gather [hbm4b:s21+s2], $0xA800, $0x38;
	[tilespmem:$0x1E480] =	vst v63  }
0x95: {  	_ =	swait.ge [sflag:s3], $0xA800  }
0x96: {  	[sflag:s3] =	ssyncset.done $0x0  }
0x97: {  	[sflag:s3] =	ssyncadd.s32 $0xFFFF5800  }
0x98: {  	[spmem:s1] =	stream.indirect.scatter.add.f32 [tilespmem:s4], [sflag:$0x1], $0x80, s2, s9, $0xb8;
	[tilespmem:$0x1E480] =	vst v63  }
0x99: {  	_ =	swait.ge [sflag:s3], $0xA800  }
0x9a: {  	[sflag:s3] =	ssyncset.done $0x0  }
0x9b: {  	[sflag:s3] =	ssyncadd.s32 $0xFFFF5800  }
0x9c: {  	[tilespmem:s2], [sflag:$0x1] =	stream.linear.gather [hbm4b:s11+s2], $0x150, $0x38;
	[tilespmem:$0x1E480] =	vst v63  }
0x9d: {  	_ =	swait.ge [sflag:s3], $0x150  }
0x9e: {  	[sflag:s3] =	ssyncset.done $0x0  }
0x9f: {  	s21 =	rddreg [dreg:$0xf];
	[sflag:s3] =	ssyncadd.s32 $0xFFFFFEB0  }
0xa0: {  	[tilespmem:s4], [sflag:$0x1] =	stream.linear.gather [hbm4b:s21+s2], $0xA800, $0x38;
	[tilespmem:$0x1E480] =	vst v63  }
0xa1: {  	_ =	swait.ge [sflag:s3], $0xA800  }
0xa2: {  	[sflag:s3] =	ssyncset.done $0x0  }
0xa3: {  	[sflag:s3] =	ssyncadd.s32 $0xFFFF5800  }
0xa4: {  	[spmem:s1] =	stream.indirect.scatter.add.f32 [tilespmem:s4], [sflag:$0x1], $0x80, s2, s9, $0xb8;
	[tilespmem:$0x1E480] =	vst v63  }
0xa5: {  	_ =	swait.ge [sflag:s3], $0xA800  }
0xa6: {  	[sflag:s3] =	ssyncset.done $0x0  }
0xa7: {  	[sflag:s3] =	ssyncadd.s32 $0xFFFF5800  }
0xa8: {  	[tilespmem:s2], [sflag:$0x1] =	stream.linear.gather [hbm4b:s8+s2], $0x150, $0x38;
	[tilespmem:$0x1E480] =	vst v63  }
0xa9: {  	_ =	swait.ge [sflag:s3], $0x150  }
0xaa: {  	[sflag:s3] =	ssyncset.done $0x0  }
0xab: {  	s21 =	rddreg [dreg:$0x10];
	[sflag:s3] =	ssyncadd.s32 $0xFFFFFEB0  }
0xac: {  	[tilespmem:s4], [sflag:$0x1] =	stream.linear.gather [hbm4b:s21+s2], $0xA800, $0x38;
	[tilespmem:$0x1E480] =	vst v63  }
0xad: {  	_ =	swait.ge [sflag:s3], $0xA800  }
0xae: {  	[sflag:s3] =	ssyncset.done $0x0  }
0xaf: {  	[sflag:s3] =	ssyncadd.s32 $0xFFFF5800  }
0xb0: {  	[spmem:s1] =	stream.indirect.scatter.add.f32 [tilespmem:s4], [sflag:$0x1], $0x80, s2, s9, $0xb8;
	[tilespmem:$0x1E480] =	vst v63  }
0xb1: {  	_ =	swait.ge [sflag:s3], $0xA800  }
0xb2: {  	[sflag:s3] =	ssyncset.done $0x0  }
0xb3: {  	[sflag:s3] =	ssyncadd.s32 $0xFFFF5800  }
0xb4: {  	s29 =	simm.s32 @p1 $0x1FC1;
	s30 =	simm.s32 @p1 $0x1;
	[bflag:$0x0] =	sbarrier.arrive $0xFFFF  }
0xb5: {  	s31 =	simm.s32 @!p1 $0x1;
	s5 =	sadd.s32 $0xFFFFFFFF, s5;
	s0 =	rddreg [dreg:$0x6]  }
0xb6: {  	[hbm:s0], [sflag:s29] =	dma.local @p1 [spmem:s10], $0x2580  }
0xb7: {  	p5 =	sne.s32 s5, $0x0;
	s0 =	smov.u32 s20;
	_ =	swait.ge @p1 [sflag:s30], $0x2580  }
0xb8: {  	[dreg:$0x11] =	wrdreg s0;
	s0 =	sor.u32 @!p1 $0x1C01, s0;
	[sflag:s30] =	ssyncset.done @p1 $0x0  }
.Ltmp1:
0xb9: {  	s20 =	rddreg [dreg:$0x5];
	[sflag:s30] =	ssyncadd.s32 @p1 $0xFFFFDA80;
	(pc) =	sbr.rel @!p5 .LBB2_6-.Ltmp1, $4  }
0xba: {  	[hbm:s20], [sflag:s0] =	dma.local @!p1 [spmem:s6], $0x2780  }
0xbb: {  	_ =	swait.ge @!p1 [sflag:s31], $0x2780  }
0xbc: {  	[sflag:s31] =	ssyncset.done @!p1 $0x0  }
0xbd: {  	p4 =	por $0x1, $0x1;
	[sflag:s31] =	ssyncadd.s32 @!p1 $0xFFFFD880  }
0xbe: {  	s20 =	smov.u32 s18  }
.LBB2_3:
0xbf: {  	[bflag:$0x0] =	sbarrier.arrive $0xFFFF;
	s21 =	simm.s32 @!p0 $0x1C01  }
0xc0: {  	[spmem:s20], [sflag:s21] =	dma.local @!p0 [hbm:s7], $0x27600  }
0xc1: {  	_ =	swait.ge @!p0 [sflag:s19], $0x27600  }
0xc2: {  	[sflag:s19] =	ssyncset.done @!p0 $0x0  }
0xc3: {  	[sflag:s19] =	ssyncadd.s32 @!p0 $0xFFFD8A00  }
0xc4: {  	[bflag:$0x0] =	sbarrier.arrive $0xFFFF  }
0xc5: {  	[tilespmem:s2], [sflag:$0x1] =	stream.linear.gather [hbm4b:s14+s2], $0x150, $0x38;
	[tilespmem:$0x1E480] =	vst v63  }
0xc6: {  	_ =	swait.ge [sflag:s3], $0x150  }
0xc7: {  	[sflag:s3] =	ssyncset.done $0x0  }
0xc8: {  	s21 =	rddreg [dreg:$0x7];
	[sflag:s3] =	ssyncadd.s32 $0xFFFFFEB0  }
0xc9: {  	[tilespmem:s4], [sflag:$0x1] =	stream.linear.gather [hbm4b:s21+s2], $0xA800, $0x38;
	[tilespmem:$0x1E480] =	vst v63  }
0xca: {  	_ =	swait.ge [sflag:s3], $0xA800  }
0xcb: {  	[sflag:s3] =	ssyncset.done $0x0  }
0xcc: {  	[sflag:s3] =	ssyncadd.s32 $0xFFFF5800  }
0xcd: {  	[spmem:s1] =	stream.indirect.scatter.add.f32 [tilespmem:s4], [sflag:$0x1], $0x80, s2, s9, $0xb8;
	[tilespmem:$0x1E480] =	vst v63  }
0xce: {  	_ =	swait.ge [sflag:s3], $0xA800  }
0xcf: {  	[sflag:s3] =	ssyncset.done $0x0  }
0xd0: {  	[sflag:s3] =	ssyncadd.s32 $0xFFFF5800  }
0xd1: {  	[tilespmem:s2], [sflag:$0x1] =	stream.linear.gather [hbm4b:s12+s2], $0x150, $0x38;
	[tilespmem:$0x1E480] =	vst v63  }
0xd2: {  	_ =	swait.ge [sflag:s3], $0x150  }
0xd3: {  	[sflag:s3] =	ssyncset.done $0x0  }
0xd4: {  	s21 =	rddreg [dreg:$0x8];
	[sflag:s3] =	ssyncadd.s32 $0xFFFFFEB0  }
0xd5: {  	[tilespmem:s4], [sflag:$0x1] =	stream.linear.gather [hbm4b:s21+s2], $0xA800, $0x38;
	[tilespmem:$0x1E480] =	vst v63  }
0xd6: {  	_ =	swait.ge [sflag:s3], $0xA800  }
0xd7: {  	[sflag:s3] =	ssyncset.done $0x0  }
0xd8: {  	[sflag:s3] =	ssyncadd.s32 $0xFFFF5800  }
0xd9: {  	[spmem:s1] =	stream.indirect.scatter.add.f32 [tilespmem:s4], [sflag:$0x1], $0x80, s2, s9, $0xb8;
	[tilespmem:$0x1E480] =	vst v63  }
0xda: {  	_ =	swait.ge [sflag:s3], $0xA800  }
0xdb: {  	[sflag:s3] =	ssyncset.done $0x0  }
0xdc: {  	[sflag:s3] =	ssyncadd.s32 $0xFFFF5800  }
0xdd: {  	[tilespmem:s2], [sflag:$0x1] =	stream.linear.gather [hbm4b:s13+s2], $0x150, $0x38;
	[tilespmem:$0x1E480] =	vst v63  }
0xde: {  	_ =	swait.ge [sflag:s3], $0x150  }
0xdf: {  	[sflag:s3] =	ssyncset.done $0x0  }
0xe0: {  	s21 =	rddreg [dreg:$0x9];
	[sflag:s3] =	ssyncadd.s32 $0xFFFFFEB0  }
0xe1: {  	[tilespmem:s4], [sflag:$0x1] =	stream.linear.gather [hbm4b:s21+s2], $0xA800, $0x38;
	[tilespmem:$0x1E480] =	vst v63  }
0xe2: {  	_ =	swait.ge [sflag:s3], $0xA800  }
0xe3: {  	[sflag:s3] =	ssyncset.done $0x0  }
0xe4: {  	[sflag:s3] =	ssyncadd.s32 $0xFFFF5800  }
0xe5: {  	[spmem:s1] =	stream.indirect.scatter.add.f32 [tilespmem:s4], [sflag:$0x1], $0x80, s2, s9, $0xb8;
	[tilespmem:$0x1E480] =	vst v63  }
0xe6: {  	_ =	swait.ge [sflag:s3], $0xA800  }
0xe7: {  	[sflag:s3] =	ssyncset.done $0x0  }
0xe8: {  	[sflag:s3] =	ssyncadd.s32 $0xFFFF5800  }
0xe9: {  	[tilespmem:s2], [sflag:$0x1] =	stream.linear.gather [hbm4b:s11+s2], $0x150, $0x38;
	[tilespmem:$0x1E480] =	vst v63  }
0xea: {  	_ =	swait.ge [sflag:s3], $0x150  }
0xeb: {  	[sflag:s3] =	ssyncset.done $0x0  }
0xec: {  	s21 =	rddreg [dreg:$0xa];
	[sflag:s3] =	ssyncadd.s32 $0xFFFFFEB0  }
0xed: {  	[tilespmem:s4], [sflag:$0x1] =	stream.linear.gather [hbm4b:s21+s2], $0xA800, $0x38;
	[tilespmem:$0x1E480] =	vst v63  }
0xee: {  	_ =	swait.ge [sflag:s3], $0xA800  }
0xef: {  	[sflag:s3] =	ssyncset.done $0x0  }
0xf0: {  	[sflag:s3] =	ssyncadd.s32 $0xFFFF5800  }
0xf1: {  	[spmem:s1] =	stream.indirect.scatter.add.f32 [tilespmem:s4], [sflag:$0x1], $0x80, s2, s9, $0xb8;
	[tilespmem:$0x1E480] =	vst v63  }
0xf2: {  	_ =	swait.ge [sflag:s3], $0xA800  }
0xf3: {  	[sflag:s3] =	ssyncset.done $0x0  }
0xf4: {  	[sflag:s3] =	ssyncadd.s32 $0xFFFF5800  }
0xf5: {  	[tilespmem:s2], [sflag:$0x1] =	stream.linear.gather [hbm4b:s8+s2], $0x150, $0x38;
	[tilespmem:$0x1E480] =	vst v63  }
0xf6: {  	_ =	swait.ge [sflag:s3], $0x150  }
0xf7: {  	[sflag:s3] =	ssyncset.done $0x0  }
0xf8: {  	s21 =	rddreg [dreg:$0xb];
	[sflag:s3] =	ssyncadd.s32 $0xFFFFFEB0  }
0xf9: {  	[tilespmem:s4], [sflag:$0x1] =	stream.linear.gather [hbm4b:s21+s2], $0xA800, $0x38;
	[tilespmem:$0x1E480] =	vst v63  }
0xfa: {  	_ =	swait.ge [sflag:s3], $0xA800  }
0xfb: {  	[sflag:s3] =	ssyncset.done $0x0  }
0xfc: {  	[sflag:s3] =	ssyncadd.s32 $0xFFFF5800  }
0xfd: {  	[spmem:s1] =	stream.indirect.scatter.add.f32 [tilespmem:s4], [sflag:$0x1], $0x80, s2, s9, $0xb8;
	[tilespmem:$0x1E480] =	vst v63  }
0xfe: {  	_ =	swait.ge [sflag:s3], $0xA800  }
0xff: {  	[sflag:s3] =	ssyncset.done $0x0  }
0x100: {  	[sflag:s3] =	ssyncadd.s32 $0xFFFF5800  }
0x101: {  	[bflag:$0x0] =	sbarrier.arrive $0xFFFF  }
0x102: {  	s21 =	rddreg [dreg:$0x3]  }
0x103: {  	[hbm:s21], [sflag:s22] =	dma.local @p2 [spmem:s17], $0x2780  }
0x104: {  	_ =	swait.ge @p2 [sflag:s23], $0x2780  }
0x105: {  	[sflag:s23] =	ssyncset.done @p2 $0x0  }
0x106: {  	[sflag:s23] =	ssyncadd.s32 @p2 $0xFFFFD880  }
0x107: {  	[bflag:$0x0] =	sbarrier.arrive @p2 $0xFFFF  }
0x108: {  	[spmem:s16], [sflag:s25] =	dma.local @!p3 [hbm:s7], $0x27600  }
0x109: {  	_ =	swait.ge @!p3 [sflag:s24], $0x27600  }
0x10a: {  	[sflag:s24] =	ssyncset.done @!p3 $0x0  }
0x10b: {  	s21 =	rddreg [dreg:$0x4];
	[sflag:s24] =	ssyncadd.s32 @!p3 $0xFFFD8A00  }
0x10c: {  	[hbm:s21], [sflag:s28] =	dma.local @!p2 [spmem:s15], $0x2580  }
0x10d: {  	_ =	swait.ge @!p2 [sflag:s26], $0x2580  }
0x10e: {  	[sflag:s26] =	ssyncset.done @!p2 $0x0  }
0x10f: {  	[sflag:s26] =	ssyncadd.s32 @!p2 $0xFFFFDA80  }
0x110: {  	[bflag:$0x0] =	sbarrier.arrive @!p2 $0xFFFF  }
0x111: {  	[bflag:$0x0] =	sbarrier.arrive $0xFFFF  }
0x112: {  	[tilespmem:s2], [sflag:$0x1] =	stream.linear.gather [hbm4b:s14+s2], $0x150, $0x38;
	[tilespmem:$0x1E480] =	vst v63  }
0x113: {  	_ =	swait.ge [sflag:s3], $0x150  }
0x114: {  	[sflag:s3] =	ssyncset.done $0x0  }
0x115: {  	s21 =	rddreg [dreg:$0xc];
	[sflag:s3] =	ssyncadd.s32 $0xFFFFFEB0  }
0x116: {  	[tilespmem:s4], [sflag:$0x1] =	stream.linear.gather [hbm4b:s21+s2], $0xA800, $0x38;
	[tilespmem:$0x1E480] =	vst v63  }
0x117: {  	_ =	swait.ge [sflag:s3], $0xA800  }
0x118: {  	[sflag:s3] =	ssyncset.done $0x0  }
0x119: {  	[sflag:s3] =	ssyncadd.s32 $0xFFFF5800  }
0x11a: {  	[spmem:s1] =	stream.indirect.scatter.add.f32 [tilespmem:s4], [sflag:$0x1], $0x80, s2, s9, $0xb8;
	[tilespmem:$0x1E480] =	vst v63  }
0x11b: {  	_ =	swait.ge [sflag:s3], $0xA800  }
0x11c: {  	[sflag:s3] =	ssyncset.done $0x0  }
0x11d: {  	[sflag:s3] =	ssyncadd.s32 $0xFFFF5800  }
0x11e: {  	[tilespmem:s2], [sflag:$0x1] =	stream.linear.gather [hbm4b:s12+s2], $0x150, $0x38;
	[tilespmem:$0x1E480] =	vst v63  }
0x11f: {  	_ =	swait.ge [sflag:s3], $0x150  }
0x120: {  	[sflag:s3] =	ssyncset.done $0x0  }
0x121: {  	s21 =	rddreg [dreg:$0xd];
	[sflag:s3] =	ssyncadd.s32 $0xFFFFFEB0  }
0x122: {  	[tilespmem:s4], [sflag:$0x1] =	stream.linear.gather [hbm4b:s21+s2], $0xA800, $0x38;
	[tilespmem:$0x1E480] =	vst v63  }
0x123: {  	_ =	swait.ge [sflag:s3], $0xA800  }
0x124: {  	[sflag:s3] =	ssyncset.done $0x0  }
0x125: {  	[sflag:s3] =	ssyncadd.s32 $0xFFFF5800  }
0x126: {  	[spmem:s1] =	stream.indirect.scatter.add.f32 [tilespmem:s4], [sflag:$0x1], $0x80, s2, s9, $0xb8;
	[tilespmem:$0x1E480] =	vst v63  }
0x127: {  	_ =	swait.ge [sflag:s3], $0xA800  }
0x128: {  	[sflag:s3] =	ssyncset.done $0x0  }
0x129: {  	[sflag:s3] =	ssyncadd.s32 $0xFFFF5800  }
0x12a: {  	[tilespmem:s2], [sflag:$0x1] =	stream.linear.gather [hbm4b:s13+s2], $0x150, $0x38;
	[tilespmem:$0x1E480] =	vst v63  }
0x12b: {  	_ =	swait.ge [sflag:s3], $0x150  }
0x12c: {  	[sflag:s3] =	ssyncset.done $0x0  }
0x12d: {  	s21 =	rddreg [dreg:$0xe];
	[sflag:s3] =	ssyncadd.s32 $0xFFFFFEB0  }
0x12e: {  	[tilespmem:s4], [sflag:$0x1] =	stream.linear.gather [hbm4b:s21+s2], $0xA800, $0x38;
	[tilespmem:$0x1E480] =	vst v63  }
0x12f: {  	_ =	swait.ge [sflag:s3], $0xA800  }
0x130: {  	[sflag:s3] =	ssyncset.done $0x0  }
0x131: {  	[sflag:s3] =	ssyncadd.s32 $0xFFFF5800  }
0x132: {  	[spmem:s1] =	stream.indirect.scatter.add.f32 [tilespmem:s4], [sflag:$0x1], $0x80, s2, s9, $0xb8;
	[tilespmem:$0x1E480] =	vst v63  }
0x133: {  	_ =	swait.ge [sflag:s3], $0xA800  }
0x134: {  	[sflag:s3] =	ssyncset.done $0x0  }
0x135: {  	[sflag:s3] =	ssyncadd.s32 $0xFFFF5800  }
0x136: {  	[tilespmem:s2], [sflag:$0x1] =	stream.linear.gather [hbm4b:s11+s2], $0x150, $0x38;
	[tilespmem:$0x1E480] =	vst v63  }
0x137: {  	_ =	swait.ge [sflag:s3], $0x150  }
0x138: {  	[sflag:s3] =	ssyncset.done $0x0  }
0x139: {  	s21 =	rddreg [dreg:$0xf];
	[sflag:s3] =	ssyncadd.s32 $0xFFFFFEB0  }
0x13a: {  	[tilespmem:s4], [sflag:$0x1] =	stream.linear.gather [hbm4b:s21+s2], $0xA800, $0x38;
	[tilespmem:$0x1E480] =	vst v63  }
0x13b: {  	_ =	swait.ge [sflag:s3], $0xA800  }
0x13c: {  	[sflag:s3] =	ssyncset.done $0x0  }
0x13d: {  	[sflag:s3] =	ssyncadd.s32 $0xFFFF5800  }
0x13e: {  	[spmem:s1] =	stream.indirect.scatter.add.f32 [tilespmem:s4], [sflag:$0x1], $0x80, s2, s9, $0xb8;
	[tilespmem:$0x1E480] =	vst v63  }
0x13f: {  	_ =	swait.ge [sflag:s3], $0xA800  }
0x140: {  	[sflag:s3] =	ssyncset.done $0x0  }
0x141: {  	[sflag:s3] =	ssyncadd.s32 $0xFFFF5800  }
0x142: {  	[tilespmem:s2], [sflag:$0x1] =	stream.linear.gather [hbm4b:s8+s2], $0x150, $0x38;
	[tilespmem:$0x1E480] =	vst v63  }
0x143: {  	_ =	swait.ge [sflag:s3], $0x150  }
0x144: {  	[sflag:s3] =	ssyncset.done $0x0  }
0x145: {  	s21 =	rddreg [dreg:$0x10];
	[sflag:s3] =	ssyncadd.s32 $0xFFFFFEB0  }
0x146: {  	[tilespmem:s4], [sflag:$0x1] =	stream.linear.gather [hbm4b:s21+s2], $0xA800, $0x38;
	[tilespmem:$0x1E480] =	vst v63  }
0x147: {  	_ =	swait.ge [sflag:s3], $0xA800  }
0x148: {  	[sflag:s3] =	ssyncset.done $0x0  }
0x149: {  	[sflag:s3] =	ssyncadd.s32 $0xFFFF5800  }
0x14a: {  	[spmem:s1] =	stream.indirect.scatter.add.f32 [tilespmem:s4], [sflag:$0x1], $0x80, s2, s9, $0xb8;
	[tilespmem:$0x1E480] =	vst v63  }
0x14b: {  	_ =	swait.ge [sflag:s3], $0xA800  }
0x14c: {  	[sflag:s3] =	ssyncset.done $0x0  }
0x14d: {  	[sflag:s3] =	ssyncadd.s32 $0xFFFF5800  }
0x14e: {  	[bflag:$0x0] =	sbarrier.arrive $0xFFFF  }
0x14f: {  	s21 =	rddreg [dreg:$0x6]  }
0x150: {  	[hbm:s21], [sflag:s29] =	dma.local @p1 [spmem:s10], $0x2580  }
0x151: {  	s5 =	sadd.s32 $0xFFFFFFFF, s5;
	_ =	swait.ge @p1 [sflag:s30], $0x2580  }
0x152: {  	p5 =	sne.s32 s5, $0x0;
	[sflag:s30] =	ssyncset.done @p1 $0x0  }
.Ltmp2:
0x153: {  	s21 =	rddreg [dreg:$0x5];
	[sflag:s30] =	ssyncadd.s32 @p1 $0xFFFFDA80;
	(pc) =	sbr.rel @p5 .LBB2_3-.Ltmp2, $4  }
0x154: {  	[hbm:s21], [sflag:s0] =	dma.local @!p1 [spmem:s6], $0x2780  }
0x155: {  	_ =	swait.ge @!p1 [sflag:s31], $0x2780  }
0x156: {  	[sflag:s31] =	ssyncset.done @!p1 $0x0  }
0x157: {  	s20 =	smov.u32 s18;
	[sflag:s31] =	ssyncadd.s32 @!p1 $0xFFFFD880  }
0x158: {  	s21 =	rddreg [dreg:$0x2]  }
0x159: {  	s18 =	smov.u32 s20;
	s20 =	rddreg [dreg:$0x11]  }
0x15a: {  	s22 =	rddreg [dreg:$0x12]  }
.LBB2_5:
0x15b: {  	s0 =	simm.s32 @!p0 $0x1C01;
	[bflag:$0x0] =	sbarrier.arrive @p4 $0xFFFF  }
0x15c: {  	[spmem:s18], [sflag:s0] =	dma.local @!p0 [hbm:s7], $0x27600  }
0x15d: {  	_ =	swait.ge @!p0 [sflag:s19], $0x27600  }
0x15e: {  	[sflag:s19] =	ssyncset.done @!p0 $0x0  }
0x15f: {  	[sflag:s19] =	ssyncadd.s32 @!p0 $0xFFFD8A00  }
0x160: {  	[bflag:$0x0] =	sbarrier.arrive $0xFFFF  }
0x161: {  	[tilespmem:s2], [sflag:$0x1] =	stream.linear.gather [hbm4b:s14+s2], $0x150, $0x38;
	[tilespmem:$0x1E480] =	vst v63  }
0x162: {  	_ =	swait.ge [sflag:s3], $0x150  }
0x163: {  	[sflag:s3] =	ssyncset.done $0x0  }
0x164: {  	s18 =	rddreg [dreg:$0x7];
	[sflag:s3] =	ssyncadd.s32 $0xFFFFFEB0  }
0x165: {  	[tilespmem:s4], [sflag:$0x1] =	stream.linear.gather [hbm4b:s18+s2], $0xA800, $0x38;
	[tilespmem:$0x1E480] =	vst v63  }
0x166: {  	_ =	swait.ge [sflag:s3], $0xA800  }
0x167: {  	[sflag:s3] =	ssyncset.done $0x0  }
0x168: {  	[sflag:s3] =	ssyncadd.s32 $0xFFFF5800  }
0x169: {  	[spmem:s1] =	stream.indirect.scatter.add.f32 [tilespmem:s4], [sflag:$0x1], $0x80, s2, s9, $0xb8;
	[tilespmem:$0x1E480] =	vst v63  }
0x16a: {  	_ =	swait.ge [sflag:s3], $0xA800  }
0x16b: {  	[sflag:s3] =	ssyncset.done $0x0  }
0x16c: {  	[sflag:s3] =	ssyncadd.s32 $0xFFFF5800  }
0x16d: {  	[tilespmem:s2], [sflag:$0x1] =	stream.linear.gather [hbm4b:s12+s2], $0x150, $0x38;
	[tilespmem:$0x1E480] =	vst v63  }
0x16e: {  	_ =	swait.ge [sflag:s3], $0x150  }
0x16f: {  	[sflag:s3] =	ssyncset.done $0x0  }
0x170: {  	s19 =	rddreg [dreg:$0x8];
	[sflag:s3] =	ssyncadd.s32 $0xFFFFFEB0  }
0x171: {  	[tilespmem:s4], [sflag:$0x1] =	stream.linear.gather [hbm4b:s19+s2], $0xA800, $0x38;
	[tilespmem:$0x1E480] =	vst v63  }
0x172: {  	_ =	swait.ge [sflag:s3], $0xA800  }
0x173: {  	[sflag:s3] =	ssyncset.done $0x0  }
0x174: {  	[sflag:s3] =	ssyncadd.s32 $0xFFFF5800  }
0x175: {  	[spmem:s1] =	stream.indirect.scatter.add.f32 [tilespmem:s4], [sflag:$0x1], $0x80, s2, s9, $0xb8;
	[tilespmem:$0x1E480] =	vst v63  }
0x176: {  	_ =	swait.ge [sflag:s3], $0xA800  }
0x177: {  	[sflag:s3] =	ssyncset.done $0x0  }
0x178: {  	[sflag:s3] =	ssyncadd.s32 $0xFFFF5800  }
0x179: {  	[tilespmem:s2], [sflag:$0x1] =	stream.linear.gather [hbm4b:s13+s2], $0x150, $0x38;
	[tilespmem:$0x1E480] =	vst v63  }
0x17a: {  	_ =	swait.ge [sflag:s3], $0x150  }
0x17b: {  	[sflag:s3] =	ssyncset.done $0x0  }
0x17c: {  	s23 =	rddreg [dreg:$0x9];
	[sflag:s3] =	ssyncadd.s32 $0xFFFFFEB0  }
0x17d: {  	[tilespmem:s4], [sflag:$0x1] =	stream.linear.gather [hbm4b:s23+s2], $0xA800, $0x38;
	[tilespmem:$0x1E480] =	vst v63  }
0x17e: {  	_ =	swait.ge [sflag:s3], $0xA800  }
0x17f: {  	[sflag:s3] =	ssyncset.done $0x0  }
0x180: {  	[sflag:s3] =	ssyncadd.s32 $0xFFFF5800  }
0x181: {  	[spmem:s1] =	stream.indirect.scatter.add.f32 [tilespmem:s4], [sflag:$0x1], $0x80, s2, s9, $0xb8;
	[tilespmem:$0x1E480] =	vst v63  }
0x182: {  	_ =	swait.ge [sflag:s3], $0xA800  }
0x183: {  	[sflag:s3] =	ssyncset.done $0x0  }
0x184: {  	[sflag:s3] =	ssyncadd.s32 $0xFFFF5800  }
0x185: {  	[tilespmem:s2], [sflag:$0x1] =	stream.linear.gather [hbm4b:s11+s2], $0x150, $0x38;
	[tilespmem:$0x1E480] =	vst v63  }
0x186: {  	_ =	swait.ge [sflag:s3], $0x150  }
0x187: {  	[sflag:s3] =	ssyncset.done $0x0  }
0x188: {  	s24 =	rddreg [dreg:$0xa];
	[sflag:s3] =	ssyncadd.s32 $0xFFFFFEB0  }
0x189: {  	[tilespmem:s4], [sflag:$0x1] =	stream.linear.gather [hbm4b:s24+s2], $0xA800, $0x38;
	[tilespmem:$0x1E480] =	vst v63  }
0x18a: {  	_ =	swait.ge [sflag:s3], $0xA800  }
0x18b: {  	[sflag:s3] =	ssyncset.done $0x0  }
0x18c: {  	[sflag:s3] =	ssyncadd.s32 $0xFFFF5800  }
0x18d: {  	[spmem:s1] =	stream.indirect.scatter.add.f32 [tilespmem:s4], [sflag:$0x1], $0x80, s2, s9, $0xb8;
	[tilespmem:$0x1E480] =	vst v63  }
0x18e: {  	_ =	swait.ge [sflag:s3], $0xA800  }
0x18f: {  	[sflag:s3] =	ssyncset.done $0x0  }
0x190: {  	[sflag:s3] =	ssyncadd.s32 $0xFFFF5800  }
0x191: {  	[tilespmem:s2], [sflag:$0x1] =	stream.linear.gather [hbm4b:s8+s2], $0x150, $0x38;
	[tilespmem:$0x1E480] =	vst v63  }
0x192: {  	_ =	swait.ge [sflag:s3], $0x150  }
0x193: {  	[sflag:s3] =	ssyncset.done $0x0  }
0x194: {  	s25 =	rddreg [dreg:$0xb];
	[sflag:s3] =	ssyncadd.s32 $0xFFFFFEB0  }
0x195: {  	[tilespmem:s4], [sflag:$0x1] =	stream.linear.gather [hbm4b:s25+s2], $0xA800, $0x38;
	[tilespmem:$0x1E480] =	vst v63  }
0x196: {  	_ =	swait.ge [sflag:s3], $0xA800  }
0x197: {  	[sflag:s3] =	ssyncset.done $0x0  }
0x198: {  	[sflag:s3] =	ssyncadd.s32 $0xFFFF5800  }
0x199: {  	[spmem:s1] =	stream.indirect.scatter.add.f32 [tilespmem:s4], [sflag:$0x1], $0x80, s2, s9, $0xb8;
	[tilespmem:$0x1E480] =	vst v63  }
0x19a: {  	_ =	swait.ge [sflag:s3], $0xA800  }
0x19b: {  	[sflag:s3] =	ssyncset.done $0x0  }
0x19c: {  	[sflag:s3] =	ssyncadd.s32 $0xFFFF5800  }
0x19d: {  	[bflag:$0x0] =	sbarrier.arrive $0xFFFF  }
0x19e: {  	s5 =	sor.u32 @p2 $0x1C01, s22;
	s18 =	simm.s32 @p2 $0x1;
	s0 =	rddreg [dreg:$0x3]  }
0x19f: {  	[hbm:s0], [sflag:s5] =	dma.local @p2 [spmem:s17], $0x2780  }
0x1a0: {  	_ =	swait.ge @p2 [sflag:s18], $0x2780  }
0x1a1: {  	[sflag:s18] =	ssyncset.done @p2 $0x0  }
0x1a2: {  	[sflag:s18] =	ssyncadd.s32 @p2 $0xFFFFD880  }
0x1a3: {  	s0 =	simm.s32 @!p3 $0x1;
	s5 =	simm.s32 @!p3 $0x1C01;
	[bflag:$0x0] =	sbarrier.arrive @p2 $0xFFFF  }
0x1a4: {  	[spmem:s16], [sflag:s5] =	dma.local @!p3 [hbm:s7], $0x27600  }
0x1a5: {  	_ =	swait.ge @!p3 [sflag:s0], $0x27600  }
0x1a6: {  	s7 =	simm.s32 @!p2 $0x1;
	[sflag:s0] =	ssyncset.done @!p3 $0x0  }
0x1a7: {  	s5 =	rddreg [dreg:$0x4];
	[sflag:s0] =	ssyncadd.s32 @!p3 $0xFFFD8A00;
	s0 =	simm.s32 @!p2 $0x1FC1  }
0x1a8: {  	[hbm:s5], [sflag:s0] =	dma.local @!p2 [spmem:s15], $0x2580  }
0x1a9: {  	_ =	swait.ge @!p2 [sflag:s7], $0x2580  }
0x1aa: {  	[sflag:s7] =	ssyncset.done @!p2 $0x0  }
0x1ab: {  	[sflag:s7] =	ssyncadd.s32 @!p2 $0xFFFFDA80  }
0x1ac: {  	[bflag:$0x0] =	sbarrier.arrive @!p2 $0xFFFF  }
0x1ad: {  	[bflag:$0x0] =	sbarrier.arrive $0xFFFF  }
0x1ae: {  	[tilespmem:s2], [sflag:$0x1] =	stream.linear.gather [hbm4b:s14+s2], $0x150, $0x38;
	[tilespmem:$0x1E480] =	vst v63  }
0x1af: {  	_ =	swait.ge [sflag:s3], $0x150  }
0x1b0: {  	[sflag:s3] =	ssyncset.done $0x0  }
0x1b1: {  	s26 =	rddreg [dreg:$0xc];
	[sflag:s3] =	ssyncadd.s32 $0xFFFFFEB0  }
0x1b2: {  	[tilespmem:s4], [sflag:$0x1] =	stream.linear.gather [hbm4b:s26+s2], $0xA800, $0x38;
	[tilespmem:$0x1E480] =	vst v63  }
0x1b3: {  	_ =	swait.ge [sflag:s3], $0xA800  }
0x1b4: {  	[sflag:s3] =	ssyncset.done $0x0  }
0x1b5: {  	[sflag:s3] =	ssyncadd.s32 $0xFFFF5800  }
0x1b6: {  	[spmem:s1] =	stream.indirect.scatter.add.f32 [tilespmem:s4], [sflag:$0x1], $0x80, s2, s9, $0xb8;
	[tilespmem:$0x1E480] =	vst v63  }
0x1b7: {  	_ =	swait.ge [sflag:s3], $0xA800  }
0x1b8: {  	[sflag:s3] =	ssyncset.done $0x0  }
0x1b9: {  	[sflag:s3] =	ssyncadd.s32 $0xFFFF5800  }
0x1ba: {  	[tilespmem:s2], [sflag:$0x1] =	stream.linear.gather [hbm4b:s12+s2], $0x150, $0x38;
	[tilespmem:$0x1E480] =	vst v63  }
0x1bb: {  	_ =	swait.ge [sflag:s3], $0x150  }
0x1bc: {  	[sflag:s3] =	ssyncset.done $0x0  }
0x1bd: {  	s28 =	rddreg [dreg:$0xd];
	[sflag:s3] =	ssyncadd.s32 $0xFFFFFEB0  }
0x1be: {  	[tilespmem:s4], [sflag:$0x1] =	stream.linear.gather [hbm4b:s28+s2], $0xA800, $0x38;
	[tilespmem:$0x1E480] =	vst v63  }
0x1bf: {  	_ =	swait.ge [sflag:s3], $0xA800  }
0x1c0: {  	[sflag:s3] =	ssyncset.done $0x0  }
0x1c1: {  	[sflag:s3] =	ssyncadd.s32 $0xFFFF5800  }
0x1c2: {  	[spmem:s1] =	stream.indirect.scatter.add.f32 [tilespmem:s4], [sflag:$0x1], $0x80, s2, s9, $0xb8;
	[tilespmem:$0x1E480] =	vst v63  }
0x1c3: {  	_ =	swait.ge [sflag:s3], $0xA800  }
0x1c4: {  	[sflag:s3] =	ssyncset.done $0x0  }
0x1c5: {  	[sflag:s3] =	ssyncadd.s32 $0xFFFF5800  }
0x1c6: {  	[tilespmem:s2], [sflag:$0x1] =	stream.linear.gather [hbm4b:s13+s2], $0x150, $0x38;
	[tilespmem:$0x1E480] =	vst v63  }
0x1c7: {  	_ =	swait.ge [sflag:s3], $0x150  }
0x1c8: {  	[sflag:s3] =	ssyncset.done $0x0  }
0x1c9: {  	s29 =	rddreg [dreg:$0xe];
	[sflag:s3] =	ssyncadd.s32 $0xFFFFFEB0  }
0x1ca: {  	[tilespmem:s4], [sflag:$0x1] =	stream.linear.gather [hbm4b:s29+s2], $0xA800, $0x38;
	[tilespmem:$0x1E480] =	vst v63  }
0x1cb: {  	_ =	swait.ge [sflag:s3], $0xA800  }
0x1cc: {  	[sflag:s3] =	ssyncset.done $0x0  }
0x1cd: {  	[sflag:s3] =	ssyncadd.s32 $0xFFFF5800  }
0x1ce: {  	[spmem:s1] =	stream.indirect.scatter.add.f32 [tilespmem:s4], [sflag:$0x1], $0x80, s2, s9, $0xb8;
	[tilespmem:$0x1E480] =	vst v63  }
0x1cf: {  	_ =	swait.ge [sflag:s3], $0xA800  }
0x1d0: {  	[sflag:s3] =	ssyncset.done $0x0  }
0x1d1: {  	[sflag:s3] =	ssyncadd.s32 $0xFFFF5800  }
0x1d2: {  	[tilespmem:s2], [sflag:$0x1] =	stream.linear.gather [hbm4b:s11+s2], $0x150, $0x38;
	[tilespmem:$0x1E480] =	vst v63  }
0x1d3: {  	_ =	swait.ge [sflag:s3], $0x150  }
0x1d4: {  	[sflag:s3] =	ssyncset.done $0x0  }
0x1d5: {  	s30 =	rddreg [dreg:$0xf];
	[sflag:s3] =	ssyncadd.s32 $0xFFFFFEB0  }
0x1d6: {  	[tilespmem:s4], [sflag:$0x1] =	stream.linear.gather [hbm4b:s30+s2], $0xA800, $0x38;
	[tilespmem:$0x1E480] =	vst v63  }
0x1d7: {  	_ =	swait.ge [sflag:s3], $0xA800  }
0x1d8: {  	[sflag:s3] =	ssyncset.done $0x0  }
0x1d9: {  	[sflag:s3] =	ssyncadd.s32 $0xFFFF5800  }
0x1da: {  	[spmem:s1] =	stream.indirect.scatter.add.f32 [tilespmem:s4], [sflag:$0x1], $0x80, s2, s9, $0xb8;
	[tilespmem:$0x1E480] =	vst v63  }
0x1db: {  	_ =	swait.ge [sflag:s3], $0xA800  }
0x1dc: {  	[sflag:s3] =	ssyncset.done $0x0  }
0x1dd: {  	[sflag:s3] =	ssyncadd.s32 $0xFFFF5800  }
0x1de: {  	[tilespmem:s2], [sflag:$0x1] =	stream.linear.gather [hbm4b:s8+s2], $0x150, $0x38;
	[tilespmem:$0x1E480] =	vst v63  }
0x1df: {  	_ =	swait.ge [sflag:s3], $0x150  }
0x1e0: {  	[sflag:s3] =	ssyncset.done $0x0  }
0x1e1: {  	s31 =	rddreg [dreg:$0x10];
	[sflag:s3] =	ssyncadd.s32 $0xFFFFFEB0  }
0x1e2: {  	[tilespmem:s4], [sflag:$0x1] =	stream.linear.gather [hbm4b:s31+s2], $0xA800, $0x38;
	[tilespmem:$0x1E480] =	vst v63  }
0x1e3: {  	_ =	swait.ge [sflag:s3], $0xA800  }
0x1e4: {  	[sflag:s3] =	ssyncset.done $0x0  }
0x1e5: {  	[sflag:s3] =	ssyncadd.s32 $0xFFFF5800  }
0x1e6: {  	[spmem:s1] =	stream.indirect.scatter.add.f32 [tilespmem:s4], [sflag:$0x1], $0x80, s2, s9, $0xb8;
	[tilespmem:$0x1E480] =	vst v63  }
0x1e7: {  	_ =	swait.ge [sflag:s3], $0xA800  }
0x1e8: {  	[sflag:s3] =	ssyncset.done $0x0  }
0x1e9: {  	[sflag:s3] =	ssyncadd.s32 $0xFFFF5800  }
0x1ea: {  	[bflag:$0x0] =	sbarrier.arrive $0xFFFF  }
0x1eb: {  	s1 =	simm.s32 @p1 $0x1FC1;
	s2 =	simm.s32 @p1 $0x1;
	s0 =	rddreg [dreg:$0x6]  }
0x1ec: {  	[hbm:s0], [sflag:s1] =	dma.local @p1 [spmem:s10], $0x2580  }
0x1ed: {  	_ =	swait.ge @p1 [sflag:s2], $0x2580  }
0x1ee: {  	s1 =	simm.s32 @!p1 $0x1;
	[sflag:s2] =	ssyncset.done @p1 $0x0  }
0x1ef: {  	s0 =	rddreg [dreg:$0x5];
	[sflag:s2] =	ssyncadd.s32 @p1 $0xFFFFDA80;
	s2 =	sor.u32 @!p1 $0x1C01, s20  }
0x1f0: {  	[hbm:s0], [sflag:s2] =	dma.local @!p1 [spmem:s6], $0x2780  }
0x1f1: {  	_ =	swait.ge @!p1 [sflag:s1], $0x2780  }
0x1f2: {  	[sflag:s1] =	ssyncset.done @!p1 $0x0  }
0x1f3: {  	[sflag:s1] =	ssyncadd.s32 @!p1 $0xFFFFD880  }
0x1f4: {  	[bflag:$0x0] =	sbarrier.arrive $0xFFFF  }
0x1f5: {  	_ =	sfence.sel $0x180000  }
0x1f6: {  	[bflag:$0x0] =	sbarrier.arrive $0xFFFF  }
0x1f7: {  	_ =	strace $0x90000056  }
0x1f8: {  	s0 =	sadd.s32 @!p0 $0x100000, s21;
	[bflag:$0x2] =	sbarrier.arrive $0xFFFF  }
0x1f9: {  	[sflag:s0] =	ssyncadd.tile.s32 @!p0 $0x1;
	_ =	shalt  }
.LBB2_6:
.Ltmp3:
0x1fa: {  	(pc) =	sbr.rel .LBB2_5-.Ltmp3, $4  }
0x1fb: {  	_ = 	snop  }
0x1fc: {  	s21 =	rddreg [dreg:$0x2]  }
0x1fd: {  	s20 =	rddreg [dreg:$0x11]  }
0x1fe: {  	s22 =	rddreg [dreg:$0x12]  }
.Lfunc_end2:
_tile_overlayer_lowered:
.L_overlay_start_2:
0x1ff: {  	(tag) =	ssettag $0x2  }
0x200: {  	s0 =	rddreg [dreg:$0x0];
	s2 =	stileid.u32  }
0x201: {  	s1 =	rddreg [dreg:$0x1];
	p0 =	sne.s32 s2, $0x0  }
0x202: {  	s3 =	rddreg [dreg:$0x2];
	[bflag:$0x3] =	sbarrier.arrive $0xFFFF;
	s2 =	simm.s32 @!p0 $0x1C01  }
0x203: {  	[timem:s3], [sflag:s2] =	dma.local @!p0 [hbm:s0], s1  }
0x204: {  	s0 =	simm.s32 @!p0 $0x1  }
0x205: {  	_ =	swait.ge @!p0 [sflag:s0], s1  }
0x206: {  	s1 =	ssub.s32 @!p0 $0x0, s1;
	[sflag:s0] =	ssyncset.done @!p0 $0x0  }
0x207: {  	[sflag:s0] =	ssyncadd.s32 @!p0 s1  }
0x208: {  	[bflag:$0x3] =	sbarrier.arrive $0xFFFF  }
0x209: {  	_ =	shalt  }

// kernel: kernel.28.cloned.1.call-start
scs
__scs_entry_jumppad:
0x0: {  	(pc) =	sbr.rel $0x88, $3  }
0x1: {  	(tag) =	ssettag $0x0;
	lr =	simm.s32 $0x1  }
0x2: {  	[smem:$0x3F76] =	sst lr;
	_ =	strace $0xD0000000  }
0x3: {  	_ = 	snop  }
0x4: {  	_ = 	snop  }
0x5: {  	_ = 	snop  }
0x6: {  	_ = 	snop  }
0x7: {  	_ = 	snop  }
__scs_overlays_trampoline_lowered:
0x8: {  	[smem:$0x3F85] =	sst s0  }
0x9: {  	[smem:$0x3F86] =	sst s1  }
0xa: {  	[smem:$0x3F87] =	sst s2  }
0xb: {  	[smem:$0x3F88] =	sst s3  }
0xc: {  	[smem:$0x3F89] =	sst s4  }
0xd: {  	[smem:$0x3F8A] =	sst s5  }
0xe: {  	[smem:$0x3F8B] =	sst s6  }
0xf: {  	[smem:$0x3F8C] =	sst s7  }
0x10: {  	[smem:$0x3F8D] =	sst s8  }
0x11: {  	[smem:$0x3F8E] =	sst s9;
	s0 =	simm.s32 @!p0 $0x0  }
0x12: {  	s1 =	sld [smem:$0x3F74];
	s0 =	simm.s32 @p0 $0x1  }
0x13: {  	[smem:$0x3F8F] =	sst s0;
	s0 =	simm.s32 @!p1 $0x0  }
0x14: {  	s2 =	sld [smem:$0x3F73];
	s0 =	simm.s32 @p1 $0x1  }
0x15: {  	[smem:$0x3F90] =	sst s0;
	s0 =	simm.s32 @!p2 $0x0  }
0x16: {  	s3 =	sld [smem:$0x3FDB];
	s0 =	simm.s32 @p2 $0x1  }
0x17: {  	s4 =	simm.s32 $0x1BF5;
	[smem:$0x3F92] =	sst s0  }
0x18: {  	s0 =	sld [smem:$0x3F75];
	_ =	swait.ge [sflag:s4], $0x0  }
0x19: {  	s7 =	sld [smem:$0x3F76]  }
0x1a: {  	s8 =	sadd.s32 $0xFFFFE003, lr  }
0x1b: {  	s9 =	sadd.s32 $0xFFFFFEF7, lr;
	s5 =	simm.s32 $0xFFFFFFFF;
	p2 =	slt.u32 s8, $0xFFFFF086  }
0x1c: {  	p1 =	slt.u32 s9, $0xF7A;
	s5 =	simm.s32 @!p2 $0x0  }
0x1d: {  	s5 =	simm.s32 @p1 $0x1;
	p0 =	seq.s32 s7, s2  }
0x1e: {  	s7 =	smul.u32 @!p0 $0xF7A, s2;
	p2 =	seq.s32 @!p0 s5, $0x0  }
0x1f: {  	s9 =	smul.u32 $0xF7A, s1;
	s8 =	simm.s32 @!p0 $0x1BF5;
	p2 =	por !p2, p0  }
0x20: {  	[sflag:s8] =	ssyncset.s32 @!p0 $0xFFFFF086;
	s6 =	sadd.s32 @!p0 s3, s7;
	s7 =	simm.s32 @!p0 $0x108  }
0x21: {  	s3 =	sadd.s32 s3, s9;
	s6 =	sadd.s32 @!p0 $0x88, s6;
	s7 =	simm.s32 @p2 $0x1082  }
0x22: {  	[simem:s7], [sflag:s8] =	dma.local @!p0 [hbm:s6], $0xF7A  }
0x23: {  	s9 =	sor.u32 $0xD0000000, s2;
	s6 =	simm.s32 $0x108;
	_ =	swait.ge @!p0 [sflag:s8], $0x0  }
0x24: {  	s3 =	sadd.s32 $0x88, s3;
	s6 =	simm.s32 @!p1 $0x1082;
	[sflag:s4] =	ssyncset.s32 $0xFFFFF086  }
0x25: {  	[simem:s6], [sflag:s4] =	dma.local [hbm:s3], $0xF7A  }
0x26: {  	[smem:$0x3F76] =	sst s1;
	(tag) =	ssettag s2;
	_ =	strace s9  }
0x27: {  	s1 =	sld [smem:$0x3F86]  }
0x28: {  	s2 =	sld [smem:$0x3F87]  }
0x29: {  	s4 =	sld [smem:$0x3F89]  }
0x2a: {  	p0 =	seq.s32 s5, $0x0;
	s5 =	sld [smem:$0x3F8A]  }
0x2b: {  	s6 =	sld [smem:$0x3F8B]  }
0x2c: {  	s7 =	sld [smem:$0x3F8C]  }
0x2d: {  	s3 =	simm.s32 $0x108;
	s8 =	sld [smem:$0x3F8D]  }
0x2e: {  	s3 =	simm.s32 @!p0 $0x1082;
	s9 =	sld [smem:$0x3F8E]  }
0x2f: {  	lr =	sadd.s32 s0, s3;
	s0 =	sld [smem:$0x3F85]  }
0x30: {  	s3 =	sld [smem:$0x3F88]  }
0x31: {  	[smem:$0x3F91] =	sst s10  }
0x32: {  	s10 =	sld [smem:$0x3F8F];
	_ =	sdelay $0x3  }
0x33: {  	p0 =	seq.s32 s10, $0x1;
	s10 =	sld [smem:$0x3F91];
	_ =	sdelay $0x3  }
0x34: {  	[smem:$0x3F91] =	sst s10  }
0x35: {  	s10 =	sld [smem:$0x3F90];
	_ =	sdelay $0x3  }
0x36: {  	p1 =	seq.s32 s10, $0x1;
	s10 =	sld [smem:$0x3F91];
	_ =	sdelay $0x3  }
0x37: {  	[smem:$0x3F91] =	sst s10  }
0x38: {  	s10 =	sld [smem:$0x3F92]  }
0x39: {  	_ = 	snop;
	(pc) =	sbr.ind lr, $3  }
0x3a: {  	_ = 	snop  }
0x3b: {  	_ = 	snop  }
0x3c: {  	p2 =	seq.s32 s10, $0x1;
	s10 =	sld [smem:$0x3F91]  }
0x3d: {  	_ =	shalt  }
0x3e: {  	_ =	shalt  }
0x3f: {  	_ =	shalt  }
0x40: {  	_ =	shalt  }
0x41: {  	_ =	shalt  }
0x42: {  	_ =	shalt  }
0x43: {  	_ =	shalt  }
0x44: {  	_ =	shalt  }
0x45: {  	_ =	shalt  }
0x46: {  	_ =	shalt  }
0x47: {  	_ =	shalt  }
0x48: {  	_ =	shalt  }
0x49: {  	_ =	shalt  }
0x4a: {  	_ =	shalt  }
0x4b: {  	_ =	shalt  }
0x4c: {  	_ =	shalt  }
0x4d: {  	_ =	shalt  }
0x4e: {  	_ =	shalt  }
0x4f: {  	_ =	shalt  }
0x50: {  	_ =	shalt  }
0x51: {  	_ =	shalt  }
0x52: {  	_ =	shalt  }
0x53: {  	_ =	shalt  }
0x54: {  	_ =	shalt  }
0x55: {  	_ =	shalt  }
0x56: {  	_ =	shalt  }
0x57: {  	_ =	shalt  }
0x58: {  	_ =	shalt  }
0x59: {  	_ =	shalt  }
0x5a: {  	_ =	shalt  }
0x5b: {  	_ =	shalt  }
0x5c: {  	_ =	shalt  }
0x5d: {  	_ =	shalt  }
0x5e: {  	_ =	shalt  }
0x5f: {  	_ =	shalt  }
0x60: {  	_ =	shalt  }
0x61: {  	_ =	shalt  }
0x62: {  	_ =	shalt  }
0x63: {  	_ =	shalt  }
0x64: {  	_ =	shalt  }
0x65: {  	_ =	shalt  }
0x66: {  	_ =	shalt  }
0x67: {  	_ =	shalt  }
0x68: {  	_ =	shalt  }
0x69: {  	_ =	shalt  }
0x6a: {  	_ =	shalt  }
0x6b: {  	_ =	shalt  }
0x6c: {  	_ =	shalt  }
0x6d: {  	_ =	shalt  }
0x6e: {  	_ =	shalt  }
0x6f: {  	_ =	shalt  }
0x70: {  	_ =	shalt  }
0x71: {  	_ =	shalt  }
0x72: {  	_ =	shalt  }
0x73: {  	_ =	shalt  }
0x74: {  	_ =	shalt  }
0x75: {  	_ =	shalt  }
0x76: {  	_ =	shalt  }
0x77: {  	_ =	shalt  }
0x78: {  	_ =	shalt  }
0x79: {  	_ =	shalt  }
0x7a: {  	_ =	shalt  }
0x7b: {  	_ =	shalt  }
0x7c: {  	_ =	shalt  }
0x7d: {  	_ =	shalt  }
0x7e: {  	_ =	shalt  }
0x7f: {  	_ =	shalt  }
0x80: {  	_ =	shalt  }
0x81: {  	_ =	shalt  }
0x82: {  	_ =	shalt  }
0x83: {  	_ =	shalt  }
0x84: {  	_ =	shalt  }
0x85: {  	_ =	shalt  }
0x86: {  	_ =	shalt  }
0x87: {  	_ =	shalt  }
.Lfunc_end0:
.L_simem_size_0:
called_computation.4_lowered:
.L_overlay_start_0:
0x88: {  	s2 =	sld [smem:$0x3FD9]  }
0x89: {  	s3 =	sld [smem:$0x3FFE];
	_ =	sdelay $0x1  }
0x8a: {  	s1 =	srdreg.scid  }
0x8b: {  	s0 =	sand.u32 $0x1, s1  }
0x8c: {  	s17 =	sshll.u32 s0, $0xA;
	s2 =	sadd.s32 s3, s2  }
0x8d: {  	s2 =	sadd.s32 s2, s17  }
0x8e: {  	[smem:$0x3F9D] =	sst s2  }
0x8f: {  	_ = 	snop  }
0x90: {  	(tm) =	ssettm $0x1  }
0x91: {  	s18 =	sld [smem:$0x3FFB];
	_ =	sdelay $0x3  }
0x92: {  	_ =	strace s18  }
0x93: {  	s2 =	sld [smem:$0x3FFC];
	_ =	sdelay $0x3  }
0x94: {  	_ =	strace s2  }
0x95: {  	s2 =	sld [smem:$0x3FFD];
	_ =	sdelay $0x3  }
0x96: {  	_ =	strace s2  }
0x97: {  	_ =	strace $0x8FFFFFFF  }
0x98: {  	s19 =	sld [smem:$0x3FDB];
	_ =	sdelay $0x1  }
0x99: {  	s20 =	simm.s32 $_scs_section_size  }
0x9a: {  	s4 =	simm.s32 $_size__tile_overlayer_lowered;
	s5 =	simm.s32 $_tile_overlayer_lowered  }
0x9b: {  	s6 =	simm.s32 $0x1BFF;
	s21 =	sshll.u32 s5, $0x1;
	s3 =	sadd.s32 s20, s19  }
0x9c: {  	s22 =	simm.s32 $0x0;
	s4 =	sshll.u32 s4, $0x1;
	s5 =	sadd.s32 s21, s3  }
0x9d: {  	[timem:s22], [sflag:s6] =	dma.local [hbm:s5], s4  }
0x9e: {  	_ =	swait.ge [sflag:s6], s4  }
0x9f: {  	s4 =	ssub.s32 $0x0, s4;
	[sflag:s6] =	ssyncset.done $0x0  }
0xa0: {  	[sflag:s6] =	ssyncadd.s32 s4;
	_ =	sdelay $0x1  }
0xa1: {  	s23 =	simm.s32 $0x1B8B  }
0xa2: {  	_ =	swait.ge [sflag:s23], $0x1  }
0xa3: {  	[sflag:s23] =	ssyncset.done $0x0  }
0xa4: {  	[sflag:s23] =	ssyncadd.s32 $0xFFFFFFFF  }
0xa5: {  	s4 =	sld [smem:$0x0]  }
0xa6: {  	s5 =	sand.u32 $0xFFFFFFFE, s1  }
0xa7: {  	p0 =	sne.s32 s1, s5  }
0xa8: {  	s5 =	sshll.u32 @p0 s5, $0xE  }
0xa9: {  	s5 =	sadd.s32 @p0 $0x11B8D, s5;
	s6 =	sshll.u32 @p0 s4, $0x11  }
0xaa: {  	s5 =	sor.u32 @p0 s6, s5  }
0xab: {  	[sflag:s5] =	ssyncadd.remote.s32 @p0 $0x1;
	_ =	sdelay $0x1  }
0xac: {  	s5 =	simm.s32 @p0 $0x1B8D  }
0xad: {  	_ =	swait.eq @p0 [sflag:s5], $0x1  }
0xae: {  	[sflag:s5] =	ssyncadd.s32 @p0 $0xFFFFFFFF  }
0xaf: {  	s6 =	sshll.u32 @!p0 s1, $0xE  }
0xb0: {  	s6 =	sor.u32 @!p0 $0x4000, s6;
	s5 =	simm.s32 @!p0 $0x1B8D  }
0xb1: {  	s4 =	sshll.u32 @!p0 s4, $0x11;
	s6 =	sadd.s32 @!p0 $0x11B8D, s6;
	_ =	swait.eq @!p0 [sflag:s5], $0x1  }
0xb2: {  	s4 =	sor.u32 @!p0 s4, s6;
	[sflag:s5] =	ssyncadd.s32 @!p0 $0xFFFFFFFF  }
0xb3: {  	s25 =	simm.s32 $0x1B8E;
	s24 =	sld [smem:$0x3FFE];
	[sflag:s4] =	ssyncadd.remote.s32 @!p0 $0x1  }
0xb4: {  	s26 =	simm.s32 $execute0_lowered;
	[smem:$0x3FD2] =	sst s25  }
0xb5: {  	s5 =	sshll.u32 s26, $0x1;
	_ =	strace $0x80000052;
	[dreg:$0x1] =	wrdreg $0xFFFFFFFF  }
0xb6: {  	s28 =	simm.s32 $_size_execute0_lowered;
	s3 =	sadd.s32 s3, s5;
	[dreg:$0x0] =	wrdreg $0x0  }
0xb7: {  	s5 =	sshll.u32 s28, $0x1;
	[dreg:$0x2] =	wrdreg s3  }
0xb8: {  	[dreg:$0x3] =	wrdreg s5  }
0xb9: {  	[dreg:$0x4] =	wrdreg $0xC0  }
0xba: {  	_ =	task [dreg:s22], $0x5FFFF  }
0xbb: {  	[dreg:$0x1] =	wrdreg $0xFFFFFFFF  }
0xbc: {  	[dreg:$0x0] =	wrdreg $0x60  }
0xbd: {  	[dreg:$0x2] =	wrdreg s24  }
0xbe: {  	[dreg:$0x3] =	wrdreg $0xA9800  }
0xbf: {  	[dreg:$0x4] =	wrdreg $0xA  }
0xc0: {  	_ =	task.clear_ibuf [dreg:s22], $0x5FFFF;
	_ =	strace $0x90000052  }
0xc1: {  	s29 =	simm.s32 $0xA;
	_ =	strace $0x80000054  }
0xc2: {  	_ =	swait.ge [sflag:s29], $0x1  }
0xc3: {  	[sflag:s29] =	ssyncadd.s32 $0xFFFFFFFF  }
0xc4: {  	_ =	strace $0x90000054  }
0xc5: {  	_ =	sfence  }
0xc6: {  	s30 =	sld [smem:$0x0];
	_ =	sdelay $0x2  }
0xc7: {  	s31 =	sshll.u32 s1, $0xD;
	s1 =	sshrl.u32 s1, $0x2  }
0xc8: {  	s4 =	sand.u32 $0x4000, s31;
	s1 =	sadd.s32 s1, s30  }
0xc9: {  	s0 =	sor.u32 s4, s0;
	s1 =	sshll.u32 s1, $0x11  }
0xca: {  	s0 =	sor.u32 s1, s0  }
0xcb: {  	s0 =	sadd.s32 $0x8F2B, s0  }
0xcc: {  	[sflag:s0] =	ssyncadd.remote.s32 $0x1  }
0xcd: {  	_ =	sfence.sel $0xFFFF  }
0xce: {  	[dreg:$0x0] =	wrdreg $0xFFFFFFFF;
	(pc) =	sbr.abs _section_cstart, $3  }
0xcf: {  	[dreg:$0x1] =	wrdreg $0xFFFFFFFF  }
0xd0: {  	_ =	task.clear_ibuf [dreg:s22], $0x2FFFF;
	_ =	strace $0x9FFFFFFF  }
0xd1: {  	(tm) =	ssettm $0x7FFFFFFF  }
tec
execute0_lowered:
.L_overlay_start_1:
0x0: {  	(tag) =	ssettag $0x1  }
0x1: {  	s5 =	rddreg [dreg:$0x0]  }
0x2: {  	s1 =	rddreg [dreg:$0x1]  }
0x3: {  	s21 =	rddreg [dreg:$0x2];
	s2 =	simm.s32 $0x0  }
0x4: {  	s0 =	srdreg.scid;
	[smem:$0x7FF] =	sst s2;
	s3 =	sadd.s32 $0xDE00, s5  }
0x5: {  	p4 =	por $0x0, $0x0;
	s8 =	sadd.s32 $0x5EB600, s5;
	s4 =	sadd.s32 $0x6BD600, s5  }
0x6: {  	s7 =	sadd.s32 $0xFA00, s5;
	s6 =	sand.u32 $0x1, s0;
	s11 =	sadd.s32 $0x29FE00, s5  }
0x7: {  	s0 =	stileid.u32;
	s5 =	sadd.s32 $0x2EEA00, s5;
	s10 =	smul.u32 $0x13B000, s6  }
0x8: {  	_ =	strace $0x80000053;
	s9 =	ssub.s32 $0x2, s6;
	s13 =	smul.u32 $0x13C00, s0  }
0x9: {  	s26 =	sshll.u32 s0, $0x1;
	s29 =	smul.u32 $0x4F000, s0;
	p2 =	sne.s32 s0, $0xF  }
0xa: {  	p0 =	sne.s32 s0, $0x0;
	s12 =	sshrl.u32 s9, $0x1;
	p1 =	sne.s32 @p2 s0, $0x0  }
0xb: {  	s9 =	ssub.s32 s9, s12;
	s12 =	sor.u32 s6, s26;
	s28 =	sadd.s32 s13, s10  }
0xc: {  	s30 =	sshrl.u32 s10, $0x3;
	s13 =	sshrl.u32 s29, $0x2;
	s14 =	sshrl.u32 s28, $0x3  }
0xd: {  	s10 =	sadd.s32 $0x128400, s1;
	s16 =	sadd.s32 $0x25080, s30;
	s31 =	sadd.s32 s11, s14  }
0xe: {  	s6 =	sadd.s32 s13, s1;
	s13 =	sadd.s32 s11, s16;
	[dreg:$0x3] =	wrdreg s31  }
0xf: {  	p3 =	por p1, !p2;
	s14 =	sadd.s32 s5, s14;
	[dreg:$0x4] =	wrdreg s13  }
0x10: {  	s15 =	smul.u32 $0x690, s12;
	s5 =	sadd.s32 s5, s16;
	[dreg:$0x5] =	wrdreg s14  }
0x11: {  	p1 =	seq.s32 s0, $0xF;
	s16 =	smul.u32 $0x6900, s12;
	[dreg:$0x6] =	wrdreg s5  }
0x12: {  	s5 =	smax.u32 s9, $0x1;
	s24 =	sshrl.u32 s15, $0x3;
	s26 =	sadd.s32 $0x150, s15  }
0x13: {  	s31 =	sadd.s32 $0x2A0, s15;
	s17 =	sadd.s32 $0x3F0, s15;
	s15 =	sadd.s32 $0x540, s15  }
0x14: {  	s9 =	simm.s32 $0x150;
	s14 =	sadd.s32 s3, s24;
	s25 =	sadd.s32 s8, s16  }
0x15: {  	s28 =	sshrl.u32 s26, $0x3;
	s29 =	sshll.u32 s26, $0x4;
	s22 =	sshll.u32 s31, $0x4  }
0x16: {  	s19 =	sshll.u32 s17, $0x4;
	s20 =	sshll.u32 s15, $0x4;
	s13 =	sshrl.u32 s31, $0x3  }
0x17: {  	s24 =	sadd.s32 s4, s16;
	s5 =	sadd.s32 $0xFFFFFFFF, s5;
	s16 =	sshrl.u32 @!p3 s1, $0x3  }
0x18: {  	[dreg:$0x7] =	wrdreg s25;
	s12 =	sadd.s32 s3, s28;
	s30 =	sadd.s32 s8, s29  }
0x19: {  	s18 =	sadd.s32 s8, s22;
	s23 =	sadd.s32 s8, s19;
	s8 =	sadd.s32 s8, s20  }
0x1a: {  	s13 =	sadd.s32 s3, s13;
	s25 =	sshrl.u32 s17, $0x3;
	[dreg:$0xc] =	wrdreg s24  }
0x1b: {  	s26 =	sadd.s32 s4, s29;
	s28 =	sadd.s32 s4, s22;
	s29 =	sshrl.u32 s15, $0x3  }
0x1c: {  	s31 =	sadd.s32 s4, s20;
	p5 =	sne.s32 s5, $0x0;
	[dreg:$0x8] =	wrdreg s30  }
0x1d: {  	s22 =	sshll.u32 @p2 s0, $0x6;
	s17 =	sshrl.u32 @p2 s6, $0x3;
	[dreg:$0x9] =	wrdreg s18  }
0x1e: {  	s15 =	sshrl.u32 @!p2 s10, $0x3;
	s10 =	sshrl.u32 @p1 s10, $0x3;
	[dreg:$0xa] =	wrdreg s23  }
.Ltmp0:
0x1f: {  	s20 =	sshll.u32 @!p1 s0, $0x6;
	[dreg:$0xb] =	wrdreg s8;
	(pc) =	sbr.rel @!p5 .LBB2_5-.Ltmp0, $4  }
0x20: {  	s6 =	sshrl.u32 @!p1 s6, $0x3;
	s11 =	sadd.s32 s3, s25;
	[dreg:$0xd] =	wrdreg s26  }
0x21: {  	[dreg:$0xe] =	wrdreg s28;
	s30 =	sadd.s32 s4, s19;
	s8 =	sadd.s32 s3, s29  }
0x22: {  	[dreg:$0x10] =	wrdreg s31;
	s3 =	simm.s32 $0x1;
	s4 =	simm.s32 $0x180  }
0x23: {  	s18 =	sshrl.u32 @!p0 s1, $0x3;
	s19 =	simm.s32 @!p0 $0x1;
	[dreg:$0xf] =	wrdreg s30  }
0x24: {  	s0 =	simm.s32 @!p0 $0x1C01  }
0x25: {  	[spmem:s18], [sflag:s0] =	dma.local @!p0 [hbm:s7], $0x27600  }
0x26: {  	_ =	swait.ge @!p0 [sflag:s19], $0x27600  }
0x27: {  	[sflag:s19] =	ssyncset.done @!p0 $0x0  }
0x28: {  	[sflag:s19] =	ssyncadd.s32 @!p0 $0xFFFD8A00  }
0x29: {  	[bflag:$0x0] =	sbarrier.arrive $0xFFFF  }
0x2a: {  	[tilespmem:s2], [sflag:$0x1] =	stream.linear.gather [hbm4b:s14+s2], $0x150, $0x38;
	[tilespmem:$0x1E480] =	vst v63  }
0x2b: {  	_ =	swait.ge [sflag:s3], $0x150  }
0x2c: {  	[sflag:s3] =	ssyncset.done $0x0  }
0x2d: {  	s21 =	rddreg [dreg:$0x7];
	[sflag:s3] =	ssyncadd.s32 $0xFFFFFEB0  }
0x2e: {  	[tilespmem:s4], [sflag:$0x1] =	stream.linear.gather [hbm4b:s21+s2], $0xA800, $0x38;
	[tilespmem:$0x1E480] =	vst v63  }
0x2f: {  	_ =	swait.ge [sflag:s3], $0xA800  }
0x30: {  	[sflag:s3] =	ssyncset.done $0x0  }
0x31: {  	[sflag:s3] =	ssyncadd.s32 $0xFFFF5800  }
0x32: {  	[spmem:s1] =	stream.indirect.scatter.add.f32 [tilespmem:s4], [sflag:$0x1], $0x80, s2, s9, $0xb8;
	[tilespmem:$0x1E480] =	vst v63  }
0x33: {  	_ =	swait.ge [sflag:s3], $0xA800  }
0x34: {  	[sflag:s3] =	ssyncset.done $0x0  }
0x35: {  	[sflag:s3] =	ssyncadd.s32 $0xFFFF5800  }
0x36: {  	[tilespmem:s2], [sflag:$0x1] =	stream.linear.gather [hbm4b:s12+s2], $0x150, $0x38;
	[tilespmem:$0x1E480] =	vst v63  }
0x37: {  	_ =	swait.ge [sflag:s3], $0x150  }
0x38: {  	[sflag:s3] =	ssyncset.done $0x0  }
0x39: {  	s23 =	rddreg [dreg:$0x8];
	[sflag:s3] =	ssyncadd.s32 $0xFFFFFEB0  }
0x3a: {  	[tilespmem:s4], [sflag:$0x1] =	stream.linear.gather [hbm4b:s23+s2], $0xA800, $0x38;
	[tilespmem:$0x1E480] =	vst v63  }
0x3b: {  	_ =	swait.ge [sflag:s3], $0xA800  }
0x3c: {  	[sflag:s3] =	ssyncset.done $0x0  }
0x3d: {  	[sflag:s3] =	ssyncadd.s32 $0xFFFF5800  }
0x3e: {  	[spmem:s1] =	stream.indirect.scatter.add.f32 [tilespmem:s4], [sflag:$0x1], $0x80, s2, s9, $0xb8;
	[tilespmem:$0x1E480] =	vst v63  }
0x3f: {  	_ =	swait.ge [sflag:s3], $0xA800  }
0x40: {  	[sflag:s3] =	ssyncset.done $0x0  }
0x41: {  	[sflag:s3] =	ssyncadd.s32 $0xFFFF5800  }
0x42: {  	[tilespmem:s2], [sflag:$0x1] =	stream.linear.gather [hbm4b:s13+s2], $0x150, $0x38;
	[tilespmem:$0x1E480] =	vst v63  }
0x43: {  	_ =	swait.ge [sflag:s3], $0x150  }
0x44: {  	[sflag:s3] =	ssyncset.done $0x0  }
0x45: {  	s24 =	rddreg [dreg:$0x9];
	[sflag:s3] =	ssyncadd.s32 $0xFFFFFEB0  }
0x46: {  	[tilespmem:s4], [sflag:$0x1] =	stream.linear.gather [hbm4b:s24+s2], $0xA800, $0x38;
	[tilespmem:$0x1E480] =	vst v63  }
0x47: {  	_ =	swait.ge [sflag:s3], $0xA800  }
0x48: {  	[sflag:s3] =	ssyncset.done $0x0  }
0x49: {  	[sflag:s3] =	ssyncadd.s32 $0xFFFF5800  }
0x4a: {  	[spmem:s1] =	stream.indirect.scatter.add.f32 [tilespmem:s4], [sflag:$0x1], $0x80, s2, s9, $0xb8;
	[tilespmem:$0x1E480] =	vst v63  }
0x4b: {  	_ =	swait.ge [sflag:s3], $0xA800  }
0x4c: {  	[sflag:s3] =	ssyncset.done $0x0  }
0x4d: {  	[sflag:s3] =	ssyncadd.s32 $0xFFFF5800  }
0x4e: {  	[tilespmem:s2], [sflag:$0x1] =	stream.linear.gather [hbm4b:s11+s2], $0x150, $0x38;
	[tilespmem:$0x1E480] =	vst v63  }
0x4f: {  	_ =	swait.ge [sflag:s3], $0x150  }
0x50: {  	[sflag:s3] =	ssyncset.done $0x0  }
0x51: {  	s25 =	rddreg [dreg:$0xa];
	[sflag:s3] =	ssyncadd.s32 $0xFFFFFEB0  }
0x52: {  	[tilespmem:s4], [sflag:$0x1] =	stream.linear.gather [hbm4b:s25+s2], $0xA800, $0x38;
	[tilespmem:$0x1E480] =	vst v63  }
0x53: {  	_ =	swait.ge [sflag:s3], $0xA800  }
0x54: {  	[sflag:s3] =	ssyncset.done $0x0  }
0x55: {  	[sflag:s3] =	ssyncadd.s32 $0xFFFF5800  }
0x56: {  	[spmem:s1] =	stream.indirect.scatter.add.f32 [tilespmem:s4], [sflag:$0x1], $0x80, s2, s9, $0xb8;
	[tilespmem:$0x1E480] =	vst v63  }
0x57: {  	_ =	swait.ge [sflag:s3], $0xA800  }
0x58: {  	[sflag:s3] =	ssyncset.done $0x0  }
0x59: {  	[sflag:s3] =	ssyncadd.s32 $0xFFFF5800  }
0x5a: {  	[tilespmem:s2], [sflag:$0x1] =	stream.linear.gather [hbm4b:s8+s2], $0x150, $0x38;
	[tilespmem:$0x1E480] =	vst v63  }
0x5b: {  	_ =	swait.ge [sflag:s3], $0x150  }
0x5c: {  	[sflag:s3] =	ssyncset.done $0x0  }
0x5d: {  	s26 =	rddreg [dreg:$0xb];
	[sflag:s3] =	ssyncadd.s32 $0xFFFFFEB0  }
0x5e: {  	[tilespmem:s4], [sflag:$0x1] =	stream.linear.gather [hbm4b:s26+s2], $0xA800, $0x38;
	[tilespmem:$0x1E480] =	vst v63  }
0x5f: {  	_ =	swait.ge [sflag:s3], $0xA800  }
0x60: {  	[sflag:s3] =	ssyncset.done $0x0  }
0x61: {  	[sflag:s3] =	ssyncadd.s32 $0xFFFF5800  }
0x62: {  	[spmem:s1] =	stream.indirect.scatter.add.f32 [tilespmem:s4], [sflag:$0x1], $0x80, s2, s9, $0xb8;
	[tilespmem:$0x1E480] =	vst v63  }
0x63: {  	_ =	swait.ge [sflag:s3], $0xA800  }
0x64: {  	[sflag:s3] =	ssyncset.done $0x0  }
0x65: {  	[sflag:s3] =	ssyncadd.s32 $0xFFFF5800  }
0x66: {  	[bflag:$0x0] =	sbarrier.arrive $0xFFFF  }
0x67: {  	s0 =	rddreg [dreg:$0x3]  }
0x68: {  	s23 =	simm.s32 @p2 $0x1;
	[dreg:$0x12] =	wrdreg s22;
	s22 =	sor.u32 @p2 $0x1C01, s22  }
0x69: {  	[hbm:s0], [sflag:s22] =	dma.local @p2 [spmem:s17], $0x2780  }
0x6a: {  	_ =	swait.ge @p2 [sflag:s23], $0x2780  }
0x6b: {  	[sflag:s23] =	ssyncset.done @p2 $0x0  }
0x6c: {  	[sflag:s23] =	ssyncadd.s32 @p2 $0xFFFFD880  }
0x6d: {  	s24 =	simm.s32 @!p3 $0x1;
	s25 =	simm.s32 @!p3 $0x1C01;
	[bflag:$0x0] =	sbarrier.arrive @p2 $0xFFFF  }
0x6e: {  	[spmem:s16], [sflag:s25] =	dma.local @!p3 [hbm:s7], $0x27600  }
0x6f: {  	_ =	swait.ge @!p3 [sflag:s24], $0x27600  }
0x70: {  	s28 =	simm.s32 @!p2 $0x1FC1;
	[sflag:s24] =	ssyncset.done @!p3 $0x0  }
0x71: {  	s26 =	simm.s32 @!p2 $0x1;
	s0 =	rddreg [dreg:$0x4];
	[sflag:s24] =	ssyncadd.s32 @!p3 $0xFFFD8A00  }
0x72: {  	[hbm:s0], [sflag:s28] =	dma.local @!p2 [spmem:s15], $0x2580  }
0x73: {  	_ =	swait.ge @!p2 [sflag:s26], $0x2580  }
0x74: {  	[sflag:s26] =	ssyncset.done @!p2 $0x0  }
0x75: {  	[sflag:s26] =	ssyncadd.s32 @!p2 $0xFFFFDA80  }
0x76: {  	[bflag:$0x0] =	sbarrier.arrive @!p2 $0xFFFF  }
0x77: {  	[bflag:$0x0] =	sbarrier.arrive $0xFFFF  }
0x78: {  	[tilespmem:s2], [sflag:$0x1] =	stream.linear.gather [hbm4b:s14+s2], $0x150, $0x38;
	[tilespmem:$0x1E480] =	vst v63  }
0x79: {  	_ =	swait.ge [sflag:s3], $0x150  }
0x7a: {  	[sflag:s3] =	ssyncset.done $0x0  }
0x7b: {  	s21 =	rddreg [dreg:$0xc];
	[sflag:s3] =	ssyncadd.s32 $0xFFFFFEB0  }
0x7c: {  	[tilespmem:s4], [sflag:$0x1] =	stream.linear.gather [hbm4b:s21+s2], $0xA800, $0x38;
	[tilespmem:$0x1E480] =	vst v63  }
0x7d: {  	_ =	swait.ge [sflag:s3], $0xA800  }
0x7e: {  	[sflag:s3] =	ssyncset.done $0x0  }
0x7f: {  	[sflag:s3] =	ssyncadd.s32 $0xFFFF5800  }
0x80: {  	[spmem:s1] =	stream.indirect.scatter.add.f32 [tilespmem:s4], [sflag:$0x1], $0x80, s2, s9, $0xb8;
	[tilespmem:$0x1E480] =	vst v63  }
0x81: {  	_ =	swait.ge [sflag:s3], $0xA800  }
0x82: {  	[sflag:s3] =	ssyncset.done $0x0  }
0x83: {  	[sflag:s3] =	ssyncadd.s32 $0xFFFF5800  }
0x84: {  	[tilespmem:s2], [sflag:$0x1] =	stream.linear.gather [hbm4b:s12+s2], $0x150, $0x38;
	[tilespmem:$0x1E480] =	vst v63  }
0x85: {  	_ =	swait.ge [sflag:s3], $0x150  }
0x86: {  	[sflag:s3] =	ssyncset.done $0x0  }
0x87: {  	s21 =	rddreg [dreg:$0xd];
	[sflag:s3] =	ssyncadd.s32 $0xFFFFFEB0  }
0x88: {  	[tilespmem:s4], [sflag:$0x1] =	stream.linear.gather [hbm4b:s21+s2], $0xA800, $0x38;
	[tilespmem:$0x1E480] =	vst v63  }
0x89: {  	_ =	swait.ge [sflag:s3], $0xA800  }
0x8a: {  	[sflag:s3] =	ssyncset.done $0x0  }
0x8b: {  	[sflag:s3] =	ssyncadd.s32 $0xFFFF5800  }
0x8c: {  	[spmem:s1] =	stream.indirect.scatter.add.f32 [tilespmem:s4], [sflag:$0x1], $0x80, s2, s9, $0xb8;
	[tilespmem:$0x1E480] =	vst v63  }
0x8d: {  	_ =	swait.ge [sflag:s3], $0xA800  }
0x8e: {  	[sflag:s3] =	ssyncset.done $0x0  }
0x8f: {  	[sflag:s3] =	ssyncadd.s32 $0xFFFF5800  }
0x90: {  	[tilespmem:s2], [sflag:$0x1] =	stream.linear.gather [hbm4b:s13+s2], $0x150, $0x38;
	[tilespmem:$0x1E480] =	vst v63  }
0x91: {  	_ =	swait.ge [sflag:s3], $0x150  }
0x92: {  	[sflag:s3] =	ssyncset.done $0x0  }
0x93: {  	s21 =	rddreg [dreg:$0xe];
	[sflag:s3] =	ssyncadd.s32 $0xFFFFFEB0  }
0x94: {  	[tilespmem:s4], [sflag:$0x1] =	stream.linear.gather [hbm4b:s21+s2], $0xA800, $0x38;
	[tilespmem:$0x1E480] =	vst v63  }
0x95: {  	_ =	swait.ge [sflag:s3], $0xA800  }
0x96: {  	[sflag:s3] =	ssyncset.done $0x0  }
0x97: {  	[sflag:s3] =	ssyncadd.s32 $0xFFFF5800  }
0x98: {  	[spmem:s1] =	stream.indirect.scatter.add.f32 [tilespmem:s4], [sflag:$0x1], $0x80, s2, s9, $0xb8;
	[tilespmem:$0x1E480] =	vst v63  }
0x99: {  	_ =	swait.ge [sflag:s3], $0xA800  }
0x9a: {  	[sflag:s3] =	ssyncset.done $0x0  }
0x9b: {  	[sflag:s3] =	ssyncadd.s32 $0xFFFF5800  }
0x9c: {  	[tilespmem:s2], [sflag:$0x1] =	stream.linear.gather [hbm4b:s11+s2], $0x150, $0x38;
	[tilespmem:$0x1E480] =	vst v63  }
0x9d: {  	_ =	swait.ge [sflag:s3], $0x150  }
0x9e: {  	[sflag:s3] =	ssyncset.done $0x0  }
0x9f: {  	s21 =	rddreg [dreg:$0xf];
	[sflag:s3] =	ssyncadd.s32 $0xFFFFFEB0  }
0xa0: {  	[tilespmem:s4], [sflag:$0x1] =	stream.linear.gather [hbm4b:s21+s2], $0xA800, $0x38;
	[tilespmem:$0x1E480] =	vst v63  }
0xa1: {  	_ =	swait.ge [sflag:s3], $0xA800  }
0xa2: {  	[sflag:s3] =	ssyncset.done $0x0  }
0xa3: {  	[sflag:s3] =	ssyncadd.s32 $0xFFFF5800  }
0xa4: {  	[spmem:s1] =	stream.indirect.scatter.add.f32 [tilespmem:s4], [sflag:$0x1], $0x80, s2, s9, $0xb8;
	[tilespmem:$0x1E480] =	vst v63  }
0xa5: {  	_ =	swait.ge [sflag:s3], $0xA800  }
0xa6: {  	[sflag:s3] =	ssyncset.done $0x0  }
0xa7: {  	[sflag:s3] =	ssyncadd.s32 $0xFFFF5800  }
0xa8: {  	[tilespmem:s2], [sflag:$0x1] =	stream.linear.gather [hbm4b:s8+s2], $0x150, $0x38;
	[tilespmem:$0x1E480] =	vst v63  }
0xa9: {  	_ =	swait.ge [sflag:s3], $0x150  }
0xaa: {  	[sflag:s3] =	ssyncset.done $0x0  }
0xab: {  	s21 =	rddreg [dreg:$0x10];
	[sflag:s3] =	ssyncadd.s32 $0xFFFFFEB0  }
0xac: {  	[tilespmem:s4], [sflag:$0x1] =	stream.linear.gather [hbm4b:s21+s2], $0xA800, $0x38;
	[tilespmem:$0x1E480] =	vst v63  }
0xad: {  	_ =	swait.ge [sflag:s3], $0xA800  }
0xae: {  	[sflag:s3] =	ssyncset.done $0x0  }
0xaf: {  	[sflag:s3] =	ssyncadd.s32 $0xFFFF5800  }
0xb0: {  	[spmem:s1] =	stream.indirect.scatter.add.f32 [tilespmem:s4], [sflag:$0x1], $0x80, s2, s9, $0xb8;
	[tilespmem:$0x1E480] =	vst v63  }
0xb1: {  	_ =	swait.ge [sflag:s3], $0xA800  }
0xb2: {  	[sflag:s3] =	ssyncset.done $0x0  }
0xb3: {  	[sflag:s3] =	ssyncadd.s32 $0xFFFF5800  }
0xb4: {  	s29 =	simm.s32 @p1 $0x1FC1;
	s30 =	simm.s32 @p1 $0x1;
	[bflag:$0x0] =	sbarrier.arrive $0xFFFF  }
0xb5: {  	s31 =	simm.s32 @!p1 $0x1;
	s5 =	sadd.s32 $0xFFFFFFFF, s5;
	s0 =	rddreg [dreg:$0x6]  }
0xb6: {  	[hbm:s0], [sflag:s29] =	dma.local @p1 [spmem:s10], $0x2580  }
0xb7: {  	p5 =	sne.s32 s5, $0x0;
	s0 =	smov.u32 s20;
	_ =	swait.ge @p1 [sflag:s30], $0x2580  }
0xb8: {  	[dreg:$0x11] =	wrdreg s0;
	s0 =	sor.u32 @!p1 $0x1C01, s0;
	[sflag:s30] =	ssyncset.done @p1 $0x0  }
.Ltmp1:
0xb9: {  	s20 =	rddreg [dreg:$0x5];
	[sflag:s30] =	ssyncadd.s32 @p1 $0xFFFFDA80;
	(pc) =	sbr.rel @!p5 .LBB2_6-.Ltmp1, $4  }
0xba: {  	[hbm:s20], [sflag:s0] =	dma.local @!p1 [spmem:s6], $0x2780  }
0xbb: {  	_ =	swait.ge @!p1 [sflag:s31], $0x2780  }
0xbc: {  	[sflag:s31] =	ssyncset.done @!p1 $0x0  }
0xbd: {  	p4 =	por $0x1, $0x1;
	[sflag:s31] =	ssyncadd.s32 @!p1 $0xFFFFD880  }
0xbe: {  	s20 =	smov.u32 s18  }
.LBB2_3:
0xbf: {  	[bflag:$0x0] =	sbarrier.arrive $0xFFFF;
	s21 =	simm.s32 @!p0 $0x1C01  }
0xc0: {  	[spmem:s20], [sflag:s21] =	dma.local @!p0 [hbm:s7], $0x27600  }
0xc1: {  	_ =	swait.ge @!p0 [sflag:s19], $0x27600  }
0xc2: {  	[sflag:s19] =	ssyncset.done @!p0 $0x0  }
0xc3: {  	[sflag:s19] =	ssyncadd.s32 @!p0 $0xFFFD8A00  }
0xc4: {  	[bflag:$0x0] =	sbarrier.arrive $0xFFFF  }
0xc5: {  	[tilespmem:s2], [sflag:$0x1] =	stream.linear.gather [hbm4b:s14+s2], $0x150, $0x38;
	[tilespmem:$0x1E480] =	vst v63  }
0xc6: {  	_ =	swait.ge [sflag:s3], $0x150  }
0xc7: {  	[sflag:s3] =	ssyncset.done $0x0  }
0xc8: {  	s21 =	rddreg [dreg:$0x7];
	[sflag:s3] =	ssyncadd.s32 $0xFFFFFEB0  }
0xc9: {  	[tilespmem:s4], [sflag:$0x1] =	stream.linear.gather [hbm4b:s21+s2], $0xA800, $0x38;
	[tilespmem:$0x1E480] =	vst v63  }
0xca: {  	_ =	swait.ge [sflag:s3], $0xA800  }
0xcb: {  	[sflag:s3] =	ssyncset.done $0x0  }
0xcc: {  	[sflag:s3] =	ssyncadd.s32 $0xFFFF5800  }
0xcd: {  	[spmem:s1] =	stream.indirect.scatter.add.f32 [tilespmem:s4], [sflag:$0x1], $0x80, s2, s9, $0xb8;
	[tilespmem:$0x1E480] =	vst v63  }
0xce: {  	_ =	swait.ge [sflag:s3], $0xA800  }
0xcf: {  	[sflag:s3] =	ssyncset.done $0x0  }
0xd0: {  	[sflag:s3] =	ssyncadd.s32 $0xFFFF5800  }
0xd1: {  	[tilespmem:s2], [sflag:$0x1] =	stream.linear.gather [hbm4b:s12+s2], $0x150, $0x38;
	[tilespmem:$0x1E480] =	vst v63  }
0xd2: {  	_ =	swait.ge [sflag:s3], $0x150  }
0xd3: {  	[sflag:s3] =	ssyncset.done $0x0  }
0xd4: {  	s21 =	rddreg [dreg:$0x8];
	[sflag:s3] =	ssyncadd.s32 $0xFFFFFEB0  }
0xd5: {  	[tilespmem:s4], [sflag:$0x1] =	stream.linear.gather [hbm4b:s21+s2], $0xA800, $0x38;
	[tilespmem:$0x1E480] =	vst v63  }
0xd6: {  	_ =	swait.ge [sflag:s3], $0xA800  }
0xd7: {  	[sflag:s3] =	ssyncset.done $0x0  }
0xd8: {  	[sflag:s3] =	ssyncadd.s32 $0xFFFF5800  }
0xd9: {  	[spmem:s1] =	stream.indirect.scatter.add.f32 [tilespmem:s4], [sflag:$0x1], $0x80, s2, s9, $0xb8;
	[tilespmem:$0x1E480] =	vst v63  }
0xda: {  	_ =	swait.ge [sflag:s3], $0xA800  }
0xdb: {  	[sflag:s3] =	ssyncset.done $0x0  }
0xdc: {  	[sflag:s3] =	ssyncadd.s32 $0xFFFF5800  }
0xdd: {  	[tilespmem:s2], [sflag:$0x1] =	stream.linear.gather [hbm4b:s13+s2], $0x150, $0x38;
	[tilespmem:$0x1E480] =	vst v63  }
0xde: {  	_ =	swait.ge [sflag:s3], $0x150  }
0xdf: {  	[sflag:s3] =	ssyncset.done $0x0  }
0xe0: {  	s21 =	rddreg [dreg:$0x9];
	[sflag:s3] =	ssyncadd.s32 $0xFFFFFEB0  }
0xe1: {  	[tilespmem:s4], [sflag:$0x1] =	stream.linear.gather [hbm4b:s21+s2], $0xA800, $0x38;
	[tilespmem:$0x1E480] =	vst v63  }
0xe2: {  	_ =	swait.ge [sflag:s3], $0xA800  }
0xe3: {  	[sflag:s3] =	ssyncset.done $0x0  }
0xe4: {  	[sflag:s3] =	ssyncadd.s32 $0xFFFF5800  }
0xe5: {  	[spmem:s1] =	stream.indirect.scatter.add.f32 [tilespmem:s4], [sflag:$0x1], $0x80, s2, s9, $0xb8;
	[tilespmem:$0x1E480] =	vst v63  }
0xe6: {  	_ =	swait.ge [sflag:s3], $0xA800  }
0xe7: {  	[sflag:s3] =	ssyncset.done $0x0  }
0xe8: {  	[sflag:s3] =	ssyncadd.s32 $0xFFFF5800  }
0xe9: {  	[tilespmem:s2], [sflag:$0x1] =	stream.linear.gather [hbm4b:s11+s2], $0x150, $0x38;
	[tilespmem:$0x1E480] =	vst v63  }
0xea: {  	_ =	swait.ge [sflag:s3], $0x150  }
0xeb: {  	[sflag:s3] =	ssyncset.done $0x0  }
0xec: {  	s21 =	rddreg [dreg:$0xa];
	[sflag:s3] =	ssyncadd.s32 $0xFFFFFEB0  }
0xed: {  	[tilespmem:s4], [sflag:$0x1] =	stream.linear.gather [hbm4b:s21+s2], $0xA800, $0x38;
	[tilespmem:$0x1E480] =	vst v63  }
0xee: {  	_ =	swait.ge [sflag:s3], $0xA800  }
0xef: {  	[sflag:s3] =	ssyncset.done $0x0  }
0xf0: {  	[sflag:s3] =	ssyncadd.s32 $0xFFFF5800  }
0xf1: {  	[spmem:s1] =	stream.indirect.scatter.add.f32 [tilespmem:s4], [sflag:$0x1], $0x80, s2, s9, $0xb8;
	[tilespmem:$0x1E480] =	vst v63  }
0xf2: {  	_ =	swait.ge [sflag:s3], $0xA800  }
0xf3: {  	[sflag:s3] =	ssyncset.done $0x0  }
0xf4: {  	[sflag:s3] =	ssyncadd.s32 $0xFFFF5800  }
0xf5: {  	[tilespmem:s2], [sflag:$0x1] =	stream.linear.gather [hbm4b:s8+s2], $0x150, $0x38;
	[tilespmem:$0x1E480] =	vst v63  }
0xf6: {  	_ =	swait.ge [sflag:s3], $0x150  }
0xf7: {  	[sflag:s3] =	ssyncset.done $0x0  }
0xf8: {  	s21 =	rddreg [dreg:$0xb];
	[sflag:s3] =	ssyncadd.s32 $0xFFFFFEB0  }
0xf9: {  	[tilespmem:s4], [sflag:$0x1] =	stream.linear.gather [hbm4b:s21+s2], $0xA800, $0x38;
	[tilespmem:$0x1E480] =	vst v63  }
0xfa: {  	_ =	swait.ge [sflag:s3], $0xA800  }
0xfb: {  	[sflag:s3] =	ssyncset.done $0x0  }
0xfc: {  	[sflag:s3] =	ssyncadd.s32 $0xFFFF5800  }
0xfd: {  	[spmem:s1] =	stream.indirect.scatter.add.f32 [tilespmem:s4], [sflag:$0x1], $0x80, s2, s9, $0xb8;
	[tilespmem:$0x1E480] =	vst v63  }
0xfe: {  	_ =	swait.ge [sflag:s3], $0xA800  }
0xff: {  	[sflag:s3] =	ssyncset.done $0x0  }
0x100: {  	[sflag:s3] =	ssyncadd.s32 $0xFFFF5800  }
0x101: {  	[bflag:$0x0] =	sbarrier.arrive $0xFFFF  }
0x102: {  	s21 =	rddreg [dreg:$0x3]  }
0x103: {  	[hbm:s21], [sflag:s22] =	dma.local @p2 [spmem:s17], $0x2780  }
0x104: {  	_ =	swait.ge @p2 [sflag:s23], $0x2780  }
0x105: {  	[sflag:s23] =	ssyncset.done @p2 $0x0  }
0x106: {  	[sflag:s23] =	ssyncadd.s32 @p2 $0xFFFFD880  }
0x107: {  	[bflag:$0x0] =	sbarrier.arrive @p2 $0xFFFF  }
0x108: {  	[spmem:s16], [sflag:s25] =	dma.local @!p3 [hbm:s7], $0x27600  }
0x109: {  	_ =	swait.ge @!p3 [sflag:s24], $0x27600  }
0x10a: {  	[sflag:s24] =	ssyncset.done @!p3 $0x0  }
0x10b: {  	s21 =	rddreg [dreg:$0x4];
	[sflag:s24] =	ssyncadd.s32 @!p3 $0xFFFD8A00  }
0x10c: {  	[hbm:s21], [sflag:s28] =	dma.local @!p2 [spmem:s15], $0x2580  }
0x10d: {  	_ =	swait.ge @!p2 [sflag:s26], $0x2580  }
0x10e: {  	[sflag:s26] =	ssyncset.done @!p2 $0x0  }
0x10f: {  	[sflag:s26] =	ssyncadd.s32 @!p2 $0xFFFFDA80  }
0x110: {  	[bflag:$0x0] =	sbarrier.arrive @!p2 $0xFFFF  }
0x111: {  	[bflag:$0x0] =	sbarrier.arrive $0xFFFF  }
0x112: {  	[tilespmem:s2], [sflag:$0x1] =	stream.linear.gather [hbm4b:s14+s2], $0x150, $0x38;
	[tilespmem:$0x1E480] =	vst v63  }
0x113: {  	_ =	swait.ge [sflag:s3], $0x150  }
0x114: {  	[sflag:s3] =	ssyncset.done $0x0  }
0x115: {  	s21 =	rddreg [dreg:$0xc];
	[sflag:s3] =	ssyncadd.s32 $0xFFFFFEB0  }
0x116: {  	[tilespmem:s4], [sflag:$0x1] =	stream.linear.gather [hbm4b:s21+s2], $0xA800, $0x38;
	[tilespmem:$0x1E480] =	vst v63  }
0x117: {  	_ =	swait.ge [sflag:s3], $0xA800  }
0x118: {  	[sflag:s3] =	ssyncset.done $0x0  }
0x119: {  	[sflag:s3] =	ssyncadd.s32 $0xFFFF5800  }
0x11a: {  	[spmem:s1] =	stream.indirect.scatter.add.f32 [tilespmem:s4], [sflag:$0x1], $0x80, s2, s9, $0xb8;
	[tilespmem:$0x1E480] =	vst v63  }
0x11b: {  	_ =	swait.ge [sflag:s3], $0xA800  }
0x11c: {  	[sflag:s3] =	ssyncset.done $0x0  }
0x11d: {  	[sflag:s3] =	ssyncadd.s32 $0xFFFF5800  }
0x11e: {  	[tilespmem:s2], [sflag:$0x1] =	stream.linear.gather [hbm4b:s12+s2], $0x150, $0x38;
	[tilespmem:$0x1E480] =	vst v63  }
0x11f: {  	_ =	swait.ge [sflag:s3], $0x150  }
0x120: {  	[sflag:s3] =	ssyncset.done $0x0  }
0x121: {  	s21 =	rddreg [dreg:$0xd];
	[sflag:s3] =	ssyncadd.s32 $0xFFFFFEB0  }
0x122: {  	[tilespmem:s4], [sflag:$0x1] =	stream.linear.gather [hbm4b:s21+s2], $0xA800, $0x38;
	[tilespmem:$0x1E480] =	vst v63  }
0x123: {  	_ =	swait.ge [sflag:s3], $0xA800  }
0x124: {  	[sflag:s3] =	ssyncset.done $0x0  }
0x125: {  	[sflag:s3] =	ssyncadd.s32 $0xFFFF5800  }
0x126: {  	[spmem:s1] =	stream.indirect.scatter.add.f32 [tilespmem:s4], [sflag:$0x1], $0x80, s2, s9, $0xb8;
	[tilespmem:$0x1E480] =	vst v63  }
0x127: {  	_ =	swait.ge [sflag:s3], $0xA800  }
0x128: {  	[sflag:s3] =	ssyncset.done $0x0  }
0x129: {  	[sflag:s3] =	ssyncadd.s32 $0xFFFF5800  }
0x12a: {  	[tilespmem:s2], [sflag:$0x1] =	stream.linear.gather [hbm4b:s13+s2], $0x150, $0x38;
	[tilespmem:$0x1E480] =	vst v63  }
0x12b: {  	_ =	swait.ge [sflag:s3], $0x150  }
0x12c: {  	[sflag:s3] =	ssyncset.done $0x0  }
0x12d: {  	s21 =	rddreg [dreg:$0xe];
	[sflag:s3] =	ssyncadd.s32 $0xFFFFFEB0  }
0x12e: {  	[tilespmem:s4], [sflag:$0x1] =	stream.linear.gather [hbm4b:s21+s2], $0xA800, $0x38;
	[tilespmem:$0x1E480] =	vst v63  }
0x12f: {  	_ =	swait.ge [sflag:s3], $0xA800  }
0x130: {  	[sflag:s3] =	ssyncset.done $0x0  }
0x131: {  	[sflag:s3] =	ssyncadd.s32 $0xFFFF5800  }
0x132: {  	[spmem:s1] =	stream.indirect.scatter.add.f32 [tilespmem:s4], [sflag:$0x1], $0x80, s2, s9, $0xb8;
	[tilespmem:$0x1E480] =	vst v63  }
0x133: {  	_ =	swait.ge [sflag:s3], $0xA800  }
0x134: {  	[sflag:s3] =	ssyncset.done $0x0  }
0x135: {  	[sflag:s3] =	ssyncadd.s32 $0xFFFF5800  }
0x136: {  	[tilespmem:s2], [sflag:$0x1] =	stream.linear.gather [hbm4b:s11+s2], $0x150, $0x38;
	[tilespmem:$0x1E480] =	vst v63  }
0x137: {  	_ =	swait.ge [sflag:s3], $0x150  }
0x138: {  	[sflag:s3] =	ssyncset.done $0x0  }
0x139: {  	s21 =	rddreg [dreg:$0xf];
	[sflag:s3] =	ssyncadd.s32 $0xFFFFFEB0  }
0x13a: {  	[tilespmem:s4], [sflag:$0x1] =	stream.linear.gather [hbm4b:s21+s2], $0xA800, $0x38;
	[tilespmem:$0x1E480] =	vst v63  }
0x13b: {  	_ =	swait.ge [sflag:s3], $0xA800  }
0x13c: {  	[sflag:s3] =	ssyncset.done $0x0  }
0x13d: {  	[sflag:s3] =	ssyncadd.s32 $0xFFFF5800  }
0x13e: {  	[spmem:s1] =	stream.indirect.scatter.add.f32 [tilespmem:s4], [sflag:$0x1], $0x80, s2, s9, $0xb8;
	[tilespmem:$0x1E480] =	vst v63  }
0x13f: {  	_ =	swait.ge [sflag:s3], $0xA800  }
0x140: {  	[sflag:s3] =	ssyncset.done $0x0  }
0x141: {  	[sflag:s3] =	ssyncadd.s32 $0xFFFF5800  }
0x142: {  	[tilespmem:s2], [sflag:$0x1] =	stream.linear.gather [hbm4b:s8+s2], $0x150, $0x38;
	[tilespmem:$0x1E480] =	vst v63  }
0x143: {  	_ =	swait.ge [sflag:s3], $0x150  }
0x144: {  	[sflag:s3] =	ssyncset.done $0x0  }
0x145: {  	s21 =	rddreg [dreg:$0x10];
	[sflag:s3] =	ssyncadd.s32 $0xFFFFFEB0  }
0x146: {  	[tilespmem:s4], [sflag:$0x1] =	stream.linear.gather [hbm4b:s21+s2], $0xA800, $0x38;
	[tilespmem:$0x1E480] =	vst v63  }
0x147: {  	_ =	swait.ge [sflag:s3], $0xA800  }
0x148: {  	[sflag:s3] =	ssyncset.done $0x0  }
0x149: {  	[sflag:s3] =	ssyncadd.s32 $0xFFFF5800  }
0x14a: {  	[spmem:s1] =	stream.indirect.scatter.add.f32 [tilespmem:s4], [sflag:$0x1], $0x80, s2, s9, $0xb8;
	[tilespmem:$0x1E480] =	vst v63  }
0x14b: {  	_ =	swait.ge [sflag:s3], $0xA800  }
0x14c: {  	[sflag:s3] =	ssyncset.done $0x0  }
0x14d: {  	[sflag:s3] =	ssyncadd.s32 $0xFFFF5800  }
0x14e: {  	[bflag:$0x0] =	sbarrier.arrive $0xFFFF  }
0x14f: {  	s21 =	rddreg [dreg:$0x6]  }
0x150: {  	[hbm:s21], [sflag:s29] =	dma.local @p1 [spmem:s10], $0x2580  }
0x151: {  	s5 =	sadd.s32 $0xFFFFFFFF, s5;
	_ =	swait.ge @p1 [sflag:s30], $0x2580  }
0x152: {  	p5 =	sne.s32 s5, $0x0;
	[sflag:s30] =	ssyncset.done @p1 $0x0  }
.Ltmp2:
0x153: {  	s21 =	rddreg [dreg:$0x5];
	[sflag:s30] =	ssyncadd.s32 @p1 $0xFFFFDA80;
	(pc) =	sbr.rel @p5 .LBB2_3-.Ltmp2, $4  }
0x154: {  	[hbm:s21], [sflag:s0] =	dma.local @!p1 [spmem:s6], $0x2780  }
0x155: {  	_ =	swait.ge @!p1 [sflag:s31], $0x2780  }
0x156: {  	[sflag:s31] =	ssyncset.done @!p1 $0x0  }
0x157: {  	s20 =	smov.u32 s18;
	[sflag:s31] =	ssyncadd.s32 @!p1 $0xFFFFD880  }
0x158: {  	s21 =	rddreg [dreg:$0x2]  }
0x159: {  	s18 =	smov.u32 s20;
	s20 =	rddreg [dreg:$0x11]  }
0x15a: {  	s22 =	rddreg [dreg:$0x12]  }
.LBB2_5:
0x15b: {  	s0 =	simm.s32 @!p0 $0x1C01;
	[bflag:$0x0] =	sbarrier.arrive @p4 $0xFFFF  }
0x15c: {  	[spmem:s18], [sflag:s0] =	dma.local @!p0 [hbm:s7], $0x27600  }
0x15d: {  	_ =	swait.ge @!p0 [sflag:s19], $0x27600  }
0x15e: {  	[sflag:s19] =	ssyncset.done @!p0 $0x0  }
0x15f: {  	[sflag:s19] =	ssyncadd.s32 @!p0 $0xFFFD8A00  }
0x160: {  	[bflag:$0x0] =	sbarrier.arrive $0xFFFF  }
0x161: {  	[tilespmem:s2], [sflag:$0x1] =	stream.linear.gather [hbm4b:s14+s2], $0x150, $0x38;
	[tilespmem:$0x1E480] =	vst v63  }
0x162: {  	_ =	swait.ge [sflag:s3], $0x150  }
0x163: {  	[sflag:s3] =	ssyncset.done $0x0  }
0x164: {  	s18 =	rddreg [dreg:$0x7];
	[sflag:s3] =	ssyncadd.s32 $0xFFFFFEB0  }
0x165: {  	[tilespmem:s4], [sflag:$0x1] =	stream.linear.gather [hbm4b:s18+s2], $0xA800, $0x38;
	[tilespmem:$0x1E480] =	vst v63  }
0x166: {  	_ =	swait.ge [sflag:s3], $0xA800  }
0x167: {  	[sflag:s3] =	ssyncset.done $0x0  }
0x168: {  	[sflag:s3] =	ssyncadd.s32 $0xFFFF5800  }
0x169: {  	[spmem:s1] =	stream.indirect.scatter.add.f32 [tilespmem:s4], [sflag:$0x1], $0x80, s2, s9, $0xb8;
	[tilespmem:$0x1E480] =	vst v63  }
0x16a: {  	_ =	swait.ge [sflag:s3], $0xA800  }
0x16b: {  	[sflag:s3] =	ssyncset.done $0x0  }
0x16c: {  	[sflag:s3] =	ssyncadd.s32 $0xFFFF5800  }
0x16d: {  	[tilespmem:s2], [sflag:$0x1] =	stream.linear.gather [hbm4b:s12+s2], $0x150, $0x38;
	[tilespmem:$0x1E480] =	vst v63  }
0x16e: {  	_ =	swait.ge [sflag:s3], $0x150  }
0x16f: {  	[sflag:s3] =	ssyncset.done $0x0  }
0x170: {  	s19 =	rddreg [dreg:$0x8];
	[sflag:s3] =	ssyncadd.s32 $0xFFFFFEB0  }
0x171: {  	[tilespmem:s4], [sflag:$0x1] =	stream.linear.gather [hbm4b:s19+s2], $0xA800, $0x38;
	[tilespmem:$0x1E480] =	vst v63  }
0x172: {  	_ =	swait.ge [sflag:s3], $0xA800  }
0x173: {  	[sflag:s3] =	ssyncset.done $0x0  }
0x174: {  	[sflag:s3] =	ssyncadd.s32 $0xFFFF5800  }
0x175: {  	[spmem:s1] =	stream.indirect.scatter.add.f32 [tilespmem:s4], [sflag:$0x1], $0x80, s2, s9, $0xb8;
	[tilespmem:$0x1E480] =	vst v63  }
0x176: {  	_ =	swait.ge [sflag:s3], $0xA800  }
0x177: {  	[sflag:s3] =	ssyncset.done $0x0  }
0x178: {  	[sflag:s3] =	ssyncadd.s32 $0xFFFF5800  }
0x179: {  	[tilespmem:s2], [sflag:$0x1] =	stream.linear.gather [hbm4b:s13+s2], $0x150, $0x38;
	[tilespmem:$0x1E480] =	vst v63  }
0x17a: {  	_ =	swait.ge [sflag:s3], $0x150  }
0x17b: {  	[sflag:s3] =	ssyncset.done $0x0  }
0x17c: {  	s23 =	rddreg [dreg:$0x9];
	[sflag:s3] =	ssyncadd.s32 $0xFFFFFEB0  }
0x17d: {  	[tilespmem:s4], [sflag:$0x1] =	stream.linear.gather [hbm4b:s23+s2], $0xA800, $0x38;
	[tilespmem:$0x1E480] =	vst v63  }
0x17e: {  	_ =	swait.ge [sflag:s3], $0xA800  }
0x17f: {  	[sflag:s3] =	ssyncset.done $0x0  }
0x180: {  	[sflag:s3] =	ssyncadd.s32 $0xFFFF5800  }
0x181: {  	[spmem:s1] =	stream.indirect.scatter.add.f32 [tilespmem:s4], [sflag:$0x1], $0x80, s2, s9, $0xb8;
	[tilespmem:$0x1E480] =	vst v63  }
0x182: {  	_ =	swait.ge [sflag:s3], $0xA800  }
0x183: {  	[sflag:s3] =	ssyncset.done $0x0  }
0x184: {  	[sflag:s3] =	ssyncadd.s32 $0xFFFF5800  }
0x185: {  	[tilespmem:s2], [sflag:$0x1] =	stream.linear.gather [hbm4b:s11+s2], $0x150, $0x38;
	[tilespmem:$0x1E480] =	vst v63  }
0x186: {  	_ =	swait.ge [sflag:s3], $0x150  }
0x187: {  	[sflag:s3] =	ssyncset.done $0x0  }
0x188: {  	s24 =	rddreg [dreg:$0xa];
	[sflag:s3] =	ssyncadd.s32 $0xFFFFFEB0  }
0x189: {  	[tilespmem:s4], [sflag:$0x1] =	stream.linear.gather [hbm4b:s24+s2], $0xA800, $0x38;
	[tilespmem:$0x1E480] =	vst v63  }
0x18a: {  	_ =	swait.ge [sflag:s3], $0xA800  }
0x18b: {  	[sflag:s3] =	ssyncset.done $0x0  }
0x18c: {  	[sflag:s3] =	ssyncadd.s32 $0xFFFF5800  }
0x18d: {  	[spmem:s1] =	stream.indirect.scatter.add.f32 [tilespmem:s4], [sflag:$0x1], $0x80, s2, s9, $0xb8;
	[tilespmem:$0x1E480] =	vst v63  }
0x18e: {  	_ =	swait.ge [sflag:s3], $0xA800  }
0x18f: {  	[sflag:s3] =	ssyncset.done $0x0  }
0x190: {  	[sflag:s3] =	ssyncadd.s32 $0xFFFF5800  }
0x191: {  	[tilespmem:s2], [sflag:$0x1] =	stream.linear.gather [hbm4b:s8+s2], $0x150, $0x38;
	[tilespmem:$0x1E480] =	vst v63  }
0x192: {  	_ =	swait.ge [sflag:s3], $0x150  }
0x193: {  	[sflag:s3] =	ssyncset.done $0x0  }
0x194: {  	s25 =	rddreg [dreg:$0xb];
	[sflag:s3] =	ssyncadd.s32 $0xFFFFFEB0  }
0x195: {  	[tilespmem:s4], [sflag:$0x1] =	stream.linear.gather [hbm4b:s25+s2], $0xA800, $0x38;
	[tilespmem:$0x1E480] =	vst v63  }
0x196: {  	_ =	swait.ge [sflag:s3], $0xA800  }
0x197: {  	[sflag:s3] =	ssyncset.done $0x0  }
0x198: {  	[sflag:s3] =	ssyncadd.s32 $0xFFFF5800  }
0x199: {  	[spmem:s1] =	stream.indirect.scatter.add.f32 [tilespmem:s4], [sflag:$0x1], $0x80, s2, s9, $0xb8;
	[tilespmem:$0x1E480] =	vst v63  }
0x19a: {  	_ =	swait.ge [sflag:s3], $0xA800  }
0x19b: {  	[sflag:s3] =	ssyncset.done $0x0  }
0x19c: {  	[sflag:s3] =	ssyncadd.s32 $0xFFFF5800  }
0x19d: {  	[bflag:$0x0] =	sbarrier.arrive $0xFFFF  }
0x19e: {  	s5 =	sor.u32 @p2 $0x1C01, s22;
	s18 =	simm.s32 @p2 $0x1;
	s0 =	rddreg [dreg:$0x3]  }
0x19f: {  	[hbm:s0], [sflag:s5] =	dma.local @p2 [spmem:s17], $0x2780  }
0x1a0: {  	_ =	swait.ge @p2 [sflag:s18], $0x2780  }
0x1a1: {  	[sflag:s18] =	ssyncset.done @p2 $0x0  }
0x1a2: {  	[sflag:s18] =	ssyncadd.s32 @p2 $0xFFFFD880  }
0x1a3: {  	s0 =	simm.s32 @!p3 $0x1;
	s5 =	simm.s32 @!p3 $0x1C01;
	[bflag:$0x0] =	sbarrier.arrive @p2 $0xFFFF  }
0x1a4: {  	[spmem:s16], [sflag:s5] =	dma.local @!p3 [hbm:s7], $0x27600  }
0x1a5: {  	_ =	swait.ge @!p3 [sflag:s0], $0x27600  }
0x1a6: {  	s7 =	simm.s32 @!p2 $0x1;
	[sflag:s0] =	ssyncset.done @!p3 $0x0  }
0x1a7: {  	s5 =	rddreg [dreg:$0x4];
	[sflag:s0] =	ssyncadd.s32 @!p3 $0xFFFD8A00;
	s0 =	simm.s32 @!p2 $0x1FC1  }
0x1a8: {  	[hbm:s5], [sflag:s0] =	dma.local @!p2 [spmem:s15], $0x2580  }
0x1a9: {  	_ =	swait.ge @!p2 [sflag:s7], $0x2580  }
0x1aa: {  	[sflag:s7] =	ssyncset.done @!p2 $0x0  }
0x1ab: {  	[sflag:s7] =	ssyncadd.s32 @!p2 $0xFFFFDA80  }
0x1ac: {  	[bflag:$0x0] =	sbarrier.arrive @!p2 $0xFFFF  }
0x1ad: {  	[bflag:$0x0] =	sbarrier.arrive $0xFFFF  }
0x1ae: {  	[tilespmem:s2], [sflag:$0x1] =	stream.linear.gather [hbm4b:s14+s2], $0x150, $0x38;
	[tilespmem:$0x1E480] =	vst v63  }
0x1af: {  	_ =	swait.ge [sflag:s3], $0x150  }
0x1b0: {  	[sflag:s3] =	ssyncset.done $0x0  }
0x1b1: {  	s26 =	rddreg [dreg:$0xc];
	[sflag:s3] =	ssyncadd.s32 $0xFFFFFEB0  }
0x1b2: {  	[tilespmem:s4], [sflag:$0x1] =	stream.linear.gather [hbm4b:s26+s2], $0xA800, $0x38;
	[tilespmem:$0x1E480] =	vst v63  }
0x1b3: {  	_ =	swait.ge [sflag:s3], $0xA800  }
0x1b4: {  	[sflag:s3] =	ssyncset.done $0x0  }
0x1b5: {  	[sflag:s3] =	ssyncadd.s32 $0xFFFF5800  }
0x1b6: {  	[spmem:s1] =	stream.indirect.scatter.add.f32 [tilespmem:s4], [sflag:$0x1], $0x80, s2, s9, $0xb8;
	[tilespmem:$0x1E480] =	vst v63  }
0x1b7: {  	_ =	swait.ge [sflag:s3], $0xA800  }
0x1b8: {  	[sflag:s3] =	ssyncset.done $0x0  }
0x1b9: {  	[sflag:s3] =	ssyncadd.s32 $0xFFFF5800  }
0x1ba: {  	[tilespmem:s2], [sflag:$0x1] =	stream.linear.gather [hbm4b:s12+s2], $0x150, $0x38;
	[tilespmem:$0x1E480] =	vst v63  }
0x1bb: {  	_ =	swait.ge [sflag:s3], $0x150  }
0x1bc: {  	[sflag:s3] =	ssyncset.done $0x0  }
0x1bd: {  	s28 =	rddreg [dreg:$0xd];
	[sflag:s3] =	ssyncadd.s32 $0xFFFFFEB0  }
0x1be: {  	[tilespmem:s4], [sflag:$0x1] =	stream.linear.gather [hbm4b:s28+s2], $0xA800, $0x38;
	[tilespmem:$0x1E480] =	vst v63  }
0x1bf: {  	_ =	swait.ge [sflag:s3], $0xA800  }
0x1c0: {  	[sflag:s3] =	ssyncset.done $0x0  }
0x1c1: {  	[sflag:s3] =	ssyncadd.s32 $0xFFFF5800  }
0x1c2: {  	[spmem:s1] =	stream.indirect.scatter.add.f32 [tilespmem:s4], [sflag:$0x1], $0x80, s2, s9, $0xb8;
	[tilespmem:$0x1E480] =	vst v63  }
0x1c3: {  	_ =	swait.ge [sflag:s3], $0xA800  }
0x1c4: {  	[sflag:s3] =	ssyncset.done $0x0  }
0x1c5: {  	[sflag:s3] =	ssyncadd.s32 $0xFFFF5800  }
0x1c6: {  	[tilespmem:s2], [sflag:$0x1] =	stream.linear.gather [hbm4b:s13+s2], $0x150, $0x38;
	[tilespmem:$0x1E480] =	vst v63  }
0x1c7: {  	_ =	swait.ge [sflag:s3], $0x150  }
0x1c8: {  	[sflag:s3] =	ssyncset.done $0x0  }
0x1c9: {  	s29 =	rddreg [dreg:$0xe];
	[sflag:s3] =	ssyncadd.s32 $0xFFFFFEB0  }
0x1ca: {  	[tilespmem:s4], [sflag:$0x1] =	stream.linear.gather [hbm4b:s29+s2], $0xA800, $0x38;
	[tilespmem:$0x1E480] =	vst v63  }
0x1cb: {  	_ =	swait.ge [sflag:s3], $0xA800  }
0x1cc: {  	[sflag:s3] =	ssyncset.done $0x0  }
0x1cd: {  	[sflag:s3] =	ssyncadd.s32 $0xFFFF5800  }
0x1ce: {  	[spmem:s1] =	stream.indirect.scatter.add.f32 [tilespmem:s4], [sflag:$0x1], $0x80, s2, s9, $0xb8;
	[tilespmem:$0x1E480] =	vst v63  }
0x1cf: {  	_ =	swait.ge [sflag:s3], $0xA800  }
0x1d0: {  	[sflag:s3] =	ssyncset.done $0x0  }
0x1d1: {  	[sflag:s3] =	ssyncadd.s32 $0xFFFF5800  }
0x1d2: {  	[tilespmem:s2], [sflag:$0x1] =	stream.linear.gather [hbm4b:s11+s2], $0x150, $0x38;
	[tilespmem:$0x1E480] =	vst v63  }
0x1d3: {  	_ =	swait.ge [sflag:s3], $0x150  }
0x1d4: {  	[sflag:s3] =	ssyncset.done $0x0  }
0x1d5: {  	s30 =	rddreg [dreg:$0xf];
	[sflag:s3] =	ssyncadd.s32 $0xFFFFFEB0  }
0x1d6: {  	[tilespmem:s4], [sflag:$0x1] =	stream.linear.gather [hbm4b:s30+s2], $0xA800, $0x38;
	[tilespmem:$0x1E480] =	vst v63  }
0x1d7: {  	_ =	swait.ge [sflag:s3], $0xA800  }
0x1d8: {  	[sflag:s3] =	ssyncset.done $0x0  }
0x1d9: {  	[sflag:s3] =	ssyncadd.s32 $0xFFFF5800  }
0x1da: {  	[spmem:s1] =	stream.indirect.scatter.add.f32 [tilespmem:s4], [sflag:$0x1], $0x80, s2, s9, $0xb8;
	[tilespmem:$0x1E480] =	vst v63  }
0x1db: {  	_ =	swait.ge [sflag:s3], $0xA800  }
0x1dc: {  	[sflag:s3] =	ssyncset.done $0x0  }
0x1dd: {  	[sflag:s3] =	ssyncadd.s32 $0xFFFF5800  }
0x1de: {  	[tilespmem:s2], [sflag:$0x1] =	stream.linear.gather [hbm4b:s8+s2], $0x150, $0x38;
	[tilespmem:$0x1E480] =	vst v63  }
0x1df: {  	_ =	swait.ge [sflag:s3], $0x150  }
0x1e0: {  	[sflag:s3] =	ssyncset.done $0x0  }
0x1e1: {  	s31 =	rddreg [dreg:$0x10];
	[sflag:s3] =	ssyncadd.s32 $0xFFFFFEB0  }
0x1e2: {  	[tilespmem:s4], [sflag:$0x1] =	stream.linear.gather [hbm4b:s31+s2], $0xA800, $0x38;
	[tilespmem:$0x1E480] =	vst v63  }
0x1e3: {  	_ =	swait.ge [sflag:s3], $0xA800  }
0x1e4: {  	[sflag:s3] =	ssyncset.done $0x0  }
0x1e5: {  	[sflag:s3] =	ssyncadd.s32 $0xFFFF5800  }
0x1e6: {  	[spmem:s1] =	stream.indirect.scatter.add.f32 [tilespmem:s4], [sflag:$0x1], $0x80, s2, s9, $0xb8;
	[tilespmem:$0x1E480] =	vst v63  }
0x1e7: {  	_ =	swait.ge [sflag:s3], $0xA800  }
0x1e8: {  	[sflag:s3] =	ssyncset.done $0x0  }
0x1e9: {  	[sflag:s3] =	ssyncadd.s32 $0xFFFF5800  }
0x1ea: {  	[bflag:$0x0] =	sbarrier.arrive $0xFFFF  }
0x1eb: {  	s1 =	simm.s32 @p1 $0x1FC1;
	s2 =	simm.s32 @p1 $0x1;
	s0 =	rddreg [dreg:$0x6]  }
0x1ec: {  	[hbm:s0], [sflag:s1] =	dma.local @p1 [spmem:s10], $0x2580  }
0x1ed: {  	_ =	swait.ge @p1 [sflag:s2], $0x2580  }
0x1ee: {  	s1 =	simm.s32 @!p1 $0x1;
	[sflag:s2] =	ssyncset.done @p1 $0x0  }
0x1ef: {  	s0 =	rddreg [dreg:$0x5];
	[sflag:s2] =	ssyncadd.s32 @p1 $0xFFFFDA80;
	s2 =	sor.u32 @!p1 $0x1C01, s20  }
0x1f0: {  	[hbm:s0], [sflag:s2] =	dma.local @!p1 [spmem:s6], $0x2780  }
0x1f1: {  	_ =	swait.ge @!p1 [sflag:s1], $0x2780  }
0x1f2: {  	[sflag:s1] =	ssyncset.done @!p1 $0x0  }
0x1f3: {  	[sflag:s1] =	ssyncadd.s32 @!p1 $0xFFFFD880  }
0x1f4: {  	[bflag:$0x0] =	sbarrier.arrive $0xFFFF  }
0x1f5: {  	_ =	sfence.sel $0x180000  }
0x1f6: {  	[bflag:$0x0] =	sbarrier.arrive $0xFFFF  }
0x1f7: {  	_ =	strace $0x90000053  }
0x1f8: {  	s0 =	sadd.s32 @!p0 $0x100000, s21;
	[bflag:$0x2] =	sbarrier.arrive $0xFFFF  }
0x1f9: {  	[sflag:s0] =	ssyncadd.tile.s32 @!p0 $0x1;
	_ =	shalt  }
.LBB2_6:
.Ltmp3:
0x1fa: {  	(pc) =	sbr.rel .LBB2_5-.Ltmp3, $4  }
0x1fb: {  	_ = 	snop  }
0x1fc: {  	s21 =	rddreg [dreg:$0x2]  }
0x1fd: {  	s20 =	rddreg [dreg:$0x11]  }
0x1fe: {  	s22 =	rddreg [dreg:$0x12]  }
.Lfunc_end2:
_tile_overlayer_lowered:
.L_overlay_start_2:
0x1ff: {  	(tag) =	ssettag $0x2  }
0x200: {  	s0 =	rddreg [dreg:$0x0];
	s2 =	stileid.u32  }
0x201: {  	s1 =	rddreg [dreg:$0x1];
	p0 =	sne.s32 s2, $0x0  }
0x202: {  	s3 =	rddreg [dreg:$0x2];
	[bflag:$0x3] =	sbarrier.arrive $0xFFFF;
	s2 =	simm.s32 @!p0 $0x1C01  }
0x203: {  	[timem:s3], [sflag:s2] =	dma.local @!p0 [hbm:s0], s1  }
0x204: {  	s0 =	simm.s32 @!p0 $0x1  }
0x205: {  	_ =	swait.ge @!p0 [sflag:s0], s1  }
0x206: {  	s1 =	ssub.s32 @!p0 $0x0, s1;
	[sflag:s0] =	ssyncset.done @!p0 $0x0  }
0x207: {  	[sflag:s0] =	ssyncadd.s32 @!p0 s1  }
0x208: {  	[bflag:$0x3] =	sbarrier.arrive $0xFFFF  }
0x209: {  	_ =	shalt  }

// kernel: kernel.31.cloned.1.call-start
scs
__scs_entry_jumppad:
0x0: {  	(pc) =	sbr.rel $0x88, $3  }
0x1: {  	(tag) =	ssettag $0x0;
	lr =	simm.s32 $0x1  }
0x2: {  	[smem:$0x3F76] =	sst lr;
	_ =	strace $0xD0000000  }
0x3: {  	_ = 	snop  }
0x4: {  	_ = 	snop  }
0x5: {  	_ = 	snop  }
0x6: {  	_ = 	snop  }
0x7: {  	_ = 	snop  }
__scs_overlays_trampoline_lowered:
0x8: {  	[smem:$0x3F85] =	sst s0  }
0x9: {  	[smem:$0x3F86] =	sst s1  }
0xa: {  	[smem:$0x3F87] =	sst s2  }
0xb: {  	[smem:$0x3F88] =	sst s3  }
0xc: {  	[smem:$0x3F89] =	sst s4  }
0xd: {  	[smem:$0x3F8A] =	sst s5  }
0xe: {  	[smem:$0x3F8B] =	sst s6  }
0xf: {  	[smem:$0x3F8C] =	sst s7  }
0x10: {  	[smem:$0x3F8D] =	sst s8  }
0x11: {  	[smem:$0x3F8E] =	sst s9;
	s0 =	simm.s32 @!p0 $0x0  }
0x12: {  	s1 =	sld [smem:$0x3F74];
	s0 =	simm.s32 @p0 $0x1  }
0x13: {  	[smem:$0x3F8F] =	sst s0;
	s0 =	simm.s32 @!p1 $0x0  }
0x14: {  	s2 =	sld [smem:$0x3F73];
	s0 =	simm.s32 @p1 $0x1  }
0x15: {  	[smem:$0x3F90] =	sst s0;
	s0 =	simm.s32 @!p2 $0x0  }
0x16: {  	s3 =	sld [smem:$0x3FDB];
	s0 =	simm.s32 @p2 $0x1  }
0x17: {  	s4 =	simm.s32 $0x1BF5;
	[smem:$0x3F92] =	sst s0  }
0x18: {  	s0 =	sld [smem:$0x3F75];
	_ =	swait.ge [sflag:s4], $0x0  }
0x19: {  	s7 =	sld [smem:$0x3F76]  }
0x1a: {  	s8 =	sadd.s32 $0xFFFFE003, lr  }
0x1b: {  	s9 =	sadd.s32 $0xFFFFFEF7, lr;
	s5 =	simm.s32 $0xFFFFFFFF;
	p2 =	slt.u32 s8, $0xFFFFF086  }
0x1c: {  	p1 =	slt.u32 s9, $0xF7A;
	s5 =	simm.s32 @!p2 $0x0  }
0x1d: {  	s5 =	simm.s32 @p1 $0x1;
	p0 =	seq.s32 s7, s2  }
0x1e: {  	s7 =	smul.u32 @!p0 $0xF7A, s2;
	p2 =	seq.s32 @!p0 s5, $0x0  }
0x1f: {  	s9 =	smul.u32 $0xF7A, s1;
	s8 =	simm.s32 @!p0 $0x1BF5;
	p2 =	por !p2, p0  }
0x20: {  	[sflag:s8] =	ssyncset.s32 @!p0 $0xFFFFF086;
	s6 =	sadd.s32 @!p0 s3, s7;
	s7 =	simm.s32 @!p0 $0x108  }
0x21: {  	s3 =	sadd.s32 s3, s9;
	s6 =	sadd.s32 @!p0 $0x88, s6;
	s7 =	simm.s32 @p2 $0x1082  }
0x22: {  	[simem:s7], [sflag:s8] =	dma.local @!p0 [hbm:s6], $0xF7A  }
0x23: {  	s9 =	sor.u32 $0xD0000000, s2;
	s6 =	simm.s32 $0x108;
	_ =	swait.ge @!p0 [sflag:s8], $0x0  }
0x24: {  	s3 =	sadd.s32 $0x88, s3;
	s6 =	simm.s32 @!p1 $0x1082;
	[sflag:s4] =	ssyncset.s32 $0xFFFFF086  }
0x25: {  	[simem:s6], [sflag:s4] =	dma.local [hbm:s3], $0xF7A  }
0x26: {  	[smem:$0x3F76] =	sst s1;
	(tag) =	ssettag s2;
	_ =	strace s9  }
0x27: {  	s1 =	sld [smem:$0x3F86]  }
0x28: {  	s2 =	sld [smem:$0x3F87]  }
0x29: {  	s4 =	sld [smem:$0x3F89]  }
0x2a: {  	p0 =	seq.s32 s5, $0x0;
	s5 =	sld [smem:$0x3F8A]  }
0x2b: {  	s6 =	sld [smem:$0x3F8B]  }
0x2c: {  	s7 =	sld [smem:$0x3F8C]  }
0x2d: {  	s3 =	simm.s32 $0x108;
	s8 =	sld [smem:$0x3F8D]  }
0x2e: {  	s3 =	simm.s32 @!p0 $0x1082;
	s9 =	sld [smem:$0x3F8E]  }
0x2f: {  	lr =	sadd.s32 s0, s3;
	s0 =	sld [smem:$0x3F85]  }
0x30: {  	s3 =	sld [smem:$0x3F88]  }
0x31: {  	[smem:$0x3F91] =	sst s10  }
0x32: {  	s10 =	sld [smem:$0x3F8F];
	_ =	sdelay $0x3  }
0x33: {  	p0 =	seq.s32 s10, $0x1;
	s10 =	sld [smem:$0x3F91];
	_ =	sdelay $0x3  }
0x34: {  	[smem:$0x3F91] =	sst s10  }
0x35: {  	s10 =	sld [smem:$0x3F90];
	_ =	sdelay $0x3  }
0x36: {  	p1 =	seq.s32 s10, $0x1;
	s10 =	sld [smem:$0x3F91];
	_ =	sdelay $0x3  }
0x37: {  	[smem:$0x3F91] =	sst s10  }
0x38: {  	s10 =	sld [smem:$0x3F92]  }
0x39: {  	_ = 	snop;
	(pc) =	sbr.ind lr, $3  }
0x3a: {  	_ = 	snop  }
0x3b: {  	_ = 	snop  }
0x3c: {  	p2 =	seq.s32 s10, $0x1;
	s10 =	sld [smem:$0x3F91]  }
0x3d: {  	_ =	shalt  }
0x3e: {  	_ =	shalt  }
0x3f: {  	_ =	shalt  }
0x40: {  	_ =	shalt  }
0x41: {  	_ =	shalt  }
0x42: {  	_ =	shalt  }
0x43: {  	_ =	shalt  }
0x44: {  	_ =	shalt  }
0x45: {  	_ =	shalt  }
0x46: {  	_ =	shalt  }
0x47: {  	_ =	shalt  }
0x48: {  	_ =	shalt  }
0x49: {  	_ =	shalt  }
0x4a: {  	_ =	shalt  }
0x4b: {  	_ =	shalt  }
0x4c: {  	_ =	shalt  }
0x4d: {  	_ =	shalt  }
0x4e: {  	_ =	shalt  }
0x4f: {  	_ =	shalt  }
0x50: {  	_ =	shalt  }
0x51: {  	_ =	shalt  }
0x52: {  	_ =	shalt  }
0x53: {  	_ =	shalt  }
0x54: {  	_ =	shalt  }
0x55: {  	_ =	shalt  }
0x56: {  	_ =	shalt  }
0x57: {  	_ =	shalt  }
0x58: {  	_ =	shalt  }
0x59: {  	_ =	shalt  }
0x5a: {  	_ =	shalt  }
0x5b: {  	_ =	shalt  }
0x5c: {  	_ =	shalt  }
0x5d: {  	_ =	shalt  }
0x5e: {  	_ =	shalt  }
0x5f: {  	_ =	shalt  }
0x60: {  	_ =	shalt  }
0x61: {  	_ =	shalt  }
0x62: {  	_ =	shalt  }
0x63: {  	_ =	shalt  }
0x64: {  	_ =	shalt  }
0x65: {  	_ =	shalt  }
0x66: {  	_ =	shalt  }
0x67: {  	_ =	shalt  }
0x68: {  	_ =	shalt  }
0x69: {  	_ =	shalt  }
0x6a: {  	_ =	shalt  }
0x6b: {  	_ =	shalt  }
0x6c: {  	_ =	shalt  }
0x6d: {  	_ =	shalt  }
0x6e: {  	_ =	shalt  }
0x6f: {  	_ =	shalt  }
0x70: {  	_ =	shalt  }
0x71: {  	_ =	shalt  }
0x72: {  	_ =	shalt  }
0x73: {  	_ =	shalt  }
0x74: {  	_ =	shalt  }
0x75: {  	_ =	shalt  }
0x76: {  	_ =	shalt  }
0x77: {  	_ =	shalt  }
0x78: {  	_ =	shalt  }
0x79: {  	_ =	shalt  }
0x7a: {  	_ =	shalt  }
0x7b: {  	_ =	shalt  }
0x7c: {  	_ =	shalt  }
0x7d: {  	_ =	shalt  }
0x7e: {  	_ =	shalt  }
0x7f: {  	_ =	shalt  }
0x80: {  	_ =	shalt  }
0x81: {  	_ =	shalt  }
0x82: {  	_ =	shalt  }
0x83: {  	_ =	shalt  }
0x84: {  	_ =	shalt  }
0x85: {  	_ =	shalt  }
0x86: {  	_ =	shalt  }
0x87: {  	_ =	shalt  }
.Lfunc_end0:
.L_simem_size_0:
called_computation.5_lowered:
.L_overlay_start_0:
0x88: {  	s2 =	sld [smem:$0x3FD9]  }
0x89: {  	s3 =	sld [smem:$0x3FFE];
	_ =	sdelay $0x1  }
0x8a: {  	s1 =	srdreg.scid  }
0x8b: {  	s0 =	sand.u32 $0x1, s1  }
0x8c: {  	s16 =	sshll.u32 s0, $0xA;
	s2 =	sadd.s32 s3, s2  }
0x8d: {  	s2 =	sadd.s32 s2, s16  }
0x8e: {  	[smem:$0x3F9D] =	sst s2  }
0x8f: {  	_ = 	snop  }
0x90: {  	(tm) =	ssettm $0x1  }
0x91: {  	s17 =	sld [smem:$0x3FFB];
	_ =	sdelay $0x3  }
0x92: {  	_ =	strace s17  }
0x93: {  	s2 =	sld [smem:$0x3FFC];
	_ =	sdelay $0x3  }
0x94: {  	_ =	strace s2  }
0x95: {  	s2 =	sld [smem:$0x3FFD];
	_ =	sdelay $0x3  }
0x96: {  	_ =	strace s2  }
0x97: {  	_ =	strace $0x8FFFFFFF  }
0x98: {  	s18 =	sld [smem:$0x3FDB];
	_ =	sdelay $0x1  }
0x99: {  	s19 =	simm.s32 $_scs_section_size  }
0x9a: {  	s4 =	simm.s32 $_size__tile_overlayer_lowered;
	s5 =	simm.s32 $_tile_overlayer_lowered  }
0x9b: {  	s22 =	simm.s32 $0x1BFF;
	s21 =	sshll.u32 s5, $0x1;
	s2 =	sadd.s32 s19, s18  }
0x9c: {  	s6 =	simm.s32 $0x0;
	s20 =	sshll.u32 s4, $0x1;
	s4 =	sadd.s32 s21, s2  }
0x9d: {  	[timem:s6], [sflag:s22] =	dma.local [hbm:s4], s20  }
0x9e: {  	_ =	swait.ge [sflag:s22], s20  }
0x9f: {  	s3 =	ssub.s32 $0x0, s20;
	[sflag:s22] =	ssyncset.done $0x0  }
0xa0: {  	[sflag:s22] =	ssyncadd.s32 s3;
	_ =	sdelay $0x1  }
0xa1: {  	s23 =	simm.s32 $0x1B8B  }
0xa2: {  	_ =	swait.ge [sflag:s23], $0x1  }
0xa3: {  	[sflag:s23] =	ssyncset.done $0x0  }
0xa4: {  	s25 =	simm.s32 $0x1B8E;
	s24 =	sld [smem:$0x3FFE];
	[sflag:s23] =	ssyncadd.s32 $0xFFFFFFFF  }
0xa5: {  	s26 =	simm.s32 $execute0_lowered;
	[smem:$0x3FD2] =	sst s25  }
0xa6: {  	s4 =	sshll.u32 s26, $0x1;
	_ =	strace $0x8000004F;
	[dreg:$0x1] =	wrdreg $0xFFFFFFFF  }
0xa7: {  	s28 =	simm.s32 $_size_execute0_lowered;
	s2 =	sadd.s32 s2, s4;
	[dreg:$0x0] =	wrdreg $0x0  }
0xa8: {  	s4 =	sshll.u32 s28, $0x1;
	[dreg:$0x2] =	wrdreg s2  }
0xa9: {  	[dreg:$0x3] =	wrdreg s4  }
0xaa: {  	[dreg:$0x4] =	wrdreg $0xC0  }
0xab: {  	_ =	task [dreg:s6], $0x5FFFF  }
0xac: {  	[dreg:$0x1] =	wrdreg $0xFFFFFFFF  }
0xad: {  	[dreg:$0x0] =	wrdreg $0x60  }
0xae: {  	[dreg:$0x2] =	wrdreg s24  }
0xaf: {  	[dreg:$0x3] =	wrdreg $0xA9800  }
0xb0: {  	[dreg:$0x4] =	wrdreg $0xB  }
0xb1: {  	_ =	task.clear_ibuf [dreg:s6], $0x5FFFF;
	_ =	strace $0x9000004F  }
0xb2: {  	s29 =	simm.s32 $0xB;
	_ =	strace $0x80000051  }
0xb3: {  	_ =	swait.ge [sflag:s29], $0x1  }
0xb4: {  	[sflag:s29] =	ssyncadd.s32 $0xFFFFFFFF  }
0xb5: {  	_ =	strace $0x90000051  }
0xb6: {  	_ =	sfence  }
0xb7: {  	s30 =	sld [smem:$0x0];
	_ =	sdelay $0x2  }
0xb8: {  	s31 =	sshll.u32 s1, $0xD;
	s1 =	sshrl.u32 s1, $0x2  }
0xb9: {  	s3 =	sand.u32 $0x4000, s31;
	s1 =	sadd.s32 s1, s30  }
0xba: {  	s0 =	sor.u32 s3, s0;
	s1 =	sshll.u32 s1, $0x11  }
0xbb: {  	s0 =	sor.u32 s1, s0  }
0xbc: {  	s0 =	sadd.s32 $0x8F2B, s0  }
0xbd: {  	[sflag:s0] =	ssyncadd.remote.s32 $0x1  }
0xbe: {  	_ =	sfence.sel $0xFFFF  }
0xbf: {  	[dreg:$0x0] =	wrdreg $0xFFFFFFFF;
	(pc) =	sbr.abs _section_cstart, $3  }
0xc0: {  	[dreg:$0x1] =	wrdreg $0xFFFFFFFF  }
0xc1: {  	_ =	task.clear_ibuf [dreg:s6], $0x2FFFF;
	_ =	strace $0x9FFFFFFF  }
0xc2: {  	(tm) =	ssettm $0x7FFFFFFF  }
0xc3: {  	_ =	shalt  }
tec
execute0_lowered:
.L_overlay_start_1:
0x0: {  	(tag) =	ssettag $0x1  }
0x1: {  	s5 =	rddreg [dreg:$0x0]  }
0x2: {  	s1 =	rddreg [dreg:$0x1]  }
0x3: {  	s21 =	rddreg [dreg:$0x2];
	s2 =	simm.s32 $0x0  }
0x4: {  	s0 =	srdreg.scid;
	[smem:$0x7FF] =	sst s2;
	s3 =	sadd.s32 $0xC200, s5  }
0x5: {  	p4 =	por $0x0, $0x0;
	s8 =	sadd.s32 $0x443E00, s5;
	s4 =	sadd.s32 $0x519600, s5  }
0x6: {  	s7 =	sadd.s32 $0xFA00, s5;
	s6 =	sand.u32 $0x1, s0;
	s0 =	stileid.u32  }
0x7: {  	s11 =	sadd.s32 $0x37000, s5;
	s5 =	sadd.s32 $0x85C00, s5;
	s10 =	smul.u32 $0x13B000, s6  }
0x8: {  	_ =	strace $0x80000050;
	s9 =	ssub.s32 $0x2, s6;
	s13 =	smul.u32 $0x13C00, s0  }
0x9: {  	s26 =	sshll.u32 s0, $0x1;
	s29 =	smul.u32 $0x4F000, s0;
	p2 =	sne.s32 s0, $0xF  }
0xa: {  	p0 =	sne.s32 s0, $0x0;
	s12 =	sshrl.u32 s9, $0x1;
	p1 =	sne.s32 @p2 s0, $0x0  }
0xb: {  	s9 =	ssub.s32 s9, s12;
	s12 =	sor.u32 s6, s26;
	s28 =	sadd.s32 s13, s10  }
0xc: {  	s30 =	sshrl.u32 s10, $0x3;
	s13 =	sshrl.u32 s29, $0x2;
	s14 =	sshrl.u32 s28, $0x3  }
0xd: {  	s10 =	sadd.s32 $0x128400, s1;
	s16 =	sadd.s32 $0x25080, s30;
	s31 =	sadd.s32 s11, s14  }
0xe: {  	s6 =	sadd.s32 s13, s1;
	s13 =	sadd.s32 s11, s16;
	[dreg:$0x3] =	wrdreg s31  }
0xf: {  	p3 =	por p1, !p2;
	s14 =	sadd.s32 s5, s14;
	[dreg:$0x4] =	wrdreg s13  }
0x10: {  	s15 =	smul.u32 $0x690, s12;
	s5 =	sadd.s32 s5, s16;
	[dreg:$0x5] =	wrdreg s14  }
0x11: {  	p1 =	seq.s32 s0, $0xF;
	s16 =	smul.u32 $0x6900, s12;
	[dreg:$0x6] =	wrdreg s5  }
0x12: {  	s5 =	smax.u32 s9, $0x1;
	s24 =	sshrl.u32 s15, $0x3;
	s26 =	sadd.s32 $0x150, s15  }
0x13: {  	s31 =	sadd.s32 $0x2A0, s15;
	s17 =	sadd.s32 $0x3F0, s15;
	s15 =	sadd.s32 $0x540, s15  }
0x14: {  	s9 =	simm.s32 $0x150;
	s14 =	sadd.s32 s3, s24;
	s25 =	sadd.s32 s8, s16  }
0x15: {  	s28 =	sshrl.u32 s26, $0x3;
	s29 =	sshll.u32 s26, $0x4;
	s22 =	sshll.u32 s31, $0x4  }
0x16: {  	s19 =	sshll.u32 s17, $0x4;
	s20 =	sshll.u32 s15, $0x4;
	s13 =	sshrl.u32 s31, $0x3  }
0x17: {  	s24 =	sadd.s32 s4, s16;
	s5 =	sadd.s32 $0xFFFFFFFF, s5;
	s16 =	sshrl.u32 @!p3 s1, $0x3  }
0x18: {  	[dreg:$0x7] =	wrdreg s25;
	s12 =	sadd.s32 s3, s28;
	s30 =	sadd.s32 s8, s29  }
0x19: {  	s18 =	sadd.s32 s8, s22;
	s23 =	sadd.s32 s8, s19;
	s8 =	sadd.s32 s8, s20  }
0x1a: {  	s13 =	sadd.s32 s3, s13;
	s25 =	sshrl.u32 s17, $0x3;
	[dreg:$0xc] =	wrdreg s24  }
0x1b: {  	s26 =	sadd.s32 s4, s29;
	s28 =	sadd.s32 s4, s22;
	s29 =	sshrl.u32 s15, $0x3  }
0x1c: {  	s31 =	sadd.s32 s4, s20;
	p5 =	sne.s32 s5, $0x0;
	[dreg:$0x8] =	wrdreg s30  }
0x1d: {  	s22 =	sshll.u32 @p2 s0, $0x6;
	s17 =	sshrl.u32 @p2 s6, $0x3;
	[dreg:$0x9] =	wrdreg s18  }
0x1e: {  	s15 =	sshrl.u32 @!p2 s10, $0x3;
	s10 =	sshrl.u32 @p1 s10, $0x3;
	[dreg:$0xa] =	wrdreg s23  }
.Ltmp0:
0x1f: {  	s20 =	sshll.u32 @!p1 s0, $0x6;
	[dreg:$0xb] =	wrdreg s8;
	(pc) =	sbr.rel @!p5 .LBB2_5-.Ltmp0, $4  }
0x20: {  	s6 =	sshrl.u32 @!p1 s6, $0x3;
	s11 =	sadd.s32 s3, s25;
	[dreg:$0xd] =	wrdreg s26  }
0x21: {  	[dreg:$0xe] =	wrdreg s28;
	s30 =	sadd.s32 s4, s19;
	s8 =	sadd.s32 s3, s29  }
0x22: {  	[dreg:$0x10] =	wrdreg s31;
	s3 =	simm.s32 $0x1;
	s4 =	simm.s32 $0x180  }
0x23: {  	s18 =	sshrl.u32 @!p0 s1, $0x3;
	s19 =	simm.s32 @!p0 $0x1;
	[dreg:$0xf] =	wrdreg s30  }
0x24: {  	s0 =	simm.s32 @!p0 $0x1C01  }
0x25: {  	[spmem:s18], [sflag:s0] =	dma.local @!p0 [hbm:s7], $0x27600  }
0x26: {  	_ =	swait.ge @!p0 [sflag:s19], $0x27600  }
0x27: {  	[sflag:s19] =	ssyncset.done @!p0 $0x0  }
0x28: {  	[sflag:s19] =	ssyncadd.s32 @!p0 $0xFFFD8A00  }
0x29: {  	[bflag:$0x0] =	sbarrier.arrive $0xFFFF  }
0x2a: {  	[tilespmem:s2], [sflag:$0x1] =	stream.linear.gather [hbm4b:s14+s2], $0x150, $0x38;
	[tilespmem:$0x1E480] =	vst v63  }
0x2b: {  	_ =	swait.ge [sflag:s3], $0x150  }
0x2c: {  	[sflag:s3] =	ssyncset.done $0x0  }
0x2d: {  	s21 =	rddreg [dreg:$0x7];
	[sflag:s3] =	ssyncadd.s32 $0xFFFFFEB0  }
0x2e: {  	[tilespmem:s4], [sflag:$0x1] =	stream.linear.gather [hbm4b:s21+s2], $0xA800, $0x38;
	[tilespmem:$0x1E480] =	vst v63  }
0x2f: {  	_ =	swait.ge [sflag:s3], $0xA800  }
0x30: {  	[sflag:s3] =	ssyncset.done $0x0  }
0x31: {  	[sflag:s3] =	ssyncadd.s32 $0xFFFF5800  }
0x32: {  	[spmem:s1] =	stream.indirect.scatter.add.f32 [tilespmem:s4], [sflag:$0x1], $0x80, s2, s9, $0xb8;
	[tilespmem:$0x1E480] =	vst v63  }
0x33: {  	_ =	swait.ge [sflag:s3], $0xA800  }
0x34: {  	[sflag:s3] =	ssyncset.done $0x0  }
0x35: {  	[sflag:s3] =	ssyncadd.s32 $0xFFFF5800  }
0x36: {  	[tilespmem:s2], [sflag:$0x1] =	stream.linear.gather [hbm4b:s12+s2], $0x150, $0x38;
	[tilespmem:$0x1E480] =	vst v63  }
0x37: {  	_ =	swait.ge [sflag:s3], $0x150  }
0x38: {  	[sflag:s3] =	ssyncset.done $0x0  }
0x39: {  	s23 =	rddreg [dreg:$0x8];
	[sflag:s3] =	ssyncadd.s32 $0xFFFFFEB0  }
0x3a: {  	[tilespmem:s4], [sflag:$0x1] =	stream.linear.gather [hbm4b:s23+s2], $0xA800, $0x38;
	[tilespmem:$0x1E480] =	vst v63  }
0x3b: {  	_ =	swait.ge [sflag:s3], $0xA800  }
0x3c: {  	[sflag:s3] =	ssyncset.done $0x0  }
0x3d: {  	[sflag:s3] =	ssyncadd.s32 $0xFFFF5800  }
0x3e: {  	[spmem:s1] =	stream.indirect.scatter.add.f32 [tilespmem:s4], [sflag:$0x1], $0x80, s2, s9, $0xb8;
	[tilespmem:$0x1E480] =	vst v63  }
0x3f: {  	_ =	swait.ge [sflag:s3], $0xA800  }
0x40: {  	[sflag:s3] =	ssyncset.done $0x0  }
0x41: {  	[sflag:s3] =	ssyncadd.s32 $0xFFFF5800  }
0x42: {  	[tilespmem:s2], [sflag:$0x1] =	stream.linear.gather [hbm4b:s13+s2], $0x150, $0x38;
	[tilespmem:$0x1E480] =	vst v63  }
0x43: {  	_ =	swait.ge [sflag:s3], $0x150  }
0x44: {  	[sflag:s3] =	ssyncset.done $0x0  }
0x45: {  	s24 =	rddreg [dreg:$0x9];
	[sflag:s3] =	ssyncadd.s32 $0xFFFFFEB0  }
0x46: {  	[tilespmem:s4], [sflag:$0x1] =	stream.linear.gather [hbm4b:s24+s2], $0xA800, $0x38;
	[tilespmem:$0x1E480] =	vst v63  }
0x47: {  	_ =	swait.ge [sflag:s3], $0xA800  }
0x48: {  	[sflag:s3] =	ssyncset.done $0x0  }
0x49: {  	[sflag:s3] =	ssyncadd.s32 $0xFFFF5800  }
0x4a: {  	[spmem:s1] =	stream.indirect.scatter.add.f32 [tilespmem:s4], [sflag:$0x1], $0x80, s2, s9, $0xb8;
	[tilespmem:$0x1E480] =	vst v63  }
0x4b: {  	_ =	swait.ge [sflag:s3], $0xA800  }
0x4c: {  	[sflag:s3] =	ssyncset.done $0x0  }
0x4d: {  	[sflag:s3] =	ssyncadd.s32 $0xFFFF5800  }
0x4e: {  	[tilespmem:s2], [sflag:$0x1] =	stream.linear.gather [hbm4b:s11+s2], $0x150, $0x38;
	[tilespmem:$0x1E480] =	vst v63  }
0x4f: {  	_ =	swait.ge [sflag:s3], $0x150  }
0x50: {  	[sflag:s3] =	ssyncset.done $0x0  }
0x51: {  	s25 =	rddreg [dreg:$0xa];
	[sflag:s3] =	ssyncadd.s32 $0xFFFFFEB0  }
0x52: {  	[tilespmem:s4], [sflag:$0x1] =	stream.linear.gather [hbm4b:s25+s2], $0xA800, $0x38;
	[tilespmem:$0x1E480] =	vst v63  }
0x53: {  	_ =	swait.ge [sflag:s3], $0xA800  }
0x54: {  	[sflag:s3] =	ssyncset.done $0x0  }
0x55: {  	[sflag:s3] =	ssyncadd.s32 $0xFFFF5800  }
0x56: {  	[spmem:s1] =	stream.indirect.scatter.add.f32 [tilespmem:s4], [sflag:$0x1], $0x80, s2, s9, $0xb8;
	[tilespmem:$0x1E480] =	vst v63  }
0x57: {  	_ =	swait.ge [sflag:s3], $0xA800  }
0x58: {  	[sflag:s3] =	ssyncset.done $0x0  }
0x59: {  	[sflag:s3] =	ssyncadd.s32 $0xFFFF5800  }
0x5a: {  	[tilespmem:s2], [sflag:$0x1] =	stream.linear.gather [hbm4b:s8+s2], $0x150, $0x38;
	[tilespmem:$0x1E480] =	vst v63  }
0x5b: {  	_ =	swait.ge [sflag:s3], $0x150  }
0x5c: {  	[sflag:s3] =	ssyncset.done $0x0  }
0x5d: {  	s26 =	rddreg [dreg:$0xb];
	[sflag:s3] =	ssyncadd.s32 $0xFFFFFEB0  }
0x5e: {  	[tilespmem:s4], [sflag:$0x1] =	stream.linear.gather [hbm4b:s26+s2], $0xA800, $0x38;
	[tilespmem:$0x1E480] =	vst v63  }
0x5f: {  	_ =	swait.ge [sflag:s3], $0xA800  }
0x60: {  	[sflag:s3] =	ssyncset.done $0x0  }
0x61: {  	[sflag:s3] =	ssyncadd.s32 $0xFFFF5800  }
0x62: {  	[spmem:s1] =	stream.indirect.scatter.add.f32 [tilespmem:s4], [sflag:$0x1], $0x80, s2, s9, $0xb8;
	[tilespmem:$0x1E480] =	vst v63  }
0x63: {  	_ =	swait.ge [sflag:s3], $0xA800  }
0x64: {  	[sflag:s3] =	ssyncset.done $0x0  }
0x65: {  	[sflag:s3] =	ssyncadd.s32 $0xFFFF5800  }
0x66: {  	[bflag:$0x0] =	sbarrier.arrive $0xFFFF  }
0x67: {  	s0 =	rddreg [dreg:$0x3]  }
0x68: {  	s23 =	simm.s32 @p2 $0x1;
	[dreg:$0x12] =	wrdreg s22;
	s22 =	sor.u32 @p2 $0x1C01, s22  }
0x69: {  	[hbm:s0], [sflag:s22] =	dma.local @p2 [spmem:s17], $0x2780  }
0x6a: {  	_ =	swait.ge @p2 [sflag:s23], $0x2780  }
0x6b: {  	[sflag:s23] =	ssyncset.done @p2 $0x0  }
0x6c: {  	[sflag:s23] =	ssyncadd.s32 @p2 $0xFFFFD880  }
0x6d: {  	s24 =	simm.s32 @!p3 $0x1;
	s25 =	simm.s32 @!p3 $0x1C01;
	[bflag:$0x0] =	sbarrier.arrive @p2 $0xFFFF  }
0x6e: {  	[spmem:s16], [sflag:s25] =	dma.local @!p3 [hbm:s7], $0x27600  }
0x6f: {  	_ =	swait.ge @!p3 [sflag:s24], $0x27600  }
0x70: {  	s28 =	simm.s32 @!p2 $0x1FC1;
	[sflag:s24] =	ssyncset.done @!p3 $0x0  }
0x71: {  	s26 =	simm.s32 @!p2 $0x1;
	s0 =	rddreg [dreg:$0x4];
	[sflag:s24] =	ssyncadd.s32 @!p3 $0xFFFD8A00  }
0x72: {  	[hbm:s0], [sflag:s28] =	dma.local @!p2 [spmem:s15], $0x2580  }
0x73: {  	_ =	swait.ge @!p2 [sflag:s26], $0x2580  }
0x74: {  	[sflag:s26] =	ssyncset.done @!p2 $0x0  }
0x75: {  	[sflag:s26] =	ssyncadd.s32 @!p2 $0xFFFFDA80  }
0x76: {  	[bflag:$0x0] =	sbarrier.arrive @!p2 $0xFFFF  }
0x77: {  	[bflag:$0x0] =	sbarrier.arrive $0xFFFF  }
0x78: {  	[tilespmem:s2], [sflag:$0x1] =	stream.linear.gather [hbm4b:s14+s2], $0x150, $0x38;
	[tilespmem:$0x1E480] =	vst v63  }
0x79: {  	_ =	swait.ge [sflag:s3], $0x150  }
0x7a: {  	[sflag:s3] =	ssyncset.done $0x0  }
0x7b: {  	s21 =	rddreg [dreg:$0xc];
	[sflag:s3] =	ssyncadd.s32 $0xFFFFFEB0  }
0x7c: {  	[tilespmem:s4], [sflag:$0x1] =	stream.linear.gather [hbm4b:s21+s2], $0xA800, $0x38;
	[tilespmem:$0x1E480] =	vst v63  }
0x7d: {  	_ =	swait.ge [sflag:s3], $0xA800  }
0x7e: {  	[sflag:s3] =	ssyncset.done $0x0  }
0x7f: {  	[sflag:s3] =	ssyncadd.s32 $0xFFFF5800  }
0x80: {  	[spmem:s1] =	stream.indirect.scatter.add.f32 [tilespmem:s4], [sflag:$0x1], $0x80, s2, s9, $0xb8;
	[tilespmem:$0x1E480] =	vst v63  }
0x81: {  	_ =	swait.ge [sflag:s3], $0xA800  }
0x82: {  	[sflag:s3] =	ssyncset.done $0x0  }
0x83: {  	[sflag:s3] =	ssyncadd.s32 $0xFFFF5800  }
0x84: {  	[tilespmem:s2], [sflag:$0x1] =	stream.linear.gather [hbm4b:s12+s2], $0x150, $0x38;
	[tilespmem:$0x1E480] =	vst v63  }
0x85: {  	_ =	swait.ge [sflag:s3], $0x150  }
0x86: {  	[sflag:s3] =	ssyncset.done $0x0  }
0x87: {  	s21 =	rddreg [dreg:$0xd];
	[sflag:s3] =	ssyncadd.s32 $0xFFFFFEB0  }
0x88: {  	[tilespmem:s4], [sflag:$0x1] =	stream.linear.gather [hbm4b:s21+s2], $0xA800, $0x38;
	[tilespmem:$0x1E480] =	vst v63  }
0x89: {  	_ =	swait.ge [sflag:s3], $0xA800  }
0x8a: {  	[sflag:s3] =	ssyncset.done $0x0  }
0x8b: {  	[sflag:s3] =	ssyncadd.s32 $0xFFFF5800  }
0x8c: {  	[spmem:s1] =	stream.indirect.scatter.add.f32 [tilespmem:s4], [sflag:$0x1], $0x80, s2, s9, $0xb8;
	[tilespmem:$0x1E480] =	vst v63  }
0x8d: {  	_ =	swait.ge [sflag:s3], $0xA800  }
0x8e: {  	[sflag:s3] =	ssyncset.done $0x0  }
0x8f: {  	[sflag:s3] =	ssyncadd.s32 $0xFFFF5800  }
0x90: {  	[tilespmem:s2], [sflag:$0x1] =	stream.linear.gather [hbm4b:s13+s2], $0x150, $0x38;
	[tilespmem:$0x1E480] =	vst v63  }
0x91: {  	_ =	swait.ge [sflag:s3], $0x150  }
0x92: {  	[sflag:s3] =	ssyncset.done $0x0  }
0x93: {  	s21 =	rddreg [dreg:$0xe];
	[sflag:s3] =	ssyncadd.s32 $0xFFFFFEB0  }
0x94: {  	[tilespmem:s4], [sflag:$0x1] =	stream.linear.gather [hbm4b:s21+s2], $0xA800, $0x38;
	[tilespmem:$0x1E480] =	vst v63  }
0x95: {  	_ =	swait.ge [sflag:s3], $0xA800  }
0x96: {  	[sflag:s3] =	ssyncset.done $0x0  }
0x97: {  	[sflag:s3] =	ssyncadd.s32 $0xFFFF5800  }
0x98: {  	[spmem:s1] =	stream.indirect.scatter.add.f32 [tilespmem:s4], [sflag:$0x1], $0x80, s2, s9, $0xb8;
	[tilespmem:$0x1E480] =	vst v63  }
0x99: {  	_ =	swait.ge [sflag:s3], $0xA800  }
0x9a: {  	[sflag:s3] =	ssyncset.done $0x0  }
0x9b: {  	[sflag:s3] =	ssyncadd.s32 $0xFFFF5800  }
0x9c: {  	[tilespmem:s2], [sflag:$0x1] =	stream.linear.gather [hbm4b:s11+s2], $0x150, $0x38;
	[tilespmem:$0x1E480] =	vst v63  }
0x9d: {  	_ =	swait.ge [sflag:s3], $0x150  }
0x9e: {  	[sflag:s3] =	ssyncset.done $0x0  }
0x9f: {  	s21 =	rddreg [dreg:$0xf];
	[sflag:s3] =	ssyncadd.s32 $0xFFFFFEB0  }
0xa0: {  	[tilespmem:s4], [sflag:$0x1] =	stream.linear.gather [hbm4b:s21+s2], $0xA800, $0x38;
	[tilespmem:$0x1E480] =	vst v63  }
0xa1: {  	_ =	swait.ge [sflag:s3], $0xA800  }
0xa2: {  	[sflag:s3] =	ssyncset.done $0x0  }
0xa3: {  	[sflag:s3] =	ssyncadd.s32 $0xFFFF5800  }
0xa4: {  	[spmem:s1] =	stream.indirect.scatter.add.f32 [tilespmem:s4], [sflag:$0x1], $0x80, s2, s9, $0xb8;
	[tilespmem:$0x1E480] =	vst v63  }
0xa5: {  	_ =	swait.ge [sflag:s3], $0xA800  }
0xa6: {  	[sflag:s3] =	ssyncset.done $0x0  }
0xa7: {  	[sflag:s3] =	ssyncadd.s32 $0xFFFF5800  }
0xa8: {  	[tilespmem:s2], [sflag:$0x1] =	stream.linear.gather [hbm4b:s8+s2], $0x150, $0x38;
	[tilespmem:$0x1E480] =	vst v63  }
0xa9: {  	_ =	swait.ge [sflag:s3], $0x150  }
0xaa: {  	[sflag:s3] =	ssyncset.done $0x0  }
0xab: {  	s21 =	rddreg [dreg:$0x10];
	[sflag:s3] =	ssyncadd.s32 $0xFFFFFEB0  }
0xac: {  	[tilespmem:s4], [sflag:$0x1] =	stream.linear.gather [hbm4b:s21+s2], $0xA800, $0x38;
	[tilespmem:$0x1E480] =	vst v63  }
0xad: {  	_ =	swait.ge [sflag:s3], $0xA800  }
0xae: {  	[sflag:s3] =	ssyncset.done $0x0  }
0xaf: {  	[sflag:s3] =	ssyncadd.s32 $0xFFFF5800  }
0xb0: {  	[spmem:s1] =	stream.indirect.scatter.add.f32 [tilespmem:s4], [sflag:$0x1], $0x80, s2, s9, $0xb8;
	[tilespmem:$0x1E480] =	vst v63  }
0xb1: {  	_ =	swait.ge [sflag:s3], $0xA800  }
0xb2: {  	[sflag:s3] =	ssyncset.done $0x0  }
0xb3: {  	[sflag:s3] =	ssyncadd.s32 $0xFFFF5800  }
0xb4: {  	s29 =	simm.s32 @p1 $0x1FC1;
	s30 =	simm.s32 @p1 $0x1;
	[bflag:$0x0] =	sbarrier.arrive $0xFFFF  }
0xb5: {  	s31 =	simm.s32 @!p1 $0x1;
	s5 =	sadd.s32 $0xFFFFFFFF, s5;
	s0 =	rddreg [dreg:$0x6]  }
0xb6: {  	[hbm:s0], [sflag:s29] =	dma.local @p1 [spmem:s10], $0x2580  }
0xb7: {  	p5 =	sne.s32 s5, $0x0;
	s0 =	smov.u32 s20;
	_ =	swait.ge @p1 [sflag:s30], $0x2580  }
0xb8: {  	[dreg:$0x11] =	wrdreg s0;
	s0 =	sor.u32 @!p1 $0x1C01, s0;
	[sflag:s30] =	ssyncset.done @p1 $0x0  }
.Ltmp1:
0xb9: {  	s20 =	rddreg [dreg:$0x5];
	[sflag:s30] =	ssyncadd.s32 @p1 $0xFFFFDA80;
	(pc) =	sbr.rel @!p5 .LBB2_6-.Ltmp1, $4  }
0xba: {  	[hbm:s20], [sflag:s0] =	dma.local @!p1 [spmem:s6], $0x2780  }
0xbb: {  	_ =	swait.ge @!p1 [sflag:s31], $0x2780  }
0xbc: {  	[sflag:s31] =	ssyncset.done @!p1 $0x0  }
0xbd: {  	p4 =	por $0x1, $0x1;
	[sflag:s31] =	ssyncadd.s32 @!p1 $0xFFFFD880  }
0xbe: {  	s20 =	smov.u32 s18  }
.LBB2_3:
0xbf: {  	[bflag:$0x0] =	sbarrier.arrive $0xFFFF;
	s21 =	simm.s32 @!p0 $0x1C01  }
0xc0: {  	[spmem:s20], [sflag:s21] =	dma.local @!p0 [hbm:s7], $0x27600  }
0xc1: {  	_ =	swait.ge @!p0 [sflag:s19], $0x27600  }
0xc2: {  	[sflag:s19] =	ssyncset.done @!p0 $0x0  }
0xc3: {  	[sflag:s19] =	ssyncadd.s32 @!p0 $0xFFFD8A00  }
0xc4: {  	[bflag:$0x0] =	sbarrier.arrive $0xFFFF  }
0xc5: {  	[tilespmem:s2], [sflag:$0x1] =	stream.linear.gather [hbm4b:s14+s2], $0x150, $0x38;
	[tilespmem:$0x1E480] =	vst v63  }
0xc6: {  	_ =	swait.ge [sflag:s3], $0x150  }
0xc7: {  	[sflag:s3] =	ssyncset.done $0x0  }
0xc8: {  	s21 =	rddreg [dreg:$0x7];
	[sflag:s3] =	ssyncadd.s32 $0xFFFFFEB0  }
0xc9: {  	[tilespmem:s4], [sflag:$0x1] =	stream.linear.gather [hbm4b:s21+s2], $0xA800, $0x38;
	[tilespmem:$0x1E480] =	vst v63  }
0xca: {  	_ =	swait.ge [sflag:s3], $0xA800  }
0xcb: {  	[sflag:s3] =	ssyncset.done $0x0  }
0xcc: {  	[sflag:s3] =	ssyncadd.s32 $0xFFFF5800  }
0xcd: {  	[spmem:s1] =	stream.indirect.scatter.add.f32 [tilespmem:s4], [sflag:$0x1], $0x80, s2, s9, $0xb8;
	[tilespmem:$0x1E480] =	vst v63  }
0xce: {  	_ =	swait.ge [sflag:s3], $0xA800  }
0xcf: {  	[sflag:s3] =	ssyncset.done $0x0  }
0xd0: {  	[sflag:s3] =	ssyncadd.s32 $0xFFFF5800  }
0xd1: {  	[tilespmem:s2], [sflag:$0x1] =	stream.linear.gather [hbm4b:s12+s2], $0x150, $0x38;
	[tilespmem:$0x1E480] =	vst v63  }
0xd2: {  	_ =	swait.ge [sflag:s3], $0x150  }
0xd3: {  	[sflag:s3] =	ssyncset.done $0x0  }
0xd4: {  	s21 =	rddreg [dreg:$0x8];
	[sflag:s3] =	ssyncadd.s32 $0xFFFFFEB0  }
0xd5: {  	[tilespmem:s4], [sflag:$0x1] =	stream.linear.gather [hbm4b:s21+s2], $0xA800, $0x38;
	[tilespmem:$0x1E480] =	vst v63  }
0xd6: {  	_ =	swait.ge [sflag:s3], $0xA800  }
0xd7: {  	[sflag:s3] =	ssyncset.done $0x0  }
0xd8: {  	[sflag:s3] =	ssyncadd.s32 $0xFFFF5800  }
0xd9: {  	[spmem:s1] =	stream.indirect.scatter.add.f32 [tilespmem:s4], [sflag:$0x1], $0x80, s2, s9, $0xb8;
	[tilespmem:$0x1E480] =	vst v63  }
0xda: {  	_ =	swait.ge [sflag:s3], $0xA800  }
0xdb: {  	[sflag:s3] =	ssyncset.done $0x0  }
0xdc: {  	[sflag:s3] =	ssyncadd.s32 $0xFFFF5800  }
0xdd: {  	[tilespmem:s2], [sflag:$0x1] =	stream.linear.gather [hbm4b:s13+s2], $0x150, $0x38;
	[tilespmem:$0x1E480] =	vst v63  }
0xde: {  	_ =	swait.ge [sflag:s3], $0x150  }
0xdf: {  	[sflag:s3] =	ssyncset.done $0x0  }
0xe0: {  	s21 =	rddreg [dreg:$0x9];
	[sflag:s3] =	ssyncadd.s32 $0xFFFFFEB0  }
0xe1: {  	[tilespmem:s4], [sflag:$0x1] =	stream.linear.gather [hbm4b:s21+s2], $0xA800, $0x38;
	[tilespmem:$0x1E480] =	vst v63  }
0xe2: {  	_ =	swait.ge [sflag:s3], $0xA800  }
0xe3: {  	[sflag:s3] =	ssyncset.done $0x0  }
0xe4: {  	[sflag:s3] =	ssyncadd.s32 $0xFFFF5800  }
0xe5: {  	[spmem:s1] =	stream.indirect.scatter.add.f32 [tilespmem:s4], [sflag:$0x1], $0x80, s2, s9, $0xb8;
	[tilespmem:$0x1E480] =	vst v63  }
0xe6: {  	_ =	swait.ge [sflag:s3], $0xA800  }
0xe7: {  	[sflag:s3] =	ssyncset.done $0x0  }
0xe8: {  	[sflag:s3] =	ssyncadd.s32 $0xFFFF5800  }
0xe9: {  	[tilespmem:s2], [sflag:$0x1] =	stream.linear.gather [hbm4b:s11+s2], $0x150, $0x38;
	[tilespmem:$0x1E480] =	vst v63  }
0xea: {  	_ =	swait.ge [sflag:s3], $0x150  }
0xeb: {  	[sflag:s3] =	ssyncset.done $0x0  }
0xec: {  	s21 =	rddreg [dreg:$0xa];
	[sflag:s3] =	ssyncadd.s32 $0xFFFFFEB0  }
0xed: {  	[tilespmem:s4], [sflag:$0x1] =	stream.linear.gather [hbm4b:s21+s2], $0xA800, $0x38;
	[tilespmem:$0x1E480] =	vst v63  }
0xee: {  	_ =	swait.ge [sflag:s3], $0xA800  }
0xef: {  	[sflag:s3] =	ssyncset.done $0x0  }
0xf0: {  	[sflag:s3] =	ssyncadd.s32 $0xFFFF5800  }
0xf1: {  	[spmem:s1] =	stream.indirect.scatter.add.f32 [tilespmem:s4], [sflag:$0x1], $0x80, s2, s9, $0xb8;
	[tilespmem:$0x1E480] =	vst v63  }
0xf2: {  	_ =	swait.ge [sflag:s3], $0xA800  }
0xf3: {  	[sflag:s3] =	ssyncset.done $0x0  }
0xf4: {  	[sflag:s3] =	ssyncadd.s32 $0xFFFF5800  }
0xf5: {  	[tilespmem:s2], [sflag:$0x1] =	stream.linear.gather [hbm4b:s8+s2], $0x150, $0x38;
	[tilespmem:$0x1E480] =	vst v63  }
0xf6: {  	_ =	swait.ge [sflag:s3], $0x150  }
0xf7: {  	[sflag:s3] =	ssyncset.done $0x0  }
0xf8: {  	s21 =	rddreg [dreg:$0xb];
	[sflag:s3] =	ssyncadd.s32 $0xFFFFFEB0  }
0xf9: {  	[tilespmem:s4], [sflag:$0x1] =	stream.linear.gather [hbm4b:s21+s2], $0xA800, $0x38;
	[tilespmem:$0x1E480] =	vst v63  }
0xfa: {  	_ =	swait.ge [sflag:s3], $0xA800  }
0xfb: {  	[sflag:s3] =	ssyncset.done $0x0  }
0xfc: {  	[sflag:s3] =	ssyncadd.s32 $0xFFFF5800  }
0xfd: {  	[spmem:s1] =	stream.indirect.scatter.add.f32 [tilespmem:s4], [sflag:$0x1], $0x80, s2, s9, $0xb8;
	[tilespmem:$0x1E480] =	vst v63  }
0xfe: {  	_ =	swait.ge [sflag:s3], $0xA800  }
0xff: {  	[sflag:s3] =	ssyncset.done $0x0  }
0x100: {  	[sflag:s3] =	ssyncadd.s32 $0xFFFF5800  }
0x101: {  	[bflag:$0x0] =	sbarrier.arrive $0xFFFF  }
0x102: {  	s21 =	rddreg [dreg:$0x3]  }
0x103: {  	[hbm:s21], [sflag:s22] =	dma.local @p2 [spmem:s17], $0x2780  }
0x104: {  	_ =	swait.ge @p2 [sflag:s23], $0x2780  }
0x105: {  	[sflag:s23] =	ssyncset.done @p2 $0x0  }
0x106: {  	[sflag:s23] =	ssyncadd.s32 @p2 $0xFFFFD880  }
0x107: {  	[bflag:$0x0] =	sbarrier.arrive @p2 $0xFFFF  }
0x108: {  	[spmem:s16], [sflag:s25] =	dma.local @!p3 [hbm:s7], $0x27600  }
0x109: {  	_ =	swait.ge @!p3 [sflag:s24], $0x27600  }
0x10a: {  	[sflag:s24] =	ssyncset.done @!p3 $0x0  }
0x10b: {  	s21 =	rddreg [dreg:$0x4];
	[sflag:s24] =	ssyncadd.s32 @!p3 $0xFFFD8A00  }
0x10c: {  	[hbm:s21], [sflag:s28] =	dma.local @!p2 [spmem:s15], $0x2580  }
0x10d: {  	_ =	swait.ge @!p2 [sflag:s26], $0x2580  }
0x10e: {  	[sflag:s26] =	ssyncset.done @!p2 $0x0  }
0x10f: {  	[sflag:s26] =	ssyncadd.s32 @!p2 $0xFFFFDA80  }
0x110: {  	[bflag:$0x0] =	sbarrier.arrive @!p2 $0xFFFF  }
0x111: {  	[bflag:$0x0] =	sbarrier.arrive $0xFFFF  }
0x112: {  	[tilespmem:s2], [sflag:$0x1] =	stream.linear.gather [hbm4b:s14+s2], $0x150, $0x38;
	[tilespmem:$0x1E480] =	vst v63  }
0x113: {  	_ =	swait.ge [sflag:s3], $0x150  }
0x114: {  	[sflag:s3] =	ssyncset.done $0x0  }
0x115: {  	s21 =	rddreg [dreg:$0xc];
	[sflag:s3] =	ssyncadd.s32 $0xFFFFFEB0  }
0x116: {  	[tilespmem:s4], [sflag:$0x1] =	stream.linear.gather [hbm4b:s21+s2], $0xA800, $0x38;
	[tilespmem:$0x1E480] =	vst v63  }
0x117: {  	_ =	swait.ge [sflag:s3], $0xA800  }
0x118: {  	[sflag:s3] =	ssyncset.done $0x0  }
0x119: {  	[sflag:s3] =	ssyncadd.s32 $0xFFFF5800  }
0x11a: {  	[spmem:s1] =	stream.indirect.scatter.add.f32 [tilespmem:s4], [sflag:$0x1], $0x80, s2, s9, $0xb8;
	[tilespmem:$0x1E480] =	vst v63  }
0x11b: {  	_ =	swait.ge [sflag:s3], $0xA800  }
0x11c: {  	[sflag:s3] =	ssyncset.done $0x0  }
0x11d: {  	[sflag:s3] =	ssyncadd.s32 $0xFFFF5800  }
0x11e: {  	[tilespmem:s2], [sflag:$0x1] =	stream.linear.gather [hbm4b:s12+s2], $0x150, $0x38;
	[tilespmem:$0x1E480] =	vst v63  }
0x11f: {  	_ =	swait.ge [sflag:s3], $0x150  }
0x120: {  	[sflag:s3] =	ssyncset.done $0x0  }
0x121: {  	s21 =	rddreg [dreg:$0xd];
	[sflag:s3] =	ssyncadd.s32 $0xFFFFFEB0  }
0x122: {  	[tilespmem:s4], [sflag:$0x1] =	stream.linear.gather [hbm4b:s21+s2], $0xA800, $0x38;
	[tilespmem:$0x1E480] =	vst v63  }
0x123: {  	_ =	swait.ge [sflag:s3], $0xA800  }
0x124: {  	[sflag:s3] =	ssyncset.done $0x0  }
0x125: {  	[sflag:s3] =	ssyncadd.s32 $0xFFFF5800  }
0x126: {  	[spmem:s1] =	stream.indirect.scatter.add.f32 [tilespmem:s4], [sflag:$0x1], $0x80, s2, s9, $0xb8;
	[tilespmem:$0x1E480] =	vst v63  }
0x127: {  	_ =	swait.ge [sflag:s3], $0xA800  }
0x128: {  	[sflag:s3] =	ssyncset.done $0x0  }
0x129: {  	[sflag:s3] =	ssyncadd.s32 $0xFFFF5800  }
0x12a: {  	[tilespmem:s2], [sflag:$0x1] =	stream.linear.gather [hbm4b:s13+s2], $0x150, $0x38;
	[tilespmem:$0x1E480] =	vst v63  }
0x12b: {  	_ =	swait.ge [sflag:s3], $0x150  }
0x12c: {  	[sflag:s3] =	ssyncset.done $0x0  }
0x12d: {  	s21 =	rddreg [dreg:$0xe];
	[sflag:s3] =	ssyncadd.s32 $0xFFFFFEB0  }
0x12e: {  	[tilespmem:s4], [sflag:$0x1] =	stream.linear.gather [hbm4b:s21+s2], $0xA800, $0x38;
	[tilespmem:$0x1E480] =	vst v63  }
0x12f: {  	_ =	swait.ge [sflag:s3], $0xA800  }
0x130: {  	[sflag:s3] =	ssyncset.done $0x0  }
0x131: {  	[sflag:s3] =	ssyncadd.s32 $0xFFFF5800  }
0x132: {  	[spmem:s1] =	stream.indirect.scatter.add.f32 [tilespmem:s4], [sflag:$0x1], $0x80, s2, s9, $0xb8;
	[tilespmem:$0x1E480] =	vst v63  }
0x133: {  	_ =	swait.ge [sflag:s3], $0xA800  }
0x134: {  	[sflag:s3] =	ssyncset.done $0x0  }
0x135: {  	[sflag:s3] =	ssyncadd.s32 $0xFFFF5800  }
0x136: {  	[tilespmem:s2], [sflag:$0x1] =	stream.linear.gather [hbm4b:s11+s2], $0x150, $0x38;
	[tilespmem:$0x1E480] =	vst v63  }
0x137: {  	_ =	swait.ge [sflag:s3], $0x150  }
0x138: {  	[sflag:s3] =	ssyncset.done $0x0  }
0x139: {  	s21 =	rddreg [dreg:$0xf];
	[sflag:s3] =	ssyncadd.s32 $0xFFFFFEB0  }
0x13a: {  	[tilespmem:s4], [sflag:$0x1] =	stream.linear.gather [hbm4b:s21+s2], $0xA800, $0x38;
	[tilespmem:$0x1E480] =	vst v63  }
0x13b: {  	_ =	swait.ge [sflag:s3], $0xA800  }
0x13c: {  	[sflag:s3] =	ssyncset.done $0x0  }
0x13d: {  	[sflag:s3] =	ssyncadd.s32 $0xFFFF5800  }
0x13e: {  	[spmem:s1] =	stream.indirect.scatter.add.f32 [tilespmem:s4], [sflag:$0x1], $0x80, s2, s9, $0xb8;
	[tilespmem:$0x1E480] =	vst v63  }
0x13f: {  	_ =	swait.ge [sflag:s3], $0xA800  }
0x140: {  	[sflag:s3] =	ssyncset.done $0x0  }
0x141: {  	[sflag:s3] =	ssyncadd.s32 $0xFFFF5800  }
0x142: {  	[tilespmem:s2], [sflag:$0x1] =	stream.linear.gather [hbm4b:s8+s2], $0x150, $0x38;
	[tilespmem:$0x1E480] =	vst v63  }
0x143: {  	_ =	swait.ge [sflag:s3], $0x150  }
0x144: {  	[sflag:s3] =	ssyncset.done $0x0  }
0x145: {  	s21 =	rddreg [dreg:$0x10];
	[sflag:s3] =	ssyncadd.s32 $0xFFFFFEB0  }
0x146: {  	[tilespmem:s4], [sflag:$0x1] =	stream.linear.gather [hbm4b:s21+s2], $0xA800, $0x38;
	[tilespmem:$0x1E480] =	vst v63  }
0x147: {  	_ =	swait.ge [sflag:s3], $0xA800  }
0x148: {  	[sflag:s3] =	ssyncset.done $0x0  }
0x149: {  	[sflag:s3] =	ssyncadd.s32 $0xFFFF5800  }
0x14a: {  	[spmem:s1] =	stream.indirect.scatter.add.f32 [tilespmem:s4], [sflag:$0x1], $0x80, s2, s9, $0xb8;
	[tilespmem:$0x1E480] =	vst v63  }
0x14b: {  	_ =	swait.ge [sflag:s3], $0xA800  }
0x14c: {  	[sflag:s3] =	ssyncset.done $0x0  }
0x14d: {  	[sflag:s3] =	ssyncadd.s32 $0xFFFF5800  }
0x14e: {  	[bflag:$0x0] =	sbarrier.arrive $0xFFFF  }
0x14f: {  	s21 =	rddreg [dreg:$0x6]  }
0x150: {  	[hbm:s21], [sflag:s29] =	dma.local @p1 [spmem:s10], $0x2580  }
0x151: {  	s5 =	sadd.s32 $0xFFFFFFFF, s5;
	_ =	swait.ge @p1 [sflag:s30], $0x2580  }
0x152: {  	p5 =	sne.s32 s5, $0x0;
	[sflag:s30] =	ssyncset.done @p1 $0x0  }
.Ltmp2:
0x153: {  	s21 =	rddreg [dreg:$0x5];
	[sflag:s30] =	ssyncadd.s32 @p1 $0xFFFFDA80;
	(pc) =	sbr.rel @p5 .LBB2_3-.Ltmp2, $4  }
0x154: {  	[hbm:s21], [sflag:s0] =	dma.local @!p1 [spmem:s6], $0x2780  }
0x155: {  	_ =	swait.ge @!p1 [sflag:s31], $0x2780  }
0x156: {  	[sflag:s31] =	ssyncset.done @!p1 $0x0  }
0x157: {  	s20 =	smov.u32 s18;
	[sflag:s31] =	ssyncadd.s32 @!p1 $0xFFFFD880  }
0x158: {  	s21 =	rddreg [dreg:$0x2]  }
0x159: {  	s18 =	smov.u32 s20;
	s20 =	rddreg [dreg:$0x11]  }
0x15a: {  	s22 =	rddreg [dreg:$0x12]  }
.LBB2_5:
0x15b: {  	s0 =	simm.s32 @!p0 $0x1C01;
	[bflag:$0x0] =	sbarrier.arrive @p4 $0xFFFF  }
0x15c: {  	[spmem:s18], [sflag:s0] =	dma.local @!p0 [hbm:s7], $0x27600  }
0x15d: {  	_ =	swait.ge @!p0 [sflag:s19], $0x27600  }
0x15e: {  	[sflag:s19] =	ssyncset.done @!p0 $0x0  }
0x15f: {  	[sflag:s19] =	ssyncadd.s32 @!p0 $0xFFFD8A00  }
0x160: {  	[bflag:$0x0] =	sbarrier.arrive $0xFFFF  }
0x161: {  	[tilespmem:s2], [sflag:$0x1] =	stream.linear.gather [hbm4b:s14+s2], $0x150, $0x38;
	[tilespmem:$0x1E480] =	vst v63  }
0x162: {  	_ =	swait.ge [sflag:s3], $0x150  }
0x163: {  	[sflag:s3] =	ssyncset.done $0x0  }
0x164: {  	s18 =	rddreg [dreg:$0x7];
	[sflag:s3] =	ssyncadd.s32 $0xFFFFFEB0  }
0x165: {  	[tilespmem:s4], [sflag:$0x1] =	stream.linear.gather [hbm4b:s18+s2], $0xA800, $0x38;
	[tilespmem:$0x1E480] =	vst v63  }
0x166: {  	_ =	swait.ge [sflag:s3], $0xA800  }
0x167: {  	[sflag:s3] =	ssyncset.done $0x0  }
0x168: {  	[sflag:s3] =	ssyncadd.s32 $0xFFFF5800  }
0x169: {  	[spmem:s1] =	stream.indirect.scatter.add.f32 [tilespmem:s4], [sflag:$0x1], $0x80, s2, s9, $0xb8;
	[tilespmem:$0x1E480] =	vst v63  }
0x16a: {  	_ =	swait.ge [sflag:s3], $0xA800  }
0x16b: {  	[sflag:s3] =	ssyncset.done $0x0  }
0x16c: {  	[sflag:s3] =	ssyncadd.s32 $0xFFFF5800  }
0x16d: {  	[tilespmem:s2], [sflag:$0x1] =	stream.linear.gather [hbm4b:s12+s2], $0x150, $0x38;
	[tilespmem:$0x1E480] =	vst v63  }
0x16e: {  	_ =	swait.ge [sflag:s3], $0x150  }
0x16f: {  	[sflag:s3] =	ssyncset.done $0x0  }
0x170: {  	s19 =	rddreg [dreg:$0x8];
	[sflag:s3] =	ssyncadd.s32 $0xFFFFFEB0  }
0x171: {  	[tilespmem:s4], [sflag:$0x1] =	stream.linear.gather [hbm4b:s19+s2], $0xA800, $0x38;
	[tilespmem:$0x1E480] =	vst v63  }
0x172: {  	_ =	swait.ge [sflag:s3], $0xA800  }
0x173: {  	[sflag:s3] =	ssyncset.done $0x0  }
0x174: {  	[sflag:s3] =	ssyncadd.s32 $0xFFFF5800  }
0x175: {  	[spmem:s1] =	stream.indirect.scatter.add.f32 [tilespmem:s4], [sflag:$0x1], $0x80, s2, s9, $0xb8;
	[tilespmem:$0x1E480] =	vst v63  }
0x176: {  	_ =	swait.ge [sflag:s3], $0xA800  }
0x177: {  	[sflag:s3] =	ssyncset.done $0x0  }
0x178: {  	[sflag:s3] =	ssyncadd.s32 $0xFFFF5800  }
0x179: {  	[tilespmem:s2], [sflag:$0x1] =	stream.linear.gather [hbm4b:s13+s2], $0x150, $0x38;
	[tilespmem:$0x1E480] =	vst v63  }
0x17a: {  	_ =	swait.ge [sflag:s3], $0x150  }
0x17b: {  	[sflag:s3] =	ssyncset.done $0x0  }
0x17c: {  	s23 =	rddreg [dreg:$0x9];
	[sflag:s3] =	ssyncadd.s32 $0xFFFFFEB0  }
0x17d: {  	[tilespmem:s4], [sflag:$0x1] =	stream.linear.gather [hbm4b:s23+s2], $0xA800, $0x38;
	[tilespmem:$0x1E480] =	vst v63  }
0x17e: {  	_ =	swait.ge [sflag:s3], $0xA800  }
0x17f: {  	[sflag:s3] =	ssyncset.done $0x0  }
0x180: {  	[sflag:s3] =	ssyncadd.s32 $0xFFFF5800  }
0x181: {  	[spmem:s1] =	stream.indirect.scatter.add.f32 [tilespmem:s4], [sflag:$0x1], $0x80, s2, s9, $0xb8;
	[tilespmem:$0x1E480] =	vst v63  }
0x182: {  	_ =	swait.ge [sflag:s3], $0xA800  }
0x183: {  	[sflag:s3] =	ssyncset.done $0x0  }
0x184: {  	[sflag:s3] =	ssyncadd.s32 $0xFFFF5800  }
0x185: {  	[tilespmem:s2], [sflag:$0x1] =	stream.linear.gather [hbm4b:s11+s2], $0x150, $0x38;
	[tilespmem:$0x1E480] =	vst v63  }
0x186: {  	_ =	swait.ge [sflag:s3], $0x150  }
0x187: {  	[sflag:s3] =	ssyncset.done $0x0  }
0x188: {  	s24 =	rddreg [dreg:$0xa];
	[sflag:s3] =	ssyncadd.s32 $0xFFFFFEB0  }
0x189: {  	[tilespmem:s4], [sflag:$0x1] =	stream.linear.gather [hbm4b:s24+s2], $0xA800, $0x38;
	[tilespmem:$0x1E480] =	vst v63  }
0x18a: {  	_ =	swait.ge [sflag:s3], $0xA800  }
0x18b: {  	[sflag:s3] =	ssyncset.done $0x0  }
0x18c: {  	[sflag:s3] =	ssyncadd.s32 $0xFFFF5800  }
0x18d: {  	[spmem:s1] =	stream.indirect.scatter.add.f32 [tilespmem:s4], [sflag:$0x1], $0x80, s2, s9, $0xb8;
	[tilespmem:$0x1E480] =	vst v63  }
0x18e: {  	_ =	swait.ge [sflag:s3], $0xA800  }
0x18f: {  	[sflag:s3] =	ssyncset.done $0x0  }
0x190: {  	[sflag:s3] =	ssyncadd.s32 $0xFFFF5800  }
0x191: {  	[tilespmem:s2], [sflag:$0x1] =	stream.linear.gather [hbm4b:s8+s2], $0x150, $0x38;
	[tilespmem:$0x1E480] =	vst v63  }
0x192: {  	_ =	swait.ge [sflag:s3], $0x150  }
0x193: {  	[sflag:s3] =	ssyncset.done $0x0  }
0x194: {  	s25 =	rddreg [dreg:$0xb];
	[sflag:s3] =	ssyncadd.s32 $0xFFFFFEB0  }
0x195: {  	[tilespmem:s4], [sflag:$0x1] =	stream.linear.gather [hbm4b:s25+s2], $0xA800, $0x38;
	[tilespmem:$0x1E480] =	vst v63  }
0x196: {  	_ =	swait.ge [sflag:s3], $0xA800  }
0x197: {  	[sflag:s3] =	ssyncset.done $0x0  }
0x198: {  	[sflag:s3] =	ssyncadd.s32 $0xFFFF5800  }
0x199: {  	[spmem:s1] =	stream.indirect.scatter.add.f32 [tilespmem:s4], [sflag:$0x1], $0x80, s2, s9, $0xb8;
	[tilespmem:$0x1E480] =	vst v63  }
0x19a: {  	_ =	swait.ge [sflag:s3], $0xA800  }
0x19b: {  	[sflag:s3] =	ssyncset.done $0x0  }
0x19c: {  	[sflag:s3] =	ssyncadd.s32 $0xFFFF5800  }
0x19d: {  	[bflag:$0x0] =	sbarrier.arrive $0xFFFF  }
0x19e: {  	s5 =	sor.u32 @p2 $0x1C01, s22;
	s18 =	simm.s32 @p2 $0x1;
	s0 =	rddreg [dreg:$0x3]  }
0x19f: {  	[hbm:s0], [sflag:s5] =	dma.local @p2 [spmem:s17], $0x2780  }
0x1a0: {  	_ =	swait.ge @p2 [sflag:s18], $0x2780  }
0x1a1: {  	[sflag:s18] =	ssyncset.done @p2 $0x0  }
0x1a2: {  	[sflag:s18] =	ssyncadd.s32 @p2 $0xFFFFD880  }
0x1a3: {  	s0 =	simm.s32 @!p3 $0x1;
	s5 =	simm.s32 @!p3 $0x1C01;
	[bflag:$0x0] =	sbarrier.arrive @p2 $0xFFFF  }
0x1a4: {  	[spmem:s16], [sflag:s5] =	dma.local @!p3 [hbm:s7], $0x27600  }
0x1a5: {  	_ =	swait.ge @!p3 [sflag:s0], $0x27600  }
0x1a6: {  	s7 =	simm.s32 @!p2 $0x1;
	[sflag:s0] =	ssyncset.done @!p3 $0x0  }
0x1a7: {  	s5 =	rddreg [dreg:$0x4];
	[sflag:s0] =	ssyncadd.s32 @!p3 $0xFFFD8A00;
	s0 =	simm.s32 @!p2 $0x1FC1  }
0x1a8: {  	[hbm:s5], [sflag:s0] =	dma.local @!p2 [spmem:s15], $0x2580  }
0x1a9: {  	_ =	swait.ge @!p2 [sflag:s7], $0x2580  }
0x1aa: {  	[sflag:s7] =	ssyncset.done @!p2 $0x0  }
0x1ab: {  	[sflag:s7] =	ssyncadd.s32 @!p2 $0xFFFFDA80  }
0x1ac: {  	[bflag:$0x0] =	sbarrier.arrive @!p2 $0xFFFF  }
0x1ad: {  	[bflag:$0x0] =	sbarrier.arrive $0xFFFF  }
0x1ae: {  	[tilespmem:s2], [sflag:$0x1] =	stream.linear.gather [hbm4b:s14+s2], $0x150, $0x38;
	[tilespmem:$0x1E480] =	vst v63  }
0x1af: {  	_ =	swait.ge [sflag:s3], $0x150  }
0x1b0: {  	[sflag:s3] =	ssyncset.done $0x0  }
0x1b1: {  	s26 =	rddreg [dreg:$0xc];
	[sflag:s3] =	ssyncadd.s32 $0xFFFFFEB0  }
0x1b2: {  	[tilespmem:s4], [sflag:$0x1] =	stream.linear.gather [hbm4b:s26+s2], $0xA800, $0x38;
	[tilespmem:$0x1E480] =	vst v63  }
0x1b3: {  	_ =	swait.ge [sflag:s3], $0xA800  }
0x1b4: {  	[sflag:s3] =	ssyncset.done $0x0  }
0x1b5: {  	[sflag:s3] =	ssyncadd.s32 $0xFFFF5800  }
0x1b6: {  	[spmem:s1] =	stream.indirect.scatter.add.f32 [tilespmem:s4], [sflag:$0x1], $0x80, s2, s9, $0xb8;
	[tilespmem:$0x1E480] =	vst v63  }
0x1b7: {  	_ =	swait.ge [sflag:s3], $0xA800  }
0x1b8: {  	[sflag:s3] =	ssyncset.done $0x0  }
0x1b9: {  	[sflag:s3] =	ssyncadd.s32 $0xFFFF5800  }
0x1ba: {  	[tilespmem:s2], [sflag:$0x1] =	stream.linear.gather [hbm4b:s12+s2], $0x150, $0x38;
	[tilespmem:$0x1E480] =	vst v63  }
0x1bb: {  	_ =	swait.ge [sflag:s3], $0x150  }
0x1bc: {  	[sflag:s3] =	ssyncset.done $0x0  }
0x1bd: {  	s28 =	rddreg [dreg:$0xd];
	[sflag:s3] =	ssyncadd.s32 $0xFFFFFEB0  }
0x1be: {  	[tilespmem:s4], [sflag:$0x1] =	stream.linear.gather [hbm4b:s28+s2], $0xA800, $0x38;
	[tilespmem:$0x1E480] =	vst v63  }
0x1bf: {  	_ =	swait.ge [sflag:s3], $0xA800  }
0x1c0: {  	[sflag:s3] =	ssyncset.done $0x0  }
0x1c1: {  	[sflag:s3] =	ssyncadd.s32 $0xFFFF5800  }
0x1c2: {  	[spmem:s1] =	stream.indirect.scatter.add.f32 [tilespmem:s4], [sflag:$0x1], $0x80, s2, s9, $0xb8;
	[tilespmem:$0x1E480] =	vst v63  }
0x1c3: {  	_ =	swait.ge [sflag:s3], $0xA800  }
0x1c4: {  	[sflag:s3] =	ssyncset.done $0x0  }
0x1c5: {  	[sflag:s3] =	ssyncadd.s32 $0xFFFF5800  }
0x1c6: {  	[tilespmem:s2], [sflag:$0x1] =	stream.linear.gather [hbm4b:s13+s2], $0x150, $0x38;
	[tilespmem:$0x1E480] =	vst v63  }
0x1c7: {  	_ =	swait.ge [sflag:s3], $0x150  }
0x1c8: {  	[sflag:s3] =	ssyncset.done $0x0  }
0x1c9: {  	s29 =	rddreg [dreg:$0xe];
	[sflag:s3] =	ssyncadd.s32 $0xFFFFFEB0  }
0x1ca: {  	[tilespmem:s4], [sflag:$0x1] =	stream.linear.gather [hbm4b:s29+s2], $0xA800, $0x38;
	[tilespmem:$0x1E480] =	vst v63  }
0x1cb: {  	_ =	swait.ge [sflag:s3], $0xA800  }
0x1cc: {  	[sflag:s3] =	ssyncset.done $0x0  }
0x1cd: {  	[sflag:s3] =	ssyncadd.s32 $0xFFFF5800  }
0x1ce: {  	[spmem:s1] =	stream.indirect.scatter.add.f32 [tilespmem:s4], [sflag:$0x1], $0x80, s2, s9, $0xb8;
	[tilespmem:$0x1E480] =	vst v63  }
0x1cf: {  	_ =	swait.ge [sflag:s3], $0xA800  }
0x1d0: {  	[sflag:s3] =	ssyncset.done $0x0  }
0x1d1: {  	[sflag:s3] =	ssyncadd.s32 $0xFFFF5800  }
0x1d2: {  	[tilespmem:s2], [sflag:$0x1] =	stream.linear.gather [hbm4b:s11+s2], $0x150, $0x38;
	[tilespmem:$0x1E480] =	vst v63  }
0x1d3: {  	_ =	swait.ge [sflag:s3], $0x150  }
0x1d4: {  	[sflag:s3] =	ssyncset.done $0x0  }
0x1d5: {  	s30 =	rddreg [dreg:$0xf];
	[sflag:s3] =	ssyncadd.s32 $0xFFFFFEB0  }
0x1d6: {  	[tilespmem:s4], [sflag:$0x1] =	stream.linear.gather [hbm4b:s30+s2], $0xA800, $0x38;
	[tilespmem:$0x1E480] =	vst v63  }
0x1d7: {  	_ =	swait.ge [sflag:s3], $0xA800  }
0x1d8: {  	[sflag:s3] =	ssyncset.done $0x0  }
0x1d9: {  	[sflag:s3] =	ssyncadd.s32 $0xFFFF5800  }
0x1da: {  	[spmem:s1] =	stream.indirect.scatter.add.f32 [tilespmem:s4], [sflag:$0x1], $0x80, s2, s9, $0xb8;
	[tilespmem:$0x1E480] =	vst v63  }
0x1db: {  	_ =	swait.ge [sflag:s3], $0xA800  }
0x1dc: {  	[sflag:s3] =	ssyncset.done $0x0  }
0x1dd: {  	[sflag:s3] =	ssyncadd.s32 $0xFFFF5800  }
0x1de: {  	[tilespmem:s2], [sflag:$0x1] =	stream.linear.gather [hbm4b:s8+s2], $0x150, $0x38;
	[tilespmem:$0x1E480] =	vst v63  }
0x1df: {  	_ =	swait.ge [sflag:s3], $0x150  }
0x1e0: {  	[sflag:s3] =	ssyncset.done $0x0  }
0x1e1: {  	s31 =	rddreg [dreg:$0x10];
	[sflag:s3] =	ssyncadd.s32 $0xFFFFFEB0  }
0x1e2: {  	[tilespmem:s4], [sflag:$0x1] =	stream.linear.gather [hbm4b:s31+s2], $0xA800, $0x38;
	[tilespmem:$0x1E480] =	vst v63  }
0x1e3: {  	_ =	swait.ge [sflag:s3], $0xA800  }
0x1e4: {  	[sflag:s3] =	ssyncset.done $0x0  }
0x1e5: {  	[sflag:s3] =	ssyncadd.s32 $0xFFFF5800  }
0x1e6: {  	[spmem:s1] =	stream.indirect.scatter.add.f32 [tilespmem:s4], [sflag:$0x1], $0x80, s2, s9, $0xb8;
	[tilespmem:$0x1E480] =	vst v63  }
0x1e7: {  	_ =	swait.ge [sflag:s3], $0xA800  }
0x1e8: {  	[sflag:s3] =	ssyncset.done $0x0  }
0x1e9: {  	[sflag:s3] =	ssyncadd.s32 $0xFFFF5800  }
0x1ea: {  	[bflag:$0x0] =	sbarrier.arrive $0xFFFF  }
0x1eb: {  	s1 =	simm.s32 @p1 $0x1FC1;
	s2 =	simm.s32 @p1 $0x1;
	s0 =	rddreg [dreg:$0x6]  }
0x1ec: {  	[hbm:s0], [sflag:s1] =	dma.local @p1 [spmem:s10], $0x2580  }
0x1ed: {  	_ =	swait.ge @p1 [sflag:s2], $0x2580  }
0x1ee: {  	s1 =	simm.s32 @!p1 $0x1;
	[sflag:s2] =	ssyncset.done @p1 $0x0  }
0x1ef: {  	s0 =	rddreg [dreg:$0x5];
	[sflag:s2] =	ssyncadd.s32 @p1 $0xFFFFDA80;
	s2 =	sor.u32 @!p1 $0x1C01, s20  }
0x1f0: {  	[hbm:s0], [sflag:s2] =	dma.local @!p1 [spmem:s6], $0x2780  }
0x1f1: {  	_ =	swait.ge @!p1 [sflag:s1], $0x2780  }
0x1f2: {  	[sflag:s1] =	ssyncset.done @!p1 $0x0  }
0x1f3: {  	[sflag:s1] =	ssyncadd.s32 @!p1 $0xFFFFD880  }
0x1f4: {  	[bflag:$0x0] =	sbarrier.arrive $0xFFFF  }
0x1f5: {  	_ =	sfence.sel $0x180000  }
0x1f6: {  	[bflag:$0x0] =	sbarrier.arrive $0xFFFF  }
0x1f7: {  	_ =	strace $0x90000050  }
0x1f8: {  	s0 =	sadd.s32 @!p0 $0x100000, s21;
	[bflag:$0x2] =	sbarrier.arrive $0xFFFF  }
0x1f9: {  	[sflag:s0] =	ssyncadd.tile.s32 @!p0 $0x1;
	_ =	shalt  }
.LBB2_6:
.Ltmp3:
0x1fa: {  	(pc) =	sbr.rel .LBB2_5-.Ltmp3, $4  }
0x1fb: {  	_ = 	snop  }
0x1fc: {  	s21 =	rddreg [dreg:$0x2]  }
0x1fd: {  	s20 =	rddreg [dreg:$0x11]  }
0x1fe: {  	s22 =	rddreg [dreg:$0x12]  }
.Lfunc_end2:
_tile_overlayer_lowered:
.L_overlay_start_2:
0x1ff: {  	(tag) =	ssettag $0x2  }
0x200: {  	s0 =	rddreg [dreg:$0x0];
	s2 =	stileid.u32  }
0x201: {  	s1 =	rddreg [dreg:$0x1];
	p0 =	sne.s32 s2, $0x0  }
0x202: {  	s3 =	rddreg [dreg:$0x2];
	[bflag:$0x3] =	sbarrier.arrive $0xFFFF;
	s2 =	simm.s32 @!p0 $0x1C01  }
0x203: {  	[timem:s3], [sflag:s2] =	dma.local @!p0 [hbm:s0], s1  }
0x204: {  	s0 =	simm.s32 @!p0 $0x1  }
0x205: {  	_ =	swait.ge @!p0 [sflag:s0], s1  }
0x206: {  	s1 =	ssub.s32 @!p0 $0x0, s1;
	[sflag:s0] =	ssyncset.done @!p0 $0x0  }
0x207: {  	[sflag:s0] =	ssyncadd.s32 @!p0 s1  }
0x208: {  	[bflag:$0x3] =	sbarrier.arrive $0xFFFF  }
0x209: {  	_ =	shalt  }

</sc_bundles>
